<compile_context>
chip_gen: v7x
topology: tpu7x:2x2x1
jax: 0.10.2.dev20260603
libtpu: 0.0.44.dev20260713+nightly
codegen_flags: <defaults>
</compile_context>

<pallas_src>
import functools

import jax
import jax.numpy as jnp
from jax import lax
from jax.experimental import pallas as pl
from jax.experimental.pallas import tpu as pltpu
from jax.experimental.pallas import tpu_sc as plsc

N = 10000
E = 320000
HID = 256
NC = 2
NS = 16
K = 128
ROWS_PER_CORE = (2 * E) // K // NC
BATCH_STEPS = -(-ROWS_PER_CORE // NS)
CHUNK = 632
TAIL = N - (NS - 1) * CHUNK


def _for_chunk(s, fn):
    @pl.when(s < NS - 1)
    def _():
        fn(pl.multiple_of(s * CHUNK, 8), CHUNK)

    @pl.when(s == NS - 1)
    def _():
        fn((NS - 1) * CHUNK, TAIL)


GRP = 16


@functools.cache
def _make_seg_sum(rows_per_core, real_rpc):
    mesh = plsc.VectorSubcoreMesh(core_axis_name="c", subcore_axis_name="s",
                                  num_cores=NC, num_subcores=NS)
    bpc = rows_per_core // NS
    n_grp = bpc // GRP

    @functools.partial(
        pl.kernel,
        out_type=[jax.ShapeDtypeStruct((NC, N, 128), jnp.float32)],
        mesh=mesh,
        scratch_types=[
            pltpu.VMEM((GRP, K), jnp.int32),
            pltpu.VMEM((GRP, K), jnp.int32),
            pltpu.VMEM((K, 128), jnp.float32),
            pltpu.VMEM_SHARED((N, 128), jnp.float32),
            pltpu.SemaphoreType.DMA,
        ])
    def body(xflat, src3d, dst3d, z128, out, srcg, dstg, rows, acc, gsem):
        c = lax.axis_index("c")
        s = lax.axis_index("s")
        _for_chunk(s, lambda st, sz: pltpu.sync_copy(
            z128.at[pl.ds(st, sz)], acc.at[pl.ds(st, sz)]))
        plsc.subcore_barrier()

        base = s * bpc

        def group(g, carry):
            r0 = pl.multiple_of(base + g * GRP, GRP)
            pltpu.sync_copy(src3d.at[c, pl.ds(r0, GRP)], srcg)
            pltpu.sync_copy(dst3d.at[c, pl.ds(r0, GRP)], dstg)
            for j in range(GRP):
                @pl.when(r0 + j < real_rpc)
                def _():
                    pltpu.async_copy(xflat.at[srcg.at[j]], rows,
                                     gsem).wait()
                    pltpu.sync_copy(rows, acc.at[dstg.at[j]], add=True)
            return carry

        lax.fori_loop(0, n_grp, group, 0)
        plsc.subcore_barrier()
        _for_chunk(s, lambda st, sz: pltpu.sync_copy(
            acc.at[pl.ds(st, sz)], out.at[c, pl.ds(st, sz)]))

    return body


@functools.cache
def _make_count(rows_per_core, real_rpc):
    mesh = plsc.VectorSubcoreMesh(core_axis_name="c", subcore_axis_name="s",
                                  num_cores=NC, num_subcores=NS)
    bpc = rows_per_core // NS
    n_grp = bpc // GRP

    @functools.partial(
        pl.kernel,
        out_type=[jax.ShapeDtypeStruct((NC, N, 128), jnp.float32)],
        mesh=mesh,
        scratch_types=[
            pltpu.VMEM((GRP, K), jnp.int32),
            pltpu.VMEM((K, 128), jnp.float32),
            pltpu.VMEM_SHARED((N, 128), jnp.float32),
        ])
    def body(dst3d, z128, ones, out, dstg, onesb, acc):
        c = lax.axis_index("c")
        s = lax.axis_index("s")
        _for_chunk(s, lambda st, sz: pltpu.sync_copy(
            z128.at[pl.ds(st, sz)], acc.at[pl.ds(st, sz)]))
        pltpu.sync_copy(ones, onesb)
        plsc.subcore_barrier()

        base = s * bpc

        def group(g, carry):
            r0 = pl.multiple_of(base + g * GRP, GRP)
            pltpu.sync_copy(dst3d.at[c, pl.ds(r0, GRP)], dstg)
            for j in range(GRP):
                @pl.when(r0 + j < real_rpc)
                def _():
                    pltpu.sync_copy(onesb, acc.at[dstg.at[j]], add=True)
            return carry

        lax.fori_loop(0, n_grp, group, 0)
        plsc.subcore_barrier()
        _for_chunk(s, lambda st, sz: pltpu.sync_copy(
            acc.at[pl.ds(st, sz)], out.at[c, pl.ds(st, sz)]))

    return body


def _make_layer_a(din, split, nb=1000):
    dh = din // 2
    nsteps = N // nb

    def body(agg_ref, cnt_ref, h_ref, wl_ref, wr_ref, bl_ref,
             t_ref, s_ref, ss_ref):
        count = cnt_ref[0, :, 0:1] + cnt_ref[1, :, 0:1]
        inv = 1.0 / jnp.maximum(count, 1.0)
        if split:
            t = (jnp.dot(agg_ref[0] * inv, wl_ref[0:dh, :],
                         preferred_element_type=jnp.float32)
                 + jnp.dot(agg_ref[1] * inv, wl_ref[dh:din, :],
                           preferred_element_type=jnp.float32)
                 + jnp.dot(h_ref[0], wr_ref[0:dh, :],
                           preferred_element_type=jnp.float32)
                 + jnp.dot(h_ref[1], wr_ref[dh:din, :],
                           preferred_element_type=jnp.float32))
        else:
            t = (jnp.dot((agg_ref[0] + agg_ref[1]) * inv, wl_ref[...],
                         preferred_element_type=jnp.float32)
                 + jnp.dot(h_ref[...], wr_ref[...],
                           preferred_element_type=jnp.float32))
        t = t + bl_ref[0:1, :]
        t_ref[...] = t

        @pl.when(pl.program_id(0) == 0)
        def _():
            s_ref[...] = jnp.zeros_like(s_ref)
            ss_ref[...] = jnp.zeros_like(ss_ref)

        s_ref[...] += jnp.sum(t, axis=0, keepdims=True)
        ss_ref[...] += jnp.sum(t * t, axis=0, keepdims=True)

    h_spec = (pl.BlockSpec((2, nb, dh), lambda i: (0, i, 0)) if split
              else pl.BlockSpec((nb, din), lambda i: (i, 0)))
    return pl.pallas_call(
        body,
        grid=(nsteps,),
        in_specs=[
            pl.BlockSpec((2, nb, 128), lambda i: (0, i, 0)),
            pl.BlockSpec((2, nb, 128), lambda i: (0, i, 0)),
            h_spec,
            pl.BlockSpec((din, HID), lambda i: (0, 0)),
            pl.BlockSpec((din, HID), lambda i: (0, 0)),
            pl.BlockSpec((1, HID), lambda i: (0, 0)),
        ],
        out_specs=[
            pl.BlockSpec((nb, HID), lambda i: (i, 0)),
            pl.BlockSpec((1, HID), lambda i: (0, 0)),
            pl.BlockSpec((1, HID), lambda i: (0, 0)),
        ],
        out_shape=[
            jax.ShapeDtypeStruct((N, HID), jnp.float32),
            jax.ShapeDtypeStruct((1, HID), jnp.float32),
            jax.ShapeDtypeStruct((1, HID), jnp.float32),
        ],
    )


def _make_layer_b(residual, classify, nb=1000):
    nsteps = N // nb

    def body(t_ref, s_ref, ss_ref, g_ref, be_ref, *rest):
        mu = s_ref[0:1, :] * (1.0 / N)
        var = ss_ref[0:1, :] * (1.0 / N) - mu * mu
        rstd = lax.rsqrt(var + 1e-5)
        h = (t_ref[...] - mu) * rstd * g_ref[0:1, :] + be_ref[0:1, :]
        h = jnp.maximum(h, 0.0)
        if classify:
            wct_ref, bc_ref, out_ref = rest
            out_ref[...] = (jnp.dot(h, wct_ref[...],
                                    preferred_element_type=jnp.float32)
                            + bc_ref[0:1, :])
        else:
            if residual:
                hin_ref, out_ref = rest
            else:
                (out_ref,) = rest
            ha = h[:, 0:HID // 2]
            hb = h[:, HID // 2:HID]
            if residual:
                ha = ha + hin_ref[0]
                hb = hb + hin_ref[1]
            out_ref[0] = ha
            out_ref[1] = hb

    in_specs = [
        pl.BlockSpec((nb, HID), lambda i: (i, 0)),
        pl.BlockSpec((1, HID), lambda i: (0, 0)),
        pl.BlockSpec((1, HID), lambda i: (0, 0)),
        pl.BlockSpec((1, HID), lambda i: (0, 0)),
        pl.BlockSpec((1, HID), lambda i: (0, 0)),
    ]
    if classify:
        in_specs += [
            pl.BlockSpec((HID, 128), lambda i: (0, 0)),
            pl.BlockSpec((1, 128), lambda i: (0, 0)),
        ]
        out_specs = pl.BlockSpec((nb, 128), lambda i: (i, 0))
        out_shape = jax.ShapeDtypeStruct((N, 128), jnp.float32)
    else:
        if residual:
            in_specs.append(pl.BlockSpec((2, nb, HID // 2),
                                         lambda i: (0, i, 0)))
        out_specs = pl.BlockSpec((2, nb, HID // 2), lambda i: (0, i, 0))
        out_shape = jax.ShapeDtypeStruct((2, N, HID // 2), jnp.float32)

    return pl.pallas_call(
        body,
        grid=(nsteps,),
        in_specs=in_specs,
        out_specs=out_specs,
        out_shape=out_shape,
    )


_layer_a_128 = _make_layer_a(128, split=False)
_layer_a_256 = _make_layer_a(256, split=True)
_layer_b_first = _make_layer_b(residual=False, classify=False)
_layer_b_res = _make_layer_b(residual=True, classify=False)
_layer_b_cls = _make_layer_b(residual=False, classify=True)


def kernel(x, edge_index, Wl0, bl0, Wr0, g0, be0, Wl1, bl1, Wr1, g1, be1,
           Wl2, bl2, Wr2, g2, be2, Wc, bc):
    f32 = jnp.float32
    src = edge_index[0].astype(jnp.int32)
    dst = edge_index[1].astype(jnp.int32)
    rpc_e = -(-(E // NC) // (K * NS * GRP)) * NS * GRP
    rpc_c = -(-E // (K * NS * GRP)) * NS * GRP

    def pad_rows(a, rows, val):
        return jnp.concatenate(
            [a, jnp.full((rows * K - a.shape[0],), val, a.dtype)]
        ).reshape(rows, K)

    eh = E // NC
    src3d_e = jnp.stack([pad_rows(src[:eh], rpc_e, 0),
                         pad_rows(src[eh:], rpc_e, 0)])
    dst3d_e = jnp.stack([pad_rows(dst[:eh], rpc_e, N),
                         pad_rows(dst[eh:], rpc_e, N)])
    src_pad = pad_rows(src, rpc_c, 0)
    dst_pad = pad_rows(dst, rpc_c, N)
    src3d_c = jnp.stack([src_pad, src_pad + N])
    dst3d_c = jnp.stack([dst_pad, dst_pad])
    z128 = jnp.zeros((N, 128), f32)
    ones = jnp.ones((K, 128), f32)

    real_e = E // NC // K
    real_c = E // K
    [cnt] = _make_count(rpc_e, real_e)(dst3d_e, z128, ones)
    [agg0] = _make_seg_sum(rpc_e, real_e)(x, src3d_e, dst3d_e, z128)
    t0, s0, ss0 = _layer_a_128(agg0, cnt, x,
                               Wl0.T, Wr0.T, bl0.reshape(1, HID))
    h1 = _layer_b_first(t0, s0, ss0, g0.reshape(1, HID), be0.reshape(1, HID))

    [agg1] = _make_seg_sum(rpc_c, real_c)(h1.reshape(2 * N, 128), src3d_c,
                                          dst3d_c, z128)
    t1, s1, ss1 = _layer_a_256(agg1, cnt, h1,
                               Wl1.T, Wr1.T, bl1.reshape(1, HID))
    h2 = _layer_b_res(t1, s1, ss1, g1.reshape(1, HID), be1.reshape(1, HID),
                      h1)

    [agg2] = _make_seg_sum(rpc_c, real_c)(h2.reshape(2 * N, 128), src3d_c,
                                          dst3d_c, z128)
    t2, s2, ss2 = _layer_a_256(agg2, cnt, h2,
                               Wl2.T, Wr2.T, bl2.reshape(1, HID))
    wct = jnp.zeros((HID, 128), f32).at[:, 0].set(Wc[0, :])
    bcp = jnp.zeros((1, 128), f32).at[0, 0].set(bc[0])
    out = _layer_b_cls(t2, s2, ss2, g2.reshape(1, HID), be2.reshape(1, HID),
                       wct, bcp)
    return out[:, 0]

# --- scband reference (transcript-rebuilt; emitter-appended) ---
"""Pipeline reference for scband-fraud-graph-sage-36567351558506 (READ-ONLY COPY).

The authoritative reference and input builder live on the scoring server;
editing this copy changes nothing except your own understanding.
"""

import jax, jax.numpy as jnp
import numpy as np

N = 10000
E = 320000
IN_DIM = 128
HID = 256


def _sage_conv(x, edge_index, Wl, bl, Wr):
    # PyG SAGEConv(aggr='mean'): out = lin_l(mean_j x_j) + lin_r(x_root)
    src = edge_index[0]
    dst = edge_index[1]
    msg = x[src]
    agg = jax.ops.segment_sum(msg, dst, num_segments=N)
    cnt = jax.ops.segment_sum(jnp.ones((edge_index.shape[1],), x.dtype), dst, num_segments=N)
    mean = agg / jnp.clip(cnt, 1.0)[:, None]
    return mean @ Wl.T + bl + x @ Wr.T


def _bn(h, gamma, beta, eps=1e-5):
    mu = jnp.mean(h, axis=0)
    var = jnp.var(h, axis=0)
    return (h - mu) / jnp.sqrt(var + eps) * gamma + beta


def setup_inputs(seed: int = 0) -> dict:
    key = jax.random.key(seed)
    ks = jax.random.split(key, 20)
    inp = {}
    inp["x"] = jax.random.normal(ks[0], (N, IN_DIM), dtype=jnp.float32)
    inp["edge_index"] = jax.random.randint(ks[1], (2, E), 0, N, dtype=jnp.int64)
    # conv0: SAGEConv(128 -> 256)
    inp["Wl0"] = jax.random.normal(ks[2], (HID, IN_DIM), dtype=jnp.float32) * (1.0 / np.sqrt(IN_DIM))
    inp["bl0"] = jnp.zeros((HID,), dtype=jnp.float32)
    inp["Wr0"] = jax.random.normal(ks[3], (HID, IN_DIM), dtype=jnp.float32) * (1.0 / np.sqrt(IN_DIM))
    inp["g0"] = jnp.ones((HID,), dtype=jnp.float32)
    inp["be0"] = jnp.zeros((HID,), dtype=jnp.float32)
    # conv1: SAGEConv(256 -> 256)
    inp["Wl1"] = jax.random.normal(ks[4], (HID, HID), dtype=jnp.float32) * (1.0 / np.sqrt(HID))
    inp["bl1"] = jnp.zeros((HID,), dtype=jnp.float32)
    inp["Wr1"] = jax.random.normal(ks[5], (HID, HID), dtype=jnp.float32) * (1.0 / np.sqrt(HID))
    inp["g1"] = jnp.ones((HID,), dtype=jnp.float32)
    inp["be1"] = jnp.zeros((HID,), dtype=jnp.float32)
    # out_conv: SAGEConv(256 -> 256)
    inp["Wl2"] = jax.random.normal(ks[6], (HID, HID), dtype=jnp.float32) * (1.0 / np.sqrt(HID))
    inp["bl2"] = jnp.zeros((HID,), dtype=jnp.float32)
    inp["Wr2"] = jax.random.normal(ks[7], (HID, HID), dtype=jnp.float32) * (1.0 / np.sqrt(HID))
    inp["g2"] = jnp.ones((HID,), dtype=jnp.float32)
    inp["be2"] = jnp.zeros((HID,), dtype=jnp.float32)
    # classifier: Linear(256 -> 1)
    inp["Wc"] = jax.random.normal(ks[8], (1, HID), dtype=jnp.float32) * (1.0 / np.sqrt(HID))
    inp["bc"] = jnp.zeros((1,), dtype=jnp.float32)
    return inp


def reference(x, edge_index, Wl0, bl0, Wr0, g0, be0, Wl1, bl1, Wr1, g1, be1, Wl2, bl2, Wr2, g2, be2, Wc, bc):
    # Layer 0: conv + BN + relu (no residual: shapes differ 128 vs 256); dropout is identity in eval
    h = _sage_conv(x, edge_index, Wl0, bl0, Wr0)
    h = _bn(h, g0, be0)
    h = jax.nn.relu(h)
    # Layer 1: conv + BN + relu + residual (shapes match)
    h_in = h
    h = _sage_conv(h, edge_index, Wl1, bl1, Wr1)
    h = _bn(h, g1, be1)
    h = jax.nn.relu(h)
    h = h + h_in
    # Output conv + BN + relu
    h_out = _sage_conv(h, edge_index, Wl2, bl2, Wr2)
    h_out = _bn(h_out, g2, be2)
    h_out = jax.nn.relu(h_out)
    logits = (h_out @ Wc.T + bc)[:, 0]
    return logits

if __name__ == "__main__":
    import jax
    _d = setup_inputs()
    print(jax.jit(kernel)(*tuple(_d.values())))

</pallas_src>

<mosaic_0001>
#map = affine_map<(d0, d1) -> (0, 0)>
#map1 = affine_map<(d0, d1) -> (0, 0, 0)>
module attributes {stable_mosaic.version = 14 : i64} {
  func.func @body(%arg0: i32, %arg1: i32, %arg2: memref<20000x128xf32, #tpu.memory_space<hbm>>, %arg3: memref<2x2560x128xi32, #tpu.memory_space<hbm>>, %arg4: memref<2x2560x128xi32, #tpu.memory_space<hbm>>, %arg5: memref<10000x128xf32, #tpu.memory_space<hbm>>, %arg6: memref<2x10000x128xf32, #tpu.memory_space<hbm>>, %arg7: memref<16x128xi32, #tpu.memory_space<vmem>>, %arg8: memref<16x128xi32, #tpu.memory_space<vmem>>, %arg9: memref<128x128xf32, #tpu.memory_space<vmem>>, %arg10: memref<10000x128xf32, #tpu.memory_space<vmem_shared>>, %arg11: memref<!tpu.dma_semaphore, #tpu.memory_space<semaphore_mem>>) attributes {dimension_semantics = [#tpu.dimension_semantics<core_parallel>, #tpu.dimension_semantics<subcore_parallel>], iteration_bounds = array<i64: 2, 16>, scalar_prefetch = 0 : i64, scratch_operands = 5 : i64, tpu.core_type = #tpu.core_type<sc_vector_subcore>, window_params = [{transform_indices = #map}, {transform_indices = #map1}, {transform_indices = #map1}, {transform_indices = #map}, {transform_indices = #map1}]} {
    %lt3A = arith.constant 15 : i32
    %lt3A_0 = arith.cmpi slt, %arg1, %lt3A : i32
    %convert_element_type3A = arith.extui %lt3A_0 : i1 to i32
    %cond3A = arith.constant 0 : i32
    %cond3A_1 = arith.cmpi ne, %convert_element_type3A, %cond3A : i32
    scf.if %cond3A_1 {
      %mul3A_23 = arith.constant 632 : i32
      %mul3A_24 = arith.muli %arg1, %mul3A_23 : i32
      %multiple_of3A = tpu.assume_multiple %mul3A_24, 8 : i32
      "tpu.region"() ({
        %run_scoped3A = tpu.sem_alloc : memref<!tpu.dma_semaphore, #tpu.memory_space<semaphore_mem>>
        %dma_start3A = arith.constant 0 : i32
        %dma_start3A_25 = tpu.memref_slice %arg10[%multiple_of3A, %dma_start3A] : memref<10000x128xf32, #tpu.memory_space<vmem_shared>> -> memref<632x128xf32, #tpu.memory_space<vmem_shared>>
        %dma_start3A_26 = arith.constant 0 : i32
        %dma_start3A_27 = tpu.memref_slice %arg5[%multiple_of3A, %dma_start3A_26] : memref<10000x128xf32, #tpu.memory_space<hbm>> -> memref<632x128xf32, #tpu.memory_space<hbm>>
        tpu.enqueue_dma source(%dma_start3A_27 : memref<632x128xf32, #tpu.memory_space<hbm>>) target(%dma_start3A_25 : memref<632x128xf32, #tpu.memory_space<vmem_shared>>) target_semaphore(%run_scoped3A : memref<!tpu.dma_semaphore, #tpu.memory_space<semaphore_mem>>)
        %dma_wait3A = arith.constant 0 : i32
        %dma_wait3A_28 = tpu.memref_slice %arg10[%multiple_of3A, %dma_wait3A] : memref<10000x128xf32, #tpu.memory_space<vmem_shared>> -> memref<632x128xf32, #tpu.memory_space<vmem_shared>>
        %dma_wait3A_29 = arith.constant 0 : i32
        %dma_wait3A_30 = tpu.memref_slice %arg5[%multiple_of3A, %dma_wait3A_29] : memref<10000x128xf32, #tpu.memory_space<hbm>> -> memref<632x128xf32, #tpu.memory_space<hbm>>
        tpu.wait_dma2 semaphore(%run_scoped3A : memref<!tpu.dma_semaphore, #tpu.memory_space<semaphore_mem>>) src(%dma_wait3A_30 : memref<632x128xf32, #tpu.memory_space<hbm>>) dst(%dma_wait3A_28 : memref<632x128xf32, #tpu.memory_space<vmem_shared>>)
        tpu.yield
      }) : () -> ()
    } else {
    }
    %eq3A = arith.constant 15 : i32
    %eq3A_2 = arith.cmpi eq, %arg1, %eq3A : i32
    %convert_element_type3A_3 = arith.extui %eq3A_2 : i1 to i32
    %cond3A_4 = arith.constant 0 : i32
    %cond3A_5 = arith.cmpi ne, %convert_element_type3A_3, %cond3A_4 : i32
    scf.if %cond3A_5 {
      "tpu.region"() ({
        %run_scoped3A = tpu.sem_alloc : memref<!tpu.dma_semaphore, #tpu.memory_space<semaphore_mem>>
        %dma_start3A = arith.constant 9480 : i32
        %dma_start3A_23 = arith.constant 0 : i32
        %dma_start3A_24 = tpu.memref_slice %arg10[%dma_start3A, %dma_start3A_23] : memref<10000x128xf32, #tpu.memory_space<vmem_shared>> -> memref<520x128xf32, #tpu.memory_space<vmem_shared>>
        %dma_start3A_25 = arith.constant 9480 : i32
        %dma_start3A_26 = arith.constant 0 : i32
        %dma_start3A_27 = tpu.memref_slice %arg5[%dma_start3A_25, %dma_start3A_26] : memref<10000x128xf32, #tpu.memory_space<hbm>> -> memref<520x128xf32, #tpu.memory_space<hbm>>
        tpu.enqueue_dma source(%dma_start3A_27 : memref<520x128xf32, #tpu.memory_space<hbm>>) target(%dma_start3A_24 : memref<520x128xf32, #tpu.memory_space<vmem_shared>>) target_semaphore(%run_scoped3A : memref<!tpu.dma_semaphore, #tpu.memory_space<semaphore_mem>>)
        %dma_wait3A = arith.constant 9480 : i32
        %dma_wait3A_28 = arith.constant 0 : i32
        %dma_wait3A_29 = tpu.memref_slice %arg10[%dma_wait3A, %dma_wait3A_28] : memref<10000x128xf32, #tpu.memory_space<vmem_shared>> -> memref<520x128xf32, #tpu.memory_space<vmem_shared>>
        %dma_wait3A_30 = arith.constant 9480 : i32
        %dma_wait3A_31 = arith.constant 0 : i32
        %dma_wait3A_32 = tpu.memref_slice %arg5[%dma_wait3A_30, %dma_wait3A_31] : memref<10000x128xf32, #tpu.memory_space<hbm>> -> memref<520x128xf32, #tpu.memory_space<hbm>>
        tpu.wait_dma2 semaphore(%run_scoped3A : memref<!tpu.dma_semaphore, #tpu.memory_space<semaphore_mem>>) src(%dma_wait3A_32 : memref<520x128xf32, #tpu.memory_space<hbm>>) dst(%dma_wait3A_29 : memref<520x128xf32, #tpu.memory_space<vmem_shared>>)
        tpu.yield
      }) : () -> ()
    } else {
    }
    %barrier3A = arith.constant 0 : index
    tpu.barrier barrier_id(%barrier3A)
    %mul3A = arith.constant 160 : i32
    %mul3A_6 = arith.muli %arg1, %mul3A : i32
    %scan3A = arith.constant 0 : i32
    %scan3A_7 = arith.constant 0 : i32
    %scan3A_8 = arith.constant 10 : i32
    %scan3A_9 = arith.addi %scan3A_7, %scan3A_8 : i32
    %scan3A_10 = arith.constant 1 : i32
    scf.for %scan3A_23 = %scan3A_7 to %scan3A_9 step %scan3A_10  : i32 {
      %mul3A_24 = arith.constant 16 : i32
      %mul3A_25 = arith.muli %scan3A_23, %mul3A_24 : i32
      %add3A = arith.addi %mul3A_6, %mul3A_25 : i32
      %multiple_of3A = tpu.assume_multiple %add3A, 16 : i32
      "tpu.region"() ({
        %run_scoped3A = tpu.sem_alloc : memref<!tpu.dma_semaphore, #tpu.memory_space<semaphore_mem>>
        %dma_start3A = arith.constant 0 : i32
        %dma_start3A_138 = tpu.memref_slice %arg3[%arg0, %multiple_of3A, %dma_start3A] : memref<2x2560x128xi32, #tpu.memory_space<hbm>> -> memref<1x16x128xi32, #tpu.memory_space<hbm>>
        %dma_start3A_139 = tpu.memref_squeeze %dma_start3A_138 : memref<1x16x128xi32, #tpu.memory_space<hbm>> -> memref<16x128xi32, #tpu.memory_space<hbm>>
        %dma_start3A_140 = arith.constant 0 : i32
        %dma_start3A_141 = tpu.memref_slice %arg3[%arg0, %multiple_of3A, %dma_start3A_140] : memref<2x2560x128xi32, #tpu.memory_space<hbm>> -> memref<1x16x128xi32, #tpu.memory_space<hbm>>
        %dma_start3A_142 = tpu.memref_squeeze %dma_start3A_141 : memref<1x16x128xi32, #tpu.memory_space<hbm>> -> memref<16x128xi32, #tpu.memory_space<hbm>>
        tpu.enqueue_dma source(%dma_start3A_142 : memref<16x128xi32, #tpu.memory_space<hbm>>) target(%arg7 : memref<16x128xi32, #tpu.memory_space<vmem>>) target_semaphore(%run_scoped3A : memref<!tpu.dma_semaphore, #tpu.memory_space<semaphore_mem>>)
        %dma_wait3A = arith.constant 0 : i32
        %dma_wait3A_143 = tpu.memref_slice %arg3[%arg0, %multiple_of3A, %dma_wait3A] : memref<2x2560x128xi32, #tpu.memory_space<hbm>> -> memref<1x16x128xi32, #tpu.memory_space<hbm>>
        %dma_wait3A_144 = tpu.memref_squeeze %dma_wait3A_143 : memref<1x16x128xi32, #tpu.memory_space<hbm>> -> memref<16x128xi32, #tpu.memory_space<hbm>>
        %dma_wait3A_145 = arith.constant 0 : i32
        %dma_wait3A_146 = tpu.memref_slice %arg3[%arg0, %multiple_of3A, %dma_wait3A_145] : memref<2x2560x128xi32, #tpu.memory_space<hbm>> -> memref<1x16x128xi32, #tpu.memory_space<hbm>>
        %dma_wait3A_147 = tpu.memref_squeeze %dma_wait3A_146 : memref<1x16x128xi32, #tpu.memory_space<hbm>> -> memref<16x128xi32, #tpu.memory_space<hbm>>
        tpu.wait_dma2 semaphore(%run_scoped3A : memref<!tpu.dma_semaphore, #tpu.memory_space<semaphore_mem>>) src(%dma_wait3A_147 : memref<16x128xi32, #tpu.memory_space<hbm>>) dst(%arg7 : memref<16x128xi32, #tpu.memory_space<vmem>>)
        tpu.yield
      }) : () -> ()
      "tpu.region"() ({
        %run_scoped3A = tpu.sem_alloc : memref<!tpu.dma_semaphore, #tpu.memory_space<semaphore_mem>>
        %dma_start3A = arith.constant 0 : i32
        %dma_start3A_138 = tpu.memref_slice %arg4[%arg0, %multiple_of3A, %dma_start3A] : memref<2x2560x128xi32, #tpu.memory_space<hbm>> -> memref<1x16x128xi32, #tpu.memory_space<hbm>>
        %dma_start3A_139 = tpu.memref_squeeze %dma_start3A_138 : memref<1x16x128xi32, #tpu.memory_space<hbm>> -> memref<16x128xi32, #tpu.memory_space<hbm>>
        %dma_start3A_140 = arith.constant 0 : i32
        %dma_start3A_141 = tpu.memref_slice %arg4[%arg0, %multiple_of3A, %dma_start3A_140] : memref<2x2560x128xi32, #tpu.memory_space<hbm>> -> memref<1x16x128xi32, #tpu.memory_space<hbm>>
        %dma_start3A_142 = tpu.memref_squeeze %dma_start3A_141 : memref<1x16x128xi32, #tpu.memory_space<hbm>> -> memref<16x128xi32, #tpu.memory_space<hbm>>
        tpu.enqueue_dma source(%dma_start3A_142 : memref<16x128xi32, #tpu.memory_space<hbm>>) target(%arg8 : memref<16x128xi32, #tpu.memory_space<vmem>>) target_semaphore(%run_scoped3A : memref<!tpu.dma_semaphore, #tpu.memory_space<semaphore_mem>>)
        %dma_wait3A = arith.constant 0 : i32
        %dma_wait3A_143 = tpu.memref_slice %arg4[%arg0, %multiple_of3A, %dma_wait3A] : memref<2x2560x128xi32, #tpu.memory_space<hbm>> -> memref<1x16x128xi32, #tpu.memory_space<hbm>>
        %dma_wait3A_144 = tpu.memref_squeeze %dma_wait3A_143 : memref<1x16x128xi32, #tpu.memory_space<hbm>> -> memref<16x128xi32, #tpu.memory_space<hbm>>
        %dma_wait3A_145 = arith.constant 0 : i32
        %dma_wait3A_146 = tpu.memref_slice %arg4[%arg0, %multiple_of3A, %dma_wait3A_145] : memref<2x2560x128xi32, #tpu.memory_space<hbm>> -> memref<1x16x128xi32, #tpu.memory_space<hbm>>
        %dma_wait3A_147 = tpu.memref_squeeze %dma_wait3A_146 : memref<1x16x128xi32, #tpu.memory_space<hbm>> -> memref<16x128xi32, #tpu.memory_space<hbm>>
        tpu.wait_dma2 semaphore(%run_scoped3A : memref<!tpu.dma_semaphore, #tpu.memory_space<semaphore_mem>>) src(%dma_wait3A_147 : memref<16x128xi32, #tpu.memory_space<hbm>>) dst(%arg8 : memref<16x128xi32, #tpu.memory_space<vmem>>)
        tpu.yield
      }) : () -> ()
      %add3A_26 = arith.constant 0 : i32
      %add3A_27 = arith.addi %multiple_of3A, %add3A_26 : i32
      %lt3A_28 = arith.constant 2500 : i32
      %lt3A_29 = arith.cmpi slt, %add3A_27, %lt3A_28 : i32
      %convert_element_type3A_30 = arith.extui %lt3A_29 : i1 to i32
      %cond3A_31 = arith.constant 0 : i32
      %cond3A_32 = arith.cmpi ne, %convert_element_type3A_30, %cond3A_31 : i32
      scf.if %cond3A_32 {
        %dma_start3A = arith.constant 0 : i32
        %dma_start3A_138 = arith.constant 0 : i32
        %dma_start3A_139 = tpu.memref_slice %arg7[%dma_start3A, %dma_start3A_138] : memref<16x128xi32, #tpu.memory_space<vmem>> -> memref<1x128xi32, #tpu.memory_space<vmem>>
        %dma_start3A_140 = tpu.memref_squeeze %dma_start3A_139 : memref<1x128xi32, #tpu.memory_space<vmem>> -> memref<128xi32, #tpu.memory_space<vmem>>
        %dma_start3A_141 = arith.constant 0 : i32
        %dma_start3A_142 = arith.constant 0 : i32
        %dma_start3A_143 = tpu.memref_slice %arg2[%dma_start3A_141, %dma_start3A_142] : memref<20000x128xf32, #tpu.memory_space<hbm>> -> memref<20000x128xf32, #tpu.memory_space<hbm>>
        tpu.enqueue_indirect_dma source(%dma_start3A_143 : memref<20000x128xf32, #tpu.memory_space<hbm>>) target(%arg9 : memref<128x128xf32, #tpu.memory_space<vmem>>) offsets(%dma_start3A_140 : memref<128xi32, #tpu.memory_space<vmem>>) semaphore(%arg11 : memref<!tpu.dma_semaphore, #tpu.memory_space<semaphore_mem>>)
        %dma_wait3A = arith.constant 0 : i32
        %dma_wait3A_144 = arith.constant 0 : i32
        %dma_wait3A_145 = tpu.memref_slice %arg7[%dma_wait3A, %dma_wait3A_144] : memref<16x128xi32, #tpu.memory_space<vmem>> -> memref<1x128xi32, #tpu.memory_space<vmem>>
        %dma_wait3A_146 = tpu.memref_squeeze %dma_wait3A_145 : memref<1x128xi32, #tpu.memory_space<vmem>> -> memref<128xi32, #tpu.memory_space<vmem>>
        %dma_wait3A_147 = arith.constant 0 : i32
        %dma_wait3A_148 = arith.constant 0 : i32
        %dma_wait3A_149 = tpu.memref_slice %arg2[%dma_wait3A_147, %dma_wait3A_148] : memref<20000x128xf32, #tpu.memory_space<hbm>> -> memref<20000x128xf32, #tpu.memory_space<hbm>>
        tpu.wait_indirect_dma semaphore(%arg11 : memref<!tpu.dma_semaphore, #tpu.memory_space<semaphore_mem>>) src(%dma_wait3A_149 : memref<20000x128xf32, #tpu.memory_space<hbm>>) dst(%arg9 : memref<128x128xf32, #tpu.memory_space<vmem>>)
        %run_scoped3A = arith.constant 0 : i32
        "tpu.region"() ({
          %run_scoped3A_150 = tpu.sem_alloc : memref<!tpu.dma_semaphore, #tpu.memory_space<semaphore_mem>>
          %dma_start3A_151 = arith.constant 0 : i32
          %dma_start3A_152 = tpu.memref_slice %arg8[%run_scoped3A, %dma_start3A_151] : memref<16x128xi32, #tpu.memory_space<vmem>> -> memref<1x128xi32, #tpu.memory_space<vmem>>
          %dma_start3A_153 = tpu.memref_squeeze %dma_start3A_152 : memref<1x128xi32, #tpu.memory_space<vmem>> -> memref<128xi32, #tpu.memory_space<vmem>>
          %dma_start3A_154 = arith.constant 0 : i32
          %dma_start3A_155 = arith.constant 0 : i32
          %dma_start3A_156 = tpu.memref_slice %arg10[%dma_start3A_154, %dma_start3A_155] : memref<10000x128xf32, #tpu.memory_space<vmem_shared>> -> memref<10000x128xf32, #tpu.memory_space<vmem_shared>>
          tpu.enqueue_indirect_dma source(%arg9 : memref<128x128xf32, #tpu.memory_space<vmem>>) target(%dma_start3A_156 : memref<10000x128xf32, #tpu.memory_space<vmem_shared>>) offsets(%dma_start3A_153 : memref<128xi32, #tpu.memory_space<vmem>>) semaphore(%run_scoped3A_150 : memref<!tpu.dma_semaphore, #tpu.memory_space<semaphore_mem>>) {add = true}
          %dma_wait3A_157 = arith.constant 0 : i32
          %dma_wait3A_158 = tpu.memref_slice %arg8[%run_scoped3A, %dma_wait3A_157] : memref<16x128xi32, #tpu.memory_space<vmem>> -> memref<1x128xi32, #tpu.memory_space<vmem>>
          %dma_wait3A_159 = tpu.memref_squeeze %dma_wait3A_158 : memref<1x128xi32, #tpu.memory_space<vmem>> -> memref<128xi32, #tpu.memory_space<vmem>>
          %dma_wait3A_160 = arith.constant 0 : i32
          %dma_wait3A_161 = arith.constant 0 : i32
          %dma_wait3A_162 = tpu.memref_slice %arg10[%dma_wait3A_160, %dma_wait3A_161] : memref<10000x128xf32, #tpu.memory_space<vmem_shared>> -> memref<10000x128xf32, #tpu.memory_space<vmem_shared>>
          tpu.wait_indirect_dma semaphore(%run_scoped3A_150 : memref<!tpu.dma_semaphore, #tpu.memory_space<semaphore_mem>>) src(%arg9 : memref<128x128xf32, #tpu.memory_space<vmem>>) dst(%dma_wait3A_162 : memref<10000x128xf32, #tpu.memory_space<vmem_shared>>)
          tpu.yield
        }) : () -> ()
      } else {
      }
      %add3A_33 = arith.constant 1 : i32
      %add3A_34 = arith.addi %multiple_of3A, %add3A_33 : i32
      %lt3A_35 = arith.constant 2500 : i32
      %lt3A_36 = arith.cmpi slt, %add3A_34, %lt3A_35 : i32
      %convert_element_type3A_37 = arith.extui %lt3A_36 : i1 to i32
      %cond3A_38 = arith.constant 0 : i32
      %cond3A_39 = arith.cmpi ne, %convert_element_type3A_37, %cond3A_38 : i32
      scf.if %cond3A_39 {
        %dma_start3A = arith.constant 1 : i32
        %dma_start3A_138 = arith.constant 0 : i32
        %dma_start3A_139 = tpu.memref_slice %arg7[%dma_start3A, %dma_start3A_138] : memref<16x128xi32, #tpu.memory_space<vmem>> -> memref<1x128xi32, #tpu.memory_space<vmem>>
        %dma_start3A_140 = tpu.memref_squeeze %dma_start3A_139 : memref<1x128xi32, #tpu.memory_space<vmem>> -> memref<128xi32, #tpu.memory_space<vmem>>
        %dma_start3A_141 = arith.constant 0 : i32
        %dma_start3A_142 = arith.constant 0 : i32
        %dma_start3A_143 = tpu.memref_slice %arg2[%dma_start3A_141, %dma_start3A_142] : memref<20000x128xf32, #tpu.memory_space<hbm>> -> memref<20000x128xf32, #tpu.memory_space<hbm>>
        tpu.enqueue_indirect_dma source(%dma_start3A_143 : memref<20000x128xf32, #tpu.memory_space<hbm>>) target(%arg9 : memref<128x128xf32, #tpu.memory_space<vmem>>) offsets(%dma_start3A_140 : memref<128xi32, #tpu.memory_space<vmem>>) semaphore(%arg11 : memref<!tpu.dma_semaphore, #tpu.memory_space<semaphore_mem>>)
        %dma_wait3A = arith.constant 1 : i32
        %dma_wait3A_144 = arith.constant 0 : i32
        %dma_wait3A_145 = tpu.memref_slice %arg7[%dma_wait3A, %dma_wait3A_144] : memref<16x128xi32, #tpu.memory_space<vmem>> -> memref<1x128xi32, #tpu.memory_space<vmem>>
        %dma_wait3A_146 = tpu.memref_squeeze %dma_wait3A_145 : memref<1x128xi32, #tpu.memory_space<vmem>> -> memref<128xi32, #tpu.memory_space<vmem>>
        %dma_wait3A_147 = arith.constant 0 : i32
        %dma_wait3A_148 = arith.constant 0 : i32
        %dma_wait3A_149 = tpu.memref_slice %arg2[%dma_wait3A_147, %dma_wait3A_148] : memref<20000x128xf32, #tpu.memory_space<hbm>> -> memref<20000x128xf32, #tpu.memory_space<hbm>>
        tpu.wait_indirect_dma semaphore(%arg11 : memref<!tpu.dma_semaphore, #tpu.memory_space<semaphore_mem>>) src(%dma_wait3A_149 : memref<20000x128xf32, #tpu.memory_space<hbm>>) dst(%arg9 : memref<128x128xf32, #tpu.memory_space<vmem>>)
        %run_scoped3A = arith.constant 1 : i32
        "tpu.region"() ({
          %run_scoped3A_150 = tpu.sem_alloc : memref<!tpu.dma_semaphore, #tpu.memory_space<semaphore_mem>>
          %dma_start3A_151 = arith.constant 0 : i32
          %dma_start3A_152 = tpu.memref_slice %arg8[%run_scoped3A, %dma_start3A_151] : memref<16x128xi32, #tpu.memory_space<vmem>> -> memref<1x128xi32, #tpu.memory_space<vmem>>
          %dma_start3A_153 = tpu.memref_squeeze %dma_start3A_152 : memref<1x128xi32, #tpu.memory_space<vmem>> -> memref<128xi32, #tpu.memory_space<vmem>>
          %dma_start3A_154 = arith.constant 0 : i32
          %dma_start3A_155 = arith.constant 0 : i32
          %dma_start3A_156 = tpu.memref_slice %arg10[%dma_start3A_154, %dma_start3A_155] : memref<10000x128xf32, #tpu.memory_space<vmem_shared>> -> memref<10000x128xf32, #tpu.memory_space<vmem_shared>>
          tpu.enqueue_indirect_dma source(%arg9 : memref<128x128xf32, #tpu.memory_space<vmem>>) target(%dma_start3A_156 : memref<10000x128xf32, #tpu.memory_space<vmem_shared>>) offsets(%dma_start3A_153 : memref<128xi32, #tpu.memory_space<vmem>>) semaphore(%run_scoped3A_150 : memref<!tpu.dma_semaphore, #tpu.memory_space<semaphore_mem>>) {add = true}
          %dma_wait3A_157 = arith.constant 0 : i32
          %dma_wait3A_158 = tpu.memref_slice %arg8[%run_scoped3A, %dma_wait3A_157] : memref<16x128xi32, #tpu.memory_space<vmem>> -> memref<1x128xi32, #tpu.memory_space<vmem>>
          %dma_wait3A_159 = tpu.memref_squeeze %dma_wait3A_158 : memref<1x128xi32, #tpu.memory_space<vmem>> -> memref<128xi32, #tpu.memory_space<vmem>>
          %dma_wait3A_160 = arith.constant 0 : i32
          %dma_wait3A_161 = arith.constant 0 : i32
          %dma_wait3A_162 = tpu.memref_slice %arg10[%dma_wait3A_160, %dma_wait3A_161] : memref<10000x128xf32, #tpu.memory_space<vmem_shared>> -> memref<10000x128xf32, #tpu.memory_space<vmem_shared>>
          tpu.wait_indirect_dma semaphore(%run_scoped3A_150 : memref<!tpu.dma_semaphore, #tpu.memory_space<semaphore_mem>>) src(%arg9 : memref<128x128xf32, #tpu.memory_space<vmem>>) dst(%dma_wait3A_162 : memref<10000x128xf32, #tpu.memory_space<vmem_shared>>)
          tpu.yield
        }) : () -> ()
      } else {
      }
      %add3A_40 = arith.constant 2 : i32
      %add3A_41 = arith.addi %multiple_of3A, %add3A_40 : i32
      %lt3A_42 = arith.constant 2500 : i32
      %lt3A_43 = arith.cmpi slt, %add3A_41, %lt3A_42 : i32
      %convert_element_type3A_44 = arith.extui %lt3A_43 : i1 to i32
      %cond3A_45 = arith.constant 0 : i32
      %cond3A_46 = arith.cmpi ne, %convert_element_type3A_44, %cond3A_45 : i32
      scf.if %cond3A_46 {
        %dma_start3A = arith.constant 2 : i32
        %dma_start3A_138 = arith.constant 0 : i32
        %dma_start3A_139 = tpu.memref_slice %arg7[%dma_start3A, %dma_start3A_138] : memref<16x128xi32, #tpu.memory_space<vmem>> -> memref<1x128xi32, #tpu.memory_space<vmem>>
        %dma_start3A_140 = tpu.memref_squeeze %dma_start3A_139 : memref<1x128xi32, #tpu.memory_space<vmem>> -> memref<128xi32, #tpu.memory_space<vmem>>
        %dma_start3A_141 = arith.constant 0 : i32
        %dma_start3A_142 = arith.constant 0 : i32
        %dma_start3A_143 = tpu.memref_slice %arg2[%dma_start3A_141, %dma_start3A_142] : memref<20000x128xf32, #tpu.memory_space<hbm>> -> memref<20000x128xf32, #tpu.memory_space<hbm>>
        tpu.enqueue_indirect_dma source(%dma_start3A_143 : memref<20000x128xf32, #tpu.memory_space<hbm>>) target(%arg9 : memref<128x128xf32, #tpu.memory_space<vmem>>) offsets(%dma_start3A_140 : memref<128xi32, #tpu.memory_space<vmem>>) semaphore(%arg11 : memref<!tpu.dma_semaphore, #tpu.memory_space<semaphore_mem>>)
        %dma_wait3A = arith.constant 2 : i32
        %dma_wait3A_144 = arith.constant 0 : i32
        %dma_wait3A_145 = tpu.memref_slice %arg7[%dma_wait3A, %dma_wait3A_144] : memref<16x128xi32, #tpu.memory_space<vmem>> -> memref<1x128xi32, #tpu.memory_space<vmem>>
        %dma_wait3A_146 = tpu.memref_squeeze %dma_wait3A_145 : memref<1x128xi32, #tpu.memory_space<vmem>> -> memref<128xi32, #tpu.memory_space<vmem>>
        %dma_wait3A_147 = arith.constant 0 : i32
        %dma_wait3A_148 = arith.constant 0 : i32
        %dma_wait3A_149 = tpu.memref_slice %arg2[%dma_wait3A_147, %dma_wait3A_148] : memref<20000x128xf32, #tpu.memory_space<hbm>> -> memref<20000x128xf32, #tpu.memory_space<hbm>>
        tpu.wait_indirect_dma semaphore(%arg11 : memref<!tpu.dma_semaphore, #tpu.memory_space<semaphore_mem>>) src(%dma_wait3A_149 : memref<20000x128xf32, #tpu.memory_space<hbm>>) dst(%arg9 : memref<128x128xf32, #tpu.memory_space<vmem>>)
        %run_scoped3A = arith.constant 2 : i32
        "tpu.region"() ({
          %run_scoped3A_150 = tpu.sem_alloc : memref<!tpu.dma_semaphore, #tpu.memory_space<semaphore_mem>>
          %dma_start3A_151 = arith.constant 0 : i32
          %dma_start3A_152 = tpu.memref_slice %arg8[%run_scoped3A, %dma_start3A_151] : memref<16x128xi32, #tpu.memory_space<vmem>> -> memref<1x128xi32, #tpu.memory_space<vmem>>
          %dma_start3A_153 = tpu.memref_squeeze %dma_start3A_152 : memref<1x128xi32, #tpu.memory_space<vmem>> -> memref<128xi32, #tpu.memory_space<vmem>>
          %dma_start3A_154 = arith.constant 0 : i32
          %dma_start3A_155 = arith.constant 0 : i32
          %dma_start3A_156 = tpu.memref_slice %arg10[%dma_start3A_154, %dma_start3A_155] : memref<10000x128xf32, #tpu.memory_space<vmem_shared>> -> memref<10000x128xf32, #tpu.memory_space<vmem_shared>>
          tpu.enqueue_indirect_dma source(%arg9 : memref<128x128xf32, #tpu.memory_space<vmem>>) target(%dma_start3A_156 : memref<10000x128xf32, #tpu.memory_space<vmem_shared>>) offsets(%dma_start3A_153 : memref<128xi32, #tpu.memory_space<vmem>>) semaphore(%run_scoped3A_150 : memref<!tpu.dma_semaphore, #tpu.memory_space<semaphore_mem>>) {add = true}
          %dma_wait3A_157 = arith.constant 0 : i32
          %dma_wait3A_158 = tpu.memref_slice %arg8[%run_scoped3A, %dma_wait3A_157] : memref<16x128xi32, #tpu.memory_space<vmem>> -> memref<1x128xi32, #tpu.memory_space<vmem>>
          %dma_wait3A_159 = tpu.memref_squeeze %dma_wait3A_158 : memref<1x128xi32, #tpu.memory_space<vmem>> -> memref<128xi32, #tpu.memory_space<vmem>>
          %dma_wait3A_160 = arith.constant 0 : i32
          %dma_wait3A_161 = arith.constant 0 : i32
          %dma_wait3A_162 = tpu.memref_slice %arg10[%dma_wait3A_160, %dma_wait3A_161] : memref<10000x128xf32, #tpu.memory_space<vmem_shared>> -> memref<10000x128xf32, #tpu.memory_space<vmem_shared>>
          tpu.wait_indirect_dma semaphore(%run_scoped3A_150 : memref<!tpu.dma_semaphore, #tpu.memory_space<semaphore_mem>>) src(%arg9 : memref<128x128xf32, #tpu.memory_space<vmem>>) dst(%dma_wait3A_162 : memref<10000x128xf32, #tpu.memory_space<vmem_shared>>)
          tpu.yield
        }) : () -> ()
      } else {
      }
      %add3A_47 = arith.constant 3 : i32
      %add3A_48 = arith.addi %multiple_of3A, %add3A_47 : i32
      %lt3A_49 = arith.constant 2500 : i32
      %lt3A_50 = arith.cmpi slt, %add3A_48, %lt3A_49 : i32
      %convert_element_type3A_51 = arith.extui %lt3A_50 : i1 to i32
      %cond3A_52 = arith.constant 0 : i32
      %cond3A_53 = arith.cmpi ne, %convert_element_type3A_51, %cond3A_52 : i32
      scf.if %cond3A_53 {
        %dma_start3A = arith.constant 3 : i32
        %dma_start3A_138 = arith.constant 0 : i32
        %dma_start3A_139 = tpu.memref_slice %arg7[%dma_start3A, %dma_start3A_138] : memref<16x128xi32, #tpu.memory_space<vmem>> -> memref<1x128xi32, #tpu.memory_space<vmem>>
        %dma_start3A_140 = tpu.memref_squeeze %dma_start3A_139 : memref<1x128xi32, #tpu.memory_space<vmem>> -> memref<128xi32, #tpu.memory_space<vmem>>
        %dma_start3A_141 = arith.constant 0 : i32
        %dma_start3A_142 = arith.constant 0 : i32
        %dma_start3A_143 = tpu.memref_slice %arg2[%dma_start3A_141, %dma_start3A_142] : memref<20000x128xf32, #tpu.memory_space<hbm>> -> memref<20000x128xf32, #tpu.memory_space<hbm>>
        tpu.enqueue_indirect_dma source(%dma_start3A_143 : memref<20000x128xf32, #tpu.memory_space<hbm>>) target(%arg9 : memref<128x128xf32, #tpu.memory_space<vmem>>) offsets(%dma_start3A_140 : memref<128xi32, #tpu.memory_space<vmem>>) semaphore(%arg11 : memref<!tpu.dma_semaphore, #tpu.memory_space<semaphore_mem>>)
        %dma_wait3A = arith.constant 3 : i32
        %dma_wait3A_144 = arith.constant 0 : i32
        %dma_wait3A_145 = tpu.memref_slice %arg7[%dma_wait3A, %dma_wait3A_144] : memref<16x128xi32, #tpu.memory_space<vmem>> -> memref<1x128xi32, #tpu.memory_space<vmem>>
        %dma_wait3A_146 = tpu.memref_squeeze %dma_wait3A_145 : memref<1x128xi32, #tpu.memory_space<vmem>> -> memref<128xi32, #tpu.memory_space<vmem>>
        %dma_wait3A_147 = arith.constant 0 : i32
        %dma_wait3A_148 = arith.constant 0 : i32
        %dma_wait3A_149 = tpu.memref_slice %arg2[%dma_wait3A_147, %dma_wait3A_148] : memref<20000x128xf32, #tpu.memory_space<hbm>> -> memref<20000x128xf32, #tpu.memory_space<hbm>>
        tpu.wait_indirect_dma semaphore(%arg11 : memref<!tpu.dma_semaphore, #tpu.memory_space<semaphore_mem>>) src(%dma_wait3A_149 : memref<20000x128xf32, #tpu.memory_space<hbm>>) dst(%arg9 : memref<128x128xf32, #tpu.memory_space<vmem>>)
        %run_scoped3A = arith.constant 3 : i32
        "tpu.region"() ({
          %run_scoped3A_150 = tpu.sem_alloc : memref<!tpu.dma_semaphore, #tpu.memory_space<semaphore_mem>>
          %dma_start3A_151 = arith.constant 0 : i32
          %dma_start3A_152 = tpu.memref_slice %arg8[%run_scoped3A, %dma_start3A_151] : memref<16x128xi32, #tpu.memory_space<vmem>> -> memref<1x128xi32, #tpu.memory_space<vmem>>
          %dma_start3A_153 = tpu.memref_squeeze %dma_start3A_152 : memref<1x128xi32, #tpu.memory_space<vmem>> -> memref<128xi32, #tpu.memory_space<vmem>>
          %dma_start3A_154 = arith.constant 0 : i32
          %dma_start3A_155 = arith.constant 0 : i32
          %dma_start3A_156 = tpu.memref_slice %arg10[%dma_start3A_154, %dma_start3A_155] : memref<10000x128xf32, #tpu.memory_space<vmem_shared>> -> memref<10000x128xf32, #tpu.memory_space<vmem_shared>>
          tpu.enqueue_indirect_dma source(%arg9 : memref<128x128xf32, #tpu.memory_space<vmem>>) target(%dma_start3A_156 : memref<10000x128xf32, #tpu.memory_space<vmem_shared>>) offsets(%dma_start3A_153 : memref<128xi32, #tpu.memory_space<vmem>>) semaphore(%run_scoped3A_150 : memref<!tpu.dma_semaphore, #tpu.memory_space<semaphore_mem>>) {add = true}
          %dma_wait3A_157 = arith.constant 0 : i32
          %dma_wait3A_158 = tpu.memref_slice %arg8[%run_scoped3A, %dma_wait3A_157] : memref<16x128xi32, #tpu.memory_space<vmem>> -> memref<1x128xi32, #tpu.memory_space<vmem>>
          %dma_wait3A_159 = tpu.memref_squeeze %dma_wait3A_158 : memref<1x128xi32, #tpu.memory_space<vmem>> -> memref<128xi32, #tpu.memory_space<vmem>>
          %dma_wait3A_160 = arith.constant 0 : i32
          %dma_wait3A_161 = arith.constant 0 : i32
          %dma_wait3A_162 = tpu.memref_slice %arg10[%dma_wait3A_160, %dma_wait3A_161] : memref<10000x128xf32, #tpu.memory_space<vmem_shared>> -> memref<10000x128xf32, #tpu.memory_space<vmem_shared>>
          tpu.wait_indirect_dma semaphore(%run_scoped3A_150 : memref<!tpu.dma_semaphore, #tpu.memory_space<semaphore_mem>>) src(%arg9 : memref<128x128xf32, #tpu.memory_space<vmem>>) dst(%dma_wait3A_162 : memref<10000x128xf32, #tpu.memory_space<vmem_shared>>)
          tpu.yield
        }) : () -> ()
      } else {
      }
      %add3A_54 = arith.constant 4 : i32
      %add3A_55 = arith.addi %multiple_of3A, %add3A_54 : i32
      %lt3A_56 = arith.constant 2500 : i32
      %lt3A_57 = arith.cmpi slt, %add3A_55, %lt3A_56 : i32
      %convert_element_type3A_58 = arith.extui %lt3A_57 : i1 to i32
      %cond3A_59 = arith.constant 0 : i32
      %cond3A_60 = arith.cmpi ne, %convert_element_type3A_58, %cond3A_59 : i32
      scf.if %cond3A_60 {
        %dma_start3A = arith.constant 4 : i32
        %dma_start3A_138 = arith.constant 0 : i32
        %dma_start3A_139 = tpu.memref_slice %arg7[%dma_start3A, %dma_start3A_138] : memref<16x128xi32, #tpu.memory_space<vmem>> -> memref<1x128xi32, #tpu.memory_space<vmem>>
        %dma_start3A_140 = tpu.memref_squeeze %dma_start3A_139 : memref<1x128xi32, #tpu.memory_space<vmem>> -> memref<128xi32, #tpu.memory_space<vmem>>
        %dma_start3A_141 = arith.constant 0 : i32
        %dma_start3A_142 = arith.constant 0 : i32
        %dma_start3A_143 = tpu.memref_slice %arg2[%dma_start3A_141, %dma_start3A_142] : memref<20000x128xf32, #tpu.memory_space<hbm>> -> memref<20000x128xf32, #tpu.memory_space<hbm>>
        tpu.enqueue_indirect_dma source(%dma_start3A_143 : memref<20000x128xf32, #tpu.memory_space<hbm>>) target(%arg9 : memref<128x128xf32, #tpu.memory_space<vmem>>) offsets(%dma_start3A_140 : memref<128xi32, #tpu.memory_space<vmem>>) semaphore(%arg11 : memref<!tpu.dma_semaphore, #tpu.memory_space<semaphore_mem>>)
        %dma_wait3A = arith.constant 4 : i32
        %dma_wait3A_144 = arith.constant 0 : i32
        %dma_wait3A_145 = tpu.memref_slice %arg7[%dma_wait3A, %dma_wait3A_144] : memref<16x128xi32, #tpu.memory_space<vmem>> -> memref<1x128xi32, #tpu.memory_space<vmem>>
        %dma_wait3A_146 = tpu.memref_squeeze %dma_wait3A_145 : memref<1x128xi32, #tpu.memory_space<vmem>> -> memref<128xi32, #tpu.memory_space<vmem>>
        %dma_wait3A_147 = arith.constant 0 : i32
        %dma_wait3A_148 = arith.constant 0 : i32
        %dma_wait3A_149 = tpu.memref_slice %arg2[%dma_wait3A_147, %dma_wait3A_148] : memref<20000x128xf32, #tpu.memory_space<hbm>> -> memref<20000x128xf32, #tpu.memory_space<hbm>>
        tpu.wait_indirect_dma semaphore(%arg11 : memref<!tpu.dma_semaphore, #tpu.memory_space<semaphore_mem>>) src(%dma_wait3A_149 : memref<20000x128xf32, #tpu.memory_space<hbm>>) dst(%arg9 : memref<128x128xf32, #tpu.memory_space<vmem>>)
        %run_scoped3A = arith.constant 4 : i32
        "tpu.region"() ({
          %run_scoped3A_150 = tpu.sem_alloc : memref<!tpu.dma_semaphore, #tpu.memory_space<semaphore_mem>>
          %dma_start3A_151 = arith.constant 0 : i32
          %dma_start3A_152 = tpu.memref_slice %arg8[%run_scoped3A, %dma_start3A_151] : memref<16x128xi32, #tpu.memory_space<vmem>> -> memref<1x128xi32, #tpu.memory_space<vmem>>
          %dma_start3A_153 = tpu.memref_squeeze %dma_start3A_152 : memref<1x128xi32, #tpu.memory_space<vmem>> -> memref<128xi32, #tpu.memory_space<vmem>>
          %dma_start3A_154 = arith.constant 0 : i32
          %dma_start3A_155 = arith.constant 0 : i32
          %dma_start3A_156 = tpu.memref_slice %arg10[%dma_start3A_154, %dma_start3A_155] : memref<10000x128xf32, #tpu.memory_space<vmem_shared>> -> memref<10000x128xf32, #tpu.memory_space<vmem_shared>>
          tpu.enqueue_indirect_dma source(%arg9 : memref<128x128xf32, #tpu.memory_space<vmem>>) target(%dma_start3A_156 : memref<10000x128xf32, #tpu.memory_space<vmem_shared>>) offsets(%dma_start3A_153 : memref<128xi32, #tpu.memory_space<vmem>>) semaphore(%run_scoped3A_150 : memref<!tpu.dma_semaphore, #tpu.memory_space<semaphore_mem>>) {add = true}
          %dma_wait3A_157 = arith.constant 0 : i32
          %dma_wait3A_158 = tpu.memref_slice %arg8[%run_scoped3A, %dma_wait3A_157] : memref<16x128xi32, #tpu.memory_space<vmem>> -> memref<1x128xi32, #tpu.memory_space<vmem>>
          %dma_wait3A_159 = tpu.memref_squeeze %dma_wait3A_158 : memref<1x128xi32, #tpu.memory_space<vmem>> -> memref<128xi32, #tpu.memory_space<vmem>>
          %dma_wait3A_160 = arith.constant 0 : i32
          %dma_wait3A_161 = arith.constant 0 : i32
          %dma_wait3A_162 = tpu.memref_slice %arg10[%dma_wait3A_160, %dma_wait3A_161] : memref<10000x128xf32, #tpu.memory_space<vmem_shared>> -> memref<10000x128xf32, #tpu.memory_space<vmem_shared>>
          tpu.wait_indirect_dma semaphore(%run_scoped3A_150 : memref<!tpu.dma_semaphore, #tpu.memory_space<semaphore_mem>>) src(%arg9 : memref<128x128xf32, #tpu.memory_space<vmem>>) dst(%dma_wait3A_162 : memref<10000x128xf32, #tpu.memory_space<vmem_shared>>)
          tpu.yield
        }) : () -> ()
      } else {
      }
      %add3A_61 = arith.constant 5 : i32
      %add3A_62 = arith.addi %multiple_of3A, %add3A_61 : i32
      %lt3A_63 = arith.constant 2500 : i32
      %lt3A_64 = arith.cmpi slt, %add3A_62, %lt3A_63 : i32
      %convert_element_type3A_65 = arith.extui %lt3A_64 : i1 to i32
      %cond3A_66 = arith.constant 0 : i32
      %cond3A_67 = arith.cmpi ne, %convert_element_type3A_65, %cond3A_66 : i32
      scf.if %cond3A_67 {
        %dma_start3A = arith.constant 5 : i32
        %dma_start3A_138 = arith.constant 0 : i32
        %dma_start3A_139 = tpu.memref_slice %arg7[%dma_start3A, %dma_start3A_138] : memref<16x128xi32, #tpu.memory_space<vmem>> -> memref<1x128xi32, #tpu.memory_space<vmem>>
        %dma_start3A_140 = tpu.memref_squeeze %dma_start3A_139 : memref<1x128xi32, #tpu.memory_space<vmem>> -> memref<128xi32, #tpu.memory_space<vmem>>
        %dma_start3A_141 = arith.constant 0 : i32
        %dma_start3A_142 = arith.constant 0 : i32
        %dma_start3A_143 = tpu.memref_slice %arg2[%dma_start3A_141, %dma_start3A_142] : memref<20000x128xf32, #tpu.memory_space<hbm>> -> memref<20000x128xf32, #tpu.memory_space<hbm>>
        tpu.enqueue_indirect_dma source(%dma_start3A_143 : memref<20000x128xf32, #tpu.memory_space<hbm>>) target(%arg9 : memref<128x128xf32, #tpu.memory_space<vmem>>) offsets(%dma_start3A_140 : memref<128xi32, #tpu.memory_space<vmem>>) semaphore(%arg11 : memref<!tpu.dma_semaphore, #tpu.memory_space<semaphore_mem>>)
        %dma_wait3A = arith.constant 5 : i32
        %dma_wait3A_144 = arith.constant 0 : i32
        %dma_wait3A_145 = tpu.memref_slice %arg7[%dma_wait3A, %dma_wait3A_144] : memref<16x128xi32, #tpu.memory_space<vmem>> -> memref<1x128xi32, #tpu.memory_space<vmem>>
        %dma_wait3A_146 = tpu.memref_squeeze %dma_wait3A_145 : memref<1x128xi32, #tpu.memory_space<vmem>> -> memref<128xi32, #tpu.memory_space<vmem>>
        %dma_wait3A_147 = arith.constant 0 : i32
        %dma_wait3A_148 = arith.constant 0 : i32
        %dma_wait3A_149 = tpu.memref_slice %arg2[%dma_wait3A_147, %dma_wait3A_148] : memref<20000x128xf32, #tpu.memory_space<hbm>> -> memref<20000x128xf32, #tpu.memory_space<hbm>>
        tpu.wait_indirect_dma semaphore(%arg11 : memref<!tpu.dma_semaphore, #tpu.memory_space<semaphore_mem>>) src(%dma_wait3A_149 : memref<20000x128xf32, #tpu.memory_space<hbm>>) dst(%arg9 : memref<128x128xf32, #tpu.memory_space<vmem>>)
        %run_scoped3A = arith.constant 5 : i32
        "tpu.region"() ({
          %run_scoped3A_150 = tpu.sem_alloc : memref<!tpu.dma_semaphore, #tpu.memory_space<semaphore_mem>>
          %dma_start3A_151 = arith.constant 0 : i32
          %dma_start3A_152 = tpu.memref_slice %arg8[%run_scoped3A, %dma_start3A_151] : memref<16x128xi32, #tpu.memory_space<vmem>> -> memref<1x128xi32, #tpu.memory_space<vmem>>
          %dma_start3A_153 = tpu.memref_squeeze %dma_start3A_152 : memref<1x128xi32, #tpu.memory_space<vmem>> -> memref<128xi32, #tpu.memory_space<vmem>>
          %dma_start3A_154 = arith.constant 0 : i32
          %dma_start3A_155 = arith.constant 0 : i32
          %dma_start3A_156 = tpu.memref_slice %arg10[%dma_start3A_154, %dma_start3A_155] : memref<10000x128xf32, #tpu.memory_space<vmem_shared>> -> memref<10000x128xf32, #tpu.memory_space<vmem_shared>>
          tpu.enqueue_indirect_dma source(%arg9 : memref<128x128xf32, #tpu.memory_space<vmem>>) target(%dma_start3A_156 : memref<10000x128xf32, #tpu.memory_space<vmem_shared>>) offsets(%dma_start3A_153 : memref<128xi32, #tpu.memory_space<vmem>>) semaphore(%run_scoped3A_150 : memref<!tpu.dma_semaphore, #tpu.memory_space<semaphore_mem>>) {add = true}
          %dma_wait3A_157 = arith.constant 0 : i32
          %dma_wait3A_158 = tpu.memref_slice %arg8[%run_scoped3A, %dma_wait3A_157] : memref<16x128xi32, #tpu.memory_space<vmem>> -> memref<1x128xi32, #tpu.memory_space<vmem>>
          %dma_wait3A_159 = tpu.memref_squeeze %dma_wait3A_158 : memref<1x128xi32, #tpu.memory_space<vmem>> -> memref<128xi32, #tpu.memory_space<vmem>>
          %dma_wait3A_160 = arith.constant 0 : i32
          %dma_wait3A_161 = arith.constant 0 : i32
          %dma_wait3A_162 = tpu.memref_slice %arg10[%dma_wait3A_160, %dma_wait3A_161] : memref<10000x128xf32, #tpu.memory_space<vmem_shared>> -> memref<10000x128xf32, #tpu.memory_space<vmem_shared>>
          tpu.wait_indirect_dma semaphore(%run_scoped3A_150 : memref<!tpu.dma_semaphore, #tpu.memory_space<semaphore_mem>>) src(%arg9 : memref<128x128xf32, #tpu.memory_space<vmem>>) dst(%dma_wait3A_162 : memref<10000x128xf32, #tpu.memory_space<vmem_shared>>)
          tpu.yield
        }) : () -> ()
      } else {
      }
      %add3A_68 = arith.constant 6 : i32
      %add3A_69 = arith.addi %multiple_of3A, %add3A_68 : i32
      %lt3A_70 = arith.constant 2500 : i32
      %lt3A_71 = arith.cmpi slt, %add3A_69, %lt3A_70 : i32
      %convert_element_type3A_72 = arith.extui %lt3A_71 : i1 to i32
      %cond3A_73 = arith.constant 0 : i32
      %cond3A_74 = arith.cmpi ne, %convert_element_type3A_72, %cond3A_73 : i32
      scf.if %cond3A_74 {
        %dma_start3A = arith.constant 6 : i32
        %dma_start3A_138 = arith.constant 0 : i32
        %dma_start3A_139 = tpu.memref_slice %arg7[%dma_start3A, %dma_start3A_138] : memref<16x128xi32, #tpu.memory_space<vmem>> -> memref<1x128xi32, #tpu.memory_space<vmem>>
        %dma_start3A_140 = tpu.memref_squeeze %dma_start3A_139 : memref<1x128xi32, #tpu.memory_space<vmem>> -> memref<128xi32, #tpu.memory_space<vmem>>
        %dma_start3A_141 = arith.constant 0 : i32
        %dma_start3A_142 = arith.constant 0 : i32
        %dma_start3A_143 = tpu.memref_slice %arg2[%dma_start3A_141, %dma_start3A_142] : memref<20000x128xf32, #tpu.memory_space<hbm>> -> memref<20000x128xf32, #tpu.memory_space<hbm>>
        tpu.enqueue_indirect_dma source(%dma_start3A_143 : memref<20000x128xf32, #tpu.memory_space<hbm>>) target(%arg9 : memref<128x128xf32, #tpu.memory_space<vmem>>) offsets(%dma_start3A_140 : memref<128xi32, #tpu.memory_space<vmem>>) semaphore(%arg11 : memref<!tpu.dma_semaphore, #tpu.memory_space<semaphore_mem>>)
        %dma_wait3A = arith.constant 6 : i32
        %dma_wait3A_144 = arith.constant 0 : i32
        %dma_wait3A_145 = tpu.memref_slice %arg7[%dma_wait3A, %dma_wait3A_144] : memref<16x128xi32, #tpu.memory_space<vmem>> -> memref<1x128xi32, #tpu.memory_space<vmem>>
        %dma_wait3A_146 = tpu.memref_squeeze %dma_wait3A_145 : memref<1x128xi32, #tpu.memory_space<vmem>> -> memref<128xi32, #tpu.memory_space<vmem>>
        %dma_wait3A_147 = arith.constant 0 : i32
        %dma_wait3A_148 = arith.constant 0 : i32
        %dma_wait3A_149 = tpu.memref_slice %arg2[%dma_wait3A_147, %dma_wait3A_148] : memref<20000x128xf32, #tpu.memory_space<hbm>> -> memref<20000x128xf32, #tpu.memory_space<hbm>>
        tpu.wait_indirect_dma semaphore(%arg11 : memref<!tpu.dma_semaphore, #tpu.memory_space<semaphore_mem>>) src(%dma_wait3A_149 : memref<20000x128xf32, #tpu.memory_space<hbm>>) dst(%arg9 : memref<128x128xf32, #tpu.memory_space<vmem>>)
        %run_scoped3A = arith.constant 6 : i32
        "tpu.region"() ({
          %run_scoped3A_150 = tpu.sem_alloc : memref<!tpu.dma_semaphore, #tpu.memory_space<semaphore_mem>>
          %dma_start3A_151 = arith.constant 0 : i32
          %dma_start3A_152 = tpu.memref_slice %arg8[%run_scoped3A, %dma_start3A_151] : memref<16x128xi32, #tpu.memory_space<vmem>> -> memref<1x128xi32, #tpu.memory_space<vmem>>
          %dma_start3A_153 = tpu.memref_squeeze %dma_start3A_152 : memref<1x128xi32, #tpu.memory_space<vmem>> -> memref<128xi32, #tpu.memory_space<vmem>>
          %dma_start3A_154 = arith.constant 0 : i32
          %dma_start3A_155 = arith.constant 0 : i32
          %dma_start3A_156 = tpu.memref_slice %arg10[%dma_start3A_154, %dma_start3A_155] : memref<10000x128xf32, #tpu.memory_space<vmem_shared>> -> memref<10000x128xf32, #tpu.memory_space<vmem_shared>>
          tpu.enqueue_indirect_dma source(%arg9 : memref<128x128xf32, #tpu.memory_space<vmem>>) target(%dma_start3A_156 : memref<10000x128xf32, #tpu.memory_space<vmem_shared>>) offsets(%dma_start3A_153 : memref<128xi32, #tpu.memory_space<vmem>>) semaphore(%run_scoped3A_150 : memref<!tpu.dma_semaphore, #tpu.memory_space<semaphore_mem>>) {add = true}
          %dma_wait3A_157 = arith.constant 0 : i32
          %dma_wait3A_158 = tpu.memref_slice %arg8[%run_scoped3A, %dma_wait3A_157] : memref<16x128xi32, #tpu.memory_space<vmem>> -> memref<1x128xi32, #tpu.memory_space<vmem>>
          %dma_wait3A_159 = tpu.memref_squeeze %dma_wait3A_158 : memref<1x128xi32, #tpu.memory_space<vmem>> -> memref<128xi32, #tpu.memory_space<vmem>>
          %dma_wait3A_160 = arith.constant 0 : i32
          %dma_wait3A_161 = arith.constant 0 : i32
          %dma_wait3A_162 = tpu.memref_slice %arg10[%dma_wait3A_160, %dma_wait3A_161] : memref<10000x128xf32, #tpu.memory_space<vmem_shared>> -> memref<10000x128xf32, #tpu.memory_space<vmem_shared>>
          tpu.wait_indirect_dma semaphore(%run_scoped3A_150 : memref<!tpu.dma_semaphore, #tpu.memory_space<semaphore_mem>>) src(%arg9 : memref<128x128xf32, #tpu.memory_space<vmem>>) dst(%dma_wait3A_162 : memref<10000x128xf32, #tpu.memory_space<vmem_shared>>)
          tpu.yield
        }) : () -> ()
      } else {
      }
      %add3A_75 = arith.constant 7 : i32
      %add3A_76 = arith.addi %multiple_of3A, %add3A_75 : i32
      %lt3A_77 = arith.constant 2500 : i32
      %lt3A_78 = arith.cmpi slt, %add3A_76, %lt3A_77 : i32
      %convert_element_type3A_79 = arith.extui %lt3A_78 : i1 to i32
      %cond3A_80 = arith.constant 0 : i32
      %cond3A_81 = arith.cmpi ne, %convert_element_type3A_79, %cond3A_80 : i32
      scf.if %cond3A_81 {
        %dma_start3A = arith.constant 7 : i32
        %dma_start3A_138 = arith.constant 0 : i32
        %dma_start3A_139 = tpu.memref_slice %arg7[%dma_start3A, %dma_start3A_138] : memref<16x128xi32, #tpu.memory_space<vmem>> -> memref<1x128xi32, #tpu.memory_space<vmem>>
        %dma_start3A_140 = tpu.memref_squeeze %dma_start3A_139 : memref<1x128xi32, #tpu.memory_space<vmem>> -> memref<128xi32, #tpu.memory_space<vmem>>
        %dma_start3A_141 = arith.constant 0 : i32
        %dma_start3A_142 = arith.constant 0 : i32
        %dma_start3A_143 = tpu.memref_slice %arg2[%dma_start3A_141, %dma_start3A_142] : memref<20000x128xf32, #tpu.memory_space<hbm>> -> memref<20000x128xf32, #tpu.memory_space<hbm>>
        tpu.enqueue_indirect_dma source(%dma_start3A_143 : memref<20000x128xf32, #tpu.memory_space<hbm>>) target(%arg9 : memref<128x128xf32, #tpu.memory_space<vmem>>) offsets(%dma_start3A_140 : memref<128xi32, #tpu.memory_space<vmem>>) semaphore(%arg11 : memref<!tpu.dma_semaphore, #tpu.memory_space<semaphore_mem>>)
        %dma_wait3A = arith.constant 7 : i32
        %dma_wait3A_144 = arith.constant 0 : i32
        %dma_wait3A_145 = tpu.memref_slice %arg7[%dma_wait3A, %dma_wait3A_144] : memref<16x128xi32, #tpu.memory_space<vmem>> -> memref<1x128xi32, #tpu.memory_space<vmem>>
        %dma_wait3A_146 = tpu.memref_squeeze %dma_wait3A_145 : memref<1x128xi32, #tpu.memory_space<vmem>> -> memref<128xi32, #tpu.memory_space<vmem>>
        %dma_wait3A_147 = arith.constant 0 : i32
        %dma_wait3A_148 = arith.constant 0 : i32
        %dma_wait3A_149 = tpu.memref_slice %arg2[%dma_wait3A_147, %dma_wait3A_148] : memref<20000x128xf32, #tpu.memory_space<hbm>> -> memref<20000x128xf32, #tpu.memory_space<hbm>>
        tpu.wait_indirect_dma semaphore(%arg11 : memref<!tpu.dma_semaphore, #tpu.memory_space<semaphore_mem>>) src(%dma_wait3A_149 : memref<20000x128xf32, #tpu.memory_space<hbm>>) dst(%arg9 : memref<128x128xf32, #tpu.memory_space<vmem>>)
        %run_scoped3A = arith.constant 7 : i32
        "tpu.region"() ({
          %run_scoped3A_150 = tpu.sem_alloc : memref<!tpu.dma_semaphore, #tpu.memory_space<semaphore_mem>>
          %dma_start3A_151 = arith.constant 0 : i32
          %dma_start3A_152 = tpu.memref_slice %arg8[%run_scoped3A, %dma_start3A_151] : memref<16x128xi32, #tpu.memory_space<vmem>> -> memref<1x128xi32, #tpu.memory_space<vmem>>
          %dma_start3A_153 = tpu.memref_squeeze %dma_start3A_152 : memref<1x128xi32, #tpu.memory_space<vmem>> -> memref<128xi32, #tpu.memory_space<vmem>>
          %dma_start3A_154 = arith.constant 0 : i32
          %dma_start3A_155 = arith.constant 0 : i32
          %dma_start3A_156 = tpu.memref_slice %arg10[%dma_start3A_154, %dma_start3A_155] : memref<10000x128xf32, #tpu.memory_space<vmem_shared>> -> memref<10000x128xf32, #tpu.memory_space<vmem_shared>>
          tpu.enqueue_indirect_dma source(%arg9 : memref<128x128xf32, #tpu.memory_space<vmem>>) target(%dma_start3A_156 : memref<10000x128xf32, #tpu.memory_space<vmem_shared>>) offsets(%dma_start3A_153 : memref<128xi32, #tpu.memory_space<vmem>>) semaphore(%run_scoped3A_150 : memref<!tpu.dma_semaphore, #tpu.memory_space<semaphore_mem>>) {add = true}
          %dma_wait3A_157 = arith.constant 0 : i32
          %dma_wait3A_158 = tpu.memref_slice %arg8[%run_scoped3A, %dma_wait3A_157] : memref<16x128xi32, #tpu.memory_space<vmem>> -> memref<1x128xi32, #tpu.memory_space<vmem>>
          %dma_wait3A_159 = tpu.memref_squeeze %dma_wait3A_158 : memref<1x128xi32, #tpu.memory_space<vmem>> -> memref<128xi32, #tpu.memory_space<vmem>>
          %dma_wait3A_160 = arith.constant 0 : i32
          %dma_wait3A_161 = arith.constant 0 : i32
          %dma_wait3A_162 = tpu.memref_slice %arg10[%dma_wait3A_160, %dma_wait3A_161] : memref<10000x128xf32, #tpu.memory_space<vmem_shared>> -> memref<10000x128xf32, #tpu.memory_space<vmem_shared>>
          tpu.wait_indirect_dma semaphore(%run_scoped3A_150 : memref<!tpu.dma_semaphore, #tpu.memory_space<semaphore_mem>>) src(%arg9 : memref<128x128xf32, #tpu.memory_space<vmem>>) dst(%dma_wait3A_162 : memref<10000x128xf32, #tpu.memory_space<vmem_shared>>)
          tpu.yield
        }) : () -> ()
      } else {
      }
      %add3A_82 = arith.constant 8 : i32
      %add3A_83 = arith.addi %multiple_of3A, %add3A_82 : i32
      %lt3A_84 = arith.constant 2500 : i32
      %lt3A_85 = arith.cmpi slt, %add3A_83, %lt3A_84 : i32
      %convert_element_type3A_86 = arith.extui %lt3A_85 : i1 to i32
      %cond3A_87 = arith.constant 0 : i32
      %cond3A_88 = arith.cmpi ne, %convert_element_type3A_86, %cond3A_87 : i32
      scf.if %cond3A_88 {
        %dma_start3A = arith.constant 8 : i32
        %dma_start3A_138 = arith.constant 0 : i32
        %dma_start3A_139 = tpu.memref_slice %arg7[%dma_start3A, %dma_start3A_138] : memref<16x128xi32, #tpu.memory_space<vmem>> -> memref<1x128xi32, #tpu.memory_space<vmem>>
        %dma_start3A_140 = tpu.memref_squeeze %dma_start3A_139 : memref<1x128xi32, #tpu.memory_space<vmem>> -> memref<128xi32, #tpu.memory_space<vmem>>
        %dma_start3A_141 = arith.constant 0 : i32
        %dma_start3A_142 = arith.constant 0 : i32
        %dma_start3A_143 = tpu.memref_slice %arg2[%dma_start3A_141, %dma_start3A_142] : memref<20000x128xf32, #tpu.memory_space<hbm>> -> memref<20000x128xf32, #tpu.memory_space<hbm>>
        tpu.enqueue_indirect_dma source(%dma_start3A_143 : memref<20000x128xf32, #tpu.memory_space<hbm>>) target(%arg9 : memref<128x128xf32, #tpu.memory_space<vmem>>) offsets(%dma_start3A_140 : memref<128xi32, #tpu.memory_space<vmem>>) semaphore(%arg11 : memref<!tpu.dma_semaphore, #tpu.memory_space<semaphore_mem>>)
        %dma_wait3A = arith.constant 8 : i32
        %dma_wait3A_144 = arith.constant 0 : i32
        %dma_wait3A_145 = tpu.memref_slice %arg7[%dma_wait3A, %dma_wait3A_144] : memref<16x128xi32, #tpu.memory_space<vmem>> -> memref<1x128xi32, #tpu.memory_space<vmem>>
        %dma_wait3A_146 = tpu.memref_squeeze %dma_wait3A_145 : memref<1x128xi32, #tpu.memory_space<vmem>> -> memref<128xi32, #tpu.memory_space<vmem>>
        %dma_wait3A_147 = arith.constant 0 : i32
        %dma_wait3A_148 = arith.constant 0 : i32
        %dma_wait3A_149 = tpu.memref_slice %arg2[%dma_wait3A_147, %dma_wait3A_148] : memref<20000x128xf32, #tpu.memory_space<hbm>> -> memref<20000x128xf32, #tpu.memory_space<hbm>>
        tpu.wait_indirect_dma semaphore(%arg11 : memref<!tpu.dma_semaphore, #tpu.memory_space<semaphore_mem>>) src(%dma_wait3A_149 : memref<20000x128xf32, #tpu.memory_space<hbm>>) dst(%arg9 : memref<128x128xf32, #tpu.memory_space<vmem>>)
        %run_scoped3A = arith.constant 8 : i32
        "tpu.region"() ({
          %run_scoped3A_150 = tpu.sem_alloc : memref<!tpu.dma_semaphore, #tpu.memory_space<semaphore_mem>>
          %dma_start3A_151 = arith.constant 0 : i32
          %dma_start3A_152 = tpu.memref_slice %arg8[%run_scoped3A, %dma_start3A_151] : memref<16x128xi32, #tpu.memory_space<vmem>> -> memref<1x128xi32, #tpu.memory_space<vmem>>
          %dma_start3A_153 = tpu.memref_squeeze %dma_start3A_152 : memref<1x128xi32, #tpu.memory_space<vmem>> -> memref<128xi32, #tpu.memory_space<vmem>>
          %dma_start3A_154 = arith.constant 0 : i32
          %dma_start3A_155 = arith.constant 0 : i32
          %dma_start3A_156 = tpu.memref_slice %arg10[%dma_start3A_154, %dma_start3A_155] : memref<10000x128xf32, #tpu.memory_space<vmem_shared>> -> memref<10000x128xf32, #tpu.memory_space<vmem_shared>>
          tpu.enqueue_indirect_dma source(%arg9 : memref<128x128xf32, #tpu.memory_space<vmem>>) target(%dma_start3A_156 : memref<10000x128xf32, #tpu.memory_space<vmem_shared>>) offsets(%dma_start3A_153 : memref<128xi32, #tpu.memory_space<vmem>>) semaphore(%run_scoped3A_150 : memref<!tpu.dma_semaphore, #tpu.memory_space<semaphore_mem>>) {add = true}
          %dma_wait3A_157 = arith.constant 0 : i32
          %dma_wait3A_158 = tpu.memref_slice %arg8[%run_scoped3A, %dma_wait3A_157] : memref<16x128xi32, #tpu.memory_space<vmem>> -> memref<1x128xi32, #tpu.memory_space<vmem>>
          %dma_wait3A_159 = tpu.memref_squeeze %dma_wait3A_158 : memref<1x128xi32, #tpu.memory_space<vmem>> -> memref<128xi32, #tpu.memory_space<vmem>>
          %dma_wait3A_160 = arith.constant 0 : i32
          %dma_wait3A_161 = arith.constant 0 : i32
          %dma_wait3A_162 = tpu.memref_slice %arg10[%dma_wait3A_160, %dma_wait3A_161] : memref<10000x128xf32, #tpu.memory_space<vmem_shared>> -> memref<10000x128xf32, #tpu.memory_space<vmem_shared>>
          tpu.wait_indirect_dma semaphore(%run_scoped3A_150 : memref<!tpu.dma_semaphore, #tpu.memory_space<semaphore_mem>>) src(%arg9 : memref<128x128xf32, #tpu.memory_space<vmem>>) dst(%dma_wait3A_162 : memref<10000x128xf32, #tpu.memory_space<vmem_shared>>)
          tpu.yield
        }) : () -> ()
      } else {
      }
      %add3A_89 = arith.constant 9 : i32
      %add3A_90 = arith.addi %multiple_of3A, %add3A_89 : i32
      %lt3A_91 = arith.constant 2500 : i32
      %lt3A_92 = arith.cmpi slt, %add3A_90, %lt3A_91 : i32
      %convert_element_type3A_93 = arith.extui %lt3A_92 : i1 to i32
      %cond3A_94 = arith.constant 0 : i32
      %cond3A_95 = arith.cmpi ne, %convert_element_type3A_93, %cond3A_94 : i32
      scf.if %cond3A_95 {
        %dma_start3A = arith.constant 9 : i32
        %dma_start3A_138 = arith.constant 0 : i32
        %dma_start3A_139 = tpu.memref_slice %arg7[%dma_start3A, %dma_start3A_138] : memref<16x128xi32, #tpu.memory_space<vmem>> -> memref<1x128xi32, #tpu.memory_space<vmem>>
        %dma_start3A_140 = tpu.memref_squeeze %dma_start3A_139 : memref<1x128xi32, #tpu.memory_space<vmem>> -> memref<128xi32, #tpu.memory_space<vmem>>
        %dma_start3A_141 = arith.constant 0 : i32
        %dma_start3A_142 = arith.constant 0 : i32
        %dma_start3A_143 = tpu.memref_slice %arg2[%dma_start3A_141, %dma_start3A_142] : memref<20000x128xf32, #tpu.memory_space<hbm>> -> memref<20000x128xf32, #tpu.memory_space<hbm>>
        tpu.enqueue_indirect_dma source(%dma_start3A_143 : memref<20000x128xf32, #tpu.memory_space<hbm>>) target(%arg9 : memref<128x128xf32, #tpu.memory_space<vmem>>) offsets(%dma_start3A_140 : memref<128xi32, #tpu.memory_space<vmem>>) semaphore(%arg11 : memref<!tpu.dma_semaphore, #tpu.memory_space<semaphore_mem>>)
        %dma_wait3A = arith.constant 9 : i32
        %dma_wait3A_144 = arith.constant 0 : i32
        %dma_wait3A_145 = tpu.memref_slice %arg7[%dma_wait3A, %dma_wait3A_144] : memref<16x128xi32, #tpu.memory_space<vmem>> -> memref<1x128xi32, #tpu.memory_space<vmem>>
        %dma_wait3A_146 = tpu.memref_squeeze %dma_wait3A_145 : memref<1x128xi32, #tpu.memory_space<vmem>> -> memref<128xi32, #tpu.memory_space<vmem>>
        %dma_wait3A_147 = arith.constant 0 : i32
        %dma_wait3A_148 = arith.constant 0 : i32
        %dma_wait3A_149 = tpu.memref_slice %arg2[%dma_wait3A_147, %dma_wait3A_148] : memref<20000x128xf32, #tpu.memory_space<hbm>> -> memref<20000x128xf32, #tpu.memory_space<hbm>>
        tpu.wait_indirect_dma semaphore(%arg11 : memref<!tpu.dma_semaphore, #tpu.memory_space<semaphore_mem>>) src(%dma_wait3A_149 : memref<20000x128xf32, #tpu.memory_space<hbm>>) dst(%arg9 : memref<128x128xf32, #tpu.memory_space<vmem>>)
        %run_scoped3A = arith.constant 9 : i32
        "tpu.region"() ({
          %run_scoped3A_150 = tpu.sem_alloc : memref<!tpu.dma_semaphore, #tpu.memory_space<semaphore_mem>>
          %dma_start3A_151 = arith.constant 0 : i32
          %dma_start3A_152 = tpu.memref_slice %arg8[%run_scoped3A, %dma_start3A_151] : memref<16x128xi32, #tpu.memory_space<vmem>> -> memref<1x128xi32, #tpu.memory_space<vmem>>
          %dma_start3A_153 = tpu.memref_squeeze %dma_start3A_152 : memref<1x128xi32, #tpu.memory_space<vmem>> -> memref<128xi32, #tpu.memory_space<vmem>>
          %dma_start3A_154 = arith.constant 0 : i32
          %dma_start3A_155 = arith.constant 0 : i32
          %dma_start3A_156 = tpu.memref_slice %arg10[%dma_start3A_154, %dma_start3A_155] : memref<10000x128xf32, #tpu.memory_space<vmem_shared>> -> memref<10000x128xf32, #tpu.memory_space<vmem_shared>>
          tpu.enqueue_indirect_dma source(%arg9 : memref<128x128xf32, #tpu.memory_space<vmem>>) target(%dma_start3A_156 : memref<10000x128xf32, #tpu.memory_space<vmem_shared>>) offsets(%dma_start3A_153 : memref<128xi32, #tpu.memory_space<vmem>>) semaphore(%run_scoped3A_150 : memref<!tpu.dma_semaphore, #tpu.memory_space<semaphore_mem>>) {add = true}
          %dma_wait3A_157 = arith.constant 0 : i32
          %dma_wait3A_158 = tpu.memref_slice %arg8[%run_scoped3A, %dma_wait3A_157] : memref<16x128xi32, #tpu.memory_space<vmem>> -> memref<1x128xi32, #tpu.memory_space<vmem>>
          %dma_wait3A_159 = tpu.memref_squeeze %dma_wait3A_158 : memref<1x128xi32, #tpu.memory_space<vmem>> -> memref<128xi32, #tpu.memory_space<vmem>>
          %dma_wait3A_160 = arith.constant 0 : i32
          %dma_wait3A_161 = arith.constant 0 : i32
          %dma_wait3A_162 = tpu.memref_slice %arg10[%dma_wait3A_160, %dma_wait3A_161] : memref<10000x128xf32, #tpu.memory_space<vmem_shared>> -> memref<10000x128xf32, #tpu.memory_space<vmem_shared>>
          tpu.wait_indirect_dma semaphore(%run_scoped3A_150 : memref<!tpu.dma_semaphore, #tpu.memory_space<semaphore_mem>>) src(%arg9 : memref<128x128xf32, #tpu.memory_space<vmem>>) dst(%dma_wait3A_162 : memref<10000x128xf32, #tpu.memory_space<vmem_shared>>)
          tpu.yield
        }) : () -> ()
      } else {
      }
      %add3A_96 = arith.constant 10 : i32
      %add3A_97 = arith.addi %multiple_of3A, %add3A_96 : i32
      %lt3A_98 = arith.constant 2500 : i32
      %lt3A_99 = arith.cmpi slt, %add3A_97, %lt3A_98 : i32
      %convert_element_type3A_100 = arith.extui %lt3A_99 : i1 to i32
      %cond3A_101 = arith.constant 0 : i32
      %cond3A_102 = arith.cmpi ne, %convert_element_type3A_100, %cond3A_101 : i32
      scf.if %cond3A_102 {
        %dma_start3A = arith.constant 10 : i32
        %dma_start3A_138 = arith.constant 0 : i32
        %dma_start3A_139 = tpu.memref_slice %arg7[%dma_start3A, %dma_start3A_138] : memref<16x128xi32, #tpu.memory_space<vmem>> -> memref<1x128xi32, #tpu.memory_space<vmem>>
        %dma_start3A_140 = tpu.memref_squeeze %dma_start3A_139 : memref<1x128xi32, #tpu.memory_space<vmem>> -> memref<128xi32, #tpu.memory_space<vmem>>
        %dma_start3A_141 = arith.constant 0 : i32
        %dma_start3A_142 = arith.constant 0 : i32
        %dma_start3A_143 = tpu.memref_slice %arg2[%dma_start3A_141, %dma_start3A_142] : memref<20000x128xf32, #tpu.memory_space<hbm>> -> memref<20000x128xf32, #tpu.memory_space<hbm>>
        tpu.enqueue_indirect_dma source(%dma_start3A_143 : memref<20000x128xf32, #tpu.memory_space<hbm>>) target(%arg9 : memref<128x128xf32, #tpu.memory_space<vmem>>) offsets(%dma_start3A_140 : memref<128xi32, #tpu.memory_space<vmem>>) semaphore(%arg11 : memref<!tpu.dma_semaphore, #tpu.memory_space<semaphore_mem>>)
        %dma_wait3A = arith.constant 10 : i32
        %dma_wait3A_144 = arith.constant 0 : i32
        %dma_wait3A_145 = tpu.memref_slice %arg7[%dma_wait3A, %dma_wait3A_144] : memref<16x128xi32, #tpu.memory_space<vmem>> -> memref<1x128xi32, #tpu.memory_space<vmem>>
        %dma_wait3A_146 = tpu.memref_squeeze %dma_wait3A_145 : memref<1x128xi32, #tpu.memory_space<vmem>> -> memref<128xi32, #tpu.memory_space<vmem>>
        %dma_wait3A_147 = arith.constant 0 : i32
        %dma_wait3A_148 = arith.constant 0 : i32
        %dma_wait3A_149 = tpu.memref_slice %arg2[%dma_wait3A_147, %dma_wait3A_148] : memref<20000x128xf32, #tpu.memory_space<hbm>> -> memref<20000x128xf32, #tpu.memory_space<hbm>>
        tpu.wait_indirect_dma semaphore(%arg11 : memref<!tpu.dma_semaphore, #tpu.memory_space<semaphore_mem>>) src(%dma_wait3A_149 : memref<20000x128xf32, #tpu.memory_space<hbm>>) dst(%arg9 : memref<128x128xf32, #tpu.memory_space<vmem>>)
        %run_scoped3A = arith.constant 10 : i32
        "tpu.region"() ({
          %run_scoped3A_150 = tpu.sem_alloc : memref<!tpu.dma_semaphore, #tpu.memory_space<semaphore_mem>>
          %dma_start3A_151 = arith.constant 0 : i32
          %dma_start3A_152 = tpu.memref_slice %arg8[%run_scoped3A, %dma_start3A_151] : memref<16x128xi32, #tpu.memory_space<vmem>> -> memref<1x128xi32, #tpu.memory_space<vmem>>
          %dma_start3A_153 = tpu.memref_squeeze %dma_start3A_152 : memref<1x128xi32, #tpu.memory_space<vmem>> -> memref<128xi32, #tpu.memory_space<vmem>>
          %dma_start3A_154 = arith.constant 0 : i32
          %dma_start3A_155 = arith.constant 0 : i32
          %dma_start3A_156 = tpu.memref_slice %arg10[%dma_start3A_154, %dma_start3A_155] : memref<10000x128xf32, #tpu.memory_space<vmem_shared>> -> memref<10000x128xf32, #tpu.memory_space<vmem_shared>>
          tpu.enqueue_indirect_dma source(%arg9 : memref<128x128xf32, #tpu.memory_space<vmem>>) target(%dma_start3A_156 : memref<10000x128xf32, #tpu.memory_space<vmem_shared>>) offsets(%dma_start3A_153 : memref<128xi32, #tpu.memory_space<vmem>>) semaphore(%run_scoped3A_150 : memref<!tpu.dma_semaphore, #tpu.memory_space<semaphore_mem>>) {add = true}
          %dma_wait3A_157 = arith.constant 0 : i32
          %dma_wait3A_158 = tpu.memref_slice %arg8[%run_scoped3A, %dma_wait3A_157] : memref<16x128xi32, #tpu.memory_space<vmem>> -> memref<1x128xi32, #tpu.memory_space<vmem>>
          %dma_wait3A_159 = tpu.memref_squeeze %dma_wait3A_158 : memref<1x128xi32, #tpu.memory_space<vmem>> -> memref<128xi32, #tpu.memory_space<vmem>>
          %dma_wait3A_160 = arith.constant 0 : i32
          %dma_wait3A_161 = arith.constant 0 : i32
          %dma_wait3A_162 = tpu.memref_slice %arg10[%dma_wait3A_160, %dma_wait3A_161] : memref<10000x128xf32, #tpu.memory_space<vmem_shared>> -> memref<10000x128xf32, #tpu.memory_space<vmem_shared>>
          tpu.wait_indirect_dma semaphore(%run_scoped3A_150 : memref<!tpu.dma_semaphore, #tpu.memory_space<semaphore_mem>>) src(%arg9 : memref<128x128xf32, #tpu.memory_space<vmem>>) dst(%dma_wait3A_162 : memref<10000x128xf32, #tpu.memory_space<vmem_shared>>)
          tpu.yield
        }) : () -> ()
      } else {
      }
      %add3A_103 = arith.constant 11 : i32
      %add3A_104 = arith.addi %multiple_of3A, %add3A_103 : i32
      %lt3A_105 = arith.constant 2500 : i32
      %lt3A_106 = arith.cmpi slt, %add3A_104, %lt3A_105 : i32
      %convert_element_type3A_107 = arith.extui %lt3A_106 : i1 to i32
      %cond3A_108 = arith.constant 0 : i32
      %cond3A_109 = arith.cmpi ne, %convert_element_type3A_107, %cond3A_108 : i32
      scf.if %cond3A_109 {
        %dma_start3A = arith.constant 11 : i32
        %dma_start3A_138 = arith.constant 0 : i32
        %dma_start3A_139 = tpu.memref_slice %arg7[%dma_start3A, %dma_start3A_138] : memref<16x128xi32, #tpu.memory_space<vmem>> -> memref<1x128xi32, #tpu.memory_space<vmem>>
        %dma_start3A_140 = tpu.memref_squeeze %dma_start3A_139 : memref<1x128xi32, #tpu.memory_space<vmem>> -> memref<128xi32, #tpu.memory_space<vmem>>
        %dma_start3A_141 = arith.constant 0 : i32
        %dma_start3A_142 = arith.constant 0 : i32
        %dma_start3A_143 = tpu.memref_slice %arg2[%dma_start3A_141, %dma_start3A_142] : memref<20000x128xf32, #tpu.memory_space<hbm>> -> memref<20000x128xf32, #tpu.memory_space<hbm>>
        tpu.enqueue_indirect_dma source(%dma_start3A_143 : memref<20000x128xf32, #tpu.memory_space<hbm>>) target(%arg9 : memref<128x128xf32, #tpu.memory_space<vmem>>) offsets(%dma_start3A_140 : memref<128xi32, #tpu.memory_space<vmem>>) semaphore(%arg11 : memref<!tpu.dma_semaphore, #tpu.memory_space<semaphore_mem>>)
        %dma_wait3A = arith.constant 11 : i32
        %dma_wait3A_144 = arith.constant 0 : i32
        %dma_wait3A_145 = tpu.memref_slice %arg7[%dma_wait3A, %dma_wait3A_144] : memref<16x128xi32, #tpu.memory_space<vmem>> -> memref<1x128xi32, #tpu.memory_space<vmem>>
        %dma_wait3A_146 = tpu.memref_squeeze %dma_wait3A_145 : memref<1x128xi32, #tpu.memory_space<vmem>> -> memref<128xi32, #tpu.memory_space<vmem>>
        %dma_wait3A_147 = arith.constant 0 : i32
        %dma_wait3A_148 = arith.constant 0 : i32
        %dma_wait3A_149 = tpu.memref_slice %arg2[%dma_wait3A_147, %dma_wait3A_148] : memref<20000x128xf32, #tpu.memory_space<hbm>> -> memref<20000x128xf32, #tpu.memory_space<hbm>>
        tpu.wait_indirect_dma semaphore(%arg11 : memref<!tpu.dma_semaphore, #tpu.memory_space<semaphore_mem>>) src(%dma_wait3A_149 : memref<20000x128xf32, #tpu.memory_space<hbm>>) dst(%arg9 : memref<128x128xf32, #tpu.memory_space<vmem>>)
        %run_scoped3A = arith.constant 11 : i32
        "tpu.region"() ({
          %run_scoped3A_150 = tpu.sem_alloc : memref<!tpu.dma_semaphore, #tpu.memory_space<semaphore_mem>>
          %dma_start3A_151 = arith.constant 0 : i32
          %dma_start3A_152 = tpu.memref_slice %arg8[%run_scoped3A, %dma_start3A_151] : memref<16x128xi32, #tpu.memory_space<vmem>> -> memref<1x128xi32, #tpu.memory_space<vmem>>
          %dma_start3A_153 = tpu.memref_squeeze %dma_start3A_152 : memref<1x128xi32, #tpu.memory_space<vmem>> -> memref<128xi32, #tpu.memory_space<vmem>>
          %dma_start3A_154 = arith.constant 0 : i32
          %dma_start3A_155 = arith.constant 0 : i32
          %dma_start3A_156 = tpu.memref_slice %arg10[%dma_start3A_154, %dma_start3A_155] : memref<10000x128xf32, #tpu.memory_space<vmem_shared>> -> memref<10000x128xf32, #tpu.memory_space<vmem_shared>>
          tpu.enqueue_indirect_dma source(%arg9 : memref<128x128xf32, #tpu.memory_space<vmem>>) target(%dma_start3A_156 : memref<10000x128xf32, #tpu.memory_space<vmem_shared>>) offsets(%dma_start3A_153 : memref<128xi32, #tpu.memory_space<vmem>>) semaphore(%run_scoped3A_150 : memref<!tpu.dma_semaphore, #tpu.memory_space<semaphore_mem>>) {add = true}
          %dma_wait3A_157 = arith.constant 0 : i32
          %dma_wait3A_158 = tpu.memref_slice %arg8[%run_scoped3A, %dma_wait3A_157] : memref<16x128xi32, #tpu.memory_space<vmem>> -> memref<1x128xi32, #tpu.memory_space<vmem>>
          %dma_wait3A_159 = tpu.memref_squeeze %dma_wait3A_158 : memref<1x128xi32, #tpu.memory_space<vmem>> -> memref<128xi32, #tpu.memory_space<vmem>>
          %dma_wait3A_160 = arith.constant 0 : i32
          %dma_wait3A_161 = arith.constant 0 : i32
          %dma_wait3A_162 = tpu.memref_slice %arg10[%dma_wait3A_160, %dma_wait3A_161] : memref<10000x128xf32, #tpu.memory_space<vmem_shared>> -> memref<10000x128xf32, #tpu.memory_space<vmem_shared>>
          tpu.wait_indirect_dma semaphore(%run_scoped3A_150 : memref<!tpu.dma_semaphore, #tpu.memory_space<semaphore_mem>>) src(%arg9 : memref<128x128xf32, #tpu.memory_space<vmem>>) dst(%dma_wait3A_162 : memref<10000x128xf32, #tpu.memory_space<vmem_shared>>)
          tpu.yield
        }) : () -> ()
      } else {
      }
      %add3A_110 = arith.constant 12 : i32
      %add3A_111 = arith.addi %multiple_of3A, %add3A_110 : i32
      %lt3A_112 = arith.constant 2500 : i32
      %lt3A_113 = arith.cmpi slt, %add3A_111, %lt3A_112 : i32
      %convert_element_type3A_114 = arith.extui %lt3A_113 : i1 to i32
      %cond3A_115 = arith.constant 0 : i32
      %cond3A_116 = arith.cmpi ne, %convert_element_type3A_114, %cond3A_115 : i32
      scf.if %cond3A_116 {
        %dma_start3A = arith.constant 12 : i32
        %dma_start3A_138 = arith.constant 0 : i32
        %dma_start3A_139 = tpu.memref_slice %arg7[%dma_start3A, %dma_start3A_138] : memref<16x128xi32, #tpu.memory_space<vmem>> -> memref<1x128xi32, #tpu.memory_space<vmem>>
        %dma_start3A_140 = tpu.memref_squeeze %dma_start3A_139 : memref<1x128xi32, #tpu.memory_space<vmem>> -> memref<128xi32, #tpu.memory_space<vmem>>
        %dma_start3A_141 = arith.constant 0 : i32
        %dma_start3A_142 = arith.constant 0 : i32
        %dma_start3A_143 = tpu.memref_slice %arg2[%dma_start3A_141, %dma_start3A_142] : memref<20000x128xf32, #tpu.memory_space<hbm>> -> memref<20000x128xf32, #tpu.memory_space<hbm>>
        tpu.enqueue_indirect_dma source(%dma_start3A_143 : memref<20000x128xf32, #tpu.memory_space<hbm>>) target(%arg9 : memref<128x128xf32, #tpu.memory_space<vmem>>) offsets(%dma_start3A_140 : memref<128xi32, #tpu.memory_space<vmem>>) semaphore(%arg11 : memref<!tpu.dma_semaphore, #tpu.memory_space<semaphore_mem>>)
        %dma_wait3A = arith.constant 12 : i32
        %dma_wait3A_144 = arith.constant 0 : i32
        %dma_wait3A_145 = tpu.memref_slice %arg7[%dma_wait3A, %dma_wait3A_144] : memref<16x128xi32, #tpu.memory_space<vmem>> -> memref<1x128xi32, #tpu.memory_space<vmem>>
        %dma_wait3A_146 = tpu.memref_squeeze %dma_wait3A_145 : memref<1x128xi32, #tpu.memory_space<vmem>> -> memref<128xi32, #tpu.memory_space<vmem>>
        %dma_wait3A_147 = arith.constant 0 : i32
        %dma_wait3A_148 = arith.constant 0 : i32
        %dma_wait3A_149 = tpu.memref_slice %arg2[%dma_wait3A_147, %dma_wait3A_148] : memref<20000x128xf32, #tpu.memory_space<hbm>> -> memref<20000x128xf32, #tpu.memory_space<hbm>>
        tpu.wait_indirect_dma semaphore(%arg11 : memref<!tpu.dma_semaphore, #tpu.memory_space<semaphore_mem>>) src(%dma_wait3A_149 : memref<20000x128xf32, #tpu.memory_space<hbm>>) dst(%arg9 : memref<128x128xf32, #tpu.memory_space<vmem>>)
        %run_scoped3A = arith.constant 12 : i32
        "tpu.region"() ({
          %run_scoped3A_150 = tpu.sem_alloc : memref<!tpu.dma_semaphore, #tpu.memory_space<semaphore_mem>>
          %dma_start3A_151 = arith.constant 0 : i32
          %dma_start3A_152 = tpu.memref_slice %arg8[%run_scoped3A, %dma_start3A_151] : memref<16x128xi32, #tpu.memory_space<vmem>> -> memref<1x128xi32, #tpu.memory_space<vmem>>
          %dma_start3A_153 = tpu.memref_squeeze %dma_start3A_152 : memref<1x128xi32, #tpu.memory_space<vmem>> -> memref<128xi32, #tpu.memory_space<vmem>>
          %dma_start3A_154 = arith.constant 0 : i32
          %dma_start3A_155 = arith.constant 0 : i32
          %dma_start3A_156 = tpu.memref_slice %arg10[%dma_start3A_154, %dma_start3A_155] : memref<10000x128xf32, #tpu.memory_space<vmem_shared>> -> memref<10000x128xf32, #tpu.memory_space<vmem_shared>>
          tpu.enqueue_indirect_dma source(%arg9 : memref<128x128xf32, #tpu.memory_space<vmem>>) target(%dma_start3A_156 : memref<10000x128xf32, #tpu.memory_space<vmem_shared>>) offsets(%dma_start3A_153 : memref<128xi32, #tpu.memory_space<vmem>>) semaphore(%run_scoped3A_150 : memref<!tpu.dma_semaphore, #tpu.memory_space<semaphore_mem>>) {add = true}
          %dma_wait3A_157 = arith.constant 0 : i32
          %dma_wait3A_158 = tpu.memref_slice %arg8[%run_scoped3A, %dma_wait3A_157] : memref<16x128xi32, #tpu.memory_space<vmem>> -> memref<1x128xi32, #tpu.memory_space<vmem>>
          %dma_wait3A_159 = tpu.memref_squeeze %dma_wait3A_158 : memref<1x128xi32, #tpu.memory_space<vmem>> -> memref<128xi32, #tpu.memory_space<vmem>>
          %dma_wait3A_160 = arith.constant 0 : i32
          %dma_wait3A_161 = arith.constant 0 : i32
          %dma_wait3A_162 = tpu.memref_slice %arg10[%dma_wait3A_160, %dma_wait3A_161] : memref<10000x128xf32, #tpu.memory_space<vmem_shared>> -> memref<10000x128xf32, #tpu.memory_space<vmem_shared>>
          tpu.wait_indirect_dma semaphore(%run_scoped3A_150 : memref<!tpu.dma_semaphore, #tpu.memory_space<semaphore_mem>>) src(%arg9 : memref<128x128xf32, #tpu.memory_space<vmem>>) dst(%dma_wait3A_162 : memref<10000x128xf32, #tpu.memory_space<vmem_shared>>)
          tpu.yield
        }) : () -> ()
      } else {
      }
      %add3A_117 = arith.constant 13 : i32
      %add3A_118 = arith.addi %multiple_of3A, %add3A_117 : i32
      %lt3A_119 = arith.constant 2500 : i32
      %lt3A_120 = arith.cmpi slt, %add3A_118, %lt3A_119 : i32
      %convert_element_type3A_121 = arith.extui %lt3A_120 : i1 to i32
      %cond3A_122 = arith.constant 0 : i32
      %cond3A_123 = arith.cmpi ne, %convert_element_type3A_121, %cond3A_122 : i32
      scf.if %cond3A_123 {
        %dma_start3A = arith.constant 13 : i32
        %dma_start3A_138 = arith.constant 0 : i32
        %dma_start3A_139 = tpu.memref_slice %arg7[%dma_start3A, %dma_start3A_138] : memref<16x128xi32, #tpu.memory_space<vmem>> -> memref<1x128xi32, #tpu.memory_space<vmem>>
        %dma_start3A_140 = tpu.memref_squeeze %dma_start3A_139 : memref<1x128xi32, #tpu.memory_space<vmem>> -> memref<128xi32, #tpu.memory_space<vmem>>
        %dma_start3A_141 = arith.constant 0 : i32
        %dma_start3A_142 = arith.constant 0 : i32
        %dma_start3A_143 = tpu.memref_slice %arg2[%dma_start3A_141, %dma_start3A_142] : memref<20000x128xf32, #tpu.memory_space<hbm>> -> memref<20000x128xf32, #tpu.memory_space<hbm>>
        tpu.enqueue_indirect_dma source(%dma_start3A_143 : memref<20000x128xf32, #tpu.memory_space<hbm>>) target(%arg9 : memref<128x128xf32, #tpu.memory_space<vmem>>) offsets(%dma_start3A_140 : memref<128xi32, #tpu.memory_space<vmem>>) semaphore(%arg11 : memref<!tpu.dma_semaphore, #tpu.memory_space<semaphore_mem>>)
        %dma_wait3A = arith.constant 13 : i32
        %dma_wait3A_144 = arith.constant 0 : i32
        %dma_wait3A_145 = tpu.memref_slice %arg7[%dma_wait3A, %dma_wait3A_144] : memref<16x128xi32, #tpu.memory_space<vmem>> -> memref<1x128xi32, #tpu.memory_space<vmem>>
        %dma_wait3A_146 = tpu.memref_squeeze %dma_wait3A_145 : memref<1x128xi32, #tpu.memory_space<vmem>> -> memref<128xi32, #tpu.memory_space<vmem>>
        %dma_wait3A_147 = arith.constant 0 : i32
        %dma_wait3A_148 = arith.constant 0 : i32
        %dma_wait3A_149 = tpu.memref_slice %arg2[%dma_wait3A_147, %dma_wait3A_148] : memref<20000x128xf32, #tpu.memory_space<hbm>> -> memref<20000x128xf32, #tpu.memory_space<hbm>>
        tpu.wait_indirect_dma semaphore(%arg11 : memref<!tpu.dma_semaphore, #tpu.memory_space<semaphore_mem>>) src(%dma_wait3A_149 : memref<20000x128xf32, #tpu.memory_space<hbm>>) dst(%arg9 : memref<128x128xf32, #tpu.memory_space<vmem>>)
        %run_scoped3A = arith.constant 13 : i32
        "tpu.region"() ({
          %run_scoped3A_150 = tpu.sem_alloc : memref<!tpu.dma_semaphore, #tpu.memory_space<semaphore_mem>>
          %dma_start3A_151 = arith.constant 0 : i32
          %dma_start3A_152 = tpu.memref_slice %arg8[%run_scoped3A, %dma_start3A_151] : memref<16x128xi32, #tpu.memory_space<vmem>> -> memref<1x128xi32, #tpu.memory_space<vmem>>
          %dma_start3A_153 = tpu.memref_squeeze %dma_start3A_152 : memref<1x128xi32, #tpu.memory_space<vmem>> -> memref<128xi32, #tpu.memory_space<vmem>>
          %dma_start3A_154 = arith.constant 0 : i32
          %dma_start3A_155 = arith.constant 0 : i32
          %dma_start3A_156 = tpu.memref_slice %arg10[%dma_start3A_154, %dma_start3A_155] : memref<10000x128xf32, #tpu.memory_space<vmem_shared>> -> memref<10000x128xf32, #tpu.memory_space<vmem_shared>>
          tpu.enqueue_indirect_dma source(%arg9 : memref<128x128xf32, #tpu.memory_space<vmem>>) target(%dma_start3A_156 : memref<10000x128xf32, #tpu.memory_space<vmem_shared>>) offsets(%dma_start3A_153 : memref<128xi32, #tpu.memory_space<vmem>>) semaphore(%run_scoped3A_150 : memref<!tpu.dma_semaphore, #tpu.memory_space<semaphore_mem>>) {add = true}
          %dma_wait3A_157 = arith.constant 0 : i32
          %dma_wait3A_158 = tpu.memref_slice %arg8[%run_scoped3A, %dma_wait3A_157] : memref<16x128xi32, #tpu.memory_space<vmem>> -> memref<1x128xi32, #tpu.memory_space<vmem>>
          %dma_wait3A_159 = tpu.memref_squeeze %dma_wait3A_158 : memref<1x128xi32, #tpu.memory_space<vmem>> -> memref<128xi32, #tpu.memory_space<vmem>>
          %dma_wait3A_160 = arith.constant 0 : i32
          %dma_wait3A_161 = arith.constant 0 : i32
          %dma_wait3A_162 = tpu.memref_slice %arg10[%dma_wait3A_160, %dma_wait3A_161] : memref<10000x128xf32, #tpu.memory_space<vmem_shared>> -> memref<10000x128xf32, #tpu.memory_space<vmem_shared>>
          tpu.wait_indirect_dma semaphore(%run_scoped3A_150 : memref<!tpu.dma_semaphore, #tpu.memory_space<semaphore_mem>>) src(%arg9 : memref<128x128xf32, #tpu.memory_space<vmem>>) dst(%dma_wait3A_162 : memref<10000x128xf32, #tpu.memory_space<vmem_shared>>)
          tpu.yield
        }) : () -> ()
      } else {
      }
      %add3A_124 = arith.constant 14 : i32
      %add3A_125 = arith.addi %multiple_of3A, %add3A_124 : i32
      %lt3A_126 = arith.constant 2500 : i32
      %lt3A_127 = arith.cmpi slt, %add3A_125, %lt3A_126 : i32
      %convert_element_type3A_128 = arith.extui %lt3A_127 : i1 to i32
      %cond3A_129 = arith.constant 0 : i32
      %cond3A_130 = arith.cmpi ne, %convert_element_type3A_128, %cond3A_129 : i32
      scf.if %cond3A_130 {
        %dma_start3A = arith.constant 14 : i32
        %dma_start3A_138 = arith.constant 0 : i32
        %dma_start3A_139 = tpu.memref_slice %arg7[%dma_start3A, %dma_start3A_138] : memref<16x128xi32, #tpu.memory_space<vmem>> -> memref<1x128xi32, #tpu.memory_space<vmem>>
        %dma_start3A_140 = tpu.memref_squeeze %dma_start3A_139 : memref<1x128xi32, #tpu.memory_space<vmem>> -> memref<128xi32, #tpu.memory_space<vmem>>
        %dma_start3A_141 = arith.constant 0 : i32
        %dma_start3A_142 = arith.constant 0 : i32
        %dma_start3A_143 = tpu.memref_slice %arg2[%dma_start3A_141, %dma_start3A_142] : memref<20000x128xf32, #tpu.memory_space<hbm>> -> memref<20000x128xf32, #tpu.memory_space<hbm>>
        tpu.enqueue_indirect_dma source(%dma_start3A_143 : memref<20000x128xf32, #tpu.memory_space<hbm>>) target(%arg9 : memref<128x128xf32, #tpu.memory_space<vmem>>) offsets(%dma_start3A_140 : memref<128xi32, #tpu.memory_space<vmem>>) semaphore(%arg11 : memref<!tpu.dma_semaphore, #tpu.memory_space<semaphore_mem>>)
        %dma_wait3A = arith.constant 14 : i32
        %dma_wait3A_144 = arith.constant 0 : i32
        %dma_wait3A_145 = tpu.memref_slice %arg7[%dma_wait3A, %dma_wait3A_144] : memref<16x128xi32, #tpu.memory_space<vmem>> -> memref<1x128xi32, #tpu.memory_space<vmem>>
        %dma_wait3A_146 = tpu.memref_squeeze %dma_wait3A_145 : memref<1x128xi32, #tpu.memory_space<vmem>> -> memref<128xi32, #tpu.memory_space<vmem>>
        %dma_wait3A_147 = arith.constant 0 : i32
        %dma_wait3A_148 = arith.constant 0 : i32
        %dma_wait3A_149 = tpu.memref_slice %arg2[%dma_wait3A_147, %dma_wait3A_148] : memref<20000x128xf32, #tpu.memory_space<hbm>> -> memref<20000x128xf32, #tpu.memory_space<hbm>>
        tpu.wait_indirect_dma semaphore(%arg11 : memref<!tpu.dma_semaphore, #tpu.memory_space<semaphore_mem>>) src(%dma_wait3A_149 : memref<20000x128xf32, #tpu.memory_space<hbm>>) dst(%arg9 : memref<128x128xf32, #tpu.memory_space<vmem>>)
        %run_scoped3A = arith.constant 14 : i32
        "tpu.region"() ({
          %run_scoped3A_150 = tpu.sem_alloc : memref<!tpu.dma_semaphore, #tpu.memory_space<semaphore_mem>>
          %dma_start3A_151 = arith.constant 0 : i32
          %dma_start3A_152 = tpu.memref_slice %arg8[%run_scoped3A, %dma_start3A_151] : memref<16x128xi32, #tpu.memory_space<vmem>> -> memref<1x128xi32, #tpu.memory_space<vmem>>
          %dma_start3A_153 = tpu.memref_squeeze %dma_start3A_152 : memref<1x128xi32, #tpu.memory_space<vmem>> -> memref<128xi32, #tpu.memory_space<vmem>>
          %dma_start3A_154 = arith.constant 0 : i32
          %dma_start3A_155 = arith.constant 0 : i32
          %dma_start3A_156 = tpu.memref_slice %arg10[%dma_start3A_154, %dma_start3A_155] : memref<10000x128xf32, #tpu.memory_space<vmem_shared>> -> memref<10000x128xf32, #tpu.memory_space<vmem_shared>>
          tpu.enqueue_indirect_dma source(%arg9 : memref<128x128xf32, #tpu.memory_space<vmem>>) target(%dma_start3A_156 : memref<10000x128xf32, #tpu.memory_space<vmem_shared>>) offsets(%dma_start3A_153 : memref<128xi32, #tpu.memory_space<vmem>>) semaphore(%run_scoped3A_150 : memref<!tpu.dma_semaphore, #tpu.memory_space<semaphore_mem>>) {add = true}
          %dma_wait3A_157 = arith.constant 0 : i32
          %dma_wait3A_158 = tpu.memref_slice %arg8[%run_scoped3A, %dma_wait3A_157] : memref<16x128xi32, #tpu.memory_space<vmem>> -> memref<1x128xi32, #tpu.memory_space<vmem>>
          %dma_wait3A_159 = tpu.memref_squeeze %dma_wait3A_158 : memref<1x128xi32, #tpu.memory_space<vmem>> -> memref<128xi32, #tpu.memory_space<vmem>>
          %dma_wait3A_160 = arith.constant 0 : i32
          %dma_wait3A_161 = arith.constant 0 : i32
          %dma_wait3A_162 = tpu.memref_slice %arg10[%dma_wait3A_160, %dma_wait3A_161] : memref<10000x128xf32, #tpu.memory_space<vmem_shared>> -> memref<10000x128xf32, #tpu.memory_space<vmem_shared>>
          tpu.wait_indirect_dma semaphore(%run_scoped3A_150 : memref<!tpu.dma_semaphore, #tpu.memory_space<semaphore_mem>>) src(%arg9 : memref<128x128xf32, #tpu.memory_space<vmem>>) dst(%dma_wait3A_162 : memref<10000x128xf32, #tpu.memory_space<vmem_shared>>)
          tpu.yield
        }) : () -> ()
      } else {
      }
      %add3A_131 = arith.constant 15 : i32
      %add3A_132 = arith.addi %multiple_of3A, %add3A_131 : i32
      %lt3A_133 = arith.constant 2500 : i32
      %lt3A_134 = arith.cmpi slt, %add3A_132, %lt3A_133 : i32
      %convert_element_type3A_135 = arith.extui %lt3A_134 : i1 to i32
      %cond3A_136 = arith.constant 0 : i32
      %cond3A_137 = arith.cmpi ne, %convert_element_type3A_135, %cond3A_136 : i32
      scf.if %cond3A_137 {
        %dma_start3A = arith.constant 15 : i32
        %dma_start3A_138 = arith.constant 0 : i32
        %dma_start3A_139 = tpu.memref_slice %arg7[%dma_start3A, %dma_start3A_138] : memref<16x128xi32, #tpu.memory_space<vmem>> -> memref<1x128xi32, #tpu.memory_space<vmem>>
        %dma_start3A_140 = tpu.memref_squeeze %dma_start3A_139 : memref<1x128xi32, #tpu.memory_space<vmem>> -> memref<128xi32, #tpu.memory_space<vmem>>
        %dma_start3A_141 = arith.constant 0 : i32
        %dma_start3A_142 = arith.constant 0 : i32
        %dma_start3A_143 = tpu.memref_slice %arg2[%dma_start3A_141, %dma_start3A_142] : memref<20000x128xf32, #tpu.memory_space<hbm>> -> memref<20000x128xf32, #tpu.memory_space<hbm>>
        tpu.enqueue_indirect_dma source(%dma_start3A_143 : memref<20000x128xf32, #tpu.memory_space<hbm>>) target(%arg9 : memref<128x128xf32, #tpu.memory_space<vmem>>) offsets(%dma_start3A_140 : memref<128xi32, #tpu.memory_space<vmem>>) semaphore(%arg11 : memref<!tpu.dma_semaphore, #tpu.memory_space<semaphore_mem>>)
        %dma_wait3A = arith.constant 15 : i32
        %dma_wait3A_144 = arith.constant 0 : i32
        %dma_wait3A_145 = tpu.memref_slice %arg7[%dma_wait3A, %dma_wait3A_144] : memref<16x128xi32, #tpu.memory_space<vmem>> -> memref<1x128xi32, #tpu.memory_space<vmem>>
        %dma_wait3A_146 = tpu.memref_squeeze %dma_wait3A_145 : memref<1x128xi32, #tpu.memory_space<vmem>> -> memref<128xi32, #tpu.memory_space<vmem>>
        %dma_wait3A_147 = arith.constant 0 : i32
        %dma_wait3A_148 = arith.constant 0 : i32
        %dma_wait3A_149 = tpu.memref_slice %arg2[%dma_wait3A_147, %dma_wait3A_148] : memref<20000x128xf32, #tpu.memory_space<hbm>> -> memref<20000x128xf32, #tpu.memory_space<hbm>>
        tpu.wait_indirect_dma semaphore(%arg11 : memref<!tpu.dma_semaphore, #tpu.memory_space<semaphore_mem>>) src(%dma_wait3A_149 : memref<20000x128xf32, #tpu.memory_space<hbm>>) dst(%arg9 : memref<128x128xf32, #tpu.memory_space<vmem>>)
        %run_scoped3A = arith.constant 15 : i32
        "tpu.region"() ({
          %run_scoped3A_150 = tpu.sem_alloc : memref<!tpu.dma_semaphore, #tpu.memory_space<semaphore_mem>>
          %dma_start3A_151 = arith.constant 0 : i32
          %dma_start3A_152 = tpu.memref_slice %arg8[%run_scoped3A, %dma_start3A_151] : memref<16x128xi32, #tpu.memory_space<vmem>> -> memref<1x128xi32, #tpu.memory_space<vmem>>
          %dma_start3A_153 = tpu.memref_squeeze %dma_start3A_152 : memref<1x128xi32, #tpu.memory_space<vmem>> -> memref<128xi32, #tpu.memory_space<vmem>>
          %dma_start3A_154 = arith.constant 0 : i32
          %dma_start3A_155 = arith.constant 0 : i32
          %dma_start3A_156 = tpu.memref_slice %arg10[%dma_start3A_154, %dma_start3A_155] : memref<10000x128xf32, #tpu.memory_space<vmem_shared>> -> memref<10000x128xf32, #tpu.memory_space<vmem_shared>>
          tpu.enqueue_indirect_dma source(%arg9 : memref<128x128xf32, #tpu.memory_space<vmem>>) target(%dma_start3A_156 : memref<10000x128xf32, #tpu.memory_space<vmem_shared>>) offsets(%dma_start3A_153 : memref<128xi32, #tpu.memory_space<vmem>>) semaphore(%run_scoped3A_150 : memref<!tpu.dma_semaphore, #tpu.memory_space<semaphore_mem>>) {add = true}
          %dma_wait3A_157 = arith.constant 0 : i32
          %dma_wait3A_158 = tpu.memref_slice %arg8[%run_scoped3A, %dma_wait3A_157] : memref<16x128xi32, #tpu.memory_space<vmem>> -> memref<1x128xi32, #tpu.memory_space<vmem>>
          %dma_wait3A_159 = tpu.memref_squeeze %dma_wait3A_158 : memref<1x128xi32, #tpu.memory_space<vmem>> -> memref<128xi32, #tpu.memory_space<vmem>>
          %dma_wait3A_160 = arith.constant 0 : i32
          %dma_wait3A_161 = arith.constant 0 : i32
          %dma_wait3A_162 = tpu.memref_slice %arg10[%dma_wait3A_160, %dma_wait3A_161] : memref<10000x128xf32, #tpu.memory_space<vmem_shared>> -> memref<10000x128xf32, #tpu.memory_space<vmem_shared>>
          tpu.wait_indirect_dma semaphore(%run_scoped3A_150 : memref<!tpu.dma_semaphore, #tpu.memory_space<semaphore_mem>>) src(%arg9 : memref<128x128xf32, #tpu.memory_space<vmem>>) dst(%dma_wait3A_162 : memref<10000x128xf32, #tpu.memory_space<vmem_shared>>)
          tpu.yield
        }) : () -> ()
      } else {
      }
    }
    %scan3A_11 = arith.constant 10 : i32
    %barrier3A_12 = arith.constant 0 : index
    tpu.barrier barrier_id(%barrier3A_12)
    %lt3A_13 = arith.constant 15 : i32
    %lt3A_14 = arith.cmpi slt, %arg1, %lt3A_13 : i32
    %convert_element_type3A_15 = arith.extui %lt3A_14 : i1 to i32
    %cond3A_16 = arith.constant 0 : i32
    %cond3A_17 = arith.cmpi ne, %convert_element_type3A_15, %cond3A_16 : i32
    scf.if %cond3A_17 {
      %mul3A_23 = arith.constant 632 : i32
      %mul3A_24 = arith.muli %arg1, %mul3A_23 : i32
      %multiple_of3A = tpu.assume_multiple %mul3A_24, 8 : i32
      "tpu.region"() ({
        %run_scoped3A = tpu.sem_alloc : memref<!tpu.dma_semaphore, #tpu.memory_space<semaphore_mem>>
        %dma_start3A = arith.constant 0 : i32
        %dma_start3A_25 = tpu.memref_slice %arg6[%arg0, %multiple_of3A, %dma_start3A] : memref<2x10000x128xf32, #tpu.memory_space<hbm>> -> memref<1x632x128xf32, #tpu.memory_space<hbm>>
        %dma_start3A_26 = tpu.memref_squeeze %dma_start3A_25 : memref<1x632x128xf32, #tpu.memory_space<hbm>> -> memref<632x128xf32, #tpu.memory_space<hbm>>
        %dma_start3A_27 = arith.constant 0 : i32
        %dma_start3A_28 = tpu.memref_slice %arg10[%multiple_of3A, %dma_start3A_27] : memref<10000x128xf32, #tpu.memory_space<vmem_shared>> -> memref<632x128xf32, #tpu.memory_space<vmem_shared>>
        tpu.enqueue_dma source(%dma_start3A_28 : memref<632x128xf32, #tpu.memory_space<vmem_shared>>) target(%dma_start3A_26 : memref<632x128xf32, #tpu.memory_space<hbm>>) target_semaphore(%run_scoped3A : memref<!tpu.dma_semaphore, #tpu.memory_space<semaphore_mem>>)
        %dma_wait3A = arith.constant 0 : i32
        %dma_wait3A_29 = tpu.memref_slice %arg6[%arg0, %multiple_of3A, %dma_wait3A] : memref<2x10000x128xf32, #tpu.memory_space<hbm>> -> memref<1x632x128xf32, #tpu.memory_space<hbm>>
        %dma_wait3A_30 = tpu.memref_squeeze %dma_wait3A_29 : memref<1x632x128xf32, #tpu.memory_space<hbm>> -> memref<632x128xf32, #tpu.memory_space<hbm>>
        %dma_wait3A_31 = arith.constant 0 : i32
        %dma_wait3A_32 = tpu.memref_slice %arg10[%multiple_of3A, %dma_wait3A_31] : memref<10000x128xf32, #tpu.memory_space<vmem_shared>> -> memref<632x128xf32, #tpu.memory_space<vmem_shared>>
        tpu.wait_dma2 semaphore(%run_scoped3A : memref<!tpu.dma_semaphore, #tpu.memory_space<semaphore_mem>>) src(%dma_wait3A_32 : memref<632x128xf32, #tpu.memory_space<vmem_shared>>) dst(%dma_wait3A_30 : memref<632x128xf32, #tpu.memory_space<hbm>>)
        tpu.yield
      }) : () -> ()
    } else {
    }
    %eq3A_18 = arith.constant 15 : i32
    %eq3A_19 = arith.cmpi eq, %arg1, %eq3A_18 : i32
    %convert_element_type3A_20 = arith.extui %eq3A_19 : i1 to i32
    %cond3A_21 = arith.constant 0 : i32
    %cond3A_22 = arith.cmpi ne, %convert_element_type3A_20, %cond3A_21 : i32
    scf.if %cond3A_22 {
      "tpu.region"() ({
        %run_scoped3A = tpu.sem_alloc : memref<!tpu.dma_semaphore, #tpu.memory_space<semaphore_mem>>
        %dma_start3A = arith.constant 9480 : i32
        %dma_start3A_23 = arith.constant 0 : i32
        %dma_start3A_24 = tpu.memref_slice %arg6[%arg0, %dma_start3A, %dma_start3A_23] : memref<2x10000x128xf32, #tpu.memory_space<hbm>> -> memref<1x520x128xf32, #tpu.memory_space<hbm>>
        %dma_start3A_25 = tpu.memref_squeeze %dma_start3A_24 : memref<1x520x128xf32, #tpu.memory_space<hbm>> -> memref<520x128xf32, #tpu.memory_space<hbm>>
        %dma_start3A_26 = arith.constant 9480 : i32
        %dma_start3A_27 = arith.constant 0 : i32
        %dma_start3A_28 = tpu.memref_slice %arg10[%dma_start3A_26, %dma_start3A_27] : memref<10000x128xf32, #tpu.memory_space<vmem_shared>> -> memref<520x128xf32, #tpu.memory_space<vmem_shared>>
        tpu.enqueue_dma source(%dma_start3A_28 : memref<520x128xf32, #tpu.memory_space<vmem_shared>>) target(%dma_start3A_25 : memref<520x128xf32, #tpu.memory_space<hbm>>) target_semaphore(%run_scoped3A : memref<!tpu.dma_semaphore, #tpu.memory_space<semaphore_mem>>)
        %dma_wait3A = arith.constant 9480 : i32
        %dma_wait3A_29 = arith.constant 0 : i32
        %dma_wait3A_30 = tpu.memref_slice %arg6[%arg0, %dma_wait3A, %dma_wait3A_29] : memref<2x10000x128xf32, #tpu.memory_space<hbm>> -> memref<1x520x128xf32, #tpu.memory_space<hbm>>
        %dma_wait3A_31 = tpu.memref_squeeze %dma_wait3A_30 : memref<1x520x128xf32, #tpu.memory_space<hbm>> -> memref<520x128xf32, #tpu.memory_space<hbm>>
        %dma_wait3A_32 = arith.constant 9480 : i32
        %dma_wait3A_33 = arith.constant 0 : i32
        %dma_wait3A_34 = tpu.memref_slice %arg10[%dma_wait3A_32, %dma_wait3A_33] : memref<10000x128xf32, #tpu.memory_space<vmem_shared>> -> memref<520x128xf32, #tpu.memory_space<vmem_shared>>
        tpu.wait_dma2 semaphore(%run_scoped3A : memref<!tpu.dma_semaphore, #tpu.memory_space<semaphore_mem>>) src(%dma_wait3A_34 : memref<520x128xf32, #tpu.memory_space<vmem_shared>>) dst(%dma_wait3A_31 : memref<520x128xf32, #tpu.memory_space<hbm>>)
        tpu.yield
      }) : () -> ()
    } else {
    }
    return
  }
}

#map = affine_map<(d0, d1) -> (0, 0)>
#map1 = affine_map<(d0, d1) -> (0, 0, 0)>
module attributes {stable_mosaic.version = 14 : i64} {
  func.func @body(%arg0: i32, %arg1: i32, %arg2: memref<10000x128xf32, #tpu.memory_space<hbm>>, %arg3: memref<2x1280x128xi32, #tpu.memory_space<hbm>>, %arg4: memref<2x1280x128xi32, #tpu.memory_space<hbm>>, %arg5: memref<10000x128xf32, #tpu.memory_space<hbm>>, %arg6: memref<2x10000x128xf32, #tpu.memory_space<hbm>>, %arg7: memref<16x128xi32, #tpu.memory_space<vmem>>, %arg8: memref<16x128xi32, #tpu.memory_space<vmem>>, %arg9: memref<128x128xf32, #tpu.memory_space<vmem>>, %arg10: memref<10000x128xf32, #tpu.memory_space<vmem_shared>>, %arg11: memref<!tpu.dma_semaphore, #tpu.memory_space<semaphore_mem>>) attributes {dimension_semantics = [#tpu.dimension_semantics<core_parallel>, #tpu.dimension_semantics<subcore_parallel>], iteration_bounds = array<i64: 2, 16>, scalar_prefetch = 0 : i64, scratch_operands = 5 : i64, tpu.core_type = #tpu.core_type<sc_vector_subcore>, window_params = [{transform_indices = #map}, {transform_indices = #map1}, {transform_indices = #map1}, {transform_indices = #map}, {transform_indices = #map1}]} {
    %lt3A = arith.constant 15 : i32
    %lt3A_0 = arith.cmpi slt, %arg1, %lt3A : i32
    %convert_element_type3A = arith.extui %lt3A_0 : i1 to i32
    %cond3A = arith.constant 0 : i32
    %cond3A_1 = arith.cmpi ne, %convert_element_type3A, %cond3A : i32
    scf.if %cond3A_1 {
      %mul3A_23 = arith.constant 632 : i32
      %mul3A_24 = arith.muli %arg1, %mul3A_23 : i32
      %multiple_of3A = tpu.assume_multiple %mul3A_24, 8 : i32
      "tpu.region"() ({
        %run_scoped3A = tpu.sem_alloc : memref<!tpu.dma_semaphore, #tpu.memory_space<semaphore_mem>>
        %dma_start3A = arith.constant 0 : i32
        %dma_start3A_25 = tpu.memref_slice %arg10[%multiple_of3A, %dma_start3A] : memref<10000x128xf32, #tpu.memory_space<vmem_shared>> -> memref<632x128xf32, #tpu.memory_space<vmem_shared>>
        %dma_start3A_26 = arith.constant 0 : i32
        %dma_start3A_27 = tpu.memref_slice %arg5[%multiple_of3A, %dma_start3A_26] : memref<10000x128xf32, #tpu.memory_space<hbm>> -> memref<632x128xf32, #tpu.memory_space<hbm>>
        tpu.enqueue_dma source(%dma_start3A_27 : memref<632x128xf32, #tpu.memory_space<hbm>>) target(%dma_start3A_25 : memref<632x128xf32, #tpu.memory_space<vmem_shared>>) target_semaphore(%run_scoped3A : memref<!tpu.dma_semaphore, #tpu.memory_space<semaphore_mem>>)
        %dma_wait3A = arith.constant 0 : i32
        %dma_wait3A_28 = tpu.memref_slice %arg10[%multiple_of3A, %dma_wait3A] : memref<10000x128xf32, #tpu.memory_space<vmem_shared>> -> memref<632x128xf32, #tpu.memory_space<vmem_shared>>
        %dma_wait3A_29 = arith.constant 0 : i32
        %dma_wait3A_30 = tpu.memref_slice %arg5[%multiple_of3A, %dma_wait3A_29] : memref<10000x128xf32, #tpu.memory_space<hbm>> -> memref<632x128xf32, #tpu.memory_space<hbm>>
        tpu.wait_dma2 semaphore(%run_scoped3A : memref<!tpu.dma_semaphore, #tpu.memory_space<semaphore_mem>>) src(%dma_wait3A_30 : memref<632x128xf32, #tpu.memory_space<hbm>>) dst(%dma_wait3A_28 : memref<632x128xf32, #tpu.memory_space<vmem_shared>>)
        tpu.yield
      }) : () -> ()
    } else {
    }
    %eq3A = arith.constant 15 : i32
    %eq3A_2 = arith.cmpi eq, %arg1, %eq3A : i32
    %convert_element_type3A_3 = arith.extui %eq3A_2 : i1 to i32
    %cond3A_4 = arith.constant 0 : i32
    %cond3A_5 = arith.cmpi ne, %convert_element_type3A_3, %cond3A_4 : i32
    scf.if %cond3A_5 {
      "tpu.region"() ({
        %run_scoped3A = tpu.sem_alloc : memref<!tpu.dma_semaphore, #tpu.memory_space<semaphore_mem>>
        %dma_start3A = arith.constant 9480 : i32
        %dma_start3A_23 = arith.constant 0 : i32
        %dma_start3A_24 = tpu.memref_slice %arg10[%dma_start3A, %dma_start3A_23] : memref<10000x128xf32, #tpu.memory_space<vmem_shared>> -> memref<520x128xf32, #tpu.memory_space<vmem_shared>>
        %dma_start3A_25 = arith.constant 9480 : i32
        %dma_start3A_26 = arith.constant 0 : i32
        %dma_start3A_27 = tpu.memref_slice %arg5[%dma_start3A_25, %dma_start3A_26] : memref<10000x128xf32, #tpu.memory_space<hbm>> -> memref<520x128xf32, #tpu.memory_space<hbm>>
        tpu.enqueue_dma source(%dma_start3A_27 : memref<520x128xf32, #tpu.memory_space<hbm>>) target(%dma_start3A_24 : memref<520x128xf32, #tpu.memory_space<vmem_shared>>) target_semaphore(%run_scoped3A : memref<!tpu.dma_semaphore, #tpu.memory_space<semaphore_mem>>)
        %dma_wait3A = arith.constant 9480 : i32
        %dma_wait3A_28 = arith.constant 0 : i32
        %dma_wait3A_29 = tpu.memref_slice %arg10[%dma_wait3A, %dma_wait3A_28] : memref<10000x128xf32, #tpu.memory_space<vmem_shared>> -> memref<520x128xf32, #tpu.memory_space<vmem_shared>>
        %dma_wait3A_30 = arith.constant 9480 : i32
        %dma_wait3A_31 = arith.constant 0 : i32
        %dma_wait3A_32 = tpu.memref_slice %arg5[%dma_wait3A_30, %dma_wait3A_31] : memref<10000x128xf32, #tpu.memory_space<hbm>> -> memref<520x128xf32, #tpu.memory_space<hbm>>
        tpu.wait_dma2 semaphore(%run_scoped3A : memref<!tpu.dma_semaphore, #tpu.memory_space<semaphore_mem>>) src(%dma_wait3A_32 : memref<520x128xf32, #tpu.memory_space<hbm>>) dst(%dma_wait3A_29 : memref<520x128xf32, #tpu.memory_space<vmem_shared>>)
        tpu.yield
      }) : () -> ()
    } else {
    }
    %barrier3A = arith.constant 0 : index
    tpu.barrier barrier_id(%barrier3A)
    %mul3A = arith.constant 80 : i32
    %mul3A_6 = arith.muli %arg1, %mul3A : i32
    %scan3A = arith.constant 0 : i32
    %scan3A_7 = arith.constant 0 : i32
    %scan3A_8 = arith.constant 5 : i32
    %scan3A_9 = arith.addi %scan3A_7, %scan3A_8 : i32
    %scan3A_10 = arith.constant 1 : i32
    scf.for %scan3A_23 = %scan3A_7 to %scan3A_9 step %scan3A_10  : i32 {
      %mul3A_24 = arith.constant 16 : i32
      %mul3A_25 = arith.muli %scan3A_23, %mul3A_24 : i32
      %add3A = arith.addi %mul3A_6, %mul3A_25 : i32
      %multiple_of3A = tpu.assume_multiple %add3A, 16 : i32
      "tpu.region"() ({
        %run_scoped3A = tpu.sem_alloc : memref<!tpu.dma_semaphore, #tpu.memory_space<semaphore_mem>>
        %dma_start3A = arith.constant 0 : i32
        %dma_start3A_138 = tpu.memref_slice %arg3[%arg0, %multiple_of3A, %dma_start3A] : memref<2x1280x128xi32, #tpu.memory_space<hbm>> -> memref<1x16x128xi32, #tpu.memory_space<hbm>>
        %dma_start3A_139 = tpu.memref_squeeze %dma_start3A_138 : memref<1x16x128xi32, #tpu.memory_space<hbm>> -> memref<16x128xi32, #tpu.memory_space<hbm>>
        %dma_start3A_140 = arith.constant 0 : i32
        %dma_start3A_141 = tpu.memref_slice %arg3[%arg0, %multiple_of3A, %dma_start3A_140] : memref<2x1280x128xi32, #tpu.memory_space<hbm>> -> memref<1x16x128xi32, #tpu.memory_space<hbm>>
        %dma_start3A_142 = tpu.memref_squeeze %dma_start3A_141 : memref<1x16x128xi32, #tpu.memory_space<hbm>> -> memref<16x128xi32, #tpu.memory_space<hbm>>
        tpu.enqueue_dma source(%dma_start3A_142 : memref<16x128xi32, #tpu.memory_space<hbm>>) target(%arg7 : memref<16x128xi32, #tpu.memory_space<vmem>>) target_semaphore(%run_scoped3A : memref<!tpu.dma_semaphore, #tpu.memory_space<semaphore_mem>>)
        %dma_wait3A = arith.constant 0 : i32
        %dma_wait3A_143 = tpu.memref_slice %arg3[%arg0, %multiple_of3A, %dma_wait3A] : memref<2x1280x128xi32, #tpu.memory_space<hbm>> -> memref<1x16x128xi32, #tpu.memory_space<hbm>>
        %dma_wait3A_144 = tpu.memref_squeeze %dma_wait3A_143 : memref<1x16x128xi32, #tpu.memory_space<hbm>> -> memref<16x128xi32, #tpu.memory_space<hbm>>
        %dma_wait3A_145 = arith.constant 0 : i32
        %dma_wait3A_146 = tpu.memref_slice %arg3[%arg0, %multiple_of3A, %dma_wait3A_145] : memref<2x1280x128xi32, #tpu.memory_space<hbm>> -> memref<1x16x128xi32, #tpu.memory_space<hbm>>
        %dma_wait3A_147 = tpu.memref_squeeze %dma_wait3A_146 : memref<1x16x128xi32, #tpu.memory_space<hbm>> -> memref<16x128xi32, #tpu.memory_space<hbm>>
        tpu.wait_dma2 semaphore(%run_scoped3A : memref<!tpu.dma_semaphore, #tpu.memory_space<semaphore_mem>>) src(%dma_wait3A_147 : memref<16x128xi32, #tpu.memory_space<hbm>>) dst(%arg7 : memref<16x128xi32, #tpu.memory_space<vmem>>)
        tpu.yield
      }) : () -> ()
      "tpu.region"() ({
        %run_scoped3A = tpu.sem_alloc : memref<!tpu.dma_semaphore, #tpu.memory_space<semaphore_mem>>
        %dma_start3A = arith.constant 0 : i32
        %dma_start3A_138 = tpu.memref_slice %arg4[%arg0, %multiple_of3A, %dma_start3A] : memref<2x1280x128xi32, #tpu.memory_space<hbm>> -> memref<1x16x128xi32, #tpu.memory_space<hbm>>
        %dma_start3A_139 = tpu.memref_squeeze %dma_start3A_138 : memref<1x16x128xi32, #tpu.memory_space<hbm>> -> memref<16x128xi32, #tpu.memory_space<hbm>>
        %dma_start3A_140 = arith.constant 0 : i32
        %dma_start3A_141 = tpu.memref_slice %arg4[%arg0, %multiple_of3A, %dma_start3A_140] : memref<2x1280x128xi32, #tpu.memory_space<hbm>> -> memref<1x16x128xi32, #tpu.memory_space<hbm>>
        %dma_start3A_142 = tpu.memref_squeeze %dma_start3A_141 : memref<1x16x128xi32, #tpu.memory_space<hbm>> -> memref<16x128xi32, #tpu.memory_space<hbm>>
        tpu.enqueue_dma source(%dma_start3A_142 : memref<16x128xi32, #tpu.memory_space<hbm>>) target(%arg8 : memref<16x128xi32, #tpu.memory_space<vmem>>) target_semaphore(%run_scoped3A : memref<!tpu.dma_semaphore, #tpu.memory_space<semaphore_mem>>)
        %dma_wait3A = arith.constant 0 : i32
        %dma_wait3A_143 = tpu.memref_slice %arg4[%arg0, %multiple_of3A, %dma_wait3A] : memref<2x1280x128xi32, #tpu.memory_space<hbm>> -> memref<1x16x128xi32, #tpu.memory_space<hbm>>
        %dma_wait3A_144 = tpu.memref_squeeze %dma_wait3A_143 : memref<1x16x128xi32, #tpu.memory_space<hbm>> -> memref<16x128xi32, #tpu.memory_space<hbm>>
        %dma_wait3A_145 = arith.constant 0 : i32
        %dma_wait3A_146 = tpu.memref_slice %arg4[%arg0, %multiple_of3A, %dma_wait3A_145] : memref<2x1280x128xi32, #tpu.memory_space<hbm>> -> memref<1x16x128xi32, #tpu.memory_space<hbm>>
        %dma_wait3A_147 = tpu.memref_squeeze %dma_wait3A_146 : memref<1x16x128xi32, #tpu.memory_space<hbm>> -> memref<16x128xi32, #tpu.memory_space<hbm>>
        tpu.wait_dma2 semaphore(%run_scoped3A : memref<!tpu.dma_semaphore, #tpu.memory_space<semaphore_mem>>) src(%dma_wait3A_147 : memref<16x128xi32, #tpu.memory_space<hbm>>) dst(%arg8 : memref<16x128xi32, #tpu.memory_space<vmem>>)
        tpu.yield
      }) : () -> ()
      %add3A_26 = arith.constant 0 : i32
      %add3A_27 = arith.addi %multiple_of3A, %add3A_26 : i32
      %lt3A_28 = arith.constant 1250 : i32
      %lt3A_29 = arith.cmpi slt, %add3A_27, %lt3A_28 : i32
      %convert_element_type3A_30 = arith.extui %lt3A_29 : i1 to i32
      %cond3A_31 = arith.constant 0 : i32
      %cond3A_32 = arith.cmpi ne, %convert_element_type3A_30, %cond3A_31 : i32
      scf.if %cond3A_32 {
        %dma_start3A = arith.constant 0 : i32
        %dma_start3A_138 = arith.constant 0 : i32
        %dma_start3A_139 = tpu.memref_slice %arg7[%dma_start3A, %dma_start3A_138] : memref<16x128xi32, #tpu.memory_space<vmem>> -> memref<1x128xi32, #tpu.memory_space<vmem>>
        %dma_start3A_140 = tpu.memref_squeeze %dma_start3A_139 : memref<1x128xi32, #tpu.memory_space<vmem>> -> memref<128xi32, #tpu.memory_space<vmem>>
        %dma_start3A_141 = arith.constant 0 : i32
        %dma_start3A_142 = arith.constant 0 : i32
        %dma_start3A_143 = tpu.memref_slice %arg2[%dma_start3A_141, %dma_start3A_142] : memref<10000x128xf32, #tpu.memory_space<hbm>> -> memref<10000x128xf32, #tpu.memory_space<hbm>>
        tpu.enqueue_indirect_dma source(%dma_start3A_143 : memref<10000x128xf32, #tpu.memory_space<hbm>>) target(%arg9 : memref<128x128xf32, #tpu.memory_space<vmem>>) offsets(%dma_start3A_140 : memref<128xi32, #tpu.memory_space<vmem>>) semaphore(%arg11 : memref<!tpu.dma_semaphore, #tpu.memory_space<semaphore_mem>>)
        %dma_wait3A = arith.constant 0 : i32
        %dma_wait3A_144 = arith.constant 0 : i32
        %dma_wait3A_145 = tpu.memref_slice %arg7[%dma_wait3A, %dma_wait3A_144] : memref<16x128xi32, #tpu.memory_space<vmem>> -> memref<1x128xi32, #tpu.memory_space<vmem>>
        %dma_wait3A_146 = tpu.memref_squeeze %dma_wait3A_145 : memref<1x128xi32, #tpu.memory_space<vmem>> -> memref<128xi32, #tpu.memory_space<vmem>>
        %dma_wait3A_147 = arith.constant 0 : i32
        %dma_wait3A_148 = arith.constant 0 : i32
        %dma_wait3A_149 = tpu.memref_slice %arg2[%dma_wait3A_147, %dma_wait3A_148] : memref<10000x128xf32, #tpu.memory_space<hbm>> -> memref<10000x128xf32, #tpu.memory_space<hbm>>
        tpu.wait_indirect_dma semaphore(%arg11 : memref<!tpu.dma_semaphore, #tpu.memory_space<semaphore_mem>>) src(%dma_wait3A_149 : memref<10000x128xf32, #tpu.memory_space<hbm>>) dst(%arg9 : memref<128x128xf32, #tpu.memory_space<vmem>>)
        %run_scoped3A = arith.constant 0 : i32
        "tpu.region"() ({
          %run_scoped3A_150 = tpu.sem_alloc : memref<!tpu.dma_semaphore, #tpu.memory_space<semaphore_mem>>
          %dma_start3A_151 = arith.constant 0 : i32
          %dma_start3A_152 = tpu.memref_slice %arg8[%run_scoped3A, %dma_start3A_151] : memref<16x128xi32, #tpu.memory_space<vmem>> -> memref<1x128xi32, #tpu.memory_space<vmem>>
          %dma_start3A_153 = tpu.memref_squeeze %dma_start3A_152 : memref<1x128xi32, #tpu.memory_space<vmem>> -> memref<128xi32, #tpu.memory_space<vmem>>
          %dma_start3A_154 = arith.constant 0 : i32
          %dma_start3A_155 = arith.constant 0 : i32
          %dma_start3A_156 = tpu.memref_slice %arg10[%dma_start3A_154, %dma_start3A_155] : memref<10000x128xf32, #tpu.memory_space<vmem_shared>> -> memref<10000x128xf32, #tpu.memory_space<vmem_shared>>
          tpu.enqueue_indirect_dma source(%arg9 : memref<128x128xf32, #tpu.memory_space<vmem>>) target(%dma_start3A_156 : memref<10000x128xf32, #tpu.memory_space<vmem_shared>>) offsets(%dma_start3A_153 : memref<128xi32, #tpu.memory_space<vmem>>) semaphore(%run_scoped3A_150 : memref<!tpu.dma_semaphore, #tpu.memory_space<semaphore_mem>>) {add = true}
          %dma_wait3A_157 = arith.constant 0 : i32
          %dma_wait3A_158 = tpu.memref_slice %arg8[%run_scoped3A, %dma_wait3A_157] : memref<16x128xi32, #tpu.memory_space<vmem>> -> memref<1x128xi32, #tpu.memory_space<vmem>>
          %dma_wait3A_159 = tpu.memref_squeeze %dma_wait3A_158 : memref<1x128xi32, #tpu.memory_space<vmem>> -> memref<128xi32, #tpu.memory_space<vmem>>
          %dma_wait3A_160 = arith.constant 0 : i32
          %dma_wait3A_161 = arith.constant 0 : i32
          %dma_wait3A_162 = tpu.memref_slice %arg10[%dma_wait3A_160, %dma_wait3A_161] : memref<10000x128xf32, #tpu.memory_space<vmem_shared>> -> memref<10000x128xf32, #tpu.memory_space<vmem_shared>>
          tpu.wait_indirect_dma semaphore(%run_scoped3A_150 : memref<!tpu.dma_semaphore, #tpu.memory_space<semaphore_mem>>) src(%arg9 : memref<128x128xf32, #tpu.memory_space<vmem>>) dst(%dma_wait3A_162 : memref<10000x128xf32, #tpu.memory_space<vmem_shared>>)
          tpu.yield
        }) : () -> ()
      } else {
      }
      %add3A_33 = arith.constant 1 : i32
      %add3A_34 = arith.addi %multiple_of3A, %add3A_33 : i32
      %lt3A_35 = arith.constant 1250 : i32
      %lt3A_36 = arith.cmpi slt, %add3A_34, %lt3A_35 : i32
      %convert_element_type3A_37 = arith.extui %lt3A_36 : i1 to i32
      %cond3A_38 = arith.constant 0 : i32
      %cond3A_39 = arith.cmpi ne, %convert_element_type3A_37, %cond3A_38 : i32
      scf.if %cond3A_39 {
        %dma_start3A = arith.constant 1 : i32
        %dma_start3A_138 = arith.constant 0 : i32
        %dma_start3A_139 = tpu.memref_slice %arg7[%dma_start3A, %dma_start3A_138] : memref<16x128xi32, #tpu.memory_space<vmem>> -> memref<1x128xi32, #tpu.memory_space<vmem>>
        %dma_start3A_140 = tpu.memref_squeeze %dma_start3A_139 : memref<1x128xi32, #tpu.memory_space<vmem>> -> memref<128xi32, #tpu.memory_space<vmem>>
        %dma_start3A_141 = arith.constant 0 : i32
        %dma_start3A_142 = arith.constant 0 : i32
        %dma_start3A_143 = tpu.memref_slice %arg2[%dma_start3A_141, %dma_start3A_142] : memref<10000x128xf32, #tpu.memory_space<hbm>> -> memref<10000x128xf32, #tpu.memory_space<hbm>>
        tpu.enqueue_indirect_dma source(%dma_start3A_143 : memref<10000x128xf32, #tpu.memory_space<hbm>>) target(%arg9 : memref<128x128xf32, #tpu.memory_space<vmem>>) offsets(%dma_start3A_140 : memref<128xi32, #tpu.memory_space<vmem>>) semaphore(%arg11 : memref<!tpu.dma_semaphore, #tpu.memory_space<semaphore_mem>>)
        %dma_wait3A = arith.constant 1 : i32
        %dma_wait3A_144 = arith.constant 0 : i32
        %dma_wait3A_145 = tpu.memref_slice %arg7[%dma_wait3A, %dma_wait3A_144] : memref<16x128xi32, #tpu.memory_space<vmem>> -> memref<1x128xi32, #tpu.memory_space<vmem>>
        %dma_wait3A_146 = tpu.memref_squeeze %dma_wait3A_145 : memref<1x128xi32, #tpu.memory_space<vmem>> -> memref<128xi32, #tpu.memory_space<vmem>>
        %dma_wait3A_147 = arith.constant 0 : i32
        %dma_wait3A_148 = arith.constant 0 : i32
        %dma_wait3A_149 = tpu.memref_slice %arg2[%dma_wait3A_147, %dma_wait3A_148] : memref<10000x128xf32, #tpu.memory_space<hbm>> -> memref<10000x128xf32, #tpu.memory_space<hbm>>
        tpu.wait_indirect_dma semaphore(%arg11 : memref<!tpu.dma_semaphore, #tpu.memory_space<semaphore_mem>>) src(%dma_wait3A_149 : memref<10000x128xf32, #tpu.memory_space<hbm>>) dst(%arg9 : memref<128x128xf32, #tpu.memory_space<vmem>>)
        %run_scoped3A = arith.constant 1 : i32
        "tpu.region"() ({
          %run_scoped3A_150 = tpu.sem_alloc : memref<!tpu.dma_semaphore, #tpu.memory_space<semaphore_mem>>
          %dma_start3A_151 = arith.constant 0 : i32
          %dma_start3A_152 = tpu.memref_slice %arg8[%run_scoped3A, %dma_start3A_151] : memref<16x128xi32, #tpu.memory_space<vmem>> -> memref<1x128xi32, #tpu.memory_space<vmem>>
          %dma_start3A_153 = tpu.memref_squeeze %dma_start3A_152 : memref<1x128xi32, #tpu.memory_space<vmem>> -> memref<128xi32, #tpu.memory_space<vmem>>
          %dma_start3A_154 = arith.constant 0 : i32
          %dma_start3A_155 = arith.constant 0 : i32
          %dma_start3A_156 = tpu.memref_slice %arg10[%dma_start3A_154, %dma_start3A_155] : memref<10000x128xf32, #tpu.memory_space<vmem_shared>> -> memref<10000x128xf32, #tpu.memory_space<vmem_shared>>
          tpu.enqueue_indirect_dma source(%arg9 : memref<128x128xf32, #tpu.memory_space<vmem>>) target(%dma_start3A_156 : memref<10000x128xf32, #tpu.memory_space<vmem_shared>>) offsets(%dma_start3A_153 : memref<128xi32, #tpu.memory_space<vmem>>) semaphore(%run_scoped3A_150 : memref<!tpu.dma_semaphore, #tpu.memory_space<semaphore_mem>>) {add = true}
          %dma_wait3A_157 = arith.constant 0 : i32
          %dma_wait3A_158 = tpu.memref_slice %arg8[%run_scoped3A, %dma_wait3A_157] : memref<16x128xi32, #tpu.memory_space<vmem>> -> memref<1x128xi32, #tpu.memory_space<vmem>>
          %dma_wait3A_159 = tpu.memref_squeeze %dma_wait3A_158 : memref<1x128xi32, #tpu.memory_space<vmem>> -> memref<128xi32, #tpu.memory_space<vmem>>
          %dma_wait3A_160 = arith.constant 0 : i32
          %dma_wait3A_161 = arith.constant 0 : i32
          %dma_wait3A_162 = tpu.memref_slice %arg10[%dma_wait3A_160, %dma_wait3A_161] : memref<10000x128xf32, #tpu.memory_space<vmem_shared>> -> memref<10000x128xf32, #tpu.memory_space<vmem_shared>>
          tpu.wait_indirect_dma semaphore(%run_scoped3A_150 : memref<!tpu.dma_semaphore, #tpu.memory_space<semaphore_mem>>) src(%arg9 : memref<128x128xf32, #tpu.memory_space<vmem>>) dst(%dma_wait3A_162 : memref<10000x128xf32, #tpu.memory_space<vmem_shared>>)
          tpu.yield
        }) : () -> ()
      } else {
      }
      %add3A_40 = arith.constant 2 : i32
      %add3A_41 = arith.addi %multiple_of3A, %add3A_40 : i32
      %lt3A_42 = arith.constant 1250 : i32
      %lt3A_43 = arith.cmpi slt, %add3A_41, %lt3A_42 : i32
      %convert_element_type3A_44 = arith.extui %lt3A_43 : i1 to i32
      %cond3A_45 = arith.constant 0 : i32
      %cond3A_46 = arith.cmpi ne, %convert_element_type3A_44, %cond3A_45 : i32
      scf.if %cond3A_46 {
        %dma_start3A = arith.constant 2 : i32
        %dma_start3A_138 = arith.constant 0 : i32
        %dma_start3A_139 = tpu.memref_slice %arg7[%dma_start3A, %dma_start3A_138] : memref<16x128xi32, #tpu.memory_space<vmem>> -> memref<1x128xi32, #tpu.memory_space<vmem>>
        %dma_start3A_140 = tpu.memref_squeeze %dma_start3A_139 : memref<1x128xi32, #tpu.memory_space<vmem>> -> memref<128xi32, #tpu.memory_space<vmem>>
        %dma_start3A_141 = arith.constant 0 : i32
        %dma_start3A_142 = arith.constant 0 : i32
        %dma_start3A_143 = tpu.memref_slice %arg2[%dma_start3A_141, %dma_start3A_142] : memref<10000x128xf32, #tpu.memory_space<hbm>> -> memref<10000x128xf32, #tpu.memory_space<hbm>>
        tpu.enqueue_indirect_dma source(%dma_start3A_143 : memref<10000x128xf32, #tpu.memory_space<hbm>>) target(%arg9 : memref<128x128xf32, #tpu.memory_space<vmem>>) offsets(%dma_start3A_140 : memref<128xi32, #tpu.memory_space<vmem>>) semaphore(%arg11 : memref<!tpu.dma_semaphore, #tpu.memory_space<semaphore_mem>>)
        %dma_wait3A = arith.constant 2 : i32
        %dma_wait3A_144 = arith.constant 0 : i32
        %dma_wait3A_145 = tpu.memref_slice %arg7[%dma_wait3A, %dma_wait3A_144] : memref<16x128xi32, #tpu.memory_space<vmem>> -> memref<1x128xi32, #tpu.memory_space<vmem>>
        %dma_wait3A_146 = tpu.memref_squeeze %dma_wait3A_145 : memref<1x128xi32, #tpu.memory_space<vmem>> -> memref<128xi32, #tpu.memory_space<vmem>>
        %dma_wait3A_147 = arith.constant 0 : i32
        %dma_wait3A_148 = arith.constant 0 : i32
        %dma_wait3A_149 = tpu.memref_slice %arg2[%dma_wait3A_147, %dma_wait3A_148] : memref<10000x128xf32, #tpu.memory_space<hbm>> -> memref<10000x128xf32, #tpu.memory_space<hbm>>
        tpu.wait_indirect_dma semaphore(%arg11 : memref<!tpu.dma_semaphore, #tpu.memory_space<semaphore_mem>>) src(%dma_wait3A_149 : memref<10000x128xf32, #tpu.memory_space<hbm>>) dst(%arg9 : memref<128x128xf32, #tpu.memory_space<vmem>>)
        %run_scoped3A = arith.constant 2 : i32
        "tpu.region"() ({
          %run_scoped3A_150 = tpu.sem_alloc : memref<!tpu.dma_semaphore, #tpu.memory_space<semaphore_mem>>
          %dma_start3A_151 = arith.constant 0 : i32
          %dma_start3A_152 = tpu.memref_slice %arg8[%run_scoped3A, %dma_start3A_151] : memref<16x128xi32, #tpu.memory_space<vmem>> -> memref<1x128xi32, #tpu.memory_space<vmem>>
          %dma_start3A_153 = tpu.memref_squeeze %dma_start3A_152 : memref<1x128xi32, #tpu.memory_space<vmem>> -> memref<128xi32, #tpu.memory_space<vmem>>
          %dma_start3A_154 = arith.constant 0 : i32
          %dma_start3A_155 = arith.constant 0 : i32
          %dma_start3A_156 = tpu.memref_slice %arg10[%dma_start3A_154, %dma_start3A_155] : memref<10000x128xf32, #tpu.memory_space<vmem_shared>> -> memref<10000x128xf32, #tpu.memory_space<vmem_shared>>
          tpu.enqueue_indirect_dma source(%arg9 : memref<128x128xf32, #tpu.memory_space<vmem>>) target(%dma_start3A_156 : memref<10000x128xf32, #tpu.memory_space<vmem_shared>>) offsets(%dma_start3A_153 : memref<128xi32, #tpu.memory_space<vmem>>) semaphore(%run_scoped3A_150 : memref<!tpu.dma_semaphore, #tpu.memory_space<semaphore_mem>>) {add = true}
          %dma_wait3A_157 = arith.constant 0 : i32
          %dma_wait3A_158 = tpu.memref_slice %arg8[%run_scoped3A, %dma_wait3A_157] : memref<16x128xi32, #tpu.memory_space<vmem>> -> memref<1x128xi32, #tpu.memory_space<vmem>>
          %dma_wait3A_159 = tpu.memref_squeeze %dma_wait3A_158 : memref<1x128xi32, #tpu.memory_space<vmem>> -> memref<128xi32, #tpu.memory_space<vmem>>
          %dma_wait3A_160 = arith.constant 0 : i32
          %dma_wait3A_161 = arith.constant 0 : i32
          %dma_wait3A_162 = tpu.memref_slice %arg10[%dma_wait3A_160, %dma_wait3A_161] : memref<10000x128xf32, #tpu.memory_space<vmem_shared>> -> memref<10000x128xf32, #tpu.memory_space<vmem_shared>>
          tpu.wait_indirect_dma semaphore(%run_scoped3A_150 : memref<!tpu.dma_semaphore, #tpu.memory_space<semaphore_mem>>) src(%arg9 : memref<128x128xf32, #tpu.memory_space<vmem>>) dst(%dma_wait3A_162 : memref<10000x128xf32, #tpu.memory_space<vmem_shared>>)
          tpu.yield
        }) : () -> ()
      } else {
      }
      %add3A_47 = arith.constant 3 : i32
      %add3A_48 = arith.addi %multiple_of3A, %add3A_47 : i32
      %lt3A_49 = arith.constant 1250 : i32
      %lt3A_50 = arith.cmpi slt, %add3A_48, %lt3A_49 : i32
      %convert_element_type3A_51 = arith.extui %lt3A_50 : i1 to i32
      %cond3A_52 = arith.constant 0 : i32
      %cond3A_53 = arith.cmpi ne, %convert_element_type3A_51, %cond3A_52 : i32
      scf.if %cond3A_53 {
        %dma_start3A = arith.constant 3 : i32
        %dma_start3A_138 = arith.constant 0 : i32
        %dma_start3A_139 = tpu.memref_slice %arg7[%dma_start3A, %dma_start3A_138] : memref<16x128xi32, #tpu.memory_space<vmem>> -> memref<1x128xi32, #tpu.memory_space<vmem>>
        %dma_start3A_140 = tpu.memref_squeeze %dma_start3A_139 : memref<1x128xi32, #tpu.memory_space<vmem>> -> memref<128xi32, #tpu.memory_space<vmem>>
        %dma_start3A_141 = arith.constant 0 : i32
        %dma_start3A_142 = arith.constant 0 : i32
        %dma_start3A_143 = tpu.memref_slice %arg2[%dma_start3A_141, %dma_start3A_142] : memref<10000x128xf32, #tpu.memory_space<hbm>> -> memref<10000x128xf32, #tpu.memory_space<hbm>>
        tpu.enqueue_indirect_dma source(%dma_start3A_143 : memref<10000x128xf32, #tpu.memory_space<hbm>>) target(%arg9 : memref<128x128xf32, #tpu.memory_space<vmem>>) offsets(%dma_start3A_140 : memref<128xi32, #tpu.memory_space<vmem>>) semaphore(%arg11 : memref<!tpu.dma_semaphore, #tpu.memory_space<semaphore_mem>>)
        %dma_wait3A = arith.constant 3 : i32
        %dma_wait3A_144 = arith.constant 0 : i32
        %dma_wait3A_145 = tpu.memref_slice %arg7[%dma_wait3A, %dma_wait3A_144] : memref<16x128xi32, #tpu.memory_space<vmem>> -> memref<1x128xi32, #tpu.memory_space<vmem>>
        %dma_wait3A_146 = tpu.memref_squeeze %dma_wait3A_145 : memref<1x128xi32, #tpu.memory_space<vmem>> -> memref<128xi32, #tpu.memory_space<vmem>>
        %dma_wait3A_147 = arith.constant 0 : i32
        %dma_wait3A_148 = arith.constant 0 : i32
        %dma_wait3A_149 = tpu.memref_slice %arg2[%dma_wait3A_147, %dma_wait3A_148] : memref<10000x128xf32, #tpu.memory_space<hbm>> -> memref<10000x128xf32, #tpu.memory_space<hbm>>
        tpu.wait_indirect_dma semaphore(%arg11 : memref<!tpu.dma_semaphore, #tpu.memory_space<semaphore_mem>>) src(%dma_wait3A_149 : memref<10000x128xf32, #tpu.memory_space<hbm>>) dst(%arg9 : memref<128x128xf32, #tpu.memory_space<vmem>>)
        %run_scoped3A = arith.constant 3 : i32
        "tpu.region"() ({
          %run_scoped3A_150 = tpu.sem_alloc : memref<!tpu.dma_semaphore, #tpu.memory_space<semaphore_mem>>
          %dma_start3A_151 = arith.constant 0 : i32
          %dma_start3A_152 = tpu.memref_slice %arg8[%run_scoped3A, %dma_start3A_151] : memref<16x128xi32, #tpu.memory_space<vmem>> -> memref<1x128xi32, #tpu.memory_space<vmem>>
          %dma_start3A_153 = tpu.memref_squeeze %dma_start3A_152 : memref<1x128xi32, #tpu.memory_space<vmem>> -> memref<128xi32, #tpu.memory_space<vmem>>
          %dma_start3A_154 = arith.constant 0 : i32
          %dma_start3A_155 = arith.constant 0 : i32
          %dma_start3A_156 = tpu.memref_slice %arg10[%dma_start3A_154, %dma_start3A_155] : memref<10000x128xf32, #tpu.memory_space<vmem_shared>> -> memref<10000x128xf32, #tpu.memory_space<vmem_shared>>
          tpu.enqueue_indirect_dma source(%arg9 : memref<128x128xf32, #tpu.memory_space<vmem>>) target(%dma_start3A_156 : memref<10000x128xf32, #tpu.memory_space<vmem_shared>>) offsets(%dma_start3A_153 : memref<128xi32, #tpu.memory_space<vmem>>) semaphore(%run_scoped3A_150 : memref<!tpu.dma_semaphore, #tpu.memory_space<semaphore_mem>>) {add = true}
          %dma_wait3A_157 = arith.constant 0 : i32
          %dma_wait3A_158 = tpu.memref_slice %arg8[%run_scoped3A, %dma_wait3A_157] : memref<16x128xi32, #tpu.memory_space<vmem>> -> memref<1x128xi32, #tpu.memory_space<vmem>>
          %dma_wait3A_159 = tpu.memref_squeeze %dma_wait3A_158 : memref<1x128xi32, #tpu.memory_space<vmem>> -> memref<128xi32, #tpu.memory_space<vmem>>
          %dma_wait3A_160 = arith.constant 0 : i32
          %dma_wait3A_161 = arith.constant 0 : i32
          %dma_wait3A_162 = tpu.memref_slice %arg10[%dma_wait3A_160, %dma_wait3A_161] : memref<10000x128xf32, #tpu.memory_space<vmem_shared>> -> memref<10000x128xf32, #tpu.memory_space<vmem_shared>>
          tpu.wait_indirect_dma semaphore(%run_scoped3A_150 : memref<!tpu.dma_semaphore, #tpu.memory_space<semaphore_mem>>) src(%arg9 : memref<128x128xf32, #tpu.memory_space<vmem>>) dst(%dma_wait3A_162 : memref<10000x128xf32, #tpu.memory_space<vmem_shared>>)
          tpu.yield
        }) : () -> ()
      } else {
      }
      %add3A_54 = arith.constant 4 : i32
      %add3A_55 = arith.addi %multiple_of3A, %add3A_54 : i32
      %lt3A_56 = arith.constant 1250 : i32
      %lt3A_57 = arith.cmpi slt, %add3A_55, %lt3A_56 : i32
      %convert_element_type3A_58 = arith.extui %lt3A_57 : i1 to i32
      %cond3A_59 = arith.constant 0 : i32
      %cond3A_60 = arith.cmpi ne, %convert_element_type3A_58, %cond3A_59 : i32
      scf.if %cond3A_60 {
        %dma_start3A = arith.constant 4 : i32
        %dma_start3A_138 = arith.constant 0 : i32
        %dma_start3A_139 = tpu.memref_slice %arg7[%dma_start3A, %dma_start3A_138] : memref<16x128xi32, #tpu.memory_space<vmem>> -> memref<1x128xi32, #tpu.memory_space<vmem>>
        %dma_start3A_140 = tpu.memref_squeeze %dma_start3A_139 : memref<1x128xi32, #tpu.memory_space<vmem>> -> memref<128xi32, #tpu.memory_space<vmem>>
        %dma_start3A_141 = arith.constant 0 : i32
        %dma_start3A_142 = arith.constant 0 : i32
        %dma_start3A_143 = tpu.memref_slice %arg2[%dma_start3A_141, %dma_start3A_142] : memref<10000x128xf32, #tpu.memory_space<hbm>> -> memref<10000x128xf32, #tpu.memory_space<hbm>>
        tpu.enqueue_indirect_dma source(%dma_start3A_143 : memref<10000x128xf32, #tpu.memory_space<hbm>>) target(%arg9 : memref<128x128xf32, #tpu.memory_space<vmem>>) offsets(%dma_start3A_140 : memref<128xi32, #tpu.memory_space<vmem>>) semaphore(%arg11 : memref<!tpu.dma_semaphore, #tpu.memory_space<semaphore_mem>>)
        %dma_wait3A = arith.constant 4 : i32
        %dma_wait3A_144 = arith.constant 0 : i32
        %dma_wait3A_145 = tpu.memref_slice %arg7[%dma_wait3A, %dma_wait3A_144] : memref<16x128xi32, #tpu.memory_space<vmem>> -> memref<1x128xi32, #tpu.memory_space<vmem>>
        %dma_wait3A_146 = tpu.memref_squeeze %dma_wait3A_145 : memref<1x128xi32, #tpu.memory_space<vmem>> -> memref<128xi32, #tpu.memory_space<vmem>>
        %dma_wait3A_147 = arith.constant 0 : i32
        %dma_wait3A_148 = arith.constant 0 : i32
        %dma_wait3A_149 = tpu.memref_slice %arg2[%dma_wait3A_147, %dma_wait3A_148] : memref<10000x128xf32, #tpu.memory_space<hbm>> -> memref<10000x128xf32, #tpu.memory_space<hbm>>
        tpu.wait_indirect_dma semaphore(%arg11 : memref<!tpu.dma_semaphore, #tpu.memory_space<semaphore_mem>>) src(%dma_wait3A_149 : memref<10000x128xf32, #tpu.memory_space<hbm>>) dst(%arg9 : memref<128x128xf32, #tpu.memory_space<vmem>>)
        %run_scoped3A = arith.constant 4 : i32
        "tpu.region"() ({
          %run_scoped3A_150 = tpu.sem_alloc : memref<!tpu.dma_semaphore, #tpu.memory_space<semaphore_mem>>
          %dma_start3A_151 = arith.constant 0 : i32
          %dma_start3A_152 = tpu.memref_slice %arg8[%run_scoped3A, %dma_start3A_151] : memref<16x128xi32, #tpu.memory_space<vmem>> -> memref<1x128xi32, #tpu.memory_space<vmem>>
          %dma_start3A_153 = tpu.memref_squeeze %dma_start3A_152 : memref<1x128xi32, #tpu.memory_space<vmem>> -> memref<128xi32, #tpu.memory_space<vmem>>
          %dma_start3A_154 = arith.constant 0 : i32
          %dma_start3A_155 = arith.constant 0 : i32
          %dma_start3A_156 = tpu.memref_slice %arg10[%dma_start3A_154, %dma_start3A_155] : memref<10000x128xf32, #tpu.memory_space<vmem_shared>> -> memref<10000x128xf32, #tpu.memory_space<vmem_shared>>
          tpu.enqueue_indirect_dma source(%arg9 : memref<128x128xf32, #tpu.memory_space<vmem>>) target(%dma_start3A_156 : memref<10000x128xf32, #tpu.memory_space<vmem_shared>>) offsets(%dma_start3A_153 : memref<128xi32, #tpu.memory_space<vmem>>) semaphore(%run_scoped3A_150 : memref<!tpu.dma_semaphore, #tpu.memory_space<semaphore_mem>>) {add = true}
          %dma_wait3A_157 = arith.constant 0 : i32
          %dma_wait3A_158 = tpu.memref_slice %arg8[%run_scoped3A, %dma_wait3A_157] : memref<16x128xi32, #tpu.memory_space<vmem>> -> memref<1x128xi32, #tpu.memory_space<vmem>>
          %dma_wait3A_159 = tpu.memref_squeeze %dma_wait3A_158 : memref<1x128xi32, #tpu.memory_space<vmem>> -> memref<128xi32, #tpu.memory_space<vmem>>
          %dma_wait3A_160 = arith.constant 0 : i32
          %dma_wait3A_161 = arith.constant 0 : i32
          %dma_wait3A_162 = tpu.memref_slice %arg10[%dma_wait3A_160, %dma_wait3A_161] : memref<10000x128xf32, #tpu.memory_space<vmem_shared>> -> memref<10000x128xf32, #tpu.memory_space<vmem_shared>>
          tpu.wait_indirect_dma semaphore(%run_scoped3A_150 : memref<!tpu.dma_semaphore, #tpu.memory_space<semaphore_mem>>) src(%arg9 : memref<128x128xf32, #tpu.memory_space<vmem>>) dst(%dma_wait3A_162 : memref<10000x128xf32, #tpu.memory_space<vmem_shared>>)
          tpu.yield
        }) : () -> ()
      } else {
      }
      %add3A_61 = arith.constant 5 : i32
      %add3A_62 = arith.addi %multiple_of3A, %add3A_61 : i32
      %lt3A_63 = arith.constant 1250 : i32
      %lt3A_64 = arith.cmpi slt, %add3A_62, %lt3A_63 : i32
      %convert_element_type3A_65 = arith.extui %lt3A_64 : i1 to i32
      %cond3A_66 = arith.constant 0 : i32
      %cond3A_67 = arith.cmpi ne, %convert_element_type3A_65, %cond3A_66 : i32
      scf.if %cond3A_67 {
        %dma_start3A = arith.constant 5 : i32
        %dma_start3A_138 = arith.constant 0 : i32
        %dma_start3A_139 = tpu.memref_slice %arg7[%dma_start3A, %dma_start3A_138] : memref<16x128xi32, #tpu.memory_space<vmem>> -> memref<1x128xi32, #tpu.memory_space<vmem>>
        %dma_start3A_140 = tpu.memref_squeeze %dma_start3A_139 : memref<1x128xi32, #tpu.memory_space<vmem>> -> memref<128xi32, #tpu.memory_space<vmem>>
        %dma_start3A_141 = arith.constant 0 : i32
        %dma_start3A_142 = arith.constant 0 : i32
        %dma_start3A_143 = tpu.memref_slice %arg2[%dma_start3A_141, %dma_start3A_142] : memref<10000x128xf32, #tpu.memory_space<hbm>> -> memref<10000x128xf32, #tpu.memory_space<hbm>>
        tpu.enqueue_indirect_dma source(%dma_start3A_143 : memref<10000x128xf32, #tpu.memory_space<hbm>>) target(%arg9 : memref<128x128xf32, #tpu.memory_space<vmem>>) offsets(%dma_start3A_140 : memref<128xi32, #tpu.memory_space<vmem>>) semaphore(%arg11 : memref<!tpu.dma_semaphore, #tpu.memory_space<semaphore_mem>>)
        %dma_wait3A = arith.constant 5 : i32
        %dma_wait3A_144 = arith.constant 0 : i32
        %dma_wait3A_145 = tpu.memref_slice %arg7[%dma_wait3A, %dma_wait3A_144] : memref<16x128xi32, #tpu.memory_space<vmem>> -> memref<1x128xi32, #tpu.memory_space<vmem>>
        %dma_wait3A_146 = tpu.memref_squeeze %dma_wait3A_145 : memref<1x128xi32, #tpu.memory_space<vmem>> -> memref<128xi32, #tpu.memory_space<vmem>>
        %dma_wait3A_147 = arith.constant 0 : i32
        %dma_wait3A_148 = arith.constant 0 : i32
        %dma_wait3A_149 = tpu.memref_slice %arg2[%dma_wait3A_147, %dma_wait3A_148] : memref<10000x128xf32, #tpu.memory_space<hbm>> -> memref<10000x128xf32, #tpu.memory_space<hbm>>
        tpu.wait_indirect_dma semaphore(%arg11 : memref<!tpu.dma_semaphore, #tpu.memory_space<semaphore_mem>>) src(%dma_wait3A_149 : memref<10000x128xf32, #tpu.memory_space<hbm>>) dst(%arg9 : memref<128x128xf32, #tpu.memory_space<vmem>>)
        %run_scoped3A = arith.constant 5 : i32
        "tpu.region"() ({
          %run_scoped3A_150 = tpu.sem_alloc : memref<!tpu.dma_semaphore, #tpu.memory_space<semaphore_mem>>
          %dma_start3A_151 = arith.constant 0 : i32
          %dma_start3A_152 = tpu.memref_slice %arg8[%run_scoped3A, %dma_start3A_151] : memref<16x128xi32, #tpu.memory_space<vmem>> -> memref<1x128xi32, #tpu.memory_space<vmem>>
          %dma_start3A_153 = tpu.memref_squeeze %dma_start3A_152 : memref<1x128xi32, #tpu.memory_space<vmem>> -> memref<128xi32, #tpu.memory_space<vmem>>
          %dma_start3A_154 = arith.constant 0 : i32
          %dma_start3A_155 = arith.constant 0 : i32
          %dma_start3A_156 = tpu.memref_slice %arg10[%dma_start3A_154, %dma_start3A_155] : memref<10000x128xf32, #tpu.memory_space<vmem_shared>> -> memref<10000x128xf32, #tpu.memory_space<vmem_shared>>
          tpu.enqueue_indirect_dma source(%arg9 : memref<128x128xf32, #tpu.memory_space<vmem>>) target(%dma_start3A_156 : memref<10000x128xf32, #tpu.memory_space<vmem_shared>>) offsets(%dma_start3A_153 : memref<128xi32, #tpu.memory_space<vmem>>) semaphore(%run_scoped3A_150 : memref<!tpu.dma_semaphore, #tpu.memory_space<semaphore_mem>>) {add = true}
          %dma_wait3A_157 = arith.constant 0 : i32
          %dma_wait3A_158 = tpu.memref_slice %arg8[%run_scoped3A, %dma_wait3A_157] : memref<16x128xi32, #tpu.memory_space<vmem>> -> memref<1x128xi32, #tpu.memory_space<vmem>>
          %dma_wait3A_159 = tpu.memref_squeeze %dma_wait3A_158 : memref<1x128xi32, #tpu.memory_space<vmem>> -> memref<128xi32, #tpu.memory_space<vmem>>
          %dma_wait3A_160 = arith.constant 0 : i32
          %dma_wait3A_161 = arith.constant 0 : i32
          %dma_wait3A_162 = tpu.memref_slice %arg10[%dma_wait3A_160, %dma_wait3A_161] : memref<10000x128xf32, #tpu.memory_space<vmem_shared>> -> memref<10000x128xf32, #tpu.memory_space<vmem_shared>>
          tpu.wait_indirect_dma semaphore(%run_scoped3A_150 : memref<!tpu.dma_semaphore, #tpu.memory_space<semaphore_mem>>) src(%arg9 : memref<128x128xf32, #tpu.memory_space<vmem>>) dst(%dma_wait3A_162 : memref<10000x128xf32, #tpu.memory_space<vmem_shared>>)
          tpu.yield
        }) : () -> ()
      } else {
      }
      %add3A_68 = arith.constant 6 : i32
      %add3A_69 = arith.addi %multiple_of3A, %add3A_68 : i32
      %lt3A_70 = arith.constant 1250 : i32
      %lt3A_71 = arith.cmpi slt, %add3A_69, %lt3A_70 : i32
      %convert_element_type3A_72 = arith.extui %lt3A_71 : i1 to i32
      %cond3A_73 = arith.constant 0 : i32
      %cond3A_74 = arith.cmpi ne, %convert_element_type3A_72, %cond3A_73 : i32
      scf.if %cond3A_74 {
        %dma_start3A = arith.constant 6 : i32
        %dma_start3A_138 = arith.constant 0 : i32
        %dma_start3A_139 = tpu.memref_slice %arg7[%dma_start3A, %dma_start3A_138] : memref<16x128xi32, #tpu.memory_space<vmem>> -> memref<1x128xi32, #tpu.memory_space<vmem>>
        %dma_start3A_140 = tpu.memref_squeeze %dma_start3A_139 : memref<1x128xi32, #tpu.memory_space<vmem>> -> memref<128xi32, #tpu.memory_space<vmem>>
        %dma_start3A_141 = arith.constant 0 : i32
        %dma_start3A_142 = arith.constant 0 : i32
        %dma_start3A_143 = tpu.memref_slice %arg2[%dma_start3A_141, %dma_start3A_142] : memref<10000x128xf32, #tpu.memory_space<hbm>> -> memref<10000x128xf32, #tpu.memory_space<hbm>>
        tpu.enqueue_indirect_dma source(%dma_start3A_143 : memref<10000x128xf32, #tpu.memory_space<hbm>>) target(%arg9 : memref<128x128xf32, #tpu.memory_space<vmem>>) offsets(%dma_start3A_140 : memref<128xi32, #tpu.memory_space<vmem>>) semaphore(%arg11 : memref<!tpu.dma_semaphore, #tpu.memory_space<semaphore_mem>>)
        %dma_wait3A = arith.constant 6 : i32
        %dma_wait3A_144 = arith.constant 0 : i32
        %dma_wait3A_145 = tpu.memref_slice %arg7[%dma_wait3A, %dma_wait3A_144] : memref<16x128xi32, #tpu.memory_space<vmem>> -> memref<1x128xi32, #tpu.memory_space<vmem>>
        %dma_wait3A_146 = tpu.memref_squeeze %dma_wait3A_145 : memref<1x128xi32, #tpu.memory_space<vmem>> -> memref<128xi32, #tpu.memory_space<vmem>>
        %dma_wait3A_147 = arith.constant 0 : i32
        %dma_wait3A_148 = arith.constant 0 : i32
        %dma_wait3A_149 = tpu.memref_slice %arg2[%dma_wait3A_147, %dma_wait3A_148] : memref<10000x128xf32, #tpu.memory_space<hbm>> -> memref<10000x128xf32, #tpu.memory_space<hbm>>
        tpu.wait_indirect_dma semaphore(%arg11 : memref<!tpu.dma_semaphore, #tpu.memory_space<semaphore_mem>>) src(%dma_wait3A_149 : memref<10000x128xf32, #tpu.memory_space<hbm>>) dst(%arg9 : memref<128x128xf32, #tpu.memory_space<vmem>>)
        %run_scoped3A = arith.constant 6 : i32
        "tpu.region"() ({
          %run_scoped3A_150 = tpu.sem_alloc : memref<!tpu.dma_semaphore, #tpu.memory_space<semaphore_mem>>
          %dma_start3A_151 = arith.constant 0 : i32
          %dma_start3A_152 = tpu.memref_slice %arg8[%run_scoped3A, %dma_start3A_151] : memref<16x128xi32, #tpu.memory_space<vmem>> -> memref<1x128xi32, #tpu.memory_space<vmem>>
          %dma_start3A_153 = tpu.memref_squeeze %dma_start3A_152 : memref<1x128xi32, #tpu.memory_space<vmem>> -> memref<128xi32, #tpu.memory_space<vmem>>
          %dma_start3A_154 = arith.constant 0 : i32
          %dma_start3A_155 = arith.constant 0 : i32
          %dma_start3A_156 = tpu.memref_slice %arg10[%dma_start3A_154, %dma_start3A_155] : memref<10000x128xf32, #tpu.memory_space<vmem_shared>> -> memref<10000x128xf32, #tpu.memory_space<vmem_shared>>
          tpu.enqueue_indirect_dma source(%arg9 : memref<128x128xf32, #tpu.memory_space<vmem>>) target(%dma_start3A_156 : memref<10000x128xf32, #tpu.memory_space<vmem_shared>>) offsets(%dma_start3A_153 : memref<128xi32, #tpu.memory_space<vmem>>) semaphore(%run_scoped3A_150 : memref<!tpu.dma_semaphore, #tpu.memory_space<semaphore_mem>>) {add = true}
          %dma_wait3A_157 = arith.constant 0 : i32
          %dma_wait3A_158 = tpu.memref_slice %arg8[%run_scoped3A, %dma_wait3A_157] : memref<16x128xi32, #tpu.memory_space<vmem>> -> memref<1x128xi32, #tpu.memory_space<vmem>>
          %dma_wait3A_159 = tpu.memref_squeeze %dma_wait3A_158 : memref<1x128xi32, #tpu.memory_space<vmem>> -> memref<128xi32, #tpu.memory_space<vmem>>
          %dma_wait3A_160 = arith.constant 0 : i32
          %dma_wait3A_161 = arith.constant 0 : i32
          %dma_wait3A_162 = tpu.memref_slice %arg10[%dma_wait3A_160, %dma_wait3A_161] : memref<10000x128xf32, #tpu.memory_space<vmem_shared>> -> memref<10000x128xf32, #tpu.memory_space<vmem_shared>>
          tpu.wait_indirect_dma semaphore(%run_scoped3A_150 : memref<!tpu.dma_semaphore, #tpu.memory_space<semaphore_mem>>) src(%arg9 : memref<128x128xf32, #tpu.memory_space<vmem>>) dst(%dma_wait3A_162 : memref<10000x128xf32, #tpu.memory_space<vmem_shared>>)
          tpu.yield
        }) : () -> ()
      } else {
      }
      %add3A_75 = arith.constant 7 : i32
      %add3A_76 = arith.addi %multiple_of3A, %add3A_75 : i32
      %lt3A_77 = arith.constant 1250 : i32
      %lt3A_78 = arith.cmpi slt, %add3A_76, %lt3A_77 : i32
      %convert_element_type3A_79 = arith.extui %lt3A_78 : i1 to i32
      %cond3A_80 = arith.constant 0 : i32
      %cond3A_81 = arith.cmpi ne, %convert_element_type3A_79, %cond3A_80 : i32
      scf.if %cond3A_81 {
        %dma_start3A = arith.constant 7 : i32
        %dma_start3A_138 = arith.constant 0 : i32
        %dma_start3A_139 = tpu.memref_slice %arg7[%dma_start3A, %dma_start3A_138] : memref<16x128xi32, #tpu.memory_space<vmem>> -> memref<1x128xi32, #tpu.memory_space<vmem>>
        %dma_start3A_140 = tpu.memref_squeeze %dma_start3A_139 : memref<1x128xi32, #tpu.memory_space<vmem>> -> memref<128xi32, #tpu.memory_space<vmem>>
        %dma_start3A_141 = arith.constant 0 : i32
        %dma_start3A_142 = arith.constant 0 : i32
        %dma_start3A_143 = tpu.memref_slice %arg2[%dma_start3A_141, %dma_start3A_142] : memref<10000x128xf32, #tpu.memory_space<hbm>> -> memref<10000x128xf32, #tpu.memory_space<hbm>>
        tpu.enqueue_indirect_dma source(%dma_start3A_143 : memref<10000x128xf32, #tpu.memory_space<hbm>>) target(%arg9 : memref<128x128xf32, #tpu.memory_space<vmem>>) offsets(%dma_start3A_140 : memref<128xi32, #tpu.memory_space<vmem>>) semaphore(%arg11 : memref<!tpu.dma_semaphore, #tpu.memory_space<semaphore_mem>>)
        %dma_wait3A = arith.constant 7 : i32
        %dma_wait3A_144 = arith.constant 0 : i32
        %dma_wait3A_145 = tpu.memref_slice %arg7[%dma_wait3A, %dma_wait3A_144] : memref<16x128xi32, #tpu.memory_space<vmem>> -> memref<1x128xi32, #tpu.memory_space<vmem>>
        %dma_wait3A_146 = tpu.memref_squeeze %dma_wait3A_145 : memref<1x128xi32, #tpu.memory_space<vmem>> -> memref<128xi32, #tpu.memory_space<vmem>>
        %dma_wait3A_147 = arith.constant 0 : i32
        %dma_wait3A_148 = arith.constant 0 : i32
        %dma_wait3A_149 = tpu.memref_slice %arg2[%dma_wait3A_147, %dma_wait3A_148] : memref<10000x128xf32, #tpu.memory_space<hbm>> -> memref<10000x128xf32, #tpu.memory_space<hbm>>
        tpu.wait_indirect_dma semaphore(%arg11 : memref<!tpu.dma_semaphore, #tpu.memory_space<semaphore_mem>>) src(%dma_wait3A_149 : memref<10000x128xf32, #tpu.memory_space<hbm>>) dst(%arg9 : memref<128x128xf32, #tpu.memory_space<vmem>>)
        %run_scoped3A = arith.constant 7 : i32
        "tpu.region"() ({
          %run_scoped3A_150 = tpu.sem_alloc : memref<!tpu.dma_semaphore, #tpu.memory_space<semaphore_mem>>
          %dma_start3A_151 = arith.constant 0 : i32
          %dma_start3A_152 = tpu.memref_slice %arg8[%run_scoped3A, %dma_start3A_151] : memref<16x128xi32, #tpu.memory_space<vmem>> -> memref<1x128xi32, #tpu.memory_space<vmem>>
          %dma_start3A_153 = tpu.memref_squeeze %dma_start3A_152 : memref<1x128xi32, #tpu.memory_space<vmem>> -> memref<128xi32, #tpu.memory_space<vmem>>
          %dma_start3A_154 = arith.constant 0 : i32
          %dma_start3A_155 = arith.constant 0 : i32
          %dma_start3A_156 = tpu.memref_slice %arg10[%dma_start3A_154, %dma_start3A_155] : memref<10000x128xf32, #tpu.memory_space<vmem_shared>> -> memref<10000x128xf32, #tpu.memory_space<vmem_shared>>
          tpu.enqueue_indirect_dma source(%arg9 : memref<128x128xf32, #tpu.memory_space<vmem>>) target(%dma_start3A_156 : memref<10000x128xf32, #tpu.memory_space<vmem_shared>>) offsets(%dma_start3A_153 : memref<128xi32, #tpu.memory_space<vmem>>) semaphore(%run_scoped3A_150 : memref<!tpu.dma_semaphore, #tpu.memory_space<semaphore_mem>>) {add = true}
          %dma_wait3A_157 = arith.constant 0 : i32
          %dma_wait3A_158 = tpu.memref_slice %arg8[%run_scoped3A, %dma_wait3A_157] : memref<16x128xi32, #tpu.memory_space<vmem>> -> memref<1x128xi32, #tpu.memory_space<vmem>>
          %dma_wait3A_159 = tpu.memref_squeeze %dma_wait3A_158 : memref<1x128xi32, #tpu.memory_space<vmem>> -> memref<128xi32, #tpu.memory_space<vmem>>
          %dma_wait3A_160 = arith.constant 0 : i32
          %dma_wait3A_161 = arith.constant 0 : i32
          %dma_wait3A_162 = tpu.memref_slice %arg10[%dma_wait3A_160, %dma_wait3A_161] : memref<10000x128xf32, #tpu.memory_space<vmem_shared>> -> memref<10000x128xf32, #tpu.memory_space<vmem_shared>>
          tpu.wait_indirect_dma semaphore(%run_scoped3A_150 : memref<!tpu.dma_semaphore, #tpu.memory_space<semaphore_mem>>) src(%arg9 : memref<128x128xf32, #tpu.memory_space<vmem>>) dst(%dma_wait3A_162 : memref<10000x128xf32, #tpu.memory_space<vmem_shared>>)
          tpu.yield
        }) : () -> ()
      } else {
      }
      %add3A_82 = arith.constant 8 : i32
      %add3A_83 = arith.addi %multiple_of3A, %add3A_82 : i32
      %lt3A_84 = arith.constant 1250 : i32
      %lt3A_85 = arith.cmpi slt, %add3A_83, %lt3A_84 : i32
      %convert_element_type3A_86 = arith.extui %lt3A_85 : i1 to i32
      %cond3A_87 = arith.constant 0 : i32
      %cond3A_88 = arith.cmpi ne, %convert_element_type3A_86, %cond3A_87 : i32
      scf.if %cond3A_88 {
        %dma_start3A = arith.constant 8 : i32
        %dma_start3A_138 = arith.constant 0 : i32
        %dma_start3A_139 = tpu.memref_slice %arg7[%dma_start3A, %dma_start3A_138] : memref<16x128xi32, #tpu.memory_space<vmem>> -> memref<1x128xi32, #tpu.memory_space<vmem>>
        %dma_start3A_140 = tpu.memref_squeeze %dma_start3A_139 : memref<1x128xi32, #tpu.memory_space<vmem>> -> memref<128xi32, #tpu.memory_space<vmem>>
        %dma_start3A_141 = arith.constant 0 : i32
        %dma_start3A_142 = arith.constant 0 : i32
        %dma_start3A_143 = tpu.memref_slice %arg2[%dma_start3A_141, %dma_start3A_142] : memref<10000x128xf32, #tpu.memory_space<hbm>> -> memref<10000x128xf32, #tpu.memory_space<hbm>>
        tpu.enqueue_indirect_dma source(%dma_start3A_143 : memref<10000x128xf32, #tpu.memory_space<hbm>>) target(%arg9 : memref<128x128xf32, #tpu.memory_space<vmem>>) offsets(%dma_start3A_140 : memref<128xi32, #tpu.memory_space<vmem>>) semaphore(%arg11 : memref<!tpu.dma_semaphore, #tpu.memory_space<semaphore_mem>>)
        %dma_wait3A = arith.constant 8 : i32
        %dma_wait3A_144 = arith.constant 0 : i32
        %dma_wait3A_145 = tpu.memref_slice %arg7[%dma_wait3A, %dma_wait3A_144] : memref<16x128xi32, #tpu.memory_space<vmem>> -> memref<1x128xi32, #tpu.memory_space<vmem>>
        %dma_wait3A_146 = tpu.memref_squeeze %dma_wait3A_145 : memref<1x128xi32, #tpu.memory_space<vmem>> -> memref<128xi32, #tpu.memory_space<vmem>>
        %dma_wait3A_147 = arith.constant 0 : i32
        %dma_wait3A_148 = arith.constant 0 : i32
        %dma_wait3A_149 = tpu.memref_slice %arg2[%dma_wait3A_147, %dma_wait3A_148] : memref<10000x128xf32, #tpu.memory_space<hbm>> -> memref<10000x128xf32, #tpu.memory_space<hbm>>
        tpu.wait_indirect_dma semaphore(%arg11 : memref<!tpu.dma_semaphore, #tpu.memory_space<semaphore_mem>>) src(%dma_wait3A_149 : memref<10000x128xf32, #tpu.memory_space<hbm>>) dst(%arg9 : memref<128x128xf32, #tpu.memory_space<vmem>>)
        %run_scoped3A = arith.constant 8 : i32
        "tpu.region"() ({
          %run_scoped3A_150 = tpu.sem_alloc : memref<!tpu.dma_semaphore, #tpu.memory_space<semaphore_mem>>
          %dma_start3A_151 = arith.constant 0 : i32
          %dma_start3A_152 = tpu.memref_slice %arg8[%run_scoped3A, %dma_start3A_151] : memref<16x128xi32, #tpu.memory_space<vmem>> -> memref<1x128xi32, #tpu.memory_space<vmem>>
          %dma_start3A_153 = tpu.memref_squeeze %dma_start3A_152 : memref<1x128xi32, #tpu.memory_space<vmem>> -> memref<128xi32, #tpu.memory_space<vmem>>
          %dma_start3A_154 = arith.constant 0 : i32
          %dma_start3A_155 = arith.constant 0 : i32
          %dma_start3A_156 = tpu.memref_slice %arg10[%dma_start3A_154, %dma_start3A_155] : memref<10000x128xf32, #tpu.memory_space<vmem_shared>> -> memref<10000x128xf32, #tpu.memory_space<vmem_shared>>
          tpu.enqueue_indirect_dma source(%arg9 : memref<128x128xf32, #tpu.memory_space<vmem>>) target(%dma_start3A_156 : memref<10000x128xf32, #tpu.memory_space<vmem_shared>>) offsets(%dma_start3A_153 : memref<128xi32, #tpu.memory_space<vmem>>) semaphore(%run_scoped3A_150 : memref<!tpu.dma_semaphore, #tpu.memory_space<semaphore_mem>>) {add = true}
          %dma_wait3A_157 = arith.constant 0 : i32
          %dma_wait3A_158 = tpu.memref_slice %arg8[%run_scoped3A, %dma_wait3A_157] : memref<16x128xi32, #tpu.memory_space<vmem>> -> memref<1x128xi32, #tpu.memory_space<vmem>>
          %dma_wait3A_159 = tpu.memref_squeeze %dma_wait3A_158 : memref<1x128xi32, #tpu.memory_space<vmem>> -> memref<128xi32, #tpu.memory_space<vmem>>
          %dma_wait3A_160 = arith.constant 0 : i32
          %dma_wait3A_161 = arith.constant 0 : i32
          %dma_wait3A_162 = tpu.memref_slice %arg10[%dma_wait3A_160, %dma_wait3A_161] : memref<10000x128xf32, #tpu.memory_space<vmem_shared>> -> memref<10000x128xf32, #tpu.memory_space<vmem_shared>>
          tpu.wait_indirect_dma semaphore(%run_scoped3A_150 : memref<!tpu.dma_semaphore, #tpu.memory_space<semaphore_mem>>) src(%arg9 : memref<128x128xf32, #tpu.memory_space<vmem>>) dst(%dma_wait3A_162 : memref<10000x128xf32, #tpu.memory_space<vmem_shared>>)
          tpu.yield
        }) : () -> ()
      } else {
      }
      %add3A_89 = arith.constant 9 : i32
      %add3A_90 = arith.addi %multiple_of3A, %add3A_89 : i32
      %lt3A_91 = arith.constant 1250 : i32
      %lt3A_92 = arith.cmpi slt, %add3A_90, %lt3A_91 : i32
      %convert_element_type3A_93 = arith.extui %lt3A_92 : i1 to i32
      %cond3A_94 = arith.constant 0 : i32
      %cond3A_95 = arith.cmpi ne, %convert_element_type3A_93, %cond3A_94 : i32
      scf.if %cond3A_95 {
        %dma_start3A = arith.constant 9 : i32
        %dma_start3A_138 = arith.constant 0 : i32
        %dma_start3A_139 = tpu.memref_slice %arg7[%dma_start3A, %dma_start3A_138] : memref<16x128xi32, #tpu.memory_space<vmem>> -> memref<1x128xi32, #tpu.memory_space<vmem>>
        %dma_start3A_140 = tpu.memref_squeeze %dma_start3A_139 : memref<1x128xi32, #tpu.memory_space<vmem>> -> memref<128xi32, #tpu.memory_space<vmem>>
        %dma_start3A_141 = arith.constant 0 : i32
        %dma_start3A_142 = arith.constant 0 : i32
        %dma_start3A_143 = tpu.memref_slice %arg2[%dma_start3A_141, %dma_start3A_142] : memref<10000x128xf32, #tpu.memory_space<hbm>> -> memref<10000x128xf32, #tpu.memory_space<hbm>>
        tpu.enqueue_indirect_dma source(%dma_start3A_143 : memref<10000x128xf32, #tpu.memory_space<hbm>>) target(%arg9 : memref<128x128xf32, #tpu.memory_space<vmem>>) offsets(%dma_start3A_140 : memref<128xi32, #tpu.memory_space<vmem>>) semaphore(%arg11 : memref<!tpu.dma_semaphore, #tpu.memory_space<semaphore_mem>>)
        %dma_wait3A = arith.constant 9 : i32
        %dma_wait3A_144 = arith.constant 0 : i32
        %dma_wait3A_145 = tpu.memref_slice %arg7[%dma_wait3A, %dma_wait3A_144] : memref<16x128xi32, #tpu.memory_space<vmem>> -> memref<1x128xi32, #tpu.memory_space<vmem>>
        %dma_wait3A_146 = tpu.memref_squeeze %dma_wait3A_145 : memref<1x128xi32, #tpu.memory_space<vmem>> -> memref<128xi32, #tpu.memory_space<vmem>>
        %dma_wait3A_147 = arith.constant 0 : i32
        %dma_wait3A_148 = arith.constant 0 : i32
        %dma_wait3A_149 = tpu.memref_slice %arg2[%dma_wait3A_147, %dma_wait3A_148] : memref<10000x128xf32, #tpu.memory_space<hbm>> -> memref<10000x128xf32, #tpu.memory_space<hbm>>
        tpu.wait_indirect_dma semaphore(%arg11 : memref<!tpu.dma_semaphore, #tpu.memory_space<semaphore_mem>>) src(%dma_wait3A_149 : memref<10000x128xf32, #tpu.memory_space<hbm>>) dst(%arg9 : memref<128x128xf32, #tpu.memory_space<vmem>>)
        %run_scoped3A = arith.constant 9 : i32
        "tpu.region"() ({
          %run_scoped3A_150 = tpu.sem_alloc : memref<!tpu.dma_semaphore, #tpu.memory_space<semaphore_mem>>
          %dma_start3A_151 = arith.constant 0 : i32
          %dma_start3A_152 = tpu.memref_slice %arg8[%run_scoped3A, %dma_start3A_151] : memref<16x128xi32, #tpu.memory_space<vmem>> -> memref<1x128xi32, #tpu.memory_space<vmem>>
          %dma_start3A_153 = tpu.memref_squeeze %dma_start3A_152 : memref<1x128xi32, #tpu.memory_space<vmem>> -> memref<128xi32, #tpu.memory_space<vmem>>
          %dma_start3A_154 = arith.constant 0 : i32
          %dma_start3A_155 = arith.constant 0 : i32
          %dma_start3A_156 = tpu.memref_slice %arg10[%dma_start3A_154, %dma_start3A_155] : memref<10000x128xf32, #tpu.memory_space<vmem_shared>> -> memref<10000x128xf32, #tpu.memory_space<vmem_shared>>
          tpu.enqueue_indirect_dma source(%arg9 : memref<128x128xf32, #tpu.memory_space<vmem>>) target(%dma_start3A_156 : memref<10000x128xf32, #tpu.memory_space<vmem_shared>>) offsets(%dma_start3A_153 : memref<128xi32, #tpu.memory_space<vmem>>) semaphore(%run_scoped3A_150 : memref<!tpu.dma_semaphore, #tpu.memory_space<semaphore_mem>>) {add = true}
          %dma_wait3A_157 = arith.constant 0 : i32
          %dma_wait3A_158 = tpu.memref_slice %arg8[%run_scoped3A, %dma_wait3A_157] : memref<16x128xi32, #tpu.memory_space<vmem>> -> memref<1x128xi32, #tpu.memory_space<vmem>>
          %dma_wait3A_159 = tpu.memref_squeeze %dma_wait3A_158 : memref<1x128xi32, #tpu.memory_space<vmem>> -> memref<128xi32, #tpu.memory_space<vmem>>
          %dma_wait3A_160 = arith.constant 0 : i32
          %dma_wait3A_161 = arith.constant 0 : i32
          %dma_wait3A_162 = tpu.memref_slice %arg10[%dma_wait3A_160, %dma_wait3A_161] : memref<10000x128xf32, #tpu.memory_space<vmem_shared>> -> memref<10000x128xf32, #tpu.memory_space<vmem_shared>>
          tpu.wait_indirect_dma semaphore(%run_scoped3A_150 : memref<!tpu.dma_semaphore, #tpu.memory_space<semaphore_mem>>) src(%arg9 : memref<128x128xf32, #tpu.memory_space<vmem>>) dst(%dma_wait3A_162 : memref<10000x128xf32, #tpu.memory_space<vmem_shared>>)
          tpu.yield
        }) : () -> ()
      } else {
      }
      %add3A_96 = arith.constant 10 : i32
      %add3A_97 = arith.addi %multiple_of3A, %add3A_96 : i32
      %lt3A_98 = arith.constant 1250 : i32
      %lt3A_99 = arith.cmpi slt, %add3A_97, %lt3A_98 : i32
      %convert_element_type3A_100 = arith.extui %lt3A_99 : i1 to i32
      %cond3A_101 = arith.constant 0 : i32
      %cond3A_102 = arith.cmpi ne, %convert_element_type3A_100, %cond3A_101 : i32
      scf.if %cond3A_102 {
        %dma_start3A = arith.constant 10 : i32
        %dma_start3A_138 = arith.constant 0 : i32
        %dma_start3A_139 = tpu.memref_slice %arg7[%dma_start3A, %dma_start3A_138] : memref<16x128xi32, #tpu.memory_space<vmem>> -> memref<1x128xi32, #tpu.memory_space<vmem>>
        %dma_start3A_140 = tpu.memref_squeeze %dma_start3A_139 : memref<1x128xi32, #tpu.memory_space<vmem>> -> memref<128xi32, #tpu.memory_space<vmem>>
        %dma_start3A_141 = arith.constant 0 : i32
        %dma_start3A_142 = arith.constant 0 : i32
        %dma_start3A_143 = tpu.memref_slice %arg2[%dma_start3A_141, %dma_start3A_142] : memref<10000x128xf32, #tpu.memory_space<hbm>> -> memref<10000x128xf32, #tpu.memory_space<hbm>>
        tpu.enqueue_indirect_dma source(%dma_start3A_143 : memref<10000x128xf32, #tpu.memory_space<hbm>>) target(%arg9 : memref<128x128xf32, #tpu.memory_space<vmem>>) offsets(%dma_start3A_140 : memref<128xi32, #tpu.memory_space<vmem>>) semaphore(%arg11 : memref<!tpu.dma_semaphore, #tpu.memory_space<semaphore_mem>>)
        %dma_wait3A = arith.constant 10 : i32
        %dma_wait3A_144 = arith.constant 0 : i32
        %dma_wait3A_145 = tpu.memref_slice %arg7[%dma_wait3A, %dma_wait3A_144] : memref<16x128xi32, #tpu.memory_space<vmem>> -> memref<1x128xi32, #tpu.memory_space<vmem>>
        %dma_wait3A_146 = tpu.memref_squeeze %dma_wait3A_145 : memref<1x128xi32, #tpu.memory_space<vmem>> -> memref<128xi32, #tpu.memory_space<vmem>>
        %dma_wait3A_147 = arith.constant 0 : i32
        %dma_wait3A_148 = arith.constant 0 : i32
        %dma_wait3A_149 = tpu.memref_slice %arg2[%dma_wait3A_147, %dma_wait3A_148] : memref<10000x128xf32, #tpu.memory_space<hbm>> -> memref<10000x128xf32, #tpu.memory_space<hbm>>
        tpu.wait_indirect_dma semaphore(%arg11 : memref<!tpu.dma_semaphore, #tpu.memory_space<semaphore_mem>>) src(%dma_wait3A_149 : memref<10000x128xf32, #tpu.memory_space<hbm>>) dst(%arg9 : memref<128x128xf32, #tpu.memory_space<vmem>>)
        %run_scoped3A = arith.constant 10 : i32
        "tpu.region"() ({
          %run_scoped3A_150 = tpu.sem_alloc : memref<!tpu.dma_semaphore, #tpu.memory_space<semaphore_mem>>
          %dma_start3A_151 = arith.constant 0 : i32
          %dma_start3A_152 = tpu.memref_slice %arg8[%run_scoped3A, %dma_start3A_151] : memref<16x128xi32, #tpu.memory_space<vmem>> -> memref<1x128xi32, #tpu.memory_space<vmem>>
          %dma_start3A_153 = tpu.memref_squeeze %dma_start3A_152 : memref<1x128xi32, #tpu.memory_space<vmem>> -> memref<128xi32, #tpu.memory_space<vmem>>
          %dma_start3A_154 = arith.constant 0 : i32
          %dma_start3A_155 = arith.constant 0 : i32
          %dma_start3A_156 = tpu.memref_slice %arg10[%dma_start3A_154, %dma_start3A_155] : memref<10000x128xf32, #tpu.memory_space<vmem_shared>> -> memref<10000x128xf32, #tpu.memory_space<vmem_shared>>
          tpu.enqueue_indirect_dma source(%arg9 : memref<128x128xf32, #tpu.memory_space<vmem>>) target(%dma_start3A_156 : memref<10000x128xf32, #tpu.memory_space<vmem_shared>>) offsets(%dma_start3A_153 : memref<128xi32, #tpu.memory_space<vmem>>) semaphore(%run_scoped3A_150 : memref<!tpu.dma_semaphore, #tpu.memory_space<semaphore_mem>>) {add = true}
          %dma_wait3A_157 = arith.constant 0 : i32
          %dma_wait3A_158 = tpu.memref_slice %arg8[%run_scoped3A, %dma_wait3A_157] : memref<16x128xi32, #tpu.memory_space<vmem>> -> memref<1x128xi32, #tpu.memory_space<vmem>>
          %dma_wait3A_159 = tpu.memref_squeeze %dma_wait3A_158 : memref<1x128xi32, #tpu.memory_space<vmem>> -> memref<128xi32, #tpu.memory_space<vmem>>
          %dma_wait3A_160 = arith.constant 0 : i32
          %dma_wait3A_161 = arith.constant 0 : i32
          %dma_wait3A_162 = tpu.memref_slice %arg10[%dma_wait3A_160, %dma_wait3A_161] : memref<10000x128xf32, #tpu.memory_space<vmem_shared>> -> memref<10000x128xf32, #tpu.memory_space<vmem_shared>>
          tpu.wait_indirect_dma semaphore(%run_scoped3A_150 : memref<!tpu.dma_semaphore, #tpu.memory_space<semaphore_mem>>) src(%arg9 : memref<128x128xf32, #tpu.memory_space<vmem>>) dst(%dma_wait3A_162 : memref<10000x128xf32, #tpu.memory_space<vmem_shared>>)
          tpu.yield
        }) : () -> ()
      } else {
      }
      %add3A_103 = arith.constant 11 : i32
      %add3A_104 = arith.addi %multiple_of3A, %add3A_103 : i32
      %lt3A_105 = arith.constant 1250 : i32
      %lt3A_106 = arith.cmpi slt, %add3A_104, %lt3A_105 : i32
      %convert_element_type3A_107 = arith.extui %lt3A_106 : i1 to i32
      %cond3A_108 = arith.constant 0 : i32
      %cond3A_109 = arith.cmpi ne, %convert_element_type3A_107, %cond3A_108 : i32
      scf.if %cond3A_109 {
        %dma_start3A = arith.constant 11 : i32
        %dma_start3A_138 = arith.constant 0 : i32
        %dma_start3A_139 = tpu.memref_slice %arg7[%dma_start3A, %dma_start3A_138] : memref<16x128xi32, #tpu.memory_space<vmem>> -> memref<1x128xi32, #tpu.memory_space<vmem>>
        %dma_start3A_140 = tpu.memref_squeeze %dma_start3A_139 : memref<1x128xi32, #tpu.memory_space<vmem>> -> memref<128xi32, #tpu.memory_space<vmem>>
        %dma_start3A_141 = arith.constant 0 : i32
        %dma_start3A_142 = arith.constant 0 : i32
        %dma_start3A_143 = tpu.memref_slice %arg2[%dma_start3A_141, %dma_start3A_142] : memref<10000x128xf32, #tpu.memory_space<hbm>> -> memref<10000x128xf32, #tpu.memory_space<hbm>>
        tpu.enqueue_indirect_dma source(%dma_start3A_143 : memref<10000x128xf32, #tpu.memory_space<hbm>>) target(%arg9 : memref<128x128xf32, #tpu.memory_space<vmem>>) offsets(%dma_start3A_140 : memref<128xi32, #tpu.memory_space<vmem>>) semaphore(%arg11 : memref<!tpu.dma_semaphore, #tpu.memory_space<semaphore_mem>>)
        %dma_wait3A = arith.constant 11 : i32
        %dma_wait3A_144 = arith.constant 0 : i32
        %dma_wait3A_145 = tpu.memref_slice %arg7[%dma_wait3A, %dma_wait3A_144] : memref<16x128xi32, #tpu.memory_space<vmem>> -> memref<1x128xi32, #tpu.memory_space<vmem>>
        %dma_wait3A_146 = tpu.memref_squeeze %dma_wait3A_145 : memref<1x128xi32, #tpu.memory_space<vmem>> -> memref<128xi32, #tpu.memory_space<vmem>>
        %dma_wait3A_147 = arith.constant 0 : i32
        %dma_wait3A_148 = arith.constant 0 : i32
        %dma_wait3A_149 = tpu.memref_slice %arg2[%dma_wait3A_147, %dma_wait3A_148] : memref<10000x128xf32, #tpu.memory_space<hbm>> -> memref<10000x128xf32, #tpu.memory_space<hbm>>
        tpu.wait_indirect_dma semaphore(%arg11 : memref<!tpu.dma_semaphore, #tpu.memory_space<semaphore_mem>>) src(%dma_wait3A_149 : memref<10000x128xf32, #tpu.memory_space<hbm>>) dst(%arg9 : memref<128x128xf32, #tpu.memory_space<vmem>>)
        %run_scoped3A = arith.constant 11 : i32
        "tpu.region"() ({
          %run_scoped3A_150 = tpu.sem_alloc : memref<!tpu.dma_semaphore, #tpu.memory_space<semaphore_mem>>
          %dma_start3A_151 = arith.constant 0 : i32
          %dma_start3A_152 = tpu.memref_slice %arg8[%run_scoped3A, %dma_start3A_151] : memref<16x128xi32, #tpu.memory_space<vmem>> -> memref<1x128xi32, #tpu.memory_space<vmem>>
          %dma_start3A_153 = tpu.memref_squeeze %dma_start3A_152 : memref<1x128xi32, #tpu.memory_space<vmem>> -> memref<128xi32, #tpu.memory_space<vmem>>
          %dma_start3A_154 = arith.constant 0 : i32
          %dma_start3A_155 = arith.constant 0 : i32
          %dma_start3A_156 = tpu.memref_slice %arg10[%dma_start3A_154, %dma_start3A_155] : memref<10000x128xf32, #tpu.memory_space<vmem_shared>> -> memref<10000x128xf32, #tpu.memory_space<vmem_shared>>
          tpu.enqueue_indirect_dma source(%arg9 : memref<128x128xf32, #tpu.memory_space<vmem>>) target(%dma_start3A_156 : memref<10000x128xf32, #tpu.memory_space<vmem_shared>>) offsets(%dma_start3A_153 : memref<128xi32, #tpu.memory_space<vmem>>) semaphore(%run_scoped3A_150 : memref<!tpu.dma_semaphore, #tpu.memory_space<semaphore_mem>>) {add = true}
          %dma_wait3A_157 = arith.constant 0 : i32
          %dma_wait3A_158 = tpu.memref_slice %arg8[%run_scoped3A, %dma_wait3A_157] : memref<16x128xi32, #tpu.memory_space<vmem>> -> memref<1x128xi32, #tpu.memory_space<vmem>>
          %dma_wait3A_159 = tpu.memref_squeeze %dma_wait3A_158 : memref<1x128xi32, #tpu.memory_space<vmem>> -> memref<128xi32, #tpu.memory_space<vmem>>
          %dma_wait3A_160 = arith.constant 0 : i32
          %dma_wait3A_161 = arith.constant 0 : i32
          %dma_wait3A_162 = tpu.memref_slice %arg10[%dma_wait3A_160, %dma_wait3A_161] : memref<10000x128xf32, #tpu.memory_space<vmem_shared>> -> memref<10000x128xf32, #tpu.memory_space<vmem_shared>>
          tpu.wait_indirect_dma semaphore(%run_scoped3A_150 : memref<!tpu.dma_semaphore, #tpu.memory_space<semaphore_mem>>) src(%arg9 : memref<128x128xf32, #tpu.memory_space<vmem>>) dst(%dma_wait3A_162 : memref<10000x128xf32, #tpu.memory_space<vmem_shared>>)
          tpu.yield
        }) : () -> ()
      } else {
      }
      %add3A_110 = arith.constant 12 : i32
      %add3A_111 = arith.addi %multiple_of3A, %add3A_110 : i32
      %lt3A_112 = arith.constant 1250 : i32
      %lt3A_113 = arith.cmpi slt, %add3A_111, %lt3A_112 : i32
      %convert_element_type3A_114 = arith.extui %lt3A_113 : i1 to i32
      %cond3A_115 = arith.constant 0 : i32
      %cond3A_116 = arith.cmpi ne, %convert_element_type3A_114, %cond3A_115 : i32
      scf.if %cond3A_116 {
        %dma_start3A = arith.constant 12 : i32
        %dma_start3A_138 = arith.constant 0 : i32
        %dma_start3A_139 = tpu.memref_slice %arg7[%dma_start3A, %dma_start3A_138] : memref<16x128xi32, #tpu.memory_space<vmem>> -> memref<1x128xi32, #tpu.memory_space<vmem>>
        %dma_start3A_140 = tpu.memref_squeeze %dma_start3A_139 : memref<1x128xi32, #tpu.memory_space<vmem>> -> memref<128xi32, #tpu.memory_space<vmem>>
        %dma_start3A_141 = arith.constant 0 : i32
        %dma_start3A_142 = arith.constant 0 : i32
        %dma_start3A_143 = tpu.memref_slice %arg2[%dma_start3A_141, %dma_start3A_142] : memref<10000x128xf32, #tpu.memory_space<hbm>> -> memref<10000x128xf32, #tpu.memory_space<hbm>>
        tpu.enqueue_indirect_dma source(%dma_start3A_143 : memref<10000x128xf32, #tpu.memory_space<hbm>>) target(%arg9 : memref<128x128xf32, #tpu.memory_space<vmem>>) offsets(%dma_start3A_140 : memref<128xi32, #tpu.memory_space<vmem>>) semaphore(%arg11 : memref<!tpu.dma_semaphore, #tpu.memory_space<semaphore_mem>>)
        %dma_wait3A = arith.constant 12 : i32
        %dma_wait3A_144 = arith.constant 0 : i32
        %dma_wait3A_145 = tpu.memref_slice %arg7[%dma_wait3A, %dma_wait3A_144] : memref<16x128xi32, #tpu.memory_space<vmem>> -> memref<1x128xi32, #tpu.memory_space<vmem>>
        %dma_wait3A_146 = tpu.memref_squeeze %dma_wait3A_145 : memref<1x128xi32, #tpu.memory_space<vmem>> -> memref<128xi32, #tpu.memory_space<vmem>>
        %dma_wait3A_147 = arith.constant 0 : i32
        %dma_wait3A_148 = arith.constant 0 : i32
        %dma_wait3A_149 = tpu.memref_slice %arg2[%dma_wait3A_147, %dma_wait3A_148] : memref<10000x128xf32, #tpu.memory_space<hbm>> -> memref<10000x128xf32, #tpu.memory_space<hbm>>
        tpu.wait_indirect_dma semaphore(%arg11 : memref<!tpu.dma_semaphore, #tpu.memory_space<semaphore_mem>>) src(%dma_wait3A_149 : memref<10000x128xf32, #tpu.memory_space<hbm>>) dst(%arg9 : memref<128x128xf32, #tpu.memory_space<vmem>>)
        %run_scoped3A = arith.constant 12 : i32
        "tpu.region"() ({
          %run_scoped3A_150 = tpu.sem_alloc : memref<!tpu.dma_semaphore, #tpu.memory_space<semaphore_mem>>
          %dma_start3A_151 = arith.constant 0 : i32
          %dma_start3A_152 = tpu.memref_slice %arg8[%run_scoped3A, %dma_start3A_151] : memref<16x128xi32, #tpu.memory_space<vmem>> -> memref<1x128xi32, #tpu.memory_space<vmem>>
          %dma_start3A_153 = tpu.memref_squeeze %dma_start3A_152 : memref<1x128xi32, #tpu.memory_space<vmem>> -> memref<128xi32, #tpu.memory_space<vmem>>
          %dma_start3A_154 = arith.constant 0 : i32
          %dma_start3A_155 = arith.constant 0 : i32
          %dma_start3A_156 = tpu.memref_slice %arg10[%dma_start3A_154, %dma_start3A_155] : memref<10000x128xf32, #tpu.memory_space<vmem_shared>> -> memref<10000x128xf32, #tpu.memory_space<vmem_shared>>
          tpu.enqueue_indirect_dma source(%arg9 : memref<128x128xf32, #tpu.memory_space<vmem>>) target(%dma_start3A_156 : memref<10000x128xf32, #tpu.memory_space<vmem_shared>>) offsets(%dma_start3A_153 : memref<128xi32, #tpu.memory_space<vmem>>) semaphore(%run_scoped3A_150 : memref<!tpu.dma_semaphore, #tpu.memory_space<semaphore_mem>>) {add = true}
          %dma_wait3A_157 = arith.constant 0 : i32
          %dma_wait3A_158 = tpu.memref_slice %arg8[%run_scoped3A, %dma_wait3A_157] : memref<16x128xi32, #tpu.memory_space<vmem>> -> memref<1x128xi32, #tpu.memory_space<vmem>>
          %dma_wait3A_159 = tpu.memref_squeeze %dma_wait3A_158 : memref<1x128xi32, #tpu.memory_space<vmem>> -> memref<128xi32, #tpu.memory_space<vmem>>
          %dma_wait3A_160 = arith.constant 0 : i32
          %dma_wait3A_161 = arith.constant 0 : i32
          %dma_wait3A_162 = tpu.memref_slice %arg10[%dma_wait3A_160, %dma_wait3A_161] : memref<10000x128xf32, #tpu.memory_space<vmem_shared>> -> memref<10000x128xf32, #tpu.memory_space<vmem_shared>>
          tpu.wait_indirect_dma semaphore(%run_scoped3A_150 : memref<!tpu.dma_semaphore, #tpu.memory_space<semaphore_mem>>) src(%arg9 : memref<128x128xf32, #tpu.memory_space<vmem>>) dst(%dma_wait3A_162 : memref<10000x128xf32, #tpu.memory_space<vmem_shared>>)
          tpu.yield
        }) : () -> ()
      } else {
      }
      %add3A_117 = arith.constant 13 : i32
      %add3A_118 = arith.addi %multiple_of3A, %add3A_117 : i32
      %lt3A_119 = arith.constant 1250 : i32
      %lt3A_120 = arith.cmpi slt, %add3A_118, %lt3A_119 : i32
      %convert_element_type3A_121 = arith.extui %lt3A_120 : i1 to i32
      %cond3A_122 = arith.constant 0 : i32
      %cond3A_123 = arith.cmpi ne, %convert_element_type3A_121, %cond3A_122 : i32
      scf.if %cond3A_123 {
        %dma_start3A = arith.constant 13 : i32
        %dma_start3A_138 = arith.constant 0 : i32
        %dma_start3A_139 = tpu.memref_slice %arg7[%dma_start3A, %dma_start3A_138] : memref<16x128xi32, #tpu.memory_space<vmem>> -> memref<1x128xi32, #tpu.memory_space<vmem>>
        %dma_start3A_140 = tpu.memref_squeeze %dma_start3A_139 : memref<1x128xi32, #tpu.memory_space<vmem>> -> memref<128xi32, #tpu.memory_space<vmem>>
        %dma_start3A_141 = arith.constant 0 : i32
        %dma_start3A_142 = arith.constant 0 : i32
        %dma_start3A_143 = tpu.memref_slice %arg2[%dma_start3A_141, %dma_start3A_142] : memref<10000x128xf32, #tpu.memory_space<hbm>> -> memref<10000x128xf32, #tpu.memory_space<hbm>>
        tpu.enqueue_indirect_dma source(%dma_start3A_143 : memref<10000x128xf32, #tpu.memory_space<hbm>>) target(%arg9 : memref<128x128xf32, #tpu.memory_space<vmem>>) offsets(%dma_start3A_140 : memref<128xi32, #tpu.memory_space<vmem>>) semaphore(%arg11 : memref<!tpu.dma_semaphore, #tpu.memory_space<semaphore_mem>>)
        %dma_wait3A = arith.constant 13 : i32
        %dma_wait3A_144 = arith.constant 0 : i32
        %dma_wait3A_145 = tpu.memref_slice %arg7[%dma_wait3A, %dma_wait3A_144] : memref<16x128xi32, #tpu.memory_space<vmem>> -> memref<1x128xi32, #tpu.memory_space<vmem>>
        %dma_wait3A_146 = tpu.memref_squeeze %dma_wait3A_145 : memref<1x128xi32, #tpu.memory_space<vmem>> -> memref<128xi32, #tpu.memory_space<vmem>>
        %dma_wait3A_147 = arith.constant 0 : i32
        %dma_wait3A_148 = arith.constant 0 : i32
        %dma_wait3A_149 = tpu.memref_slice %arg2[%dma_wait3A_147, %dma_wait3A_148] : memref<10000x128xf32, #tpu.memory_space<hbm>> -> memref<10000x128xf32, #tpu.memory_space<hbm>>
        tpu.wait_indirect_dma semaphore(%arg11 : memref<!tpu.dma_semaphore, #tpu.memory_space<semaphore_mem>>) src(%dma_wait3A_149 : memref<10000x128xf32, #tpu.memory_space<hbm>>) dst(%arg9 : memref<128x128xf32, #tpu.memory_space<vmem>>)
        %run_scoped3A = arith.constant 13 : i32
        "tpu.region"() ({
          %run_scoped3A_150 = tpu.sem_alloc : memref<!tpu.dma_semaphore, #tpu.memory_space<semaphore_mem>>
          %dma_start3A_151 = arith.constant 0 : i32
          %dma_start3A_152 = tpu.memref_slice %arg8[%run_scoped3A, %dma_start3A_151] : memref<16x128xi32, #tpu.memory_space<vmem>> -> memref<1x128xi32, #tpu.memory_space<vmem>>
          %dma_start3A_153 = tpu.memref_squeeze %dma_start3A_152 : memref<1x128xi32, #tpu.memory_space<vmem>> -> memref<128xi32, #tpu.memory_space<vmem>>
          %dma_start3A_154 = arith.constant 0 : i32
          %dma_start3A_155 = arith.constant 0 : i32
          %dma_start3A_156 = tpu.memref_slice %arg10[%dma_start3A_154, %dma_start3A_155] : memref<10000x128xf32, #tpu.memory_space<vmem_shared>> -> memref<10000x128xf32, #tpu.memory_space<vmem_shared>>
          tpu.enqueue_indirect_dma source(%arg9 : memref<128x128xf32, #tpu.memory_space<vmem>>) target(%dma_start3A_156 : memref<10000x128xf32, #tpu.memory_space<vmem_shared>>) offsets(%dma_start3A_153 : memref<128xi32, #tpu.memory_space<vmem>>) semaphore(%run_scoped3A_150 : memref<!tpu.dma_semaphore, #tpu.memory_space<semaphore_mem>>) {add = true}
          %dma_wait3A_157 = arith.constant 0 : i32
          %dma_wait3A_158 = tpu.memref_slice %arg8[%run_scoped3A, %dma_wait3A_157] : memref<16x128xi32, #tpu.memory_space<vmem>> -> memref<1x128xi32, #tpu.memory_space<vmem>>
          %dma_wait3A_159 = tpu.memref_squeeze %dma_wait3A_158 : memref<1x128xi32, #tpu.memory_space<vmem>> -> memref<128xi32, #tpu.memory_space<vmem>>
          %dma_wait3A_160 = arith.constant 0 : i32
          %dma_wait3A_161 = arith.constant 0 : i32
          %dma_wait3A_162 = tpu.memref_slice %arg10[%dma_wait3A_160, %dma_wait3A_161] : memref<10000x128xf32, #tpu.memory_space<vmem_shared>> -> memref<10000x128xf32, #tpu.memory_space<vmem_shared>>
          tpu.wait_indirect_dma semaphore(%run_scoped3A_150 : memref<!tpu.dma_semaphore, #tpu.memory_space<semaphore_mem>>) src(%arg9 : memref<128x128xf32, #tpu.memory_space<vmem>>) dst(%dma_wait3A_162 : memref<10000x128xf32, #tpu.memory_space<vmem_shared>>)
          tpu.yield
        }) : () -> ()
      } else {
      }
      %add3A_124 = arith.constant 14 : i32
      %add3A_125 = arith.addi %multiple_of3A, %add3A_124 : i32
      %lt3A_126 = arith.constant 1250 : i32
      %lt3A_127 = arith.cmpi slt, %add3A_125, %lt3A_126 : i32
      %convert_element_type3A_128 = arith.extui %lt3A_127 : i1 to i32
      %cond3A_129 = arith.constant 0 : i32
      %cond3A_130 = arith.cmpi ne, %convert_element_type3A_128, %cond3A_129 : i32
      scf.if %cond3A_130 {
        %dma_start3A = arith.constant 14 : i32
        %dma_start3A_138 = arith.constant 0 : i32
        %dma_start3A_139 = tpu.memref_slice %arg7[%dma_start3A, %dma_start3A_138] : memref<16x128xi32, #tpu.memory_space<vmem>> -> memref<1x128xi32, #tpu.memory_space<vmem>>
        %dma_start3A_140 = tpu.memref_squeeze %dma_start3A_139 : memref<1x128xi32, #tpu.memory_space<vmem>> -> memref<128xi32, #tpu.memory_space<vmem>>
        %dma_start3A_141 = arith.constant 0 : i32
        %dma_start3A_142 = arith.constant 0 : i32
        %dma_start3A_143 = tpu.memref_slice %arg2[%dma_start3A_141, %dma_start3A_142] : memref<10000x128xf32, #tpu.memory_space<hbm>> -> memref<10000x128xf32, #tpu.memory_space<hbm>>
        tpu.enqueue_indirect_dma source(%dma_start3A_143 : memref<10000x128xf32, #tpu.memory_space<hbm>>) target(%arg9 : memref<128x128xf32, #tpu.memory_space<vmem>>) offsets(%dma_start3A_140 : memref<128xi32, #tpu.memory_space<vmem>>) semaphore(%arg11 : memref<!tpu.dma_semaphore, #tpu.memory_space<semaphore_mem>>)
        %dma_wait3A = arith.constant 14 : i32
        %dma_wait3A_144 = arith.constant 0 : i32
        %dma_wait3A_145 = tpu.memref_slice %arg7[%dma_wait3A, %dma_wait3A_144] : memref<16x128xi32, #tpu.memory_space<vmem>> -> memref<1x128xi32, #tpu.memory_space<vmem>>
        %dma_wait3A_146 = tpu.memref_squeeze %dma_wait3A_145 : memref<1x128xi32, #tpu.memory_space<vmem>> -> memref<128xi32, #tpu.memory_space<vmem>>
        %dma_wait3A_147 = arith.constant 0 : i32
        %dma_wait3A_148 = arith.constant 0 : i32
        %dma_wait3A_149 = tpu.memref_slice %arg2[%dma_wait3A_147, %dma_wait3A_148] : memref<10000x128xf32, #tpu.memory_space<hbm>> -> memref<10000x128xf32, #tpu.memory_space<hbm>>
        tpu.wait_indirect_dma semaphore(%arg11 : memref<!tpu.dma_semaphore, #tpu.memory_space<semaphore_mem>>) src(%dma_wait3A_149 : memref<10000x128xf32, #tpu.memory_space<hbm>>) dst(%arg9 : memref<128x128xf32, #tpu.memory_space<vmem>>)
        %run_scoped3A = arith.constant 14 : i32
        "tpu.region"() ({
          %run_scoped3A_150 = tpu.sem_alloc : memref<!tpu.dma_semaphore, #tpu.memory_space<semaphore_mem>>
          %dma_start3A_151 = arith.constant 0 : i32
          %dma_start3A_152 = tpu.memref_slice %arg8[%run_scoped3A, %dma_start3A_151] : memref<16x128xi32, #tpu.memory_space<vmem>> -> memref<1x128xi32, #tpu.memory_space<vmem>>
          %dma_start3A_153 = tpu.memref_squeeze %dma_start3A_152 : memref<1x128xi32, #tpu.memory_space<vmem>> -> memref<128xi32, #tpu.memory_space<vmem>>
          %dma_start3A_154 = arith.constant 0 : i32
          %dma_start3A_155 = arith.constant 0 : i32
          %dma_start3A_156 = tpu.memref_slice %arg10[%dma_start3A_154, %dma_start3A_155] : memref<10000x128xf32, #tpu.memory_space<vmem_shared>> -> memref<10000x128xf32, #tpu.memory_space<vmem_shared>>
          tpu.enqueue_indirect_dma source(%arg9 : memref<128x128xf32, #tpu.memory_space<vmem>>) target(%dma_start3A_156 : memref<10000x128xf32, #tpu.memory_space<vmem_shared>>) offsets(%dma_start3A_153 : memref<128xi32, #tpu.memory_space<vmem>>) semaphore(%run_scoped3A_150 : memref<!tpu.dma_semaphore, #tpu.memory_space<semaphore_mem>>) {add = true}
          %dma_wait3A_157 = arith.constant 0 : i32
          %dma_wait3A_158 = tpu.memref_slice %arg8[%run_scoped3A, %dma_wait3A_157] : memref<16x128xi32, #tpu.memory_space<vmem>> -> memref<1x128xi32, #tpu.memory_space<vmem>>
          %dma_wait3A_159 = tpu.memref_squeeze %dma_wait3A_158 : memref<1x128xi32, #tpu.memory_space<vmem>> -> memref<128xi32, #tpu.memory_space<vmem>>
          %dma_wait3A_160 = arith.constant 0 : i32
          %dma_wait3A_161 = arith.constant 0 : i32
          %dma_wait3A_162 = tpu.memref_slice %arg10[%dma_wait3A_160, %dma_wait3A_161] : memref<10000x128xf32, #tpu.memory_space<vmem_shared>> -> memref<10000x128xf32, #tpu.memory_space<vmem_shared>>
          tpu.wait_indirect_dma semaphore(%run_scoped3A_150 : memref<!tpu.dma_semaphore, #tpu.memory_space<semaphore_mem>>) src(%arg9 : memref<128x128xf32, #tpu.memory_space<vmem>>) dst(%dma_wait3A_162 : memref<10000x128xf32, #tpu.memory_space<vmem_shared>>)
          tpu.yield
        }) : () -> ()
      } else {
      }
      %add3A_131 = arith.constant 15 : i32
      %add3A_132 = arith.addi %multiple_of3A, %add3A_131 : i32
      %lt3A_133 = arith.constant 1250 : i32
      %lt3A_134 = arith.cmpi slt, %add3A_132, %lt3A_133 : i32
      %convert_element_type3A_135 = arith.extui %lt3A_134 : i1 to i32
      %cond3A_136 = arith.constant 0 : i32
      %cond3A_137 = arith.cmpi ne, %convert_element_type3A_135, %cond3A_136 : i32
      scf.if %cond3A_137 {
        %dma_start3A = arith.constant 15 : i32
        %dma_start3A_138 = arith.constant 0 : i32
        %dma_start3A_139 = tpu.memref_slice %arg7[%dma_start3A, %dma_start3A_138] : memref<16x128xi32, #tpu.memory_space<vmem>> -> memref<1x128xi32, #tpu.memory_space<vmem>>
        %dma_start3A_140 = tpu.memref_squeeze %dma_start3A_139 : memref<1x128xi32, #tpu.memory_space<vmem>> -> memref<128xi32, #tpu.memory_space<vmem>>
        %dma_start3A_141 = arith.constant 0 : i32
        %dma_start3A_142 = arith.constant 0 : i32
        %dma_start3A_143 = tpu.memref_slice %arg2[%dma_start3A_141, %dma_start3A_142] : memref<10000x128xf32, #tpu.memory_space<hbm>> -> memref<10000x128xf32, #tpu.memory_space<hbm>>
        tpu.enqueue_indirect_dma source(%dma_start3A_143 : memref<10000x128xf32, #tpu.memory_space<hbm>>) target(%arg9 : memref<128x128xf32, #tpu.memory_space<vmem>>) offsets(%dma_start3A_140 : memref<128xi32, #tpu.memory_space<vmem>>) semaphore(%arg11 : memref<!tpu.dma_semaphore, #tpu.memory_space<semaphore_mem>>)
        %dma_wait3A = arith.constant 15 : i32
        %dma_wait3A_144 = arith.constant 0 : i32
        %dma_wait3A_145 = tpu.memref_slice %arg7[%dma_wait3A, %dma_wait3A_144] : memref<16x128xi32, #tpu.memory_space<vmem>> -> memref<1x128xi32, #tpu.memory_space<vmem>>
        %dma_wait3A_146 = tpu.memref_squeeze %dma_wait3A_145 : memref<1x128xi32, #tpu.memory_space<vmem>> -> memref<128xi32, #tpu.memory_space<vmem>>
        %dma_wait3A_147 = arith.constant 0 : i32
        %dma_wait3A_148 = arith.constant 0 : i32
        %dma_wait3A_149 = tpu.memref_slice %arg2[%dma_wait3A_147, %dma_wait3A_148] : memref<10000x128xf32, #tpu.memory_space<hbm>> -> memref<10000x128xf32, #tpu.memory_space<hbm>>
        tpu.wait_indirect_dma semaphore(%arg11 : memref<!tpu.dma_semaphore, #tpu.memory_space<semaphore_mem>>) src(%dma_wait3A_149 : memref<10000x128xf32, #tpu.memory_space<hbm>>) dst(%arg9 : memref<128x128xf32, #tpu.memory_space<vmem>>)
        %run_scoped3A = arith.constant 15 : i32
        "tpu.region"() ({
          %run_scoped3A_150 = tpu.sem_alloc : memref<!tpu.dma_semaphore, #tpu.memory_space<semaphore_mem>>
          %dma_start3A_151 = arith.constant 0 : i32
          %dma_start3A_152 = tpu.memref_slice %arg8[%run_scoped3A, %dma_start3A_151] : memref<16x128xi32, #tpu.memory_space<vmem>> -> memref<1x128xi32, #tpu.memory_space<vmem>>
          %dma_start3A_153 = tpu.memref_squeeze %dma_start3A_152 : memref<1x128xi32, #tpu.memory_space<vmem>> -> memref<128xi32, #tpu.memory_space<vmem>>
          %dma_start3A_154 = arith.constant 0 : i32
          %dma_start3A_155 = arith.constant 0 : i32
          %dma_start3A_156 = tpu.memref_slice %arg10[%dma_start3A_154, %dma_start3A_155] : memref<10000x128xf32, #tpu.memory_space<vmem_shared>> -> memref<10000x128xf32, #tpu.memory_space<vmem_shared>>
          tpu.enqueue_indirect_dma source(%arg9 : memref<128x128xf32, #tpu.memory_space<vmem>>) target(%dma_start3A_156 : memref<10000x128xf32, #tpu.memory_space<vmem_shared>>) offsets(%dma_start3A_153 : memref<128xi32, #tpu.memory_space<vmem>>) semaphore(%run_scoped3A_150 : memref<!tpu.dma_semaphore, #tpu.memory_space<semaphore_mem>>) {add = true}
          %dma_wait3A_157 = arith.constant 0 : i32
          %dma_wait3A_158 = tpu.memref_slice %arg8[%run_scoped3A, %dma_wait3A_157] : memref<16x128xi32, #tpu.memory_space<vmem>> -> memref<1x128xi32, #tpu.memory_space<vmem>>
          %dma_wait3A_159 = tpu.memref_squeeze %dma_wait3A_158 : memref<1x128xi32, #tpu.memory_space<vmem>> -> memref<128xi32, #tpu.memory_space<vmem>>
          %dma_wait3A_160 = arith.constant 0 : i32
          %dma_wait3A_161 = arith.constant 0 : i32
          %dma_wait3A_162 = tpu.memref_slice %arg10[%dma_wait3A_160, %dma_wait3A_161] : memref<10000x128xf32, #tpu.memory_space<vmem_shared>> -> memref<10000x128xf32, #tpu.memory_space<vmem_shared>>
          tpu.wait_indirect_dma semaphore(%run_scoped3A_150 : memref<!tpu.dma_semaphore, #tpu.memory_space<semaphore_mem>>) src(%arg9 : memref<128x128xf32, #tpu.memory_space<vmem>>) dst(%dma_wait3A_162 : memref<10000x128xf32, #tpu.memory_space<vmem_shared>>)
          tpu.yield
        }) : () -> ()
      } else {
      }
    }
    %scan3A_11 = arith.constant 5 : i32
    %barrier3A_12 = arith.constant 0 : index
    tpu.barrier barrier_id(%barrier3A_12)
    %lt3A_13 = arith.constant 15 : i32
    %lt3A_14 = arith.cmpi slt, %arg1, %lt3A_13 : i32
    %convert_element_type3A_15 = arith.extui %lt3A_14 : i1 to i32
    %cond3A_16 = arith.constant 0 : i32
    %cond3A_17 = arith.cmpi ne, %convert_element_type3A_15, %cond3A_16 : i32
    scf.if %cond3A_17 {
      %mul3A_23 = arith.constant 632 : i32
      %mul3A_24 = arith.muli %arg1, %mul3A_23 : i32
      %multiple_of3A = tpu.assume_multiple %mul3A_24, 8 : i32
      "tpu.region"() ({
        %run_scoped3A = tpu.sem_alloc : memref<!tpu.dma_semaphore, #tpu.memory_space<semaphore_mem>>
        %dma_start3A = arith.constant 0 : i32
        %dma_start3A_25 = tpu.memref_slice %arg6[%arg0, %multiple_of3A, %dma_start3A] : memref<2x10000x128xf32, #tpu.memory_space<hbm>> -> memref<1x632x128xf32, #tpu.memory_space<hbm>>
        %dma_start3A_26 = tpu.memref_squeeze %dma_start3A_25 : memref<1x632x128xf32, #tpu.memory_space<hbm>> -> memref<632x128xf32, #tpu.memory_space<hbm>>
        %dma_start3A_27 = arith.constant 0 : i32
        %dma_start3A_28 = tpu.memref_slice %arg10[%multiple_of3A, %dma_start3A_27] : memref<10000x128xf32, #tpu.memory_space<vmem_shared>> -> memref<632x128xf32, #tpu.memory_space<vmem_shared>>
        tpu.enqueue_dma source(%dma_start3A_28 : memref<632x128xf32, #tpu.memory_space<vmem_shared>>) target(%dma_start3A_26 : memref<632x128xf32, #tpu.memory_space<hbm>>) target_semaphore(%run_scoped3A : memref<!tpu.dma_semaphore, #tpu.memory_space<semaphore_mem>>)
        %dma_wait3A = arith.constant 0 : i32
        %dma_wait3A_29 = tpu.memref_slice %arg6[%arg0, %multiple_of3A, %dma_wait3A] : memref<2x10000x128xf32, #tpu.memory_space<hbm>> -> memref<1x632x128xf32, #tpu.memory_space<hbm>>
        %dma_wait3A_30 = tpu.memref_squeeze %dma_wait3A_29 : memref<1x632x128xf32, #tpu.memory_space<hbm>> -> memref<632x128xf32, #tpu.memory_space<hbm>>
        %dma_wait3A_31 = arith.constant 0 : i32
        %dma_wait3A_32 = tpu.memref_slice %arg10[%multiple_of3A, %dma_wait3A_31] : memref<10000x128xf32, #tpu.memory_space<vmem_shared>> -> memref<632x128xf32, #tpu.memory_space<vmem_shared>>
        tpu.wait_dma2 semaphore(%run_scoped3A : memref<!tpu.dma_semaphore, #tpu.memory_space<semaphore_mem>>) src(%dma_wait3A_32 : memref<632x128xf32, #tpu.memory_space<vmem_shared>>) dst(%dma_wait3A_30 : memref<632x128xf32, #tpu.memory_space<hbm>>)
        tpu.yield
      }) : () -> ()
    } else {
    }
    %eq3A_18 = arith.constant 15 : i32
    %eq3A_19 = arith.cmpi eq, %arg1, %eq3A_18 : i32
    %convert_element_type3A_20 = arith.extui %eq3A_19 : i1 to i32
    %cond3A_21 = arith.constant 0 : i32
    %cond3A_22 = arith.cmpi ne, %convert_element_type3A_20, %cond3A_21 : i32
    scf.if %cond3A_22 {
      "tpu.region"() ({
        %run_scoped3A = tpu.sem_alloc : memref<!tpu.dma_semaphore, #tpu.memory_space<semaphore_mem>>
        %dma_start3A = arith.constant 9480 : i32
        %dma_start3A_23 = arith.constant 0 : i32
        %dma_start3A_24 = tpu.memref_slice %arg6[%arg0, %dma_start3A, %dma_start3A_23] : memref<2x10000x128xf32, #tpu.memory_space<hbm>> -> memref<1x520x128xf32, #tpu.memory_space<hbm>>
        %dma_start3A_25 = tpu.memref_squeeze %dma_start3A_24 : memref<1x520x128xf32, #tpu.memory_space<hbm>> -> memref<520x128xf32, #tpu.memory_space<hbm>>
        %dma_start3A_26 = arith.constant 9480 : i32
        %dma_start3A_27 = arith.constant 0 : i32
        %dma_start3A_28 = tpu.memref_slice %arg10[%dma_start3A_26, %dma_start3A_27] : memref<10000x128xf32, #tpu.memory_space<vmem_shared>> -> memref<520x128xf32, #tpu.memory_space<vmem_shared>>
        tpu.enqueue_dma source(%dma_start3A_28 : memref<520x128xf32, #tpu.memory_space<vmem_shared>>) target(%dma_start3A_25 : memref<520x128xf32, #tpu.memory_space<hbm>>) target_semaphore(%run_scoped3A : memref<!tpu.dma_semaphore, #tpu.memory_space<semaphore_mem>>)
        %dma_wait3A = arith.constant 9480 : i32
        %dma_wait3A_29 = arith.constant 0 : i32
        %dma_wait3A_30 = tpu.memref_slice %arg6[%arg0, %dma_wait3A, %dma_wait3A_29] : memref<2x10000x128xf32, #tpu.memory_space<hbm>> -> memref<1x520x128xf32, #tpu.memory_space<hbm>>
        %dma_wait3A_31 = tpu.memref_squeeze %dma_wait3A_30 : memref<1x520x128xf32, #tpu.memory_space<hbm>> -> memref<520x128xf32, #tpu.memory_space<hbm>>
        %dma_wait3A_32 = arith.constant 9480 : i32
        %dma_wait3A_33 = arith.constant 0 : i32
        %dma_wait3A_34 = tpu.memref_slice %arg10[%dma_wait3A_32, %dma_wait3A_33] : memref<10000x128xf32, #tpu.memory_space<vmem_shared>> -> memref<520x128xf32, #tpu.memory_space<vmem_shared>>
        tpu.wait_dma2 semaphore(%run_scoped3A : memref<!tpu.dma_semaphore, #tpu.memory_space<semaphore_mem>>) src(%dma_wait3A_34 : memref<520x128xf32, #tpu.memory_space<vmem_shared>>) dst(%dma_wait3A_31 : memref<520x128xf32, #tpu.memory_space<hbm>>)
        tpu.yield
      }) : () -> ()
    } else {
    }
    return
  }
}

#map = affine_map<(d0, d1) -> (0, 0)>
#map1 = affine_map<(d0, d1) -> (0, 0, 0)>
module attributes {stable_mosaic.version = 14 : i64} {
  func.func @body(%arg0: i32, %arg1: i32, %arg2: memref<20000x128xf32, #tpu.memory_space<hbm>>, %arg3: memref<2x2560x128xi32, #tpu.memory_space<hbm>>, %arg4: memref<2x2560x128xi32, #tpu.memory_space<hbm>>, %arg5: memref<10000x128xf32, #tpu.memory_space<hbm>>, %arg6: memref<2x10000x128xf32, #tpu.memory_space<hbm>>, %arg7: memref<16x128xi32, #tpu.memory_space<vmem>>, %arg8: memref<16x128xi32, #tpu.memory_space<vmem>>, %arg9: memref<128x128xf32, #tpu.memory_space<vmem>>, %arg10: memref<10000x128xf32, #tpu.memory_space<vmem_shared>>, %arg11: memref<!tpu.dma_semaphore, #tpu.memory_space<semaphore_mem>>) attributes {dimension_semantics = [#tpu.dimension_semantics<core_parallel>, #tpu.dimension_semantics<subcore_parallel>], iteration_bounds = array<i64: 2, 16>, scalar_prefetch = 0 : i64, scratch_operands = 5 : i64, tpu.core_type = #tpu.core_type<sc_vector_subcore>, window_params = [{transform_indices = #map}, {transform_indices = #map1}, {transform_indices = #map1}, {transform_indices = #map}, {transform_indices = #map1}]} {
    %lt3A = arith.constant 15 : i32
    %lt3A_0 = arith.cmpi slt, %arg1, %lt3A : i32
    %convert_element_type3A = arith.extui %lt3A_0 : i1 to i32
    %cond3A = arith.constant 0 : i32
    %cond3A_1 = arith.cmpi ne, %convert_element_type3A, %cond3A : i32
    scf.if %cond3A_1 {
      %mul3A_23 = arith.constant 632 : i32
      %mul3A_24 = arith.muli %arg1, %mul3A_23 : i32
      %multiple_of3A = tpu.assume_multiple %mul3A_24, 8 : i32
      "tpu.region"() ({
        %run_scoped3A = tpu.sem_alloc : memref<!tpu.dma_semaphore, #tpu.memory_space<semaphore_mem>>
        %dma_start3A = arith.constant 0 : i32
        %dma_start3A_25 = tpu.memref_slice %arg10[%multiple_of3A, %dma_start3A] : memref<10000x128xf32, #tpu.memory_space<vmem_shared>> -> memref<632x128xf32, #tpu.memory_space<vmem_shared>>
        %dma_start3A_26 = arith.constant 0 : i32
        %dma_start3A_27 = tpu.memref_slice %arg5[%multiple_of3A, %dma_start3A_26] : memref<10000x128xf32, #tpu.memory_space<hbm>> -> memref<632x128xf32, #tpu.memory_space<hbm>>
        tpu.enqueue_dma source(%dma_start3A_27 : memref<632x128xf32, #tpu.memory_space<hbm>>) target(%dma_start3A_25 : memref<632x128xf32, #tpu.memory_space<vmem_shared>>) target_semaphore(%run_scoped3A : memref<!tpu.dma_semaphore, #tpu.memory_space<semaphore_mem>>)
        %dma_wait3A = arith.constant 0 : i32
        %dma_wait3A_28 = tpu.memref_slice %arg10[%multiple_of3A, %dma_wait3A] : memref<10000x128xf32, #tpu.memory_space<vmem_shared>> -> memref<632x128xf32, #tpu.memory_space<vmem_shared>>
        %dma_wait3A_29 = arith.constant 0 : i32
        %dma_wait3A_30 = tpu.memref_slice %arg5[%multiple_of3A, %dma_wait3A_29] : memref<10000x128xf32, #tpu.memory_space<hbm>> -> memref<632x128xf32, #tpu.memory_space<hbm>>
        tpu.wait_dma2 semaphore(%run_scoped3A : memref<!tpu.dma_semaphore, #tpu.memory_space<semaphore_mem>>) src(%dma_wait3A_30 : memref<632x128xf32, #tpu.memory_space<hbm>>) dst(%dma_wait3A_28 : memref<632x128xf32, #tpu.memory_space<vmem_shared>>)
        tpu.yield
      }) : () -> ()
    } else {
    }
    %eq3A = arith.constant 15 : i32
    %eq3A_2 = arith.cmpi eq, %arg1, %eq3A : i32
    %convert_element_type3A_3 = arith.extui %eq3A_2 : i1 to i32
    %cond3A_4 = arith.constant 0 : i32
    %cond3A_5 = arith.cmpi ne, %convert_element_type3A_3, %cond3A_4 : i32
    scf.if %cond3A_5 {
      "tpu.region"() ({
        %run_scoped3A = tpu.sem_alloc : memref<!tpu.dma_semaphore, #tpu.memory_space<semaphore_mem>>
        %dma_start3A = arith.constant 9480 : i32
        %dma_start3A_23 = arith.constant 0 : i32
        %dma_start3A_24 = tpu.memref_slice %arg10[%dma_start3A, %dma_start3A_23] : memref<10000x128xf32, #tpu.memory_space<vmem_shared>> -> memref<520x128xf32, #tpu.memory_space<vmem_shared>>
        %dma_start3A_25 = arith.constant 9480 : i32
        %dma_start3A_26 = arith.constant 0 : i32
        %dma_start3A_27 = tpu.memref_slice %arg5[%dma_start3A_25, %dma_start3A_26] : memref<10000x128xf32, #tpu.memory_space<hbm>> -> memref<520x128xf32, #tpu.memory_space<hbm>>
        tpu.enqueue_dma source(%dma_start3A_27 : memref<520x128xf32, #tpu.memory_space<hbm>>) target(%dma_start3A_24 : memref<520x128xf32, #tpu.memory_space<vmem_shared>>) target_semaphore(%run_scoped3A : memref<!tpu.dma_semaphore, #tpu.memory_space<semaphore_mem>>)
        %dma_wait3A = arith.constant 9480 : i32
        %dma_wait3A_28 = arith.constant 0 : i32
        %dma_wait3A_29 = tpu.memref_slice %arg10[%dma_wait3A, %dma_wait3A_28] : memref<10000x128xf32, #tpu.memory_space<vmem_shared>> -> memref<520x128xf32, #tpu.memory_space<vmem_shared>>
        %dma_wait3A_30 = arith.constant 9480 : i32
        %dma_wait3A_31 = arith.constant 0 : i32
        %dma_wait3A_32 = tpu.memref_slice %arg5[%dma_wait3A_30, %dma_wait3A_31] : memref<10000x128xf32, #tpu.memory_space<hbm>> -> memref<520x128xf32, #tpu.memory_space<hbm>>
        tpu.wait_dma2 semaphore(%run_scoped3A : memref<!tpu.dma_semaphore, #tpu.memory_space<semaphore_mem>>) src(%dma_wait3A_32 : memref<520x128xf32, #tpu.memory_space<hbm>>) dst(%dma_wait3A_29 : memref<520x128xf32, #tpu.memory_space<vmem_shared>>)
        tpu.yield
      }) : () -> ()
    } else {
    }
    %barrier3A = arith.constant 0 : index
    tpu.barrier barrier_id(%barrier3A)
    %mul3A = arith.constant 160 : i32
    %mul3A_6 = arith.muli %arg1, %mul3A : i32
    %scan3A = arith.constant 0 : i32
    %scan3A_7 = arith.constant 0 : i32
    %scan3A_8 = arith.constant 10 : i32
    %scan3A_9 = arith.addi %scan3A_7, %scan3A_8 : i32
    %scan3A_10 = arith.constant 1 : i32
    scf.for %scan3A_23 = %scan3A_7 to %scan3A_9 step %scan3A_10  : i32 {
      %mul3A_24 = arith.constant 16 : i32
      %mul3A_25 = arith.muli %scan3A_23, %mul3A_24 : i32
      %add3A = arith.addi %mul3A_6, %mul3A_25 : i32
      %multiple_of3A = tpu.assume_multiple %add3A, 16 : i32
      "tpu.region"() ({
        %run_scoped3A = tpu.sem_alloc : memref<!tpu.dma_semaphore, #tpu.memory_space<semaphore_mem>>
        %dma_start3A = arith.constant 0 : i32
        %dma_start3A_138 = tpu.memref_slice %arg3[%arg0, %multiple_of3A, %dma_start3A] : memref<2x2560x128xi32, #tpu.memory_space<hbm>> -> memref<1x16x128xi32, #tpu.memory_space<hbm>>
        %dma_start3A_139 = tpu.memref_squeeze %dma_start3A_138 : memref<1x16x128xi32, #tpu.memory_space<hbm>> -> memref<16x128xi32, #tpu.memory_space<hbm>>
        %dma_start3A_140 = arith.constant 0 : i32
        %dma_start3A_141 = tpu.memref_slice %arg3[%arg0, %multiple_of3A, %dma_start3A_140] : memref<2x2560x128xi32, #tpu.memory_space<hbm>> -> memref<1x16x128xi32, #tpu.memory_space<hbm>>
        %dma_start3A_142 = tpu.memref_squeeze %dma_start3A_141 : memref<1x16x128xi32, #tpu.memory_space<hbm>> -> memref<16x128xi32, #tpu.memory_space<hbm>>
        tpu.enqueue_dma source(%dma_start3A_142 : memref<16x128xi32, #tpu.memory_space<hbm>>) target(%arg7 : memref<16x128xi32, #tpu.memory_space<vmem>>) target_semaphore(%run_scoped3A : memref<!tpu.dma_semaphore, #tpu.memory_space<semaphore_mem>>)
        %dma_wait3A = arith.constant 0 : i32
        %dma_wait3A_143 = tpu.memref_slice %arg3[%arg0, %multiple_of3A, %dma_wait3A] : memref<2x2560x128xi32, #tpu.memory_space<hbm>> -> memref<1x16x128xi32, #tpu.memory_space<hbm>>
        %dma_wait3A_144 = tpu.memref_squeeze %dma_wait3A_143 : memref<1x16x128xi32, #tpu.memory_space<hbm>> -> memref<16x128xi32, #tpu.memory_space<hbm>>
        %dma_wait3A_145 = arith.constant 0 : i32
        %dma_wait3A_146 = tpu.memref_slice %arg3[%arg0, %multiple_of3A, %dma_wait3A_145] : memref<2x2560x128xi32, #tpu.memory_space<hbm>> -> memref<1x16x128xi32, #tpu.memory_space<hbm>>
        %dma_wait3A_147 = tpu.memref_squeeze %dma_wait3A_146 : memref<1x16x128xi32, #tpu.memory_space<hbm>> -> memref<16x128xi32, #tpu.memory_space<hbm>>
        tpu.wait_dma2 semaphore(%run_scoped3A : memref<!tpu.dma_semaphore, #tpu.memory_space<semaphore_mem>>) src(%dma_wait3A_147 : memref<16x128xi32, #tpu.memory_space<hbm>>) dst(%arg7 : memref<16x128xi32, #tpu.memory_space<vmem>>)
        tpu.yield
      }) : () -> ()
      "tpu.region"() ({
        %run_scoped3A = tpu.sem_alloc : memref<!tpu.dma_semaphore, #tpu.memory_space<semaphore_mem>>
        %dma_start3A = arith.constant 0 : i32
        %dma_start3A_138 = tpu.memref_slice %arg4[%arg0, %multiple_of3A, %dma_start3A] : memref<2x2560x128xi32, #tpu.memory_space<hbm>> -> memref<1x16x128xi32, #tpu.memory_space<hbm>>
        %dma_start3A_139 = tpu.memref_squeeze %dma_start3A_138 : memref<1x16x128xi32, #tpu.memory_space<hbm>> -> memref<16x128xi32, #tpu.memory_space<hbm>>
        %dma_start3A_140 = arith.constant 0 : i32
        %dma_start3A_141 = tpu.memref_slice %arg4[%arg0, %multiple_of3A, %dma_start3A_140] : memref<2x2560x128xi32, #tpu.memory_space<hbm>> -> memref<1x16x128xi32, #tpu.memory_space<hbm>>
        %dma_start3A_142 = tpu.memref_squeeze %dma_start3A_141 : memref<1x16x128xi32, #tpu.memory_space<hbm>> -> memref<16x128xi32, #tpu.memory_space<hbm>>
        tpu.enqueue_dma source(%dma_start3A_142 : memref<16x128xi32, #tpu.memory_space<hbm>>) target(%arg8 : memref<16x128xi32, #tpu.memory_space<vmem>>) target_semaphore(%run_scoped3A : memref<!tpu.dma_semaphore, #tpu.memory_space<semaphore_mem>>)
        %dma_wait3A = arith.constant 0 : i32
        %dma_wait3A_143 = tpu.memref_slice %arg4[%arg0, %multiple_of3A, %dma_wait3A] : memref<2x2560x128xi32, #tpu.memory_space<hbm>> -> memref<1x16x128xi32, #tpu.memory_space<hbm>>
        %dma_wait3A_144 = tpu.memref_squeeze %dma_wait3A_143 : memref<1x16x128xi32, #tpu.memory_space<hbm>> -> memref<16x128xi32, #tpu.memory_space<hbm>>
        %dma_wait3A_145 = arith.constant 0 : i32
        %dma_wait3A_146 = tpu.memref_slice %arg4[%arg0, %multiple_of3A, %dma_wait3A_145] : memref<2x2560x128xi32, #tpu.memory_space<hbm>> -> memref<1x16x128xi32, #tpu.memory_space<hbm>>
        %dma_wait3A_147 = tpu.memref_squeeze %dma_wait3A_146 : memref<1x16x128xi32, #tpu.memory_space<hbm>> -> memref<16x128xi32, #tpu.memory_space<hbm>>
        tpu.wait_dma2 semaphore(%run_scoped3A : memref<!tpu.dma_semaphore, #tpu.memory_space<semaphore_mem>>) src(%dma_wait3A_147 : memref<16x128xi32, #tpu.memory_space<hbm>>) dst(%arg8 : memref<16x128xi32, #tpu.memory_space<vmem>>)
        tpu.yield
      }) : () -> ()
      %add3A_26 = arith.constant 0 : i32
      %add3A_27 = arith.addi %multiple_of3A, %add3A_26 : i32
      %lt3A_28 = arith.constant 2500 : i32
      %lt3A_29 = arith.cmpi slt, %add3A_27, %lt3A_28 : i32
      %convert_element_type3A_30 = arith.extui %lt3A_29 : i1 to i32
      %cond3A_31 = arith.constant 0 : i32
      %cond3A_32 = arith.cmpi ne, %convert_element_type3A_30, %cond3A_31 : i32
      scf.if %cond3A_32 {
        %dma_start3A = arith.constant 0 : i32
        %dma_start3A_138 = arith.constant 0 : i32
        %dma_start3A_139 = tpu.memref_slice %arg7[%dma_start3A, %dma_start3A_138] : memref<16x128xi32, #tpu.memory_space<vmem>> -> memref<1x128xi32, #tpu.memory_space<vmem>>
        %dma_start3A_140 = tpu.memref_squeeze %dma_start3A_139 : memref<1x128xi32, #tpu.memory_space<vmem>> -> memref<128xi32, #tpu.memory_space<vmem>>
        %dma_start3A_141 = arith.constant 0 : i32
        %dma_start3A_142 = arith.constant 0 : i32
        %dma_start3A_143 = tpu.memref_slice %arg2[%dma_start3A_141, %dma_start3A_142] : memref<20000x128xf32, #tpu.memory_space<hbm>> -> memref<20000x128xf32, #tpu.memory_space<hbm>>
        tpu.enqueue_indirect_dma source(%dma_start3A_143 : memref<20000x128xf32, #tpu.memory_space<hbm>>) target(%arg9 : memref<128x128xf32, #tpu.memory_space<vmem>>) offsets(%dma_start3A_140 : memref<128xi32, #tpu.memory_space<vmem>>) semaphore(%arg11 : memref<!tpu.dma_semaphore, #tpu.memory_space<semaphore_mem>>)
        %dma_wait3A = arith.constant 0 : i32
        %dma_wait3A_144 = arith.constant 0 : i32
        %dma_wait3A_145 = tpu.memref_slice %arg7[%dma_wait3A, %dma_wait3A_144] : memref<16x128xi32, #tpu.memory_space<vmem>> -> memref<1x128xi32, #tpu.memory_space<vmem>>
        %dma_wait3A_146 = tpu.memref_squeeze %dma_wait3A_145 : memref<1x128xi32, #tpu.memory_space<vmem>> -> memref<128xi32, #tpu.memory_space<vmem>>
        %dma_wait3A_147 = arith.constant 0 : i32
        %dma_wait3A_148 = arith.constant 0 : i32
        %dma_wait3A_149 = tpu.memref_slice %arg2[%dma_wait3A_147, %dma_wait3A_148] : memref<20000x128xf32, #tpu.memory_space<hbm>> -> memref<20000x128xf32, #tpu.memory_space<hbm>>
        tpu.wait_indirect_dma semaphore(%arg11 : memref<!tpu.dma_semaphore, #tpu.memory_space<semaphore_mem>>) src(%dma_wait3A_149 : memref<20000x128xf32, #tpu.memory_space<hbm>>) dst(%arg9 : memref<128x128xf32, #tpu.memory_space<vmem>>)
        %run_scoped3A = arith.constant 0 : i32
        "tpu.region"() ({
          %run_scoped3A_150 = tpu.sem_alloc : memref<!tpu.dma_semaphore, #tpu.memory_space<semaphore_mem>>
          %dma_start3A_151 = arith.constant 0 : i32
          %dma_start3A_152 = tpu.memref_slice %arg8[%run_scoped3A, %dma_start3A_151] : memref<16x128xi32, #tpu.memory_space<vmem>> -> memref<1x128xi32, #tpu.memory_space<vmem>>
          %dma_start3A_153 = tpu.memref_squeeze %dma_start3A_152 : memref<1x128xi32, #tpu.memory_space<vmem>> -> memref<128xi32, #tpu.memory_space<vmem>>
          %dma_start3A_154 = arith.constant 0 : i32
          %dma_start3A_155 = arith.constant 0 : i32
          %dma_start3A_156 = tpu.memref_slice %arg10[%dma_start3A_154, %dma_start3A_155] : memref<10000x128xf32, #tpu.memory_space<vmem_shared>> -> memref<10000x128xf32, #tpu.memory_space<vmem_shared>>
          tpu.enqueue_indirect_dma source(%arg9 : memref<128x128xf32, #tpu.memory_space<vmem>>) target(%dma_start3A_156 : memref<10000x128xf32, #tpu.memory_space<vmem_shared>>) offsets(%dma_start3A_153 : memref<128xi32, #tpu.memory_space<vmem>>) semaphore(%run_scoped3A_150 : memref<!tpu.dma_semaphore, #tpu.memory_space<semaphore_mem>>) {add = true}
          %dma_wait3A_157 = arith.constant 0 : i32
          %dma_wait3A_158 = tpu.memref_slice %arg8[%run_scoped3A, %dma_wait3A_157] : memref<16x128xi32, #tpu.memory_space<vmem>> -> memref<1x128xi32, #tpu.memory_space<vmem>>
          %dma_wait3A_159 = tpu.memref_squeeze %dma_wait3A_158 : memref<1x128xi32, #tpu.memory_space<vmem>> -> memref<128xi32, #tpu.memory_space<vmem>>
          %dma_wait3A_160 = arith.constant 0 : i32
          %dma_wait3A_161 = arith.constant 0 : i32
          %dma_wait3A_162 = tpu.memref_slice %arg10[%dma_wait3A_160, %dma_wait3A_161] : memref<10000x128xf32, #tpu.memory_space<vmem_shared>> -> memref<10000x128xf32, #tpu.memory_space<vmem_shared>>
          tpu.wait_indirect_dma semaphore(%run_scoped3A_150 : memref<!tpu.dma_semaphore, #tpu.memory_space<semaphore_mem>>) src(%arg9 : memref<128x128xf32, #tpu.memory_space<vmem>>) dst(%dma_wait3A_162 : memref<10000x128xf32, #tpu.memory_space<vmem_shared>>)
          tpu.yield
        }) : () -> ()
      } else {
      }
      %add3A_33 = arith.constant 1 : i32
      %add3A_34 = arith.addi %multiple_of3A, %add3A_33 : i32
      %lt3A_35 = arith.constant 2500 : i32
      %lt3A_36 = arith.cmpi slt, %add3A_34, %lt3A_35 : i32
      %convert_element_type3A_37 = arith.extui %lt3A_36 : i1 to i32
      %cond3A_38 = arith.constant 0 : i32
      %cond3A_39 = arith.cmpi ne, %convert_element_type3A_37, %cond3A_38 : i32
      scf.if %cond3A_39 {
        %dma_start3A = arith.constant 1 : i32
        %dma_start3A_138 = arith.constant 0 : i32
        %dma_start3A_139 = tpu.memref_slice %arg7[%dma_start3A, %dma_start3A_138] : memref<16x128xi32, #tpu.memory_space<vmem>> -> memref<1x128xi32, #tpu.memory_space<vmem>>
        %dma_start3A_140 = tpu.memref_squeeze %dma_start3A_139 : memref<1x128xi32, #tpu.memory_space<vmem>> -> memref<128xi32, #tpu.memory_space<vmem>>
        %dma_start3A_141 = arith.constant 0 : i32
        %dma_start3A_142 = arith.constant 0 : i32
        %dma_start3A_143 = tpu.memref_slice %arg2[%dma_start3A_141, %dma_start3A_142] : memref<20000x128xf32, #tpu.memory_space<hbm>> -> memref<20000x128xf32, #tpu.memory_space<hbm>>
        tpu.enqueue_indirect_dma source(%dma_start3A_143 : memref<20000x128xf32, #tpu.memory_space<hbm>>) target(%arg9 : memref<128x128xf32, #tpu.memory_space<vmem>>) offsets(%dma_start3A_140 : memref<128xi32, #tpu.memory_space<vmem>>) semaphore(%arg11 : memref<!tpu.dma_semaphore, #tpu.memory_space<semaphore_mem>>)
        %dma_wait3A = arith.constant 1 : i32
        %dma_wait3A_144 = arith.constant 0 : i32
        %dma_wait3A_145 = tpu.memref_slice %arg7[%dma_wait3A, %dma_wait3A_144] : memref<16x128xi32, #tpu.memory_space<vmem>> -> memref<1x128xi32, #tpu.memory_space<vmem>>
        %dma_wait3A_146 = tpu.memref_squeeze %dma_wait3A_145 : memref<1x128xi32, #tpu.memory_space<vmem>> -> memref<128xi32, #tpu.memory_space<vmem>>
        %dma_wait3A_147 = arith.constant 0 : i32
        %dma_wait3A_148 = arith.constant 0 : i32
        %dma_wait3A_149 = tpu.memref_slice %arg2[%dma_wait3A_147, %dma_wait3A_148] : memref<20000x128xf32, #tpu.memory_space<hbm>> -> memref<20000x128xf32, #tpu.memory_space<hbm>>
        tpu.wait_indirect_dma semaphore(%arg11 : memref<!tpu.dma_semaphore, #tpu.memory_space<semaphore_mem>>) src(%dma_wait3A_149 : memref<20000x128xf32, #tpu.memory_space<hbm>>) dst(%arg9 : memref<128x128xf32, #tpu.memory_space<vmem>>)
        %run_scoped3A = arith.constant 1 : i32
        "tpu.region"() ({
          %run_scoped3A_150 = tpu.sem_alloc : memref<!tpu.dma_semaphore, #tpu.memory_space<semaphore_mem>>
          %dma_start3A_151 = arith.constant 0 : i32
          %dma_start3A_152 = tpu.memref_slice %arg8[%run_scoped3A, %dma_start3A_151] : memref<16x128xi32, #tpu.memory_space<vmem>> -> memref<1x128xi32, #tpu.memory_space<vmem>>
          %dma_start3A_153 = tpu.memref_squeeze %dma_start3A_152 : memref<1x128xi32, #tpu.memory_space<vmem>> -> memref<128xi32, #tpu.memory_space<vmem>>
          %dma_start3A_154 = arith.constant 0 : i32
          %dma_start3A_155 = arith.constant 0 : i32
          %dma_start3A_156 = tpu.memref_slice %arg10[%dma_start3A_154, %dma_start3A_155] : memref<10000x128xf32, #tpu.memory_space<vmem_shared>> -> memref<10000x128xf32, #tpu.memory_space<vmem_shared>>
          tpu.enqueue_indirect_dma source(%arg9 : memref<128x128xf32, #tpu.memory_space<vmem>>) target(%dma_start3A_156 : memref<10000x128xf32, #tpu.memory_space<vmem_shared>>) offsets(%dma_start3A_153 : memref<128xi32, #tpu.memory_space<vmem>>) semaphore(%run_scoped3A_150 : memref<!tpu.dma_semaphore, #tpu.memory_space<semaphore_mem>>) {add = true}
          %dma_wait3A_157 = arith.constant 0 : i32
          %dma_wait3A_158 = tpu.memref_slice %arg8[%run_scoped3A, %dma_wait3A_157] : memref<16x128xi32, #tpu.memory_space<vmem>> -> memref<1x128xi32, #tpu.memory_space<vmem>>
          %dma_wait3A_159 = tpu.memref_squeeze %dma_wait3A_158 : memref<1x128xi32, #tpu.memory_space<vmem>> -> memref<128xi32, #tpu.memory_space<vmem>>
          %dma_wait3A_160 = arith.constant 0 : i32
          %dma_wait3A_161 = arith.constant 0 : i32
          %dma_wait3A_162 = tpu.memref_slice %arg10[%dma_wait3A_160, %dma_wait3A_161] : memref<10000x128xf32, #tpu.memory_space<vmem_shared>> -> memref<10000x128xf32, #tpu.memory_space<vmem_shared>>
          tpu.wait_indirect_dma semaphore(%run_scoped3A_150 : memref<!tpu.dma_semaphore, #tpu.memory_space<semaphore_mem>>) src(%arg9 : memref<128x128xf32, #tpu.memory_space<vmem>>) dst(%dma_wait3A_162 : memref<10000x128xf32, #tpu.memory_space<vmem_shared>>)
          tpu.yield
        }) : () -> ()
      } else {
      }
      %add3A_40 = arith.constant 2 : i32
      %add3A_41 = arith.addi %multiple_of3A, %add3A_40 : i32
      %lt3A_42 = arith.constant 2500 : i32
      %lt3A_43 = arith.cmpi slt, %add3A_41, %lt3A_42 : i32
      %convert_element_type3A_44 = arith.extui %lt3A_43 : i1 to i32
      %cond3A_45 = arith.constant 0 : i32
      %cond3A_46 = arith.cmpi ne, %convert_element_type3A_44, %cond3A_45 : i32
      scf.if %cond3A_46 {
        %dma_start3A = arith.constant 2 : i32
        %dma_start3A_138 = arith.constant 0 : i32
        %dma_start3A_139 = tpu.memref_slice %arg7[%dma_start3A, %dma_start3A_138] : memref<16x128xi32, #tpu.memory_space<vmem>> -> memref<1x128xi32, #tpu.memory_space<vmem>>
        %dma_start3A_140 = tpu.memref_squeeze %dma_start3A_139 : memref<1x128xi32, #tpu.memory_space<vmem>> -> memref<128xi32, #tpu.memory_space<vmem>>
        %dma_start3A_141 = arith.constant 0 : i32
        %dma_start3A_142 = arith.constant 0 : i32
        %dma_start3A_143 = tpu.memref_slice %arg2[%dma_start3A_141, %dma_start3A_142] : memref<20000x128xf32, #tpu.memory_space<hbm>> -> memref<20000x128xf32, #tpu.memory_space<hbm>>
        tpu.enqueue_indirect_dma source(%dma_start3A_143 : memref<20000x128xf32, #tpu.memory_space<hbm>>) target(%arg9 : memref<128x128xf32, #tpu.memory_space<vmem>>) offsets(%dma_start3A_140 : memref<128xi32, #tpu.memory_space<vmem>>) semaphore(%arg11 : memref<!tpu.dma_semaphore, #tpu.memory_space<semaphore_mem>>)
        %dma_wait3A = arith.constant 2 : i32
        %dma_wait3A_144 = arith.constant 0 : i32
        %dma_wait3A_145 = tpu.memref_slice %arg7[%dma_wait3A, %dma_wait3A_144] : memref<16x128xi32, #tpu.memory_space<vmem>> -> memref<1x128xi32, #tpu.memory_space<vmem>>
        %dma_wait3A_146 = tpu.memref_squeeze %dma_wait3A_145 : memref<1x128xi32, #tpu.memory_space<vmem>> -> memref<128xi32, #tpu.memory_space<vmem>>
        %dma_wait3A_147 = arith.constant 0 : i32
        %dma_wait3A_148 = arith.constant 0 : i32
        %dma_wait3A_149 = tpu.memref_slice %arg2[%dma_wait3A_147, %dma_wait3A_148] : memref<20000x128xf32, #tpu.memory_space<hbm>> -> memref<20000x128xf32, #tpu.memory_space<hbm>>
        tpu.wait_indirect_dma semaphore(%arg11 : memref<!tpu.dma_semaphore, #tpu.memory_space<semaphore_mem>>) src(%dma_wait3A_149 : memref<20000x128xf32, #tpu.memory_space<hbm>>) dst(%arg9 : memref<128x128xf32, #tpu.memory_space<vmem>>)
        %run_scoped3A = arith.constant 2 : i32
        "tpu.region"() ({
          %run_scoped3A_150 = tpu.sem_alloc : memref<!tpu.dma_semaphore, #tpu.memory_space<semaphore_mem>>
          %dma_start3A_151 = arith.constant 0 : i32
          %dma_start3A_152 = tpu.memref_slice %arg8[%run_scoped3A, %dma_start3A_151] : memref<16x128xi32, #tpu.memory_space<vmem>> -> memref<1x128xi32, #tpu.memory_space<vmem>>
          %dma_start3A_153 = tpu.memref_squeeze %dma_start3A_152 : memref<1x128xi32, #tpu.memory_space<vmem>> -> memref<128xi32, #tpu.memory_space<vmem>>
          %dma_start3A_154 = arith.constant 0 : i32
          %dma_start3A_155 = arith.constant 0 : i32
          %dma_start3A_156 = tpu.memref_slice %arg10[%dma_start3A_154, %dma_start3A_155] : memref<10000x128xf32, #tpu.memory_space<vmem_shared>> -> memref<10000x128xf32, #tpu.memory_space<vmem_shared>>
          tpu.enqueue_indirect_dma source(%arg9 : memref<128x128xf32, #tpu.memory_space<vmem>>) target(%dma_start3A_156 : memref<10000x128xf32, #tpu.memory_space<vmem_shared>>) offsets(%dma_start3A_153 : memref<128xi32, #tpu.memory_space<vmem>>) semaphore(%run_scoped3A_150 : memref<!tpu.dma_semaphore, #tpu.memory_space<semaphore_mem>>) {add = true}
          %dma_wait3A_157 = arith.constant 0 : i32
          %dma_wait3A_158 = tpu.memref_slice %arg8[%run_scoped3A, %dma_wait3A_157] : memref<16x128xi32, #tpu.memory_space<vmem>> -> memref<1x128xi32, #tpu.memory_space<vmem>>
          %dma_wait3A_159 = tpu.memref_squeeze %dma_wait3A_158 : memref<1x128xi32, #tpu.memory_space<vmem>> -> memref<128xi32, #tpu.memory_space<vmem>>
          %dma_wait3A_160 = arith.constant 0 : i32
          %dma_wait3A_161 = arith.constant 0 : i32
          %dma_wait3A_162 = tpu.memref_slice %arg10[%dma_wait3A_160, %dma_wait3A_161] : memref<10000x128xf32, #tpu.memory_space<vmem_shared>> -> memref<10000x128xf32, #tpu.memory_space<vmem_shared>>
          tpu.wait_indirect_dma semaphore(%run_scoped3A_150 : memref<!tpu.dma_semaphore, #tpu.memory_space<semaphore_mem>>) src(%arg9 : memref<128x128xf32, #tpu.memory_space<vmem>>) dst(%dma_wait3A_162 : memref<10000x128xf32, #tpu.memory_space<vmem_shared>>)
          tpu.yield
        }) : () -> ()
      } else {
      }
      %add3A_47 = arith.constant 3 : i32
      %add3A_48 = arith.addi %multiple_of3A, %add3A_47 : i32
      %lt3A_49 = arith.constant 2500 : i32
      %lt3A_50 = arith.cmpi slt, %add3A_48, %lt3A_49 : i32
      %convert_element_type3A_51 = arith.extui %lt3A_50 : i1 to i32
      %cond3A_52 = arith.constant 0 : i32
      %cond3A_53 = arith.cmpi ne, %convert_element_type3A_51, %cond3A_52 : i32
      scf.if %cond3A_53 {
        %dma_start3A = arith.constant 3 : i32
        %dma_start3A_138 = arith.constant 0 : i32
        %dma_start3A_139 = tpu.memref_slice %arg7[%dma_start3A, %dma_start3A_138] : memref<16x128xi32, #tpu.memory_space<vmem>> -> memref<1x128xi32, #tpu.memory_space<vmem>>
        %dma_start3A_140 = tpu.memref_squeeze %dma_start3A_139 : memref<1x128xi32, #tpu.memory_space<vmem>> -> memref<128xi32, #tpu.memory_space<vmem>>
        %dma_start3A_141 = arith.constant 0 : i32
        %dma_start3A_142 = arith.constant 0 : i32
        %dma_start3A_143 = tpu.memref_slice %arg2[%dma_start3A_141, %dma_start3A_142] : memref<20000x128xf32, #tpu.memory_space<hbm>> -> memref<20000x128xf32, #tpu.memory_space<hbm>>
        tpu.enqueue_indirect_dma source(%dma_start3A_143 : memref<20000x128xf32, #tpu.memory_space<hbm>>) target(%arg9 : memref<128x128xf32, #tpu.memory_space<vmem>>) offsets(%dma_start3A_140 : memref<128xi32, #tpu.memory_space<vmem>>) semaphore(%arg11 : memref<!tpu.dma_semaphore, #tpu.memory_space<semaphore_mem>>)
        %dma_wait3A = arith.constant 3 : i32
        %dma_wait3A_144 = arith.constant 0 : i32
        %dma_wait3A_145 = tpu.memref_slice %arg7[%dma_wait3A, %dma_wait3A_144] : memref<16x128xi32, #tpu.memory_space<vmem>> -> memref<1x128xi32, #tpu.memory_space<vmem>>
        %dma_wait3A_146 = tpu.memref_squeeze %dma_wait3A_145 : memref<1x128xi32, #tpu.memory_space<vmem>> -> memref<128xi32, #tpu.memory_space<vmem>>
        %dma_wait3A_147 = arith.constant 0 : i32
        %dma_wait3A_148 = arith.constant 0 : i32
        %dma_wait3A_149 = tpu.memref_slice %arg2[%dma_wait3A_147, %dma_wait3A_148] : memref<20000x128xf32, #tpu.memory_space<hbm>> -> memref<20000x128xf32, #tpu.memory_space<hbm>>
        tpu.wait_indirect_dma semaphore(%arg11 : memref<!tpu.dma_semaphore, #tpu.memory_space<semaphore_mem>>) src(%dma_wait3A_149 : memref<20000x128xf32, #tpu.memory_space<hbm>>) dst(%arg9 : memref<128x128xf32, #tpu.memory_space<vmem>>)
        %run_scoped3A = arith.constant 3 : i32
        "tpu.region"() ({
          %run_scoped3A_150 = tpu.sem_alloc : memref<!tpu.dma_semaphore, #tpu.memory_space<semaphore_mem>>
          %dma_start3A_151 = arith.constant 0 : i32
          %dma_start3A_152 = tpu.memref_slice %arg8[%run_scoped3A, %dma_start3A_151] : memref<16x128xi32, #tpu.memory_space<vmem>> -> memref<1x128xi32, #tpu.memory_space<vmem>>
          %dma_start3A_153 = tpu.memref_squeeze %dma_start3A_152 : memref<1x128xi32, #tpu.memory_space<vmem>> -> memref<128xi32, #tpu.memory_space<vmem>>
          %dma_start3A_154 = arith.constant 0 : i32
          %dma_start3A_155 = arith.constant 0 : i32
          %dma_start3A_156 = tpu.memref_slice %arg10[%dma_start3A_154, %dma_start3A_155] : memref<10000x128xf32, #tpu.memory_space<vmem_shared>> -> memref<10000x128xf32, #tpu.memory_space<vmem_shared>>
          tpu.enqueue_indirect_dma source(%arg9 : memref<128x128xf32, #tpu.memory_space<vmem>>) target(%dma_start3A_156 : memref<10000x128xf32, #tpu.memory_space<vmem_shared>>) offsets(%dma_start3A_153 : memref<128xi32, #tpu.memory_space<vmem>>) semaphore(%run_scoped3A_150 : memref<!tpu.dma_semaphore, #tpu.memory_space<semaphore_mem>>) {add = true}
          %dma_wait3A_157 = arith.constant 0 : i32
          %dma_wait3A_158 = tpu.memref_slice %arg8[%run_scoped3A, %dma_wait3A_157] : memref<16x128xi32, #tpu.memory_space<vmem>> -> memref<1x128xi32, #tpu.memory_space<vmem>>
          %dma_wait3A_159 = tpu.memref_squeeze %dma_wait3A_158 : memref<1x128xi32, #tpu.memory_space<vmem>> -> memref<128xi32, #tpu.memory_space<vmem>>
          %dma_wait3A_160 = arith.constant 0 : i32
          %dma_wait3A_161 = arith.constant 0 : i32
          %dma_wait3A_162 = tpu.memref_slice %arg10[%dma_wait3A_160, %dma_wait3A_161] : memref<10000x128xf32, #tpu.memory_space<vmem_shared>> -> memref<10000x128xf32, #tpu.memory_space<vmem_shared>>
          tpu.wait_indirect_dma semaphore(%run_scoped3A_150 : memref<!tpu.dma_semaphore, #tpu.memory_space<semaphore_mem>>) src(%arg9 : memref<128x128xf32, #tpu.memory_space<vmem>>) dst(%dma_wait3A_162 : memref<10000x128xf32, #tpu.memory_space<vmem_shared>>)
          tpu.yield
        }) : () -> ()
      } else {
      }
      %add3A_54 = arith.constant 4 : i32
      %add3A_55 = arith.addi %multiple_of3A, %add3A_54 : i32
      %lt3A_56 = arith.constant 2500 : i32
      %lt3A_57 = arith.cmpi slt, %add3A_55, %lt3A_56 : i32
      %convert_element_type3A_58 = arith.extui %lt3A_57 : i1 to i32
      %cond3A_59 = arith.constant 0 : i32
      %cond3A_60 = arith.cmpi ne, %convert_element_type3A_58, %cond3A_59 : i32
      scf.if %cond3A_60 {
        %dma_start3A = arith.constant 4 : i32
        %dma_start3A_138 = arith.constant 0 : i32
        %dma_start3A_139 = tpu.memref_slice %arg7[%dma_start3A, %dma_start3A_138] : memref<16x128xi32, #tpu.memory_space<vmem>> -> memref<1x128xi32, #tpu.memory_space<vmem>>
        %dma_start3A_140 = tpu.memref_squeeze %dma_start3A_139 : memref<1x128xi32, #tpu.memory_space<vmem>> -> memref<128xi32, #tpu.memory_space<vmem>>
        %dma_start3A_141 = arith.constant 0 : i32
        %dma_start3A_142 = arith.constant 0 : i32
        %dma_start3A_143 = tpu.memref_slice %arg2[%dma_start3A_141, %dma_start3A_142] : memref<20000x128xf32, #tpu.memory_space<hbm>> -> memref<20000x128xf32, #tpu.memory_space<hbm>>
        tpu.enqueue_indirect_dma source(%dma_start3A_143 : memref<20000x128xf32, #tpu.memory_space<hbm>>) target(%arg9 : memref<128x128xf32, #tpu.memory_space<vmem>>) offsets(%dma_start3A_140 : memref<128xi32, #tpu.memory_space<vmem>>) semaphore(%arg11 : memref<!tpu.dma_semaphore, #tpu.memory_space<semaphore_mem>>)
        %dma_wait3A = arith.constant 4 : i32
        %dma_wait3A_144 = arith.constant 0 : i32
        %dma_wait3A_145 = tpu.memref_slice %arg7[%dma_wait3A, %dma_wait3A_144] : memref<16x128xi32, #tpu.memory_space<vmem>> -> memref<1x128xi32, #tpu.memory_space<vmem>>
        %dma_wait3A_146 = tpu.memref_squeeze %dma_wait3A_145 : memref<1x128xi32, #tpu.memory_space<vmem>> -> memref<128xi32, #tpu.memory_space<vmem>>
        %dma_wait3A_147 = arith.constant 0 : i32
        %dma_wait3A_148 = arith.constant 0 : i32
        %dma_wait3A_149 = tpu.memref_slice %arg2[%dma_wait3A_147, %dma_wait3A_148] : memref<20000x128xf32, #tpu.memory_space<hbm>> -> memref<20000x128xf32, #tpu.memory_space<hbm>>
        tpu.wait_indirect_dma semaphore(%arg11 : memref<!tpu.dma_semaphore, #tpu.memory_space<semaphore_mem>>) src(%dma_wait3A_149 : memref<20000x128xf32, #tpu.memory_space<hbm>>) dst(%arg9 : memref<128x128xf32, #tpu.memory_space<vmem>>)
        %run_scoped3A = arith.constant 4 : i32
        "tpu.region"() ({
          %run_scoped3A_150 = tpu.sem_alloc : memref<!tpu.dma_semaphore, #tpu.memory_space<semaphore_mem>>
          %dma_start3A_151 = arith.constant 0 : i32
          %dma_start3A_152 = tpu.memref_slice %arg8[%run_scoped3A, %dma_start3A_151] : memref<16x128xi32, #tpu.memory_space<vmem>> -> memref<1x128xi32, #tpu.memory_space<vmem>>
          %dma_start3A_153 = tpu.memref_squeeze %dma_start3A_152 : memref<1x128xi32, #tpu.memory_space<vmem>> -> memref<128xi32, #tpu.memory_space<vmem>>
          %dma_start3A_154 = arith.constant 0 : i32
          %dma_start3A_155 = arith.constant 0 : i32
          %dma_start3A_156 = tpu.memref_slice %arg10[%dma_start3A_154, %dma_start3A_155] : memref<10000x128xf32, #tpu.memory_space<vmem_shared>> -> memref<10000x128xf32, #tpu.memory_space<vmem_shared>>
          tpu.enqueue_indirect_dma source(%arg9 : memref<128x128xf32, #tpu.memory_space<vmem>>) target(%dma_start3A_156 : memref<10000x128xf32, #tpu.memory_space<vmem_shared>>) offsets(%dma_start3A_153 : memref<128xi32, #tpu.memory_space<vmem>>) semaphore(%run_scoped3A_150 : memref<!tpu.dma_semaphore, #tpu.memory_space<semaphore_mem>>) {add = true}
          %dma_wait3A_157 = arith.constant 0 : i32
          %dma_wait3A_158 = tpu.memref_slice %arg8[%run_scoped3A, %dma_wait3A_157] : memref<16x128xi32, #tpu.memory_space<vmem>> -> memref<1x128xi32, #tpu.memory_space<vmem>>
          %dma_wait3A_159 = tpu.memref_squeeze %dma_wait3A_158 : memref<1x128xi32, #tpu.memory_space<vmem>> -> memref<128xi32, #tpu.memory_space<vmem>>
          %dma_wait3A_160 = arith.constant 0 : i32
          %dma_wait3A_161 = arith.constant 0 : i32
          %dma_wait3A_162 = tpu.memref_slice %arg10[%dma_wait3A_160, %dma_wait3A_161] : memref<10000x128xf32, #tpu.memory_space<vmem_shared>> -> memref<10000x128xf32, #tpu.memory_space<vmem_shared>>
          tpu.wait_indirect_dma semaphore(%run_scoped3A_150 : memref<!tpu.dma_semaphore, #tpu.memory_space<semaphore_mem>>) src(%arg9 : memref<128x128xf32, #tpu.memory_space<vmem>>) dst(%dma_wait3A_162 : memref<10000x128xf32, #tpu.memory_space<vmem_shared>>)
          tpu.yield
        }) : () -> ()
      } else {
      }
      %add3A_61 = arith.constant 5 : i32
      %add3A_62 = arith.addi %multiple_of3A, %add3A_61 : i32
      %lt3A_63 = arith.constant 2500 : i32
      %lt3A_64 = arith.cmpi slt, %add3A_62, %lt3A_63 : i32
      %convert_element_type3A_65 = arith.extui %lt3A_64 : i1 to i32
      %cond3A_66 = arith.constant 0 : i32
      %cond3A_67 = arith.cmpi ne, %convert_element_type3A_65, %cond3A_66 : i32
      scf.if %cond3A_67 {
        %dma_start3A = arith.constant 5 : i32
        %dma_start3A_138 = arith.constant 0 : i32
        %dma_start3A_139 = tpu.memref_slice %arg7[%dma_start3A, %dma_start3A_138] : memref<16x128xi32, #tpu.memory_space<vmem>> -> memref<1x128xi32, #tpu.memory_space<vmem>>
        %dma_start3A_140 = tpu.memref_squeeze %dma_start3A_139 : memref<1x128xi32, #tpu.memory_space<vmem>> -> memref<128xi32, #tpu.memory_space<vmem>>
        %dma_start3A_141 = arith.constant 0 : i32
        %dma_start3A_142 = arith.constant 0 : i32
        %dma_start3A_143 = tpu.memref_slice %arg2[%dma_start3A_141, %dma_start3A_142] : memref<20000x128xf32, #tpu.memory_space<hbm>> -> memref<20000x128xf32, #tpu.memory_space<hbm>>
        tpu.enqueue_indirect_dma source(%dma_start3A_143 : memref<20000x128xf32, #tpu.memory_space<hbm>>) target(%arg9 : memref<128x128xf32, #tpu.memory_space<vmem>>) offsets(%dma_start3A_140 : memref<128xi32, #tpu.memory_space<vmem>>) semaphore(%arg11 : memref<!tpu.dma_semaphore, #tpu.memory_space<semaphore_mem>>)
        %dma_wait3A = arith.constant 5 : i32
        %dma_wait3A_144 = arith.constant 0 : i32
        %dma_wait3A_145 = tpu.memref_slice %arg7[%dma_wait3A, %dma_wait3A_144] : memref<16x128xi32, #tpu.memory_space<vmem>> -> memref<1x128xi32, #tpu.memory_space<vmem>>
        %dma_wait3A_146 = tpu.memref_squeeze %dma_wait3A_145 : memref<1x128xi32, #tpu.memory_space<vmem>> -> memref<128xi32, #tpu.memory_space<vmem>>
        %dma_wait3A_147 = arith.constant 0 : i32
        %dma_wait3A_148 = arith.constant 0 : i32
        %dma_wait3A_149 = tpu.memref_slice %arg2[%dma_wait3A_147, %dma_wait3A_148] : memref<20000x128xf32, #tpu.memory_space<hbm>> -> memref<20000x128xf32, #tpu.memory_space<hbm>>
        tpu.wait_indirect_dma semaphore(%arg11 : memref<!tpu.dma_semaphore, #tpu.memory_space<semaphore_mem>>) src(%dma_wait3A_149 : memref<20000x128xf32, #tpu.memory_space<hbm>>) dst(%arg9 : memref<128x128xf32, #tpu.memory_space<vmem>>)
        %run_scoped3A = arith.constant 5 : i32
        "tpu.region"() ({
          %run_scoped3A_150 = tpu.sem_alloc : memref<!tpu.dma_semaphore, #tpu.memory_space<semaphore_mem>>
          %dma_start3A_151 = arith.constant 0 : i32
          %dma_start3A_152 = tpu.memref_slice %arg8[%run_scoped3A, %dma_start3A_151] : memref<16x128xi32, #tpu.memory_space<vmem>> -> memref<1x128xi32, #tpu.memory_space<vmem>>
          %dma_start3A_153 = tpu.memref_squeeze %dma_start3A_152 : memref<1x128xi32, #tpu.memory_space<vmem>> -> memref<128xi32, #tpu.memory_space<vmem>>
          %dma_start3A_154 = arith.constant 0 : i32
          %dma_start3A_155 = arith.constant 0 : i32
          %dma_start3A_156 = tpu.memref_slice %arg10[%dma_start3A_154, %dma_start3A_155] : memref<10000x128xf32, #tpu.memory_space<vmem_shared>> -> memref<10000x128xf32, #tpu.memory_space<vmem_shared>>
          tpu.enqueue_indirect_dma source(%arg9 : memref<128x128xf32, #tpu.memory_space<vmem>>) target(%dma_start3A_156 : memref<10000x128xf32, #tpu.memory_space<vmem_shared>>) offsets(%dma_start3A_153 : memref<128xi32, #tpu.memory_space<vmem>>) semaphore(%run_scoped3A_150 : memref<!tpu.dma_semaphore, #tpu.memory_space<semaphore_mem>>) {add = true}
          %dma_wait3A_157 = arith.constant 0 : i32
          %dma_wait3A_158 = tpu.memref_slice %arg8[%run_scoped3A, %dma_wait3A_157] : memref<16x128xi32, #tpu.memory_space<vmem>> -> memref<1x128xi32, #tpu.memory_space<vmem>>
          %dma_wait3A_159 = tpu.memref_squeeze %dma_wait3A_158 : memref<1x128xi32, #tpu.memory_space<vmem>> -> memref<128xi32, #tpu.memory_space<vmem>>
          %dma_wait3A_160 = arith.constant 0 : i32
          %dma_wait3A_161 = arith.constant 0 : i32
          %dma_wait3A_162 = tpu.memref_slice %arg10[%dma_wait3A_160, %dma_wait3A_161] : memref<10000x128xf32, #tpu.memory_space<vmem_shared>> -> memref<10000x128xf32, #tpu.memory_space<vmem_shared>>
          tpu.wait_indirect_dma semaphore(%run_scoped3A_150 : memref<!tpu.dma_semaphore, #tpu.memory_space<semaphore_mem>>) src(%arg9 : memref<128x128xf32, #tpu.memory_space<vmem>>) dst(%dma_wait3A_162 : memref<10000x128xf32, #tpu.memory_space<vmem_shared>>)
          tpu.yield
        }) : () -> ()
      } else {
      }
      %add3A_68 = arith.constant 6 : i32
      %add3A_69 = arith.addi %multiple_of3A, %add3A_68 : i32
      %lt3A_70 = arith.constant 2500 : i32
      %lt3A_71 = arith.cmpi slt, %add3A_69, %lt3A_70 : i32
      %convert_element_type3A_72 = arith.extui %lt3A_71 : i1 to i32
      %cond3A_73 = arith.constant 0 : i32
      %cond3A_74 = arith.cmpi ne, %convert_element_type3A_72, %cond3A_73 : i32
      scf.if %cond3A_74 {
        %dma_start3A = arith.constant 6 : i32
        %dma_start3A_138 = arith.constant 0 : i32
        %dma_start3A_139 = tpu.memref_slice %arg7[%dma_start3A, %dma_start3A_138] : memref<16x128xi32, #tpu.memory_space<vmem>> -> memref<1x128xi32, #tpu.memory_space<vmem>>
        %dma_start3A_140 = tpu.memref_squeeze %dma_start3A_139 : memref<1x128xi32, #tpu.memory_space<vmem>> -> memref<128xi32, #tpu.memory_space<vmem>>
        %dma_start3A_141 = arith.constant 0 : i32
        %dma_start3A_142 = arith.constant 0 : i32
        %dma_start3A_143 = tpu.memref_slice %arg2[%dma_start3A_141, %dma_start3A_142] : memref<20000x128xf32, #tpu.memory_space<hbm>> -> memref<20000x128xf32, #tpu.memory_space<hbm>>
        tpu.enqueue_indirect_dma source(%dma_start3A_143 : memref<20000x128xf32, #tpu.memory_space<hbm>>) target(%arg9 : memref<128x128xf32, #tpu.memory_space<vmem>>) offsets(%dma_start3A_140 : memref<128xi32, #tpu.memory_space<vmem>>) semaphore(%arg11 : memref<!tpu.dma_semaphore, #tpu.memory_space<semaphore_mem>>)
        %dma_wait3A = arith.constant 6 : i32
        %dma_wait3A_144 = arith.constant 0 : i32
        %dma_wait3A_145 = tpu.memref_slice %arg7[%dma_wait3A, %dma_wait3A_144] : memref<16x128xi32, #tpu.memory_space<vmem>> -> memref<1x128xi32, #tpu.memory_space<vmem>>
        %dma_wait3A_146 = tpu.memref_squeeze %dma_wait3A_145 : memref<1x128xi32, #tpu.memory_space<vmem>> -> memref<128xi32, #tpu.memory_space<vmem>>
        %dma_wait3A_147 = arith.constant 0 : i32
        %dma_wait3A_148 = arith.constant 0 : i32
        %dma_wait3A_149 = tpu.memref_slice %arg2[%dma_wait3A_147, %dma_wait3A_148] : memref<20000x128xf32, #tpu.memory_space<hbm>> -> memref<20000x128xf32, #tpu.memory_space<hbm>>
        tpu.wait_indirect_dma semaphore(%arg11 : memref<!tpu.dma_semaphore, #tpu.memory_space<semaphore_mem>>) src(%dma_wait3A_149 : memref<20000x128xf32, #tpu.memory_space<hbm>>) dst(%arg9 : memref<128x128xf32, #tpu.memory_space<vmem>>)
        %run_scoped3A = arith.constant 6 : i32
        "tpu.region"() ({
          %run_scoped3A_150 = tpu.sem_alloc : memref<!tpu.dma_semaphore, #tpu.memory_space<semaphore_mem>>
          %dma_start3A_151 = arith.constant 0 : i32
          %dma_start3A_152 = tpu.memref_slice %arg8[%run_scoped3A, %dma_start3A_151] : memref<16x128xi32, #tpu.memory_space<vmem>> -> memref<1x128xi32, #tpu.memory_space<vmem>>
          %dma_start3A_153 = tpu.memref_squeeze %dma_start3A_152 : memref<1x128xi32, #tpu.memory_space<vmem>> -> memref<128xi32, #tpu.memory_space<vmem>>
          %dma_start3A_154 = arith.constant 0 : i32
          %dma_start3A_155 = arith.constant 0 : i32
          %dma_start3A_156 = tpu.memref_slice %arg10[%dma_start3A_154, %dma_start3A_155] : memref<10000x128xf32, #tpu.memory_space<vmem_shared>> -> memref<10000x128xf32, #tpu.memory_space<vmem_shared>>
          tpu.enqueue_indirect_dma source(%arg9 : memref<128x128xf32, #tpu.memory_space<vmem>>) target(%dma_start3A_156 : memref<10000x128xf32, #tpu.memory_space<vmem_shared>>) offsets(%dma_start3A_153 : memref<128xi32, #tpu.memory_space<vmem>>) semaphore(%run_scoped3A_150 : memref<!tpu.dma_semaphore, #tpu.memory_space<semaphore_mem>>) {add = true}
          %dma_wait3A_157 = arith.constant 0 : i32
          %dma_wait3A_158 = tpu.memref_slice %arg8[%run_scoped3A, %dma_wait3A_157] : memref<16x128xi32, #tpu.memory_space<vmem>> -> memref<1x128xi32, #tpu.memory_space<vmem>>
          %dma_wait3A_159 = tpu.memref_squeeze %dma_wait3A_158 : memref<1x128xi32, #tpu.memory_space<vmem>> -> memref<128xi32, #tpu.memory_space<vmem>>
          %dma_wait3A_160 = arith.constant 0 : i32
          %dma_wait3A_161 = arith.constant 0 : i32
          %dma_wait3A_162 = tpu.memref_slice %arg10[%dma_wait3A_160, %dma_wait3A_161] : memref<10000x128xf32, #tpu.memory_space<vmem_shared>> -> memref<10000x128xf32, #tpu.memory_space<vmem_shared>>
          tpu.wait_indirect_dma semaphore(%run_scoped3A_150 : memref<!tpu.dma_semaphore, #tpu.memory_space<semaphore_mem>>) src(%arg9 : memref<128x128xf32, #tpu.memory_space<vmem>>) dst(%dma_wait3A_162 : memref<10000x128xf32, #tpu.memory_space<vmem_shared>>)
          tpu.yield
        }) : () -> ()
      } else {
      }
      %add3A_75 = arith.constant 7 : i32
      %add3A_76 = arith.addi %multiple_of3A, %add3A_75 : i32
      %lt3A_77 = arith.constant 2500 : i32
      %lt3A_78 = arith.cmpi slt, %add3A_76, %lt3A_77 : i32
      %convert_element_type3A_79 = arith.extui %lt3A_78 : i1 to i32
      %cond3A_80 = arith.constant 0 : i32
      %cond3A_81 = arith.cmpi ne, %convert_element_type3A_79, %cond3A_80 : i32
      scf.if %cond3A_81 {
        %dma_start3A = arith.constant 7 : i32
        %dma_start3A_138 = arith.constant 0 : i32
        %dma_start3A_139 = tpu.memref_slice %arg7[%dma_start3A, %dma_start3A_138] : memref<16x128xi32, #tpu.memory_space<vmem>> -> memref<1x128xi32, #tpu.memory_space<vmem>>
        %dma_start3A_140 = tpu.memref_squeeze %dma_start3A_139 : memref<1x128xi32, #tpu.memory_space<vmem>> -> memref<128xi32, #tpu.memory_space<vmem>>
        %dma_start3A_141 = arith.constant 0 : i32
        %dma_start3A_142 = arith.constant 0 : i32
        %dma_start3A_143 = tpu.memref_slice %arg2[%dma_start3A_141, %dma_start3A_142] : memref<20000x128xf32, #tpu.memory_space<hbm>> -> memref<20000x128xf32, #tpu.memory_space<hbm>>
        tpu.enqueue_indirect_dma source(%dma_start3A_143 : memref<20000x128xf32, #tpu.memory_space<hbm>>) target(%arg9 : memref<128x128xf32, #tpu.memory_space<vmem>>) offsets(%dma_start3A_140 : memref<128xi32, #tpu.memory_space<vmem>>) semaphore(%arg11 : memref<!tpu.dma_semaphore, #tpu.memory_space<semaphore_mem>>)
        %dma_wait3A = arith.constant 7 : i32
        %dma_wait3A_144 = arith.constant 0 : i32
        %dma_wait3A_145 = tpu.memref_slice %arg7[%dma_wait3A, %dma_wait3A_144] : memref<16x128xi32, #tpu.memory_space<vmem>> -> memref<1x128xi32, #tpu.memory_space<vmem>>
        %dma_wait3A_146 = tpu.memref_squeeze %dma_wait3A_145 : memref<1x128xi32, #tpu.memory_space<vmem>> -> memref<128xi32, #tpu.memory_space<vmem>>
        %dma_wait3A_147 = arith.constant 0 : i32
        %dma_wait3A_148 = arith.constant 0 : i32
        %dma_wait3A_149 = tpu.memref_slice %arg2[%dma_wait3A_147, %dma_wait3A_148] : memref<20000x128xf32, #tpu.memory_space<hbm>> -> memref<20000x128xf32, #tpu.memory_space<hbm>>
        tpu.wait_indirect_dma semaphore(%arg11 : memref<!tpu.dma_semaphore, #tpu.memory_space<semaphore_mem>>) src(%dma_wait3A_149 : memref<20000x128xf32, #tpu.memory_space<hbm>>) dst(%arg9 : memref<128x128xf32, #tpu.memory_space<vmem>>)
        %run_scoped3A = arith.constant 7 : i32
        "tpu.region"() ({
          %run_scoped3A_150 = tpu.sem_alloc : memref<!tpu.dma_semaphore, #tpu.memory_space<semaphore_mem>>
          %dma_start3A_151 = arith.constant 0 : i32
          %dma_start3A_152 = tpu.memref_slice %arg8[%run_scoped3A, %dma_start3A_151] : memref<16x128xi32, #tpu.memory_space<vmem>> -> memref<1x128xi32, #tpu.memory_space<vmem>>
          %dma_start3A_153 = tpu.memref_squeeze %dma_start3A_152 : memref<1x128xi32, #tpu.memory_space<vmem>> -> memref<128xi32, #tpu.memory_space<vmem>>
          %dma_start3A_154 = arith.constant 0 : i32
          %dma_start3A_155 = arith.constant 0 : i32
          %dma_start3A_156 = tpu.memref_slice %arg10[%dma_start3A_154, %dma_start3A_155] : memref<10000x128xf32, #tpu.memory_space<vmem_shared>> -> memref<10000x128xf32, #tpu.memory_space<vmem_shared>>
          tpu.enqueue_indirect_dma source(%arg9 : memref<128x128xf32, #tpu.memory_space<vmem>>) target(%dma_start3A_156 : memref<10000x128xf32, #tpu.memory_space<vmem_shared>>) offsets(%dma_start3A_153 : memref<128xi32, #tpu.memory_space<vmem>>) semaphore(%run_scoped3A_150 : memref<!tpu.dma_semaphore, #tpu.memory_space<semaphore_mem>>) {add = true}
          %dma_wait3A_157 = arith.constant 0 : i32
          %dma_wait3A_158 = tpu.memref_slice %arg8[%run_scoped3A, %dma_wait3A_157] : memref<16x128xi32, #tpu.memory_space<vmem>> -> memref<1x128xi32, #tpu.memory_space<vmem>>
          %dma_wait3A_159 = tpu.memref_squeeze %dma_wait3A_158 : memref<1x128xi32, #tpu.memory_space<vmem>> -> memref<128xi32, #tpu.memory_space<vmem>>
          %dma_wait3A_160 = arith.constant 0 : i32
          %dma_wait3A_161 = arith.constant 0 : i32
          %dma_wait3A_162 = tpu.memref_slice %arg10[%dma_wait3A_160, %dma_wait3A_161] : memref<10000x128xf32, #tpu.memory_space<vmem_shared>> -> memref<10000x128xf32, #tpu.memory_space<vmem_shared>>
          tpu.wait_indirect_dma semaphore(%run_scoped3A_150 : memref<!tpu.dma_semaphore, #tpu.memory_space<semaphore_mem>>) src(%arg9 : memref<128x128xf32, #tpu.memory_space<vmem>>) dst(%dma_wait3A_162 : memref<10000x128xf32, #tpu.memory_space<vmem_shared>>)
          tpu.yield
        }) : () -> ()
      } else {
      }
      %add3A_82 = arith.constant 8 : i32
      %add3A_83 = arith.addi %multiple_of3A, %add3A_82 : i32
      %lt3A_84 = arith.constant 2500 : i32
      %lt3A_85 = arith.cmpi slt, %add3A_83, %lt3A_84 : i32
      %convert_element_type3A_86 = arith.extui %lt3A_85 : i1 to i32
      %cond3A_87 = arith.constant 0 : i32
      %cond3A_88 = arith.cmpi ne, %convert_element_type3A_86, %cond3A_87 : i32
      scf.if %cond3A_88 {
        %dma_start3A = arith.constant 8 : i32
        %dma_start3A_138 = arith.constant 0 : i32
        %dma_start3A_139 = tpu.memref_slice %arg7[%dma_start3A, %dma_start3A_138] : memref<16x128xi32, #tpu.memory_space<vmem>> -> memref<1x128xi32, #tpu.memory_space<vmem>>
        %dma_start3A_140 = tpu.memref_squeeze %dma_start3A_139 : memref<1x128xi32, #tpu.memory_space<vmem>> -> memref<128xi32, #tpu.memory_space<vmem>>
        %dma_start3A_141 = arith.constant 0 : i32
        %dma_start3A_142 = arith.constant 0 : i32
        %dma_start3A_143 = tpu.memref_slice %arg2[%dma_start3A_141, %dma_start3A_142] : memref<20000x128xf32, #tpu.memory_space<hbm>> -> memref<20000x128xf32, #tpu.memory_space<hbm>>
        tpu.enqueue_indirect_dma source(%dma_start3A_143 : memref<20000x128xf32, #tpu.memory_space<hbm>>) target(%arg9 : memref<128x128xf32, #tpu.memory_space<vmem>>) offsets(%dma_start3A_140 : memref<128xi32, #tpu.memory_space<vmem>>) semaphore(%arg11 : memref<!tpu.dma_semaphore, #tpu.memory_space<semaphore_mem>>)
        %dma_wait3A = arith.constant 8 : i32
        %dma_wait3A_144 = arith.constant 0 : i32
        %dma_wait3A_145 = tpu.memref_slice %arg7[%dma_wait3A, %dma_wait3A_144] : memref<16x128xi32, #tpu.memory_space<vmem>> -> memref<1x128xi32, #tpu.memory_space<vmem>>
        %dma_wait3A_146 = tpu.memref_squeeze %dma_wait3A_145 : memref<1x128xi32, #tpu.memory_space<vmem>> -> memref<128xi32, #tpu.memory_space<vmem>>
        %dma_wait3A_147 = arith.constant 0 : i32
        %dma_wait3A_148 = arith.constant 0 : i32
        %dma_wait3A_149 = tpu.memref_slice %arg2[%dma_wait3A_147, %dma_wait3A_148] : memref<20000x128xf32, #tpu.memory_space<hbm>> -> memref<20000x128xf32, #tpu.memory_space<hbm>>
        tpu.wait_indirect_dma semaphore(%arg11 : memref<!tpu.dma_semaphore, #tpu.memory_space<semaphore_mem>>) src(%dma_wait3A_149 : memref<20000x128xf32, #tpu.memory_space<hbm>>) dst(%arg9 : memref<128x128xf32, #tpu.memory_space<vmem>>)
        %run_scoped3A = arith.constant 8 : i32
        "tpu.region"() ({
          %run_scoped3A_150 = tpu.sem_alloc : memref<!tpu.dma_semaphore, #tpu.memory_space<semaphore_mem>>
          %dma_start3A_151 = arith.constant 0 : i32
          %dma_start3A_152 = tpu.memref_slice %arg8[%run_scoped3A, %dma_start3A_151] : memref<16x128xi32, #tpu.memory_space<vmem>> -> memref<1x128xi32, #tpu.memory_space<vmem>>
          %dma_start3A_153 = tpu.memref_squeeze %dma_start3A_152 : memref<1x128xi32, #tpu.memory_space<vmem>> -> memref<128xi32, #tpu.memory_space<vmem>>
          %dma_start3A_154 = arith.constant 0 : i32
          %dma_start3A_155 = arith.constant 0 : i32
          %dma_start3A_156 = tpu.memref_slice %arg10[%dma_start3A_154, %dma_start3A_155] : memref<10000x128xf32, #tpu.memory_space<vmem_shared>> -> memref<10000x128xf32, #tpu.memory_space<vmem_shared>>
          tpu.enqueue_indirect_dma source(%arg9 : memref<128x128xf32, #tpu.memory_space<vmem>>) target(%dma_start3A_156 : memref<10000x128xf32, #tpu.memory_space<vmem_shared>>) offsets(%dma_start3A_153 : memref<128xi32, #tpu.memory_space<vmem>>) semaphore(%run_scoped3A_150 : memref<!tpu.dma_semaphore, #tpu.memory_space<semaphore_mem>>) {add = true}
          %dma_wait3A_157 = arith.constant 0 : i32
          %dma_wait3A_158 = tpu.memref_slice %arg8[%run_scoped3A, %dma_wait3A_157] : memref<16x128xi32, #tpu.memory_space<vmem>> -> memref<1x128xi32, #tpu.memory_space<vmem>>
          %dma_wait3A_159 = tpu.memref_squeeze %dma_wait3A_158 : memref<1x128xi32, #tpu.memory_space<vmem>> -> memref<128xi32, #tpu.memory_space<vmem>>
          %dma_wait3A_160 = arith.constant 0 : i32
          %dma_wait3A_161 = arith.constant 0 : i32
          %dma_wait3A_162 = tpu.memref_slice %arg10[%dma_wait3A_160, %dma_wait3A_161] : memref<10000x128xf32, #tpu.memory_space<vmem_shared>> -> memref<10000x128xf32, #tpu.memory_space<vmem_shared>>
          tpu.wait_indirect_dma semaphore(%run_scoped3A_150 : memref<!tpu.dma_semaphore, #tpu.memory_space<semaphore_mem>>) src(%arg9 : memref<128x128xf32, #tpu.memory_space<vmem>>) dst(%dma_wait3A_162 : memref<10000x128xf32, #tpu.memory_space<vmem_shared>>)
          tpu.yield
        }) : () -> ()
      } else {
      }
      %add3A_89 = arith.constant 9 : i32
      %add3A_90 = arith.addi %multiple_of3A, %add3A_89 : i32
      %lt3A_91 = arith.constant 2500 : i32
      %lt3A_92 = arith.cmpi slt, %add3A_90, %lt3A_91 : i32
      %convert_element_type3A_93 = arith.extui %lt3A_92 : i1 to i32
      %cond3A_94 = arith.constant 0 : i32
      %cond3A_95 = arith.cmpi ne, %convert_element_type3A_93, %cond3A_94 : i32
      scf.if %cond3A_95 {
        %dma_start3A = arith.constant 9 : i32
        %dma_start3A_138 = arith.constant 0 : i32
        %dma_start3A_139 = tpu.memref_slice %arg7[%dma_start3A, %dma_start3A_138] : memref<16x128xi32, #tpu.memory_space<vmem>> -> memref<1x128xi32, #tpu.memory_space<vmem>>
        %dma_start3A_140 = tpu.memref_squeeze %dma_start3A_139 : memref<1x128xi32, #tpu.memory_space<vmem>> -> memref<128xi32, #tpu.memory_space<vmem>>
        %dma_start3A_141 = arith.constant 0 : i32
        %dma_start3A_142 = arith.constant 0 : i32
        %dma_start3A_143 = tpu.memref_slice %arg2[%dma_start3A_141, %dma_start3A_142] : memref<20000x128xf32, #tpu.memory_space<hbm>> -> memref<20000x128xf32, #tpu.memory_space<hbm>>
        tpu.enqueue_indirect_dma source(%dma_start3A_143 : memref<20000x128xf32, #tpu.memory_space<hbm>>) target(%arg9 : memref<128x128xf32, #tpu.memory_space<vmem>>) offsets(%dma_start3A_140 : memref<128xi32, #tpu.memory_space<vmem>>) semaphore(%arg11 : memref<!tpu.dma_semaphore, #tpu.memory_space<semaphore_mem>>)
        %dma_wait3A = arith.constant 9 : i32
        %dma_wait3A_144 = arith.constant 0 : i32
        %dma_wait3A_145 = tpu.memref_slice %arg7[%dma_wait3A, %dma_wait3A_144] : memref<16x128xi32, #tpu.memory_space<vmem>> -> memref<1x128xi32, #tpu.memory_space<vmem>>
        %dma_wait3A_146 = tpu.memref_squeeze %dma_wait3A_145 : memref<1x128xi32, #tpu.memory_space<vmem>> -> memref<128xi32, #tpu.memory_space<vmem>>
        %dma_wait3A_147 = arith.constant 0 : i32
        %dma_wait3A_148 = arith.constant 0 : i32
        %dma_wait3A_149 = tpu.memref_slice %arg2[%dma_wait3A_147, %dma_wait3A_148] : memref<20000x128xf32, #tpu.memory_space<hbm>> -> memref<20000x128xf32, #tpu.memory_space<hbm>>
        tpu.wait_indirect_dma semaphore(%arg11 : memref<!tpu.dma_semaphore, #tpu.memory_space<semaphore_mem>>) src(%dma_wait3A_149 : memref<20000x128xf32, #tpu.memory_space<hbm>>) dst(%arg9 : memref<128x128xf32, #tpu.memory_space<vmem>>)
        %run_scoped3A = arith.constant 9 : i32
        "tpu.region"() ({
          %run_scoped3A_150 = tpu.sem_alloc : memref<!tpu.dma_semaphore, #tpu.memory_space<semaphore_mem>>
          %dma_start3A_151 = arith.constant 0 : i32
          %dma_start3A_152 = tpu.memref_slice %arg8[%run_scoped3A, %dma_start3A_151] : memref<16x128xi32, #tpu.memory_space<vmem>> -> memref<1x128xi32, #tpu.memory_space<vmem>>
          %dma_start3A_153 = tpu.memref_squeeze %dma_start3A_152 : memref<1x128xi32, #tpu.memory_space<vmem>> -> memref<128xi32, #tpu.memory_space<vmem>>
          %dma_start3A_154 = arith.constant 0 : i32
          %dma_start3A_155 = arith.constant 0 : i32
          %dma_start3A_156 = tpu.memref_slice %arg10[%dma_start3A_154, %dma_start3A_155] : memref<10000x128xf32, #tpu.memory_space<vmem_shared>> -> memref<10000x128xf32, #tpu.memory_space<vmem_shared>>
          tpu.enqueue_indirect_dma source(%arg9 : memref<128x128xf32, #tpu.memory_space<vmem>>) target(%dma_start3A_156 : memref<10000x128xf32, #tpu.memory_space<vmem_shared>>) offsets(%dma_start3A_153 : memref<128xi32, #tpu.memory_space<vmem>>) semaphore(%run_scoped3A_150 : memref<!tpu.dma_semaphore, #tpu.memory_space<semaphore_mem>>) {add = true}
          %dma_wait3A_157 = arith.constant 0 : i32
          %dma_wait3A_158 = tpu.memref_slice %arg8[%run_scoped3A, %dma_wait3A_157] : memref<16x128xi32, #tpu.memory_space<vmem>> -> memref<1x128xi32, #tpu.memory_space<vmem>>
          %dma_wait3A_159 = tpu.memref_squeeze %dma_wait3A_158 : memref<1x128xi32, #tpu.memory_space<vmem>> -> memref<128xi32, #tpu.memory_space<vmem>>
          %dma_wait3A_160 = arith.constant 0 : i32
          %dma_wait3A_161 = arith.constant 0 : i32
          %dma_wait3A_162 = tpu.memref_slice %arg10[%dma_wait3A_160, %dma_wait3A_161] : memref<10000x128xf32, #tpu.memory_space<vmem_shared>> -> memref<10000x128xf32, #tpu.memory_space<vmem_shared>>
          tpu.wait_indirect_dma semaphore(%run_scoped3A_150 : memref<!tpu.dma_semaphore, #tpu.memory_space<semaphore_mem>>) src(%arg9 : memref<128x128xf32, #tpu.memory_space<vmem>>) dst(%dma_wait3A_162 : memref<10000x128xf32, #tpu.memory_space<vmem_shared>>)
          tpu.yield
        }) : () -> ()
      } else {
      }
      %add3A_96 = arith.constant 10 : i32
      %add3A_97 = arith.addi %multiple_of3A, %add3A_96 : i32
      %lt3A_98 = arith.constant 2500 : i32
      %lt3A_99 = arith.cmpi slt, %add3A_97, %lt3A_98 : i32
      %convert_element_type3A_100 = arith.extui %lt3A_99 : i1 to i32
      %cond3A_101 = arith.constant 0 : i32
      %cond3A_102 = arith.cmpi ne, %convert_element_type3A_100, %cond3A_101 : i32
      scf.if %cond3A_102 {
        %dma_start3A = arith.constant 10 : i32
        %dma_start3A_138 = arith.constant 0 : i32
        %dma_start3A_139 = tpu.memref_slice %arg7[%dma_start3A, %dma_start3A_138] : memref<16x128xi32, #tpu.memory_space<vmem>> -> memref<1x128xi32, #tpu.memory_space<vmem>>
        %dma_start3A_140 = tpu.memref_squeeze %dma_start3A_139 : memref<1x128xi32, #tpu.memory_space<vmem>> -> memref<128xi32, #tpu.memory_space<vmem>>
        %dma_start3A_141 = arith.constant 0 : i32
        %dma_start3A_142 = arith.constant 0 : i32
        %dma_start3A_143 = tpu.memref_slice %arg2[%dma_start3A_141, %dma_start3A_142] : memref<20000x128xf32, #tpu.memory_space<hbm>> -> memref<20000x128xf32, #tpu.memory_space<hbm>>
        tpu.enqueue_indirect_dma source(%dma_start3A_143 : memref<20000x128xf32, #tpu.memory_space<hbm>>) target(%arg9 : memref<128x128xf32, #tpu.memory_space<vmem>>) offsets(%dma_start3A_140 : memref<128xi32, #tpu.memory_space<vmem>>) semaphore(%arg11 : memref<!tpu.dma_semaphore, #tpu.memory_space<semaphore_mem>>)
        %dma_wait3A = arith.constant 10 : i32
        %dma_wait3A_144 = arith.constant 0 : i32
        %dma_wait3A_145 = tpu.memref_slice %arg7[%dma_wait3A, %dma_wait3A_144] : memref<16x128xi32, #tpu.memory_space<vmem>> -> memref<1x128xi32, #tpu.memory_space<vmem>>
        %dma_wait3A_146 = tpu.memref_squeeze %dma_wait3A_145 : memref<1x128xi32, #tpu.memory_space<vmem>> -> memref<128xi32, #tpu.memory_space<vmem>>
        %dma_wait3A_147 = arith.constant 0 : i32
        %dma_wait3A_148 = arith.constant 0 : i32
        %dma_wait3A_149 = tpu.memref_slice %arg2[%dma_wait3A_147, %dma_wait3A_148] : memref<20000x128xf32, #tpu.memory_space<hbm>> -> memref<20000x128xf32, #tpu.memory_space<hbm>>
        tpu.wait_indirect_dma semaphore(%arg11 : memref<!tpu.dma_semaphore, #tpu.memory_space<semaphore_mem>>) src(%dma_wait3A_149 : memref<20000x128xf32, #tpu.memory_space<hbm>>) dst(%arg9 : memref<128x128xf32, #tpu.memory_space<vmem>>)
        %run_scoped3A = arith.constant 10 : i32
        "tpu.region"() ({
          %run_scoped3A_150 = tpu.sem_alloc : memref<!tpu.dma_semaphore, #tpu.memory_space<semaphore_mem>>
          %dma_start3A_151 = arith.constant 0 : i32
          %dma_start3A_152 = tpu.memref_slice %arg8[%run_scoped3A, %dma_start3A_151] : memref<16x128xi32, #tpu.memory_space<vmem>> -> memref<1x128xi32, #tpu.memory_space<vmem>>
          %dma_start3A_153 = tpu.memref_squeeze %dma_start3A_152 : memref<1x128xi32, #tpu.memory_space<vmem>> -> memref<128xi32, #tpu.memory_space<vmem>>
          %dma_start3A_154 = arith.constant 0 : i32
          %dma_start3A_155 = arith.constant 0 : i32
          %dma_start3A_156 = tpu.memref_slice %arg10[%dma_start3A_154, %dma_start3A_155] : memref<10000x128xf32, #tpu.memory_space<vmem_shared>> -> memref<10000x128xf32, #tpu.memory_space<vmem_shared>>
          tpu.enqueue_indirect_dma source(%arg9 : memref<128x128xf32, #tpu.memory_space<vmem>>) target(%dma_start3A_156 : memref<10000x128xf32, #tpu.memory_space<vmem_shared>>) offsets(%dma_start3A_153 : memref<128xi32, #tpu.memory_space<vmem>>) semaphore(%run_scoped3A_150 : memref<!tpu.dma_semaphore, #tpu.memory_space<semaphore_mem>>) {add = true}
          %dma_wait3A_157 = arith.constant 0 : i32
          %dma_wait3A_158 = tpu.memref_slice %arg8[%run_scoped3A, %dma_wait3A_157] : memref<16x128xi32, #tpu.memory_space<vmem>> -> memref<1x128xi32, #tpu.memory_space<vmem>>
          %dma_wait3A_159 = tpu.memref_squeeze %dma_wait3A_158 : memref<1x128xi32, #tpu.memory_space<vmem>> -> memref<128xi32, #tpu.memory_space<vmem>>
          %dma_wait3A_160 = arith.constant 0 : i32
          %dma_wait3A_161 = arith.constant 0 : i32
          %dma_wait3A_162 = tpu.memref_slice %arg10[%dma_wait3A_160, %dma_wait3A_161] : memref<10000x128xf32, #tpu.memory_space<vmem_shared>> -> memref<10000x128xf32, #tpu.memory_space<vmem_shared>>
          tpu.wait_indirect_dma semaphore(%run_scoped3A_150 : memref<!tpu.dma_semaphore, #tpu.memory_space<semaphore_mem>>) src(%arg9 : memref<128x128xf32, #tpu.memory_space<vmem>>) dst(%dma_wait3A_162 : memref<10000x128xf32, #tpu.memory_space<vmem_shared>>)
          tpu.yield
        }) : () -> ()
      } else {
      }
      %add3A_103 = arith.constant 11 : i32
      %add3A_104 = arith.addi %multiple_of3A, %add3A_103 : i32
      %lt3A_105 = arith.constant 2500 : i32
      %lt3A_106 = arith.cmpi slt, %add3A_104, %lt3A_105 : i32
      %convert_element_type3A_107 = arith.extui %lt3A_106 : i1 to i32
      %cond3A_108 = arith.constant 0 : i32
      %cond3A_109 = arith.cmpi ne, %convert_element_type3A_107, %cond3A_108 : i32
      scf.if %cond3A_109 {
        %dma_start3A = arith.constant 11 : i32
        %dma_start3A_138 = arith.constant 0 : i32
        %dma_start3A_139 = tpu.memref_slice %arg7[%dma_start3A, %dma_start3A_138] : memref<16x128xi32, #tpu.memory_space<vmem>> -> memref<1x128xi32, #tpu.memory_space<vmem>>
        %dma_start3A_140 = tpu.memref_squeeze %dma_start3A_139 : memref<1x128xi32, #tpu.memory_space<vmem>> -> memref<128xi32, #tpu.memory_space<vmem>>
        %dma_start3A_141 = arith.constant 0 : i32
        %dma_start3A_142 = arith.constant 0 : i32
        %dma_start3A_143 = tpu.memref_slice %arg2[%dma_start3A_141, %dma_start3A_142] : memref<20000x128xf32, #tpu.memory_space<hbm>> -> memref<20000x128xf32, #tpu.memory_space<hbm>>
        tpu.enqueue_indirect_dma source(%dma_start3A_143 : memref<20000x128xf32, #tpu.memory_space<hbm>>) target(%arg9 : memref<128x128xf32, #tpu.memory_space<vmem>>) offsets(%dma_start3A_140 : memref<128xi32, #tpu.memory_space<vmem>>) semaphore(%arg11 : memref<!tpu.dma_semaphore, #tpu.memory_space<semaphore_mem>>)
        %dma_wait3A = arith.constant 11 : i32
        %dma_wait3A_144 = arith.constant 0 : i32
        %dma_wait3A_145 = tpu.memref_slice %arg7[%dma_wait3A, %dma_wait3A_144] : memref<16x128xi32, #tpu.memory_space<vmem>> -> memref<1x128xi32, #tpu.memory_space<vmem>>
        %dma_wait3A_146 = tpu.memref_squeeze %dma_wait3A_145 : memref<1x128xi32, #tpu.memory_space<vmem>> -> memref<128xi32, #tpu.memory_space<vmem>>
        %dma_wait3A_147 = arith.constant 0 : i32
        %dma_wait3A_148 = arith.constant 0 : i32
        %dma_wait3A_149 = tpu.memref_slice %arg2[%dma_wait3A_147, %dma_wait3A_148] : memref<20000x128xf32, #tpu.memory_space<hbm>> -> memref<20000x128xf32, #tpu.memory_space<hbm>>
        tpu.wait_indirect_dma semaphore(%arg11 : memref<!tpu.dma_semaphore, #tpu.memory_space<semaphore_mem>>) src(%dma_wait3A_149 : memref<20000x128xf32, #tpu.memory_space<hbm>>) dst(%arg9 : memref<128x128xf32, #tpu.memory_space<vmem>>)
        %run_scoped3A = arith.constant 11 : i32
        "tpu.region"() ({
          %run_scoped3A_150 = tpu.sem_alloc : memref<!tpu.dma_semaphore, #tpu.memory_space<semaphore_mem>>
          %dma_start3A_151 = arith.constant 0 : i32
          %dma_start3A_152 = tpu.memref_slice %arg8[%run_scoped3A, %dma_start3A_151] : memref<16x128xi32, #tpu.memory_space<vmem>> -> memref<1x128xi32, #tpu.memory_space<vmem>>
          %dma_start3A_153 = tpu.memref_squeeze %dma_start3A_152 : memref<1x128xi32, #tpu.memory_space<vmem>> -> memref<128xi32, #tpu.memory_space<vmem>>
          %dma_start3A_154 = arith.constant 0 : i32
          %dma_start3A_155 = arith.constant 0 : i32
          %dma_start3A_156 = tpu.memref_slice %arg10[%dma_start3A_154, %dma_start3A_155] : memref<10000x128xf32, #tpu.memory_space<vmem_shared>> -> memref<10000x128xf32, #tpu.memory_space<vmem_shared>>
          tpu.enqueue_indirect_dma source(%arg9 : memref<128x128xf32, #tpu.memory_space<vmem>>) target(%dma_start3A_156 : memref<10000x128xf32, #tpu.memory_space<vmem_shared>>) offsets(%dma_start3A_153 : memref<128xi32, #tpu.memory_space<vmem>>) semaphore(%run_scoped3A_150 : memref<!tpu.dma_semaphore, #tpu.memory_space<semaphore_mem>>) {add = true}
          %dma_wait3A_157 = arith.constant 0 : i32
          %dma_wait3A_158 = tpu.memref_slice %arg8[%run_scoped3A, %dma_wait3A_157] : memref<16x128xi32, #tpu.memory_space<vmem>> -> memref<1x128xi32, #tpu.memory_space<vmem>>
          %dma_wait3A_159 = tpu.memref_squeeze %dma_wait3A_158 : memref<1x128xi32, #tpu.memory_space<vmem>> -> memref<128xi32, #tpu.memory_space<vmem>>
          %dma_wait3A_160 = arith.constant 0 : i32
          %dma_wait3A_161 = arith.constant 0 : i32
          %dma_wait3A_162 = tpu.memref_slice %arg10[%dma_wait3A_160, %dma_wait3A_161] : memref<10000x128xf32, #tpu.memory_space<vmem_shared>> -> memref<10000x128xf32, #tpu.memory_space<vmem_shared>>
          tpu.wait_indirect_dma semaphore(%run_scoped3A_150 : memref<!tpu.dma_semaphore, #tpu.memory_space<semaphore_mem>>) src(%arg9 : memref<128x128xf32, #tpu.memory_space<vmem>>) dst(%dma_wait3A_162 : memref<10000x128xf32, #tpu.memory_space<vmem_shared>>)
          tpu.yield
        }) : () -> ()
      } else {
      }
      %add3A_110 = arith.constant 12 : i32
      %add3A_111 = arith.addi %multiple_of3A, %add3A_110 : i32
      %lt3A_112 = arith.constant 2500 : i32
      %lt3A_113 = arith.cmpi slt, %add3A_111, %lt3A_112 : i32
      %convert_element_type3A_114 = arith.extui %lt3A_113 : i1 to i32
      %cond3A_115 = arith.constant 0 : i32
      %cond3A_116 = arith.cmpi ne, %convert_element_type3A_114, %cond3A_115 : i32
      scf.if %cond3A_116 {
        %dma_start3A = arith.constant 12 : i32
        %dma_start3A_138 = arith.constant 0 : i32
        %dma_start3A_139 = tpu.memref_slice %arg7[%dma_start3A, %dma_start3A_138] : memref<16x128xi32, #tpu.memory_space<vmem>> -> memref<1x128xi32, #tpu.memory_space<vmem>>
        %dma_start3A_140 = tpu.memref_squeeze %dma_start3A_139 : memref<1x128xi32, #tpu.memory_space<vmem>> -> memref<128xi32, #tpu.memory_space<vmem>>
        %dma_start3A_141 = arith.constant 0 : i32
        %dma_start3A_142 = arith.constant 0 : i32
        %dma_start3A_143 = tpu.memref_slice %arg2[%dma_start3A_141, %dma_start3A_142] : memref<20000x128xf32, #tpu.memory_space<hbm>> -> memref<20000x128xf32, #tpu.memory_space<hbm>>
        tpu.enqueue_indirect_dma source(%dma_start3A_143 : memref<20000x128xf32, #tpu.memory_space<hbm>>) target(%arg9 : memref<128x128xf32, #tpu.memory_space<vmem>>) offsets(%dma_start3A_140 : memref<128xi32, #tpu.memory_space<vmem>>) semaphore(%arg11 : memref<!tpu.dma_semaphore, #tpu.memory_space<semaphore_mem>>)
        %dma_wait3A = arith.constant 12 : i32
        %dma_wait3A_144 = arith.constant 0 : i32
        %dma_wait3A_145 = tpu.memref_slice %arg7[%dma_wait3A, %dma_wait3A_144] : memref<16x128xi32, #tpu.memory_space<vmem>> -> memref<1x128xi32, #tpu.memory_space<vmem>>
        %dma_wait3A_146 = tpu.memref_squeeze %dma_wait3A_145 : memref<1x128xi32, #tpu.memory_space<vmem>> -> memref<128xi32, #tpu.memory_space<vmem>>
        %dma_wait3A_147 = arith.constant 0 : i32
        %dma_wait3A_148 = arith.constant 0 : i32
        %dma_wait3A_149 = tpu.memref_slice %arg2[%dma_wait3A_147, %dma_wait3A_148] : memref<20000x128xf32, #tpu.memory_space<hbm>> -> memref<20000x128xf32, #tpu.memory_space<hbm>>
        tpu.wait_indirect_dma semaphore(%arg11 : memref<!tpu.dma_semaphore, #tpu.memory_space<semaphore_mem>>) src(%dma_wait3A_149 : memref<20000x128xf32, #tpu.memory_space<hbm>>) dst(%arg9 : memref<128x128xf32, #tpu.memory_space<vmem>>)
        %run_scoped3A = arith.constant 12 : i32
        "tpu.region"() ({
          %run_scoped3A_150 = tpu.sem_alloc : memref<!tpu.dma_semaphore, #tpu.memory_space<semaphore_mem>>
          %dma_start3A_151 = arith.constant 0 : i32
          %dma_start3A_152 = tpu.memref_slice %arg8[%run_scoped3A, %dma_start3A_151] : memref<16x128xi32, #tpu.memory_space<vmem>> -> memref<1x128xi32, #tpu.memory_space<vmem>>
          %dma_start3A_153 = tpu.memref_squeeze %dma_start3A_152 : memref<1x128xi32, #tpu.memory_space<vmem>> -> memref<128xi32, #tpu.memory_space<vmem>>
          %dma_start3A_154 = arith.constant 0 : i32
          %dma_start3A_155 = arith.constant 0 : i32
          %dma_start3A_156 = tpu.memref_slice %arg10[%dma_start3A_154, %dma_start3A_155] : memref<10000x128xf32, #tpu.memory_space<vmem_shared>> -> memref<10000x128xf32, #tpu.memory_space<vmem_shared>>
          tpu.enqueue_indirect_dma source(%arg9 : memref<128x128xf32, #tpu.memory_space<vmem>>) target(%dma_start3A_156 : memref<10000x128xf32, #tpu.memory_space<vmem_shared>>) offsets(%dma_start3A_153 : memref<128xi32, #tpu.memory_space<vmem>>) semaphore(%run_scoped3A_150 : memref<!tpu.dma_semaphore, #tpu.memory_space<semaphore_mem>>) {add = true}
          %dma_wait3A_157 = arith.constant 0 : i32
          %dma_wait3A_158 = tpu.memref_slice %arg8[%run_scoped3A, %dma_wait3A_157] : memref<16x128xi32, #tpu.memory_space<vmem>> -> memref<1x128xi32, #tpu.memory_space<vmem>>
          %dma_wait3A_159 = tpu.memref_squeeze %dma_wait3A_158 : memref<1x128xi32, #tpu.memory_space<vmem>> -> memref<128xi32, #tpu.memory_space<vmem>>
          %dma_wait3A_160 = arith.constant 0 : i32
          %dma_wait3A_161 = arith.constant 0 : i32
          %dma_wait3A_162 = tpu.memref_slice %arg10[%dma_wait3A_160, %dma_wait3A_161] : memref<10000x128xf32, #tpu.memory_space<vmem_shared>> -> memref<10000x128xf32, #tpu.memory_space<vmem_shared>>
          tpu.wait_indirect_dma semaphore(%run_scoped3A_150 : memref<!tpu.dma_semaphore, #tpu.memory_space<semaphore_mem>>) src(%arg9 : memref<128x128xf32, #tpu.memory_space<vmem>>) dst(%dma_wait3A_162 : memref<10000x128xf32, #tpu.memory_space<vmem_shared>>)
          tpu.yield
        }) : () -> ()
      } else {
      }
      %add3A_117 = arith.constant 13 : i32
      %add3A_118 = arith.addi %multiple_of3A, %add3A_117 : i32
      %lt3A_119 = arith.constant 2500 : i32
      %lt3A_120 = arith.cmpi slt, %add3A_118, %lt3A_119 : i32
      %convert_element_type3A_121 = arith.extui %lt3A_120 : i1 to i32
      %cond3A_122 = arith.constant 0 : i32
      %cond3A_123 = arith.cmpi ne, %convert_element_type3A_121, %cond3A_122 : i32
      scf.if %cond3A_123 {
        %dma_start3A = arith.constant 13 : i32
        %dma_start3A_138 = arith.constant 0 : i32
        %dma_start3A_139 = tpu.memref_slice %arg7[%dma_start3A, %dma_start3A_138] : memref<16x128xi32, #tpu.memory_space<vmem>> -> memref<1x128xi32, #tpu.memory_space<vmem>>
        %dma_start3A_140 = tpu.memref_squeeze %dma_start3A_139 : memref<1x128xi32, #tpu.memory_space<vmem>> -> memref<128xi32, #tpu.memory_space<vmem>>
        %dma_start3A_141 = arith.constant 0 : i32
        %dma_start3A_142 = arith.constant 0 : i32
        %dma_start3A_143 = tpu.memref_slice %arg2[%dma_start3A_141, %dma_start3A_142] : memref<20000x128xf32, #tpu.memory_space<hbm>> -> memref<20000x128xf32, #tpu.memory_space<hbm>>
        tpu.enqueue_indirect_dma source(%dma_start3A_143 : memref<20000x128xf32, #tpu.memory_space<hbm>>) target(%arg9 : memref<128x128xf32, #tpu.memory_space<vmem>>) offsets(%dma_start3A_140 : memref<128xi32, #tpu.memory_space<vmem>>) semaphore(%arg11 : memref<!tpu.dma_semaphore, #tpu.memory_space<semaphore_mem>>)
        %dma_wait3A = arith.constant 13 : i32
        %dma_wait3A_144 = arith.constant 0 : i32
        %dma_wait3A_145 = tpu.memref_slice %arg7[%dma_wait3A, %dma_wait3A_144] : memref<16x128xi32, #tpu.memory_space<vmem>> -> memref<1x128xi32, #tpu.memory_space<vmem>>
        %dma_wait3A_146 = tpu.memref_squeeze %dma_wait3A_145 : memref<1x128xi32, #tpu.memory_space<vmem>> -> memref<128xi32, #tpu.memory_space<vmem>>
        %dma_wait3A_147 = arith.constant 0 : i32
        %dma_wait3A_148 = arith.constant 0 : i32
        %dma_wait3A_149 = tpu.memref_slice %arg2[%dma_wait3A_147, %dma_wait3A_148] : memref<20000x128xf32, #tpu.memory_space<hbm>> -> memref<20000x128xf32, #tpu.memory_space<hbm>>
        tpu.wait_indirect_dma semaphore(%arg11 : memref<!tpu.dma_semaphore, #tpu.memory_space<semaphore_mem>>) src(%dma_wait3A_149 : memref<20000x128xf32, #tpu.memory_space<hbm>>) dst(%arg9 : memref<128x128xf32, #tpu.memory_space<vmem>>)
        %run_scoped3A = arith.constant 13 : i32
        "tpu.region"() ({
          %run_scoped3A_150 = tpu.sem_alloc : memref<!tpu.dma_semaphore, #tpu.memory_space<semaphore_mem>>
          %dma_start3A_151 = arith.constant 0 : i32
          %dma_start3A_152 = tpu.memref_slice %arg8[%run_scoped3A, %dma_start3A_151] : memref<16x128xi32, #tpu.memory_space<vmem>> -> memref<1x128xi32, #tpu.memory_space<vmem>>
          %dma_start3A_153 = tpu.memref_squeeze %dma_start3A_152 : memref<1x128xi32, #tpu.memory_space<vmem>> -> memref<128xi32, #tpu.memory_space<vmem>>
          %dma_start3A_154 = arith.constant 0 : i32
          %dma_start3A_155 = arith.constant 0 : i32
          %dma_start3A_156 = tpu.memref_slice %arg10[%dma_start3A_154, %dma_start3A_155] : memref<10000x128xf32, #tpu.memory_space<vmem_shared>> -> memref<10000x128xf32, #tpu.memory_space<vmem_shared>>
          tpu.enqueue_indirect_dma source(%arg9 : memref<128x128xf32, #tpu.memory_space<vmem>>) target(%dma_start3A_156 : memref<10000x128xf32, #tpu.memory_space<vmem_shared>>) offsets(%dma_start3A_153 : memref<128xi32, #tpu.memory_space<vmem>>) semaphore(%run_scoped3A_150 : memref<!tpu.dma_semaphore, #tpu.memory_space<semaphore_mem>>) {add = true}
          %dma_wait3A_157 = arith.constant 0 : i32
          %dma_wait3A_158 = tpu.memref_slice %arg8[%run_scoped3A, %dma_wait3A_157] : memref<16x128xi32, #tpu.memory_space<vmem>> -> memref<1x128xi32, #tpu.memory_space<vmem>>
          %dma_wait3A_159 = tpu.memref_squeeze %dma_wait3A_158 : memref<1x128xi32, #tpu.memory_space<vmem>> -> memref<128xi32, #tpu.memory_space<vmem>>
          %dma_wait3A_160 = arith.constant 0 : i32
          %dma_wait3A_161 = arith.constant 0 : i32
          %dma_wait3A_162 = tpu.memref_slice %arg10[%dma_wait3A_160, %dma_wait3A_161] : memref<10000x128xf32, #tpu.memory_space<vmem_shared>> -> memref<10000x128xf32, #tpu.memory_space<vmem_shared>>
          tpu.wait_indirect_dma semaphore(%run_scoped3A_150 : memref<!tpu.dma_semaphore, #tpu.memory_space<semaphore_mem>>) src(%arg9 : memref<128x128xf32, #tpu.memory_space<vmem>>) dst(%dma_wait3A_162 : memref<10000x128xf32, #tpu.memory_space<vmem_shared>>)
          tpu.yield
        }) : () -> ()
      } else {
      }
      %add3A_124 = arith.constant 14 : i32
      %add3A_125 = arith.addi %multiple_of3A, %add3A_124 : i32
      %lt3A_126 = arith.constant 2500 : i32
      %lt3A_127 = arith.cmpi slt, %add3A_125, %lt3A_126 : i32
      %convert_element_type3A_128 = arith.extui %lt3A_127 : i1 to i32
      %cond3A_129 = arith.constant 0 : i32
      %cond3A_130 = arith.cmpi ne, %convert_element_type3A_128, %cond3A_129 : i32
      scf.if %cond3A_130 {
        %dma_start3A = arith.constant 14 : i32
        %dma_start3A_138 = arith.constant 0 : i32
        %dma_start3A_139 = tpu.memref_slice %arg7[%dma_start3A, %dma_start3A_138] : memref<16x128xi32, #tpu.memory_space<vmem>> -> memref<1x128xi32, #tpu.memory_space<vmem>>
        %dma_start3A_140 = tpu.memref_squeeze %dma_start3A_139 : memref<1x128xi32, #tpu.memory_space<vmem>> -> memref<128xi32, #tpu.memory_space<vmem>>
        %dma_start3A_141 = arith.constant 0 : i32
        %dma_start3A_142 = arith.constant 0 : i32
        %dma_start3A_143 = tpu.memref_slice %arg2[%dma_start3A_141, %dma_start3A_142] : memref<20000x128xf32, #tpu.memory_space<hbm>> -> memref<20000x128xf32, #tpu.memory_space<hbm>>
        tpu.enqueue_indirect_dma source(%dma_start3A_143 : memref<20000x128xf32, #tpu.memory_space<hbm>>) target(%arg9 : memref<128x128xf32, #tpu.memory_space<vmem>>) offsets(%dma_start3A_140 : memref<128xi32, #tpu.memory_space<vmem>>) semaphore(%arg11 : memref<!tpu.dma_semaphore, #tpu.memory_space<semaphore_mem>>)
        %dma_wait3A = arith.constant 14 : i32
        %dma_wait3A_144 = arith.constant 0 : i32
        %dma_wait3A_145 = tpu.memref_slice %arg7[%dma_wait3A, %dma_wait3A_144] : memref<16x128xi32, #tpu.memory_space<vmem>> -> memref<1x128xi32, #tpu.memory_space<vmem>>
        %dma_wait3A_146 = tpu.memref_squeeze %dma_wait3A_145 : memref<1x128xi32, #tpu.memory_space<vmem>> -> memref<128xi32, #tpu.memory_space<vmem>>
        %dma_wait3A_147 = arith.constant 0 : i32
        %dma_wait3A_148 = arith.constant 0 : i32
        %dma_wait3A_149 = tpu.memref_slice %arg2[%dma_wait3A_147, %dma_wait3A_148] : memref<20000x128xf32, #tpu.memory_space<hbm>> -> memref<20000x128xf32, #tpu.memory_space<hbm>>
        tpu.wait_indirect_dma semaphore(%arg11 : memref<!tpu.dma_semaphore, #tpu.memory_space<semaphore_mem>>) src(%dma_wait3A_149 : memref<20000x128xf32, #tpu.memory_space<hbm>>) dst(%arg9 : memref<128x128xf32, #tpu.memory_space<vmem>>)
        %run_scoped3A = arith.constant 14 : i32
        "tpu.region"() ({
          %run_scoped3A_150 = tpu.sem_alloc : memref<!tpu.dma_semaphore, #tpu.memory_space<semaphore_mem>>
          %dma_start3A_151 = arith.constant 0 : i32
          %dma_start3A_152 = tpu.memref_slice %arg8[%run_scoped3A, %dma_start3A_151] : memref<16x128xi32, #tpu.memory_space<vmem>> -> memref<1x128xi32, #tpu.memory_space<vmem>>
          %dma_start3A_153 = tpu.memref_squeeze %dma_start3A_152 : memref<1x128xi32, #tpu.memory_space<vmem>> -> memref<128xi32, #tpu.memory_space<vmem>>
          %dma_start3A_154 = arith.constant 0 : i32
          %dma_start3A_155 = arith.constant 0 : i32
          %dma_start3A_156 = tpu.memref_slice %arg10[%dma_start3A_154, %dma_start3A_155] : memref<10000x128xf32, #tpu.memory_space<vmem_shared>> -> memref<10000x128xf32, #tpu.memory_space<vmem_shared>>
          tpu.enqueue_indirect_dma source(%arg9 : memref<128x128xf32, #tpu.memory_space<vmem>>) target(%dma_start3A_156 : memref<10000x128xf32, #tpu.memory_space<vmem_shared>>) offsets(%dma_start3A_153 : memref<128xi32, #tpu.memory_space<vmem>>) semaphore(%run_scoped3A_150 : memref<!tpu.dma_semaphore, #tpu.memory_space<semaphore_mem>>) {add = true}
          %dma_wait3A_157 = arith.constant 0 : i32
          %dma_wait3A_158 = tpu.memref_slice %arg8[%run_scoped3A, %dma_wait3A_157] : memref<16x128xi32, #tpu.memory_space<vmem>> -> memref<1x128xi32, #tpu.memory_space<vmem>>
          %dma_wait3A_159 = tpu.memref_squeeze %dma_wait3A_158 : memref<1x128xi32, #tpu.memory_space<vmem>> -> memref<128xi32, #tpu.memory_space<vmem>>
          %dma_wait3A_160 = arith.constant 0 : i32
          %dma_wait3A_161 = arith.constant 0 : i32
          %dma_wait3A_162 = tpu.memref_slice %arg10[%dma_wait3A_160, %dma_wait3A_161] : memref<10000x128xf32, #tpu.memory_space<vmem_shared>> -> memref<10000x128xf32, #tpu.memory_space<vmem_shared>>
          tpu.wait_indirect_dma semaphore(%run_scoped3A_150 : memref<!tpu.dma_semaphore, #tpu.memory_space<semaphore_mem>>) src(%arg9 : memref<128x128xf32, #tpu.memory_space<vmem>>) dst(%dma_wait3A_162 : memref<10000x128xf32, #tpu.memory_space<vmem_shared>>)
          tpu.yield
        }) : () -> ()
      } else {
      }
      %add3A_131 = arith.constant 15 : i32
      %add3A_132 = arith.addi %multiple_of3A, %add3A_131 : i32
      %lt3A_133 = arith.constant 2500 : i32
      %lt3A_134 = arith.cmpi slt, %add3A_132, %lt3A_133 : i32
      %convert_element_type3A_135 = arith.extui %lt3A_134 : i1 to i32
      %cond3A_136 = arith.constant 0 : i32
      %cond3A_137 = arith.cmpi ne, %convert_element_type3A_135, %cond3A_136 : i32
      scf.if %cond3A_137 {
        %dma_start3A = arith.constant 15 : i32
        %dma_start3A_138 = arith.constant 0 : i32
        %dma_start3A_139 = tpu.memref_slice %arg7[%dma_start3A, %dma_start3A_138] : memref<16x128xi32, #tpu.memory_space<vmem>> -> memref<1x128xi32, #tpu.memory_space<vmem>>
        %dma_start3A_140 = tpu.memref_squeeze %dma_start3A_139 : memref<1x128xi32, #tpu.memory_space<vmem>> -> memref<128xi32, #tpu.memory_space<vmem>>
        %dma_start3A_141 = arith.constant 0 : i32
        %dma_start3A_142 = arith.constant 0 : i32
        %dma_start3A_143 = tpu.memref_slice %arg2[%dma_start3A_141, %dma_start3A_142] : memref<20000x128xf32, #tpu.memory_space<hbm>> -> memref<20000x128xf32, #tpu.memory_space<hbm>>
        tpu.enqueue_indirect_dma source(%dma_start3A_143 : memref<20000x128xf32, #tpu.memory_space<hbm>>) target(%arg9 : memref<128x128xf32, #tpu.memory_space<vmem>>) offsets(%dma_start3A_140 : memref<128xi32, #tpu.memory_space<vmem>>) semaphore(%arg11 : memref<!tpu.dma_semaphore, #tpu.memory_space<semaphore_mem>>)
        %dma_wait3A = arith.constant 15 : i32
        %dma_wait3A_144 = arith.constant 0 : i32
        %dma_wait3A_145 = tpu.memref_slice %arg7[%dma_wait3A, %dma_wait3A_144] : memref<16x128xi32, #tpu.memory_space<vmem>> -> memref<1x128xi32, #tpu.memory_space<vmem>>
        %dma_wait3A_146 = tpu.memref_squeeze %dma_wait3A_145 : memref<1x128xi32, #tpu.memory_space<vmem>> -> memref<128xi32, #tpu.memory_space<vmem>>
        %dma_wait3A_147 = arith.constant 0 : i32
        %dma_wait3A_148 = arith.constant 0 : i32
        %dma_wait3A_149 = tpu.memref_slice %arg2[%dma_wait3A_147, %dma_wait3A_148] : memref<20000x128xf32, #tpu.memory_space<hbm>> -> memref<20000x128xf32, #tpu.memory_space<hbm>>
        tpu.wait_indirect_dma semaphore(%arg11 : memref<!tpu.dma_semaphore, #tpu.memory_space<semaphore_mem>>) src(%dma_wait3A_149 : memref<20000x128xf32, #tpu.memory_space<hbm>>) dst(%arg9 : memref<128x128xf32, #tpu.memory_space<vmem>>)
        %run_scoped3A = arith.constant 15 : i32
        "tpu.region"() ({
          %run_scoped3A_150 = tpu.sem_alloc : memref<!tpu.dma_semaphore, #tpu.memory_space<semaphore_mem>>
          %dma_start3A_151 = arith.constant 0 : i32
          %dma_start3A_152 = tpu.memref_slice %arg8[%run_scoped3A, %dma_start3A_151] : memref<16x128xi32, #tpu.memory_space<vmem>> -> memref<1x128xi32, #tpu.memory_space<vmem>>
          %dma_start3A_153 = tpu.memref_squeeze %dma_start3A_152 : memref<1x128xi32, #tpu.memory_space<vmem>> -> memref<128xi32, #tpu.memory_space<vmem>>
          %dma_start3A_154 = arith.constant 0 : i32
          %dma_start3A_155 = arith.constant 0 : i32
          %dma_start3A_156 = tpu.memref_slice %arg10[%dma_start3A_154, %dma_start3A_155] : memref<10000x128xf32, #tpu.memory_space<vmem_shared>> -> memref<10000x128xf32, #tpu.memory_space<vmem_shared>>
          tpu.enqueue_indirect_dma source(%arg9 : memref<128x128xf32, #tpu.memory_space<vmem>>) target(%dma_start3A_156 : memref<10000x128xf32, #tpu.memory_space<vmem_shared>>) offsets(%dma_start3A_153 : memref<128xi32, #tpu.memory_space<vmem>>) semaphore(%run_scoped3A_150 : memref<!tpu.dma_semaphore, #tpu.memory_space<semaphore_mem>>) {add = true}
          %dma_wait3A_157 = arith.constant 0 : i32
          %dma_wait3A_158 = tpu.memref_slice %arg8[%run_scoped3A, %dma_wait3A_157] : memref<16x128xi32, #tpu.memory_space<vmem>> -> memref<1x128xi32, #tpu.memory_space<vmem>>
          %dma_wait3A_159 = tpu.memref_squeeze %dma_wait3A_158 : memref<1x128xi32, #tpu.memory_space<vmem>> -> memref<128xi32, #tpu.memory_space<vmem>>
          %dma_wait3A_160 = arith.constant 0 : i32
          %dma_wait3A_161 = arith.constant 0 : i32
          %dma_wait3A_162 = tpu.memref_slice %arg10[%dma_wait3A_160, %dma_wait3A_161] : memref<10000x128xf32, #tpu.memory_space<vmem_shared>> -> memref<10000x128xf32, #tpu.memory_space<vmem_shared>>
          tpu.wait_indirect_dma semaphore(%run_scoped3A_150 : memref<!tpu.dma_semaphore, #tpu.memory_space<semaphore_mem>>) src(%arg9 : memref<128x128xf32, #tpu.memory_space<vmem>>) dst(%dma_wait3A_162 : memref<10000x128xf32, #tpu.memory_space<vmem_shared>>)
          tpu.yield
        }) : () -> ()
      } else {
      }
    }
    %scan3A_11 = arith.constant 10 : i32
    %barrier3A_12 = arith.constant 0 : index
    tpu.barrier barrier_id(%barrier3A_12)
    %lt3A_13 = arith.constant 15 : i32
    %lt3A_14 = arith.cmpi slt, %arg1, %lt3A_13 : i32
    %convert_element_type3A_15 = arith.extui %lt3A_14 : i1 to i32
    %cond3A_16 = arith.constant 0 : i32
    %cond3A_17 = arith.cmpi ne, %convert_element_type3A_15, %cond3A_16 : i32
    scf.if %cond3A_17 {
      %mul3A_23 = arith.constant 632 : i32
      %mul3A_24 = arith.muli %arg1, %mul3A_23 : i32
      %multiple_of3A = tpu.assume_multiple %mul3A_24, 8 : i32
      "tpu.region"() ({
        %run_scoped3A = tpu.sem_alloc : memref<!tpu.dma_semaphore, #tpu.memory_space<semaphore_mem>>
        %dma_start3A = arith.constant 0 : i32
        %dma_start3A_25 = tpu.memref_slice %arg6[%arg0, %multiple_of3A, %dma_start3A] : memref<2x10000x128xf32, #tpu.memory_space<hbm>> -> memref<1x632x128xf32, #tpu.memory_space<hbm>>
        %dma_start3A_26 = tpu.memref_squeeze %dma_start3A_25 : memref<1x632x128xf32, #tpu.memory_space<hbm>> -> memref<632x128xf32, #tpu.memory_space<hbm>>
        %dma_start3A_27 = arith.constant 0 : i32
        %dma_start3A_28 = tpu.memref_slice %arg10[%multiple_of3A, %dma_start3A_27] : memref<10000x128xf32, #tpu.memory_space<vmem_shared>> -> memref<632x128xf32, #tpu.memory_space<vmem_shared>>
        tpu.enqueue_dma source(%dma_start3A_28 : memref<632x128xf32, #tpu.memory_space<vmem_shared>>) target(%dma_start3A_26 : memref<632x128xf32, #tpu.memory_space<hbm>>) target_semaphore(%run_scoped3A : memref<!tpu.dma_semaphore, #tpu.memory_space<semaphore_mem>>)
        %dma_wait3A = arith.constant 0 : i32
        %dma_wait3A_29 = tpu.memref_slice %arg6[%arg0, %multiple_of3A, %dma_wait3A] : memref<2x10000x128xf32, #tpu.memory_space<hbm>> -> memref<1x632x128xf32, #tpu.memory_space<hbm>>
        %dma_wait3A_30 = tpu.memref_squeeze %dma_wait3A_29 : memref<1x632x128xf32, #tpu.memory_space<hbm>> -> memref<632x128xf32, #tpu.memory_space<hbm>>
        %dma_wait3A_31 = arith.constant 0 : i32
        %dma_wait3A_32 = tpu.memref_slice %arg10[%multiple_of3A, %dma_wait3A_31] : memref<10000x128xf32, #tpu.memory_space<vmem_shared>> -> memref<632x128xf32, #tpu.memory_space<vmem_shared>>
        tpu.wait_dma2 semaphore(%run_scoped3A : memref<!tpu.dma_semaphore, #tpu.memory_space<semaphore_mem>>) src(%dma_wait3A_32 : memref<632x128xf32, #tpu.memory_space<vmem_shared>>) dst(%dma_wait3A_30 : memref<632x128xf32, #tpu.memory_space<hbm>>)
        tpu.yield
      }) : () -> ()
    } else {
    }
    %eq3A_18 = arith.constant 15 : i32
    %eq3A_19 = arith.cmpi eq, %arg1, %eq3A_18 : i32
    %convert_element_type3A_20 = arith.extui %eq3A_19 : i1 to i32
    %cond3A_21 = arith.constant 0 : i32
    %cond3A_22 = arith.cmpi ne, %convert_element_type3A_20, %cond3A_21 : i32
    scf.if %cond3A_22 {
      "tpu.region"() ({
        %run_scoped3A = tpu.sem_alloc : memref<!tpu.dma_semaphore, #tpu.memory_space<semaphore_mem>>
        %dma_start3A = arith.constant 9480 : i32
        %dma_start3A_23 = arith.constant 0 : i32
        %dma_start3A_24 = tpu.memref_slice %arg6[%arg0, %dma_start3A, %dma_start3A_23] : memref<2x10000x128xf32, #tpu.memory_space<hbm>> -> memref<1x520x128xf32, #tpu.memory_space<hbm>>
        %dma_start3A_25 = tpu.memref_squeeze %dma_start3A_24 : memref<1x520x128xf32, #tpu.memory_space<hbm>> -> memref<520x128xf32, #tpu.memory_space<hbm>>
        %dma_start3A_26 = arith.constant 9480 : i32
        %dma_start3A_27 = arith.constant 0 : i32
        %dma_start3A_28 = tpu.memref_slice %arg10[%dma_start3A_26, %dma_start3A_27] : memref<10000x128xf32, #tpu.memory_space<vmem_shared>> -> memref<520x128xf32, #tpu.memory_space<vmem_shared>>
        tpu.enqueue_dma source(%dma_start3A_28 : memref<520x128xf32, #tpu.memory_space<vmem_shared>>) target(%dma_start3A_25 : memref<520x128xf32, #tpu.memory_space<hbm>>) target_semaphore(%run_scoped3A : memref<!tpu.dma_semaphore, #tpu.memory_space<semaphore_mem>>)
        %dma_wait3A = arith.constant 9480 : i32
        %dma_wait3A_29 = arith.constant 0 : i32
        %dma_wait3A_30 = tpu.memref_slice %arg6[%arg0, %dma_wait3A, %dma_wait3A_29] : memref<2x10000x128xf32, #tpu.memory_space<hbm>> -> memref<1x520x128xf32, #tpu.memory_space<hbm>>
        %dma_wait3A_31 = tpu.memref_squeeze %dma_wait3A_30 : memref<1x520x128xf32, #tpu.memory_space<hbm>> -> memref<520x128xf32, #tpu.memory_space<hbm>>
        %dma_wait3A_32 = arith.constant 9480 : i32
        %dma_wait3A_33 = arith.constant 0 : i32
        %dma_wait3A_34 = tpu.memref_slice %arg10[%dma_wait3A_32, %dma_wait3A_33] : memref<10000x128xf32, #tpu.memory_space<vmem_shared>> -> memref<520x128xf32, #tpu.memory_space<vmem_shared>>
        tpu.wait_dma2 semaphore(%run_scoped3A : memref<!tpu.dma_semaphore, #tpu.memory_space<semaphore_mem>>) src(%dma_wait3A_34 : memref<520x128xf32, #tpu.memory_space<vmem_shared>>) dst(%dma_wait3A_31 : memref<520x128xf32, #tpu.memory_space<hbm>>)
        tpu.yield
      }) : () -> ()
    } else {
    }
    return
  }
}

#map = affine_map<(d0, d1) -> (0, 0, 0)>
#map1 = affine_map<(d0, d1) -> (0, 0)>
module attributes {stable_mosaic.version = 14 : i64} {
  func.func @body(%arg0: i32, %arg1: i32, %arg2: memref<2x1280x128xi32, #tpu.memory_space<hbm>>, %arg3: memref<10000x128xf32, #tpu.memory_space<hbm>>, %arg4: memref<128x128xf32, #tpu.memory_space<hbm>>, %arg5: memref<2x10000x128xf32, #tpu.memory_space<hbm>>, %arg6: memref<16x128xi32, #tpu.memory_space<vmem>>, %arg7: memref<128x128xf32, #tpu.memory_space<vmem>>, %arg8: memref<10000x128xf32, #tpu.memory_space<vmem_shared>>) attributes {dimension_semantics = [#tpu.dimension_semantics<core_parallel>, #tpu.dimension_semantics<subcore_parallel>], iteration_bounds = array<i64: 2, 16>, scalar_prefetch = 0 : i64, scratch_operands = 3 : i64, tpu.core_type = #tpu.core_type<sc_vector_subcore>, window_params = [{transform_indices = #map}, {transform_indices = #map1}, {transform_indices = #map1}, {transform_indices = #map}]} {
    %lt3A = arith.constant 15 : i32
    %lt3A_0 = arith.cmpi slt, %arg1, %lt3A : i32
    %convert_element_type3A = arith.extui %lt3A_0 : i1 to i32
    %cond3A = arith.constant 0 : i32
    %cond3A_1 = arith.cmpi ne, %convert_element_type3A, %cond3A : i32
    scf.if %cond3A_1 {
      %mul3A_23 = arith.constant 632 : i32
      %mul3A_24 = arith.muli %arg1, %mul3A_23 : i32
      %multiple_of3A = tpu.assume_multiple %mul3A_24, 8 : i32
      "tpu.region"() ({
        %run_scoped3A = tpu.sem_alloc : memref<!tpu.dma_semaphore, #tpu.memory_space<semaphore_mem>>
        %dma_start3A = arith.constant 0 : i32
        %dma_start3A_25 = tpu.memref_slice %arg8[%multiple_of3A, %dma_start3A] : memref<10000x128xf32, #tpu.memory_space<vmem_shared>> -> memref<632x128xf32, #tpu.memory_space<vmem_shared>>
        %dma_start3A_26 = arith.constant 0 : i32
        %dma_start3A_27 = tpu.memref_slice %arg3[%multiple_of3A, %dma_start3A_26] : memref<10000x128xf32, #tpu.memory_space<hbm>> -> memref<632x128xf32, #tpu.memory_space<hbm>>
        tpu.enqueue_dma source(%dma_start3A_27 : memref<632x128xf32, #tpu.memory_space<hbm>>) target(%dma_start3A_25 : memref<632x128xf32, #tpu.memory_space<vmem_shared>>) target_semaphore(%run_scoped3A : memref<!tpu.dma_semaphore, #tpu.memory_space<semaphore_mem>>)
        %dma_wait3A = arith.constant 0 : i32
        %dma_wait3A_28 = tpu.memref_slice %arg8[%multiple_of3A, %dma_wait3A] : memref<10000x128xf32, #tpu.memory_space<vmem_shared>> -> memref<632x128xf32, #tpu.memory_space<vmem_shared>>
        %dma_wait3A_29 = arith.constant 0 : i32
        %dma_wait3A_30 = tpu.memref_slice %arg3[%multiple_of3A, %dma_wait3A_29] : memref<10000x128xf32, #tpu.memory_space<hbm>> -> memref<632x128xf32, #tpu.memory_space<hbm>>
        tpu.wait_dma2 semaphore(%run_scoped3A : memref<!tpu.dma_semaphore, #tpu.memory_space<semaphore_mem>>) src(%dma_wait3A_30 : memref<632x128xf32, #tpu.memory_space<hbm>>) dst(%dma_wait3A_28 : memref<632x128xf32, #tpu.memory_space<vmem_shared>>)
        tpu.yield
      }) : () -> ()
    } else {
    }
    %eq3A = arith.constant 15 : i32
    %eq3A_2 = arith.cmpi eq, %arg1, %eq3A : i32
    %convert_element_type3A_3 = arith.extui %eq3A_2 : i1 to i32
    %cond3A_4 = arith.constant 0 : i32
    %cond3A_5 = arith.cmpi ne, %convert_element_type3A_3, %cond3A_4 : i32
    scf.if %cond3A_5 {
      "tpu.region"() ({
        %run_scoped3A = tpu.sem_alloc : memref<!tpu.dma_semaphore, #tpu.memory_space<semaphore_mem>>
        %dma_start3A = arith.constant 9480 : i32
        %dma_start3A_23 = arith.constant 0 : i32
        %dma_start3A_24 = tpu.memref_slice %arg8[%dma_start3A, %dma_start3A_23] : memref<10000x128xf32, #tpu.memory_space<vmem_shared>> -> memref<520x128xf32, #tpu.memory_space<vmem_shared>>
        %dma_start3A_25 = arith.constant 9480 : i32
        %dma_start3A_26 = arith.constant 0 : i32
        %dma_start3A_27 = tpu.memref_slice %arg3[%dma_start3A_25, %dma_start3A_26] : memref<10000x128xf32, #tpu.memory_space<hbm>> -> memref<520x128xf32, #tpu.memory_space<hbm>>
        tpu.enqueue_dma source(%dma_start3A_27 : memref<520x128xf32, #tpu.memory_space<hbm>>) target(%dma_start3A_24 : memref<520x128xf32, #tpu.memory_space<vmem_shared>>) target_semaphore(%run_scoped3A : memref<!tpu.dma_semaphore, #tpu.memory_space<semaphore_mem>>)
        %dma_wait3A = arith.constant 9480 : i32
        %dma_wait3A_28 = arith.constant 0 : i32
        %dma_wait3A_29 = tpu.memref_slice %arg8[%dma_wait3A, %dma_wait3A_28] : memref<10000x128xf32, #tpu.memory_space<vmem_shared>> -> memref<520x128xf32, #tpu.memory_space<vmem_shared>>
        %dma_wait3A_30 = arith.constant 9480 : i32
        %dma_wait3A_31 = arith.constant 0 : i32
        %dma_wait3A_32 = tpu.memref_slice %arg3[%dma_wait3A_30, %dma_wait3A_31] : memref<10000x128xf32, #tpu.memory_space<hbm>> -> memref<520x128xf32, #tpu.memory_space<hbm>>
        tpu.wait_dma2 semaphore(%run_scoped3A : memref<!tpu.dma_semaphore, #tpu.memory_space<semaphore_mem>>) src(%dma_wait3A_32 : memref<520x128xf32, #tpu.memory_space<hbm>>) dst(%dma_wait3A_29 : memref<520x128xf32, #tpu.memory_space<vmem_shared>>)
        tpu.yield
      }) : () -> ()
    } else {
    }
    "tpu.region"() ({
      %run_scoped3A = tpu.sem_alloc : memref<!tpu.dma_semaphore, #tpu.memory_space<semaphore_mem>>
      tpu.enqueue_dma source(%arg4 : memref<128x128xf32, #tpu.memory_space<hbm>>) target(%arg7 : memref<128x128xf32, #tpu.memory_space<vmem>>) target_semaphore(%run_scoped3A : memref<!tpu.dma_semaphore, #tpu.memory_space<semaphore_mem>>)
      tpu.wait_dma2 semaphore(%run_scoped3A : memref<!tpu.dma_semaphore, #tpu.memory_space<semaphore_mem>>) src(%arg4 : memref<128x128xf32, #tpu.memory_space<hbm>>) dst(%arg7 : memref<128x128xf32, #tpu.memory_space<vmem>>)
      tpu.yield
    }) : () -> ()
    %barrier3A = arith.constant 0 : index
    tpu.barrier barrier_id(%barrier3A)
    %mul3A = arith.constant 80 : i32
    %mul3A_6 = arith.muli %arg1, %mul3A : i32
    %scan3A = arith.constant 0 : i32
    %scan3A_7 = arith.constant 0 : i32
    %scan3A_8 = arith.constant 5 : i32
    %scan3A_9 = arith.addi %scan3A_7, %scan3A_8 : i32
    %scan3A_10 = arith.constant 1 : i32
    scf.for %scan3A_23 = %scan3A_7 to %scan3A_9 step %scan3A_10  : i32 {
      %mul3A_24 = arith.constant 16 : i32
      %mul3A_25 = arith.muli %scan3A_23, %mul3A_24 : i32
      %add3A = arith.addi %mul3A_6, %mul3A_25 : i32
      %multiple_of3A = tpu.assume_multiple %add3A, 16 : i32
      "tpu.region"() ({
        %run_scoped3A = tpu.sem_alloc : memref<!tpu.dma_semaphore, #tpu.memory_space<semaphore_mem>>
        %dma_start3A = arith.constant 0 : i32
        %dma_start3A_138 = tpu.memref_slice %arg2[%arg0, %multiple_of3A, %dma_start3A] : memref<2x1280x128xi32, #tpu.memory_space<hbm>> -> memref<1x16x128xi32, #tpu.memory_space<hbm>>
        %dma_start3A_139 = tpu.memref_squeeze %dma_start3A_138 : memref<1x16x128xi32, #tpu.memory_space<hbm>> -> memref<16x128xi32, #tpu.memory_space<hbm>>
        %dma_start3A_140 = arith.constant 0 : i32
        %dma_start3A_141 = tpu.memref_slice %arg2[%arg0, %multiple_of3A, %dma_start3A_140] : memref<2x1280x128xi32, #tpu.memory_space<hbm>> -> memref<1x16x128xi32, #tpu.memory_space<hbm>>
        %dma_start3A_142 = tpu.memref_squeeze %dma_start3A_141 : memref<1x16x128xi32, #tpu.memory_space<hbm>> -> memref<16x128xi32, #tpu.memory_space<hbm>>
        tpu.enqueue_dma source(%dma_start3A_142 : memref<16x128xi32, #tpu.memory_space<hbm>>) target(%arg6 : memref<16x128xi32, #tpu.memory_space<vmem>>) target_semaphore(%run_scoped3A : memref<!tpu.dma_semaphore, #tpu.memory_space<semaphore_mem>>)
        %dma_wait3A = arith.constant 0 : i32
        %dma_wait3A_143 = tpu.memref_slice %arg2[%arg0, %multiple_of3A, %dma_wait3A] : memref<2x1280x128xi32, #tpu.memory_space<hbm>> -> memref<1x16x128xi32, #tpu.memory_space<hbm>>
        %dma_wait3A_144 = tpu.memref_squeeze %dma_wait3A_143 : memref<1x16x128xi32, #tpu.memory_space<hbm>> -> memref<16x128xi32, #tpu.memory_space<hbm>>
        %dma_wait3A_145 = arith.constant 0 : i32
        %dma_wait3A_146 = tpu.memref_slice %arg2[%arg0, %multiple_of3A, %dma_wait3A_145] : memref<2x1280x128xi32, #tpu.memory_space<hbm>> -> memref<1x16x128xi32, #tpu.memory_space<hbm>>
        %dma_wait3A_147 = tpu.memref_squeeze %dma_wait3A_146 : memref<1x16x128xi32, #tpu.memory_space<hbm>> -> memref<16x128xi32, #tpu.memory_space<hbm>>
        tpu.wait_dma2 semaphore(%run_scoped3A : memref<!tpu.dma_semaphore, #tpu.memory_space<semaphore_mem>>) src(%dma_wait3A_147 : memref<16x128xi32, #tpu.memory_space<hbm>>) dst(%arg6 : memref<16x128xi32, #tpu.memory_space<vmem>>)
        tpu.yield
      }) : () -> ()
      %add3A_26 = arith.constant 0 : i32
      %add3A_27 = arith.addi %multiple_of3A, %add3A_26 : i32
      %lt3A_28 = arith.constant 1250 : i32
      %lt3A_29 = arith.cmpi slt, %add3A_27, %lt3A_28 : i32
      %convert_element_type3A_30 = arith.extui %lt3A_29 : i1 to i32
      %cond3A_31 = arith.constant 0 : i32
      %cond3A_32 = arith.cmpi ne, %convert_element_type3A_30, %cond3A_31 : i32
      scf.if %cond3A_32 {
        %run_scoped3A = arith.constant 0 : i32
        "tpu.region"() ({
          %run_scoped3A_138 = tpu.sem_alloc : memref<!tpu.dma_semaphore, #tpu.memory_space<semaphore_mem>>
          %dma_start3A = arith.constant 0 : i32
          %dma_start3A_139 = tpu.memref_slice %arg6[%run_scoped3A, %dma_start3A] : memref<16x128xi32, #tpu.memory_space<vmem>> -> memref<1x128xi32, #tpu.memory_space<vmem>>
          %dma_start3A_140 = tpu.memref_squeeze %dma_start3A_139 : memref<1x128xi32, #tpu.memory_space<vmem>> -> memref<128xi32, #tpu.memory_space<vmem>>
          %dma_start3A_141 = arith.constant 0 : i32
          %dma_start3A_142 = arith.constant 0 : i32
          %dma_start3A_143 = tpu.memref_slice %arg8[%dma_start3A_141, %dma_start3A_142] : memref<10000x128xf32, #tpu.memory_space<vmem_shared>> -> memref<10000x128xf32, #tpu.memory_space<vmem_shared>>
          tpu.enqueue_indirect_dma source(%arg7 : memref<128x128xf32, #tpu.memory_space<vmem>>) target(%dma_start3A_143 : memref<10000x128xf32, #tpu.memory_space<vmem_shared>>) offsets(%dma_start3A_140 : memref<128xi32, #tpu.memory_space<vmem>>) semaphore(%run_scoped3A_138 : memref<!tpu.dma_semaphore, #tpu.memory_space<semaphore_mem>>) {add = true}
          %dma_wait3A = arith.constant 0 : i32
          %dma_wait3A_144 = tpu.memref_slice %arg6[%run_scoped3A, %dma_wait3A] : memref<16x128xi32, #tpu.memory_space<vmem>> -> memref<1x128xi32, #tpu.memory_space<vmem>>
          %dma_wait3A_145 = tpu.memref_squeeze %dma_wait3A_144 : memref<1x128xi32, #tpu.memory_space<vmem>> -> memref<128xi32, #tpu.memory_space<vmem>>
          %dma_wait3A_146 = arith.constant 0 : i32
          %dma_wait3A_147 = arith.constant 0 : i32
          %dma_wait3A_148 = tpu.memref_slice %arg8[%dma_wait3A_146, %dma_wait3A_147] : memref<10000x128xf32, #tpu.memory_space<vmem_shared>> -> memref<10000x128xf32, #tpu.memory_space<vmem_shared>>
          tpu.wait_indirect_dma semaphore(%run_scoped3A_138 : memref<!tpu.dma_semaphore, #tpu.memory_space<semaphore_mem>>) src(%arg7 : memref<128x128xf32, #tpu.memory_space<vmem>>) dst(%dma_wait3A_148 : memref<10000x128xf32, #tpu.memory_space<vmem_shared>>)
          tpu.yield
        }) : () -> ()
      } else {
      }
      %add3A_33 = arith.constant 1 : i32
      %add3A_34 = arith.addi %multiple_of3A, %add3A_33 : i32
      %lt3A_35 = arith.constant 1250 : i32
      %lt3A_36 = arith.cmpi slt, %add3A_34, %lt3A_35 : i32
      %convert_element_type3A_37 = arith.extui %lt3A_36 : i1 to i32
      %cond3A_38 = arith.constant 0 : i32
      %cond3A_39 = arith.cmpi ne, %convert_element_type3A_37, %cond3A_38 : i32
      scf.if %cond3A_39 {
        %run_scoped3A = arith.constant 1 : i32
        "tpu.region"() ({
          %run_scoped3A_138 = tpu.sem_alloc : memref<!tpu.dma_semaphore, #tpu.memory_space<semaphore_mem>>
          %dma_start3A = arith.constant 0 : i32
          %dma_start3A_139 = tpu.memref_slice %arg6[%run_scoped3A, %dma_start3A] : memref<16x128xi32, #tpu.memory_space<vmem>> -> memref<1x128xi32, #tpu.memory_space<vmem>>
          %dma_start3A_140 = tpu.memref_squeeze %dma_start3A_139 : memref<1x128xi32, #tpu.memory_space<vmem>> -> memref<128xi32, #tpu.memory_space<vmem>>
          %dma_start3A_141 = arith.constant 0 : i32
          %dma_start3A_142 = arith.constant 0 : i32
          %dma_start3A_143 = tpu.memref_slice %arg8[%dma_start3A_141, %dma_start3A_142] : memref<10000x128xf32, #tpu.memory_space<vmem_shared>> -> memref<10000x128xf32, #tpu.memory_space<vmem_shared>>
          tpu.enqueue_indirect_dma source(%arg7 : memref<128x128xf32, #tpu.memory_space<vmem>>) target(%dma_start3A_143 : memref<10000x128xf32, #tpu.memory_space<vmem_shared>>) offsets(%dma_start3A_140 : memref<128xi32, #tpu.memory_space<vmem>>) semaphore(%run_scoped3A_138 : memref<!tpu.dma_semaphore, #tpu.memory_space<semaphore_mem>>) {add = true}
          %dma_wait3A = arith.constant 0 : i32
          %dma_wait3A_144 = tpu.memref_slice %arg6[%run_scoped3A, %dma_wait3A] : memref<16x128xi32, #tpu.memory_space<vmem>> -> memref<1x128xi32, #tpu.memory_space<vmem>>
          %dma_wait3A_145 = tpu.memref_squeeze %dma_wait3A_144 : memref<1x128xi32, #tpu.memory_space<vmem>> -> memref<128xi32, #tpu.memory_space<vmem>>
          %dma_wait3A_146 = arith.constant 0 : i32
          %dma_wait3A_147 = arith.constant 0 : i32
          %dma_wait3A_148 = tpu.memref_slice %arg8[%dma_wait3A_146, %dma_wait3A_147] : memref<10000x128xf32, #tpu.memory_space<vmem_shared>> -> memref<10000x128xf32, #tpu.memory_space<vmem_shared>>
          tpu.wait_indirect_dma semaphore(%run_scoped3A_138 : memref<!tpu.dma_semaphore, #tpu.memory_space<semaphore_mem>>) src(%arg7 : memref<128x128xf32, #tpu.memory_space<vmem>>) dst(%dma_wait3A_148 : memref<10000x128xf32, #tpu.memory_space<vmem_shared>>)
          tpu.yield
        }) : () -> ()
      } else {
      }
      %add3A_40 = arith.constant 2 : i32
      %add3A_41 = arith.addi %multiple_of3A, %add3A_40 : i32
      %lt3A_42 = arith.constant 1250 : i32
      %lt3A_43 = arith.cmpi slt, %add3A_41, %lt3A_42 : i32
      %convert_element_type3A_44 = arith.extui %lt3A_43 : i1 to i32
      %cond3A_45 = arith.constant 0 : i32
      %cond3A_46 = arith.cmpi ne, %convert_element_type3A_44, %cond3A_45 : i32
      scf.if %cond3A_46 {
        %run_scoped3A = arith.constant 2 : i32
        "tpu.region"() ({
          %run_scoped3A_138 = tpu.sem_alloc : memref<!tpu.dma_semaphore, #tpu.memory_space<semaphore_mem>>
          %dma_start3A = arith.constant 0 : i32
          %dma_start3A_139 = tpu.memref_slice %arg6[%run_scoped3A, %dma_start3A] : memref<16x128xi32, #tpu.memory_space<vmem>> -> memref<1x128xi32, #tpu.memory_space<vmem>>
          %dma_start3A_140 = tpu.memref_squeeze %dma_start3A_139 : memref<1x128xi32, #tpu.memory_space<vmem>> -> memref<128xi32, #tpu.memory_space<vmem>>
          %dma_start3A_141 = arith.constant 0 : i32
          %dma_start3A_142 = arith.constant 0 : i32
          %dma_start3A_143 = tpu.memref_slice %arg8[%dma_start3A_141, %dma_start3A_142] : memref<10000x128xf32, #tpu.memory_space<vmem_shared>> -> memref<10000x128xf32, #tpu.memory_space<vmem_shared>>
          tpu.enqueue_indirect_dma source(%arg7 : memref<128x128xf32, #tpu.memory_space<vmem>>) target(%dma_start3A_143 : memref<10000x128xf32, #tpu.memory_space<vmem_shared>>) offsets(%dma_start3A_140 : memref<128xi32, #tpu.memory_space<vmem>>) semaphore(%run_scoped3A_138 : memref<!tpu.dma_semaphore, #tpu.memory_space<semaphore_mem>>) {add = true}
          %dma_wait3A = arith.constant 0 : i32
          %dma_wait3A_144 = tpu.memref_slice %arg6[%run_scoped3A, %dma_wait3A] : memref<16x128xi32, #tpu.memory_space<vmem>> -> memref<1x128xi32, #tpu.memory_space<vmem>>
          %dma_wait3A_145 = tpu.memref_squeeze %dma_wait3A_144 : memref<1x128xi32, #tpu.memory_space<vmem>> -> memref<128xi32, #tpu.memory_space<vmem>>
          %dma_wait3A_146 = arith.constant 0 : i32
          %dma_wait3A_147 = arith.constant 0 : i32
          %dma_wait3A_148 = tpu.memref_slice %arg8[%dma_wait3A_146, %dma_wait3A_147] : memref<10000x128xf32, #tpu.memory_space<vmem_shared>> -> memref<10000x128xf32, #tpu.memory_space<vmem_shared>>
          tpu.wait_indirect_dma semaphore(%run_scoped3A_138 : memref<!tpu.dma_semaphore, #tpu.memory_space<semaphore_mem>>) src(%arg7 : memref<128x128xf32, #tpu.memory_space<vmem>>) dst(%dma_wait3A_148 : memref<10000x128xf32, #tpu.memory_space<vmem_shared>>)
          tpu.yield
        }) : () -> ()
      } else {
      }
      %add3A_47 = arith.constant 3 : i32
      %add3A_48 = arith.addi %multiple_of3A, %add3A_47 : i32
      %lt3A_49 = arith.constant 1250 : i32
      %lt3A_50 = arith.cmpi slt, %add3A_48, %lt3A_49 : i32
      %convert_element_type3A_51 = arith.extui %lt3A_50 : i1 to i32
      %cond3A_52 = arith.constant 0 : i32
      %cond3A_53 = arith.cmpi ne, %convert_element_type3A_51, %cond3A_52 : i32
      scf.if %cond3A_53 {
        %run_scoped3A = arith.constant 3 : i32
        "tpu.region"() ({
          %run_scoped3A_138 = tpu.sem_alloc : memref<!tpu.dma_semaphore, #tpu.memory_space<semaphore_mem>>
          %dma_start3A = arith.constant 0 : i32
          %dma_start3A_139 = tpu.memref_slice %arg6[%run_scoped3A, %dma_start3A] : memref<16x128xi32, #tpu.memory_space<vmem>> -> memref<1x128xi32, #tpu.memory_space<vmem>>
          %dma_start3A_140 = tpu.memref_squeeze %dma_start3A_139 : memref<1x128xi32, #tpu.memory_space<vmem>> -> memref<128xi32, #tpu.memory_space<vmem>>
          %dma_start3A_141 = arith.constant 0 : i32
          %dma_start3A_142 = arith.constant 0 : i32
          %dma_start3A_143 = tpu.memref_slice %arg8[%dma_start3A_141, %dma_start3A_142] : memref<10000x128xf32, #tpu.memory_space<vmem_shared>> -> memref<10000x128xf32, #tpu.memory_space<vmem_shared>>
          tpu.enqueue_indirect_dma source(%arg7 : memref<128x128xf32, #tpu.memory_space<vmem>>) target(%dma_start3A_143 : memref<10000x128xf32, #tpu.memory_space<vmem_shared>>) offsets(%dma_start3A_140 : memref<128xi32, #tpu.memory_space<vmem>>) semaphore(%run_scoped3A_138 : memref<!tpu.dma_semaphore, #tpu.memory_space<semaphore_mem>>) {add = true}
          %dma_wait3A = arith.constant 0 : i32
          %dma_wait3A_144 = tpu.memref_slice %arg6[%run_scoped3A, %dma_wait3A] : memref<16x128xi32, #tpu.memory_space<vmem>> -> memref<1x128xi32, #tpu.memory_space<vmem>>
          %dma_wait3A_145 = tpu.memref_squeeze %dma_wait3A_144 : memref<1x128xi32, #tpu.memory_space<vmem>> -> memref<128xi32, #tpu.memory_space<vmem>>
          %dma_wait3A_146 = arith.constant 0 : i32
          %dma_wait3A_147 = arith.constant 0 : i32
          %dma_wait3A_148 = tpu.memref_slice %arg8[%dma_wait3A_146, %dma_wait3A_147] : memref<10000x128xf32, #tpu.memory_space<vmem_shared>> -> memref<10000x128xf32, #tpu.memory_space<vmem_shared>>
          tpu.wait_indirect_dma semaphore(%run_scoped3A_138 : memref<!tpu.dma_semaphore, #tpu.memory_space<semaphore_mem>>) src(%arg7 : memref<128x128xf32, #tpu.memory_space<vmem>>) dst(%dma_wait3A_148 : memref<10000x128xf32, #tpu.memory_space<vmem_shared>>)
          tpu.yield
        }) : () -> ()
      } else {
      }
      %add3A_54 = arith.constant 4 : i32
      %add3A_55 = arith.addi %multiple_of3A, %add3A_54 : i32
      %lt3A_56 = arith.constant 1250 : i32
      %lt3A_57 = arith.cmpi slt, %add3A_55, %lt3A_56 : i32
      %convert_element_type3A_58 = arith.extui %lt3A_57 : i1 to i32
      %cond3A_59 = arith.constant 0 : i32
      %cond3A_60 = arith.cmpi ne, %convert_element_type3A_58, %cond3A_59 : i32
      scf.if %cond3A_60 {
        %run_scoped3A = arith.constant 4 : i32
        "tpu.region"() ({
          %run_scoped3A_138 = tpu.sem_alloc : memref<!tpu.dma_semaphore, #tpu.memory_space<semaphore_mem>>
          %dma_start3A = arith.constant 0 : i32
          %dma_start3A_139 = tpu.memref_slice %arg6[%run_scoped3A, %dma_start3A] : memref<16x128xi32, #tpu.memory_space<vmem>> -> memref<1x128xi32, #tpu.memory_space<vmem>>
          %dma_start3A_140 = tpu.memref_squeeze %dma_start3A_139 : memref<1x128xi32, #tpu.memory_space<vmem>> -> memref<128xi32, #tpu.memory_space<vmem>>
          %dma_start3A_141 = arith.constant 0 : i32
          %dma_start3A_142 = arith.constant 0 : i32
          %dma_start3A_143 = tpu.memref_slice %arg8[%dma_start3A_141, %dma_start3A_142] : memref<10000x128xf32, #tpu.memory_space<vmem_shared>> -> memref<10000x128xf32, #tpu.memory_space<vmem_shared>>
          tpu.enqueue_indirect_dma source(%arg7 : memref<128x128xf32, #tpu.memory_space<vmem>>) target(%dma_start3A_143 : memref<10000x128xf32, #tpu.memory_space<vmem_shared>>) offsets(%dma_start3A_140 : memref<128xi32, #tpu.memory_space<vmem>>) semaphore(%run_scoped3A_138 : memref<!tpu.dma_semaphore, #tpu.memory_space<semaphore_mem>>) {add = true}
          %dma_wait3A = arith.constant 0 : i32
          %dma_wait3A_144 = tpu.memref_slice %arg6[%run_scoped3A, %dma_wait3A] : memref<16x128xi32, #tpu.memory_space<vmem>> -> memref<1x128xi32, #tpu.memory_space<vmem>>
          %dma_wait3A_145 = tpu.memref_squeeze %dma_wait3A_144 : memref<1x128xi32, #tpu.memory_space<vmem>> -> memref<128xi32, #tpu.memory_space<vmem>>
          %dma_wait3A_146 = arith.constant 0 : i32
          %dma_wait3A_147 = arith.constant 0 : i32
          %dma_wait3A_148 = tpu.memref_slice %arg8[%dma_wait3A_146, %dma_wait3A_147] : memref<10000x128xf32, #tpu.memory_space<vmem_shared>> -> memref<10000x128xf32, #tpu.memory_space<vmem_shared>>
          tpu.wait_indirect_dma semaphore(%run_scoped3A_138 : memref<!tpu.dma_semaphore, #tpu.memory_space<semaphore_mem>>) src(%arg7 : memref<128x128xf32, #tpu.memory_space<vmem>>) dst(%dma_wait3A_148 : memref<10000x128xf32, #tpu.memory_space<vmem_shared>>)
          tpu.yield
        }) : () -> ()
      } else {
      }
      %add3A_61 = arith.constant 5 : i32
      %add3A_62 = arith.addi %multiple_of3A, %add3A_61 : i32
      %lt3A_63 = arith.constant 1250 : i32
      %lt3A_64 = arith.cmpi slt, %add3A_62, %lt3A_63 : i32
      %convert_element_type3A_65 = arith.extui %lt3A_64 : i1 to i32
      %cond3A_66 = arith.constant 0 : i32
      %cond3A_67 = arith.cmpi ne, %convert_element_type3A_65, %cond3A_66 : i32
      scf.if %cond3A_67 {
        %run_scoped3A = arith.constant 5 : i32
        "tpu.region"() ({
          %run_scoped3A_138 = tpu.sem_alloc : memref<!tpu.dma_semaphore, #tpu.memory_space<semaphore_mem>>
          %dma_start3A = arith.constant 0 : i32
          %dma_start3A_139 = tpu.memref_slice %arg6[%run_scoped3A, %dma_start3A] : memref<16x128xi32, #tpu.memory_space<vmem>> -> memref<1x128xi32, #tpu.memory_space<vmem>>
          %dma_start3A_140 = tpu.memref_squeeze %dma_start3A_139 : memref<1x128xi32, #tpu.memory_space<vmem>> -> memref<128xi32, #tpu.memory_space<vmem>>
          %dma_start3A_141 = arith.constant 0 : i32
          %dma_start3A_142 = arith.constant 0 : i32
          %dma_start3A_143 = tpu.memref_slice %arg8[%dma_start3A_141, %dma_start3A_142] : memref<10000x128xf32, #tpu.memory_space<vmem_shared>> -> memref<10000x128xf32, #tpu.memory_space<vmem_shared>>
          tpu.enqueue_indirect_dma source(%arg7 : memref<128x128xf32, #tpu.memory_space<vmem>>) target(%dma_start3A_143 : memref<10000x128xf32, #tpu.memory_space<vmem_shared>>) offsets(%dma_start3A_140 : memref<128xi32, #tpu.memory_space<vmem>>) semaphore(%run_scoped3A_138 : memref<!tpu.dma_semaphore, #tpu.memory_space<semaphore_mem>>) {add = true}
          %dma_wait3A = arith.constant 0 : i32
          %dma_wait3A_144 = tpu.memref_slice %arg6[%run_scoped3A, %dma_wait3A] : memref<16x128xi32, #tpu.memory_space<vmem>> -> memref<1x128xi32, #tpu.memory_space<vmem>>
          %dma_wait3A_145 = tpu.memref_squeeze %dma_wait3A_144 : memref<1x128xi32, #tpu.memory_space<vmem>> -> memref<128xi32, #tpu.memory_space<vmem>>
          %dma_wait3A_146 = arith.constant 0 : i32
          %dma_wait3A_147 = arith.constant 0 : i32
          %dma_wait3A_148 = tpu.memref_slice %arg8[%dma_wait3A_146, %dma_wait3A_147] : memref<10000x128xf32, #tpu.memory_space<vmem_shared>> -> memref<10000x128xf32, #tpu.memory_space<vmem_shared>>
          tpu.wait_indirect_dma semaphore(%run_scoped3A_138 : memref<!tpu.dma_semaphore, #tpu.memory_space<semaphore_mem>>) src(%arg7 : memref<128x128xf32, #tpu.memory_space<vmem>>) dst(%dma_wait3A_148 : memref<10000x128xf32, #tpu.memory_space<vmem_shared>>)
          tpu.yield
        }) : () -> ()
      } else {
      }
      %add3A_68 = arith.constant 6 : i32
      %add3A_69 = arith.addi %multiple_of3A, %add3A_68 : i32
      %lt3A_70 = arith.constant 1250 : i32
      %lt3A_71 = arith.cmpi slt, %add3A_69, %lt3A_70 : i32
      %convert_element_type3A_72 = arith.extui %lt3A_71 : i1 to i32
      %cond3A_73 = arith.constant 0 : i32
      %cond3A_74 = arith.cmpi ne, %convert_element_type3A_72, %cond3A_73 : i32
      scf.if %cond3A_74 {
        %run_scoped3A = arith.constant 6 : i32
        "tpu.region"() ({
          %run_scoped3A_138 = tpu.sem_alloc : memref<!tpu.dma_semaphore, #tpu.memory_space<semaphore_mem>>
          %dma_start3A = arith.constant 0 : i32
          %dma_start3A_139 = tpu.memref_slice %arg6[%run_scoped3A, %dma_start3A] : memref<16x128xi32, #tpu.memory_space<vmem>> -> memref<1x128xi32, #tpu.memory_space<vmem>>
          %dma_start3A_140 = tpu.memref_squeeze %dma_start3A_139 : memref<1x128xi32, #tpu.memory_space<vmem>> -> memref<128xi32, #tpu.memory_space<vmem>>
          %dma_start3A_141 = arith.constant 0 : i32
          %dma_start3A_142 = arith.constant 0 : i32
          %dma_start3A_143 = tpu.memref_slice %arg8[%dma_start3A_141, %dma_start3A_142] : memref<10000x128xf32, #tpu.memory_space<vmem_shared>> -> memref<10000x128xf32, #tpu.memory_space<vmem_shared>>
          tpu.enqueue_indirect_dma source(%arg7 : memref<128x128xf32, #tpu.memory_space<vmem>>) target(%dma_start3A_143 : memref<10000x128xf32, #tpu.memory_space<vmem_shared>>) offsets(%dma_start3A_140 : memref<128xi32, #tpu.memory_space<vmem>>) semaphore(%run_scoped3A_138 : memref<!tpu.dma_semaphore, #tpu.memory_space<semaphore_mem>>) {add = true}
          %dma_wait3A = arith.constant 0 : i32
          %dma_wait3A_144 = tpu.memref_slice %arg6[%run_scoped3A, %dma_wait3A] : memref<16x128xi32, #tpu.memory_space<vmem>> -> memref<1x128xi32, #tpu.memory_space<vmem>>
          %dma_wait3A_145 = tpu.memref_squeeze %dma_wait3A_144 : memref<1x128xi32, #tpu.memory_space<vmem>> -> memref<128xi32, #tpu.memory_space<vmem>>
          %dma_wait3A_146 = arith.constant 0 : i32
          %dma_wait3A_147 = arith.constant 0 : i32
          %dma_wait3A_148 = tpu.memref_slice %arg8[%dma_wait3A_146, %dma_wait3A_147] : memref<10000x128xf32, #tpu.memory_space<vmem_shared>> -> memref<10000x128xf32, #tpu.memory_space<vmem_shared>>
          tpu.wait_indirect_dma semaphore(%run_scoped3A_138 : memref<!tpu.dma_semaphore, #tpu.memory_space<semaphore_mem>>) src(%arg7 : memref<128x128xf32, #tpu.memory_space<vmem>>) dst(%dma_wait3A_148 : memref<10000x128xf32, #tpu.memory_space<vmem_shared>>)
          tpu.yield
        }) : () -> ()
      } else {
      }
      %add3A_75 = arith.constant 7 : i32
      %add3A_76 = arith.addi %multiple_of3A, %add3A_75 : i32
      %lt3A_77 = arith.constant 1250 : i32
      %lt3A_78 = arith.cmpi slt, %add3A_76, %lt3A_77 : i32
      %convert_element_type3A_79 = arith.extui %lt3A_78 : i1 to i32
      %cond3A_80 = arith.constant 0 : i32
      %cond3A_81 = arith.cmpi ne, %convert_element_type3A_79, %cond3A_80 : i32
      scf.if %cond3A_81 {
        %run_scoped3A = arith.constant 7 : i32
        "tpu.region"() ({
          %run_scoped3A_138 = tpu.sem_alloc : memref<!tpu.dma_semaphore, #tpu.memory_space<semaphore_mem>>
          %dma_start3A = arith.constant 0 : i32
          %dma_start3A_139 = tpu.memref_slice %arg6[%run_scoped3A, %dma_start3A] : memref<16x128xi32, #tpu.memory_space<vmem>> -> memref<1x128xi32, #tpu.memory_space<vmem>>
          %dma_start3A_140 = tpu.memref_squeeze %dma_start3A_139 : memref<1x128xi32, #tpu.memory_space<vmem>> -> memref<128xi32, #tpu.memory_space<vmem>>
          %dma_start3A_141 = arith.constant 0 : i32
          %dma_start3A_142 = arith.constant 0 : i32
          %dma_start3A_143 = tpu.memref_slice %arg8[%dma_start3A_141, %dma_start3A_142] : memref<10000x128xf32, #tpu.memory_space<vmem_shared>> -> memref<10000x128xf32, #tpu.memory_space<vmem_shared>>
          tpu.enqueue_indirect_dma source(%arg7 : memref<128x128xf32, #tpu.memory_space<vmem>>) target(%dma_start3A_143 : memref<10000x128xf32, #tpu.memory_space<vmem_shared>>) offsets(%dma_start3A_140 : memref<128xi32, #tpu.memory_space<vmem>>) semaphore(%run_scoped3A_138 : memref<!tpu.dma_semaphore, #tpu.memory_space<semaphore_mem>>) {add = true}
          %dma_wait3A = arith.constant 0 : i32
          %dma_wait3A_144 = tpu.memref_slice %arg6[%run_scoped3A, %dma_wait3A] : memref<16x128xi32, #tpu.memory_space<vmem>> -> memref<1x128xi32, #tpu.memory_space<vmem>>
          %dma_wait3A_145 = tpu.memref_squeeze %dma_wait3A_144 : memref<1x128xi32, #tpu.memory_space<vmem>> -> memref<128xi32, #tpu.memory_space<vmem>>
          %dma_wait3A_146 = arith.constant 0 : i32
          %dma_wait3A_147 = arith.constant 0 : i32
          %dma_wait3A_148 = tpu.memref_slice %arg8[%dma_wait3A_146, %dma_wait3A_147] : memref<10000x128xf32, #tpu.memory_space<vmem_shared>> -> memref<10000x128xf32, #tpu.memory_space<vmem_shared>>
          tpu.wait_indirect_dma semaphore(%run_scoped3A_138 : memref<!tpu.dma_semaphore, #tpu.memory_space<semaphore_mem>>) src(%arg7 : memref<128x128xf32, #tpu.memory_space<vmem>>) dst(%dma_wait3A_148 : memref<10000x128xf32, #tpu.memory_space<vmem_shared>>)
          tpu.yield
        }) : () -> ()
      } else {
      }
      %add3A_82 = arith.constant 8 : i32
      %add3A_83 = arith.addi %multiple_of3A, %add3A_82 : i32
      %lt3A_84 = arith.constant 1250 : i32
      %lt3A_85 = arith.cmpi slt, %add3A_83, %lt3A_84 : i32
      %convert_element_type3A_86 = arith.extui %lt3A_85 : i1 to i32
      %cond3A_87 = arith.constant 0 : i32
      %cond3A_88 = arith.cmpi ne, %convert_element_type3A_86, %cond3A_87 : i32
      scf.if %cond3A_88 {
        %run_scoped3A = arith.constant 8 : i32
        "tpu.region"() ({
          %run_scoped3A_138 = tpu.sem_alloc : memref<!tpu.dma_semaphore, #tpu.memory_space<semaphore_mem>>
          %dma_start3A = arith.constant 0 : i32
          %dma_start3A_139 = tpu.memref_slice %arg6[%run_scoped3A, %dma_start3A] : memref<16x128xi32, #tpu.memory_space<vmem>> -> memref<1x128xi32, #tpu.memory_space<vmem>>
          %dma_start3A_140 = tpu.memref_squeeze %dma_start3A_139 : memref<1x128xi32, #tpu.memory_space<vmem>> -> memref<128xi32, #tpu.memory_space<vmem>>
          %dma_start3A_141 = arith.constant 0 : i32
          %dma_start3A_142 = arith.constant 0 : i32
          %dma_start3A_143 = tpu.memref_slice %arg8[%dma_start3A_141, %dma_start3A_142] : memref<10000x128xf32, #tpu.memory_space<vmem_shared>> -> memref<10000x128xf32, #tpu.memory_space<vmem_shared>>
          tpu.enqueue_indirect_dma source(%arg7 : memref<128x128xf32, #tpu.memory_space<vmem>>) target(%dma_start3A_143 : memref<10000x128xf32, #tpu.memory_space<vmem_shared>>) offsets(%dma_start3A_140 : memref<128xi32, #tpu.memory_space<vmem>>) semaphore(%run_scoped3A_138 : memref<!tpu.dma_semaphore, #tpu.memory_space<semaphore_mem>>) {add = true}
          %dma_wait3A = arith.constant 0 : i32
          %dma_wait3A_144 = tpu.memref_slice %arg6[%run_scoped3A, %dma_wait3A] : memref<16x128xi32, #tpu.memory_space<vmem>> -> memref<1x128xi32, #tpu.memory_space<vmem>>
          %dma_wait3A_145 = tpu.memref_squeeze %dma_wait3A_144 : memref<1x128xi32, #tpu.memory_space<vmem>> -> memref<128xi32, #tpu.memory_space<vmem>>
          %dma_wait3A_146 = arith.constant 0 : i32
          %dma_wait3A_147 = arith.constant 0 : i32
          %dma_wait3A_148 = tpu.memref_slice %arg8[%dma_wait3A_146, %dma_wait3A_147] : memref<10000x128xf32, #tpu.memory_space<vmem_shared>> -> memref<10000x128xf32, #tpu.memory_space<vmem_shared>>
          tpu.wait_indirect_dma semaphore(%run_scoped3A_138 : memref<!tpu.dma_semaphore, #tpu.memory_space<semaphore_mem>>) src(%arg7 : memref<128x128xf32, #tpu.memory_space<vmem>>) dst(%dma_wait3A_148 : memref<10000x128xf32, #tpu.memory_space<vmem_shared>>)
          tpu.yield
        }) : () -> ()
      } else {
      }
      %add3A_89 = arith.constant 9 : i32
      %add3A_90 = arith.addi %multiple_of3A, %add3A_89 : i32
      %lt3A_91 = arith.constant 1250 : i32
      %lt3A_92 = arith.cmpi slt, %add3A_90, %lt3A_91 : i32
      %convert_element_type3A_93 = arith.extui %lt3A_92 : i1 to i32
      %cond3A_94 = arith.constant 0 : i32
      %cond3A_95 = arith.cmpi ne, %convert_element_type3A_93, %cond3A_94 : i32
      scf.if %cond3A_95 {
        %run_scoped3A = arith.constant 9 : i32
        "tpu.region"() ({
          %run_scoped3A_138 = tpu.sem_alloc : memref<!tpu.dma_semaphore, #tpu.memory_space<semaphore_mem>>
          %dma_start3A = arith.constant 0 : i32
          %dma_start3A_139 = tpu.memref_slice %arg6[%run_scoped3A, %dma_start3A] : memref<16x128xi32, #tpu.memory_space<vmem>> -> memref<1x128xi32, #tpu.memory_space<vmem>>
          %dma_start3A_140 = tpu.memref_squeeze %dma_start3A_139 : memref<1x128xi32, #tpu.memory_space<vmem>> -> memref<128xi32, #tpu.memory_space<vmem>>
          %dma_start3A_141 = arith.constant 0 : i32
          %dma_start3A_142 = arith.constant 0 : i32
          %dma_start3A_143 = tpu.memref_slice %arg8[%dma_start3A_141, %dma_start3A_142] : memref<10000x128xf32, #tpu.memory_space<vmem_shared>> -> memref<10000x128xf32, #tpu.memory_space<vmem_shared>>
          tpu.enqueue_indirect_dma source(%arg7 : memref<128x128xf32, #tpu.memory_space<vmem>>) target(%dma_start3A_143 : memref<10000x128xf32, #tpu.memory_space<vmem_shared>>) offsets(%dma_start3A_140 : memref<128xi32, #tpu.memory_space<vmem>>) semaphore(%run_scoped3A_138 : memref<!tpu.dma_semaphore, #tpu.memory_space<semaphore_mem>>) {add = true}
          %dma_wait3A = arith.constant 0 : i32
          %dma_wait3A_144 = tpu.memref_slice %arg6[%run_scoped3A, %dma_wait3A] : memref<16x128xi32, #tpu.memory_space<vmem>> -> memref<1x128xi32, #tpu.memory_space<vmem>>
          %dma_wait3A_145 = tpu.memref_squeeze %dma_wait3A_144 : memref<1x128xi32, #tpu.memory_space<vmem>> -> memref<128xi32, #tpu.memory_space<vmem>>
          %dma_wait3A_146 = arith.constant 0 : i32
          %dma_wait3A_147 = arith.constant 0 : i32
          %dma_wait3A_148 = tpu.memref_slice %arg8[%dma_wait3A_146, %dma_wait3A_147] : memref<10000x128xf32, #tpu.memory_space<vmem_shared>> -> memref<10000x128xf32, #tpu.memory_space<vmem_shared>>
          tpu.wait_indirect_dma semaphore(%run_scoped3A_138 : memref<!tpu.dma_semaphore, #tpu.memory_space<semaphore_mem>>) src(%arg7 : memref<128x128xf32, #tpu.memory_space<vmem>>) dst(%dma_wait3A_148 : memref<10000x128xf32, #tpu.memory_space<vmem_shared>>)
          tpu.yield
        }) : () -> ()
      } else {
      }
      %add3A_96 = arith.constant 10 : i32
      %add3A_97 = arith.addi %multiple_of3A, %add3A_96 : i32
      %lt3A_98 = arith.constant 1250 : i32
      %lt3A_99 = arith.cmpi slt, %add3A_97, %lt3A_98 : i32
      %convert_element_type3A_100 = arith.extui %lt3A_99 : i1 to i32
      %cond3A_101 = arith.constant 0 : i32
      %cond3A_102 = arith.cmpi ne, %convert_element_type3A_100, %cond3A_101 : i32
      scf.if %cond3A_102 {
        %run_scoped3A = arith.constant 10 : i32
        "tpu.region"() ({
          %run_scoped3A_138 = tpu.sem_alloc : memref<!tpu.dma_semaphore, #tpu.memory_space<semaphore_mem>>
          %dma_start3A = arith.constant 0 : i32
          %dma_start3A_139 = tpu.memref_slice %arg6[%run_scoped3A, %dma_start3A] : memref<16x128xi32, #tpu.memory_space<vmem>> -> memref<1x128xi32, #tpu.memory_space<vmem>>
          %dma_start3A_140 = tpu.memref_squeeze %dma_start3A_139 : memref<1x128xi32, #tpu.memory_space<vmem>> -> memref<128xi32, #tpu.memory_space<vmem>>
          %dma_start3A_141 = arith.constant 0 : i32
          %dma_start3A_142 = arith.constant 0 : i32
          %dma_start3A_143 = tpu.memref_slice %arg8[%dma_start3A_141, %dma_start3A_142] : memref<10000x128xf32, #tpu.memory_space<vmem_shared>> -> memref<10000x128xf32, #tpu.memory_space<vmem_shared>>
          tpu.enqueue_indirect_dma source(%arg7 : memref<128x128xf32, #tpu.memory_space<vmem>>) target(%dma_start3A_143 : memref<10000x128xf32, #tpu.memory_space<vmem_shared>>) offsets(%dma_start3A_140 : memref<128xi32, #tpu.memory_space<vmem>>) semaphore(%run_scoped3A_138 : memref<!tpu.dma_semaphore, #tpu.memory_space<semaphore_mem>>) {add = true}
          %dma_wait3A = arith.constant 0 : i32
          %dma_wait3A_144 = tpu.memref_slice %arg6[%run_scoped3A, %dma_wait3A] : memref<16x128xi32, #tpu.memory_space<vmem>> -> memref<1x128xi32, #tpu.memory_space<vmem>>
          %dma_wait3A_145 = tpu.memref_squeeze %dma_wait3A_144 : memref<1x128xi32, #tpu.memory_space<vmem>> -> memref<128xi32, #tpu.memory_space<vmem>>
          %dma_wait3A_146 = arith.constant 0 : i32
          %dma_wait3A_147 = arith.constant 0 : i32
          %dma_wait3A_148 = tpu.memref_slice %arg8[%dma_wait3A_146, %dma_wait3A_147] : memref<10000x128xf32, #tpu.memory_space<vmem_shared>> -> memref<10000x128xf32, #tpu.memory_space<vmem_shared>>
          tpu.wait_indirect_dma semaphore(%run_scoped3A_138 : memref<!tpu.dma_semaphore, #tpu.memory_space<semaphore_mem>>) src(%arg7 : memref<128x128xf32, #tpu.memory_space<vmem>>) dst(%dma_wait3A_148 : memref<10000x128xf32, #tpu.memory_space<vmem_shared>>)
          tpu.yield
        }) : () -> ()
      } else {
      }
      %add3A_103 = arith.constant 11 : i32
      %add3A_104 = arith.addi %multiple_of3A, %add3A_103 : i32
      %lt3A_105 = arith.constant 1250 : i32
      %lt3A_106 = arith.cmpi slt, %add3A_104, %lt3A_105 : i32
      %convert_element_type3A_107 = arith.extui %lt3A_106 : i1 to i32
      %cond3A_108 = arith.constant 0 : i32
      %cond3A_109 = arith.cmpi ne, %convert_element_type3A_107, %cond3A_108 : i32
      scf.if %cond3A_109 {
        %run_scoped3A = arith.constant 11 : i32
        "tpu.region"() ({
          %run_scoped3A_138 = tpu.sem_alloc : memref<!tpu.dma_semaphore, #tpu.memory_space<semaphore_mem>>
          %dma_start3A = arith.constant 0 : i32
          %dma_start3A_139 = tpu.memref_slice %arg6[%run_scoped3A, %dma_start3A] : memref<16x128xi32, #tpu.memory_space<vmem>> -> memref<1x128xi32, #tpu.memory_space<vmem>>
          %dma_start3A_140 = tpu.memref_squeeze %dma_start3A_139 : memref<1x128xi32, #tpu.memory_space<vmem>> -> memref<128xi32, #tpu.memory_space<vmem>>
          %dma_start3A_141 = arith.constant 0 : i32
          %dma_start3A_142 = arith.constant 0 : i32
          %dma_start3A_143 = tpu.memref_slice %arg8[%dma_start3A_141, %dma_start3A_142] : memref<10000x128xf32, #tpu.memory_space<vmem_shared>> -> memref<10000x128xf32, #tpu.memory_space<vmem_shared>>
          tpu.enqueue_indirect_dma source(%arg7 : memref<128x128xf32, #tpu.memory_space<vmem>>) target(%dma_start3A_143 : memref<10000x128xf32, #tpu.memory_space<vmem_shared>>) offsets(%dma_start3A_140 : memref<128xi32, #tpu.memory_space<vmem>>) semaphore(%run_scoped3A_138 : memref<!tpu.dma_semaphore, #tpu.memory_space<semaphore_mem>>) {add = true}
          %dma_wait3A = arith.constant 0 : i32
          %dma_wait3A_144 = tpu.memref_slice %arg6[%run_scoped3A, %dma_wait3A] : memref<16x128xi32, #tpu.memory_space<vmem>> -> memref<1x128xi32, #tpu.memory_space<vmem>>
          %dma_wait3A_145 = tpu.memref_squeeze %dma_wait3A_144 : memref<1x128xi32, #tpu.memory_space<vmem>> -> memref<128xi32, #tpu.memory_space<vmem>>
          %dma_wait3A_146 = arith.constant 0 : i32
          %dma_wait3A_147 = arith.constant 0 : i32
          %dma_wait3A_148 = tpu.memref_slice %arg8[%dma_wait3A_146, %dma_wait3A_147] : memref<10000x128xf32, #tpu.memory_space<vmem_shared>> -> memref<10000x128xf32, #tpu.memory_space<vmem_shared>>
          tpu.wait_indirect_dma semaphore(%run_scoped3A_138 : memref<!tpu.dma_semaphore, #tpu.memory_space<semaphore_mem>>) src(%arg7 : memref<128x128xf32, #tpu.memory_space<vmem>>) dst(%dma_wait3A_148 : memref<10000x128xf32, #tpu.memory_space<vmem_shared>>)
          tpu.yield
        }) : () -> ()
      } else {
      }
      %add3A_110 = arith.constant 12 : i32
      %add3A_111 = arith.addi %multiple_of3A, %add3A_110 : i32
      %lt3A_112 = arith.constant 1250 : i32
      %lt3A_113 = arith.cmpi slt, %add3A_111, %lt3A_112 : i32
      %convert_element_type3A_114 = arith.extui %lt3A_113 : i1 to i32
      %cond3A_115 = arith.constant 0 : i32
      %cond3A_116 = arith.cmpi ne, %convert_element_type3A_114, %cond3A_115 : i32
      scf.if %cond3A_116 {
        %run_scoped3A = arith.constant 12 : i32
        "tpu.region"() ({
          %run_scoped3A_138 = tpu.sem_alloc : memref<!tpu.dma_semaphore, #tpu.memory_space<semaphore_mem>>
          %dma_start3A = arith.constant 0 : i32
          %dma_start3A_139 = tpu.memref_slice %arg6[%run_scoped3A, %dma_start3A] : memref<16x128xi32, #tpu.memory_space<vmem>> -> memref<1x128xi32, #tpu.memory_space<vmem>>
          %dma_start3A_140 = tpu.memref_squeeze %dma_start3A_139 : memref<1x128xi32, #tpu.memory_space<vmem>> -> memref<128xi32, #tpu.memory_space<vmem>>
          %dma_start3A_141 = arith.constant 0 : i32
          %dma_start3A_142 = arith.constant 0 : i32
          %dma_start3A_143 = tpu.memref_slice %arg8[%dma_start3A_141, %dma_start3A_142] : memref<10000x128xf32, #tpu.memory_space<vmem_shared>> -> memref<10000x128xf32, #tpu.memory_space<vmem_shared>>
          tpu.enqueue_indirect_dma source(%arg7 : memref<128x128xf32, #tpu.memory_space<vmem>>) target(%dma_start3A_143 : memref<10000x128xf32, #tpu.memory_space<vmem_shared>>) offsets(%dma_start3A_140 : memref<128xi32, #tpu.memory_space<vmem>>) semaphore(%run_scoped3A_138 : memref<!tpu.dma_semaphore, #tpu.memory_space<semaphore_mem>>) {add = true}
          %dma_wait3A = arith.constant 0 : i32
          %dma_wait3A_144 = tpu.memref_slice %arg6[%run_scoped3A, %dma_wait3A] : memref<16x128xi32, #tpu.memory_space<vmem>> -> memref<1x128xi32, #tpu.memory_space<vmem>>
          %dma_wait3A_145 = tpu.memref_squeeze %dma_wait3A_144 : memref<1x128xi32, #tpu.memory_space<vmem>> -> memref<128xi32, #tpu.memory_space<vmem>>
          %dma_wait3A_146 = arith.constant 0 : i32
          %dma_wait3A_147 = arith.constant 0 : i32
          %dma_wait3A_148 = tpu.memref_slice %arg8[%dma_wait3A_146, %dma_wait3A_147] : memref<10000x128xf32, #tpu.memory_space<vmem_shared>> -> memref<10000x128xf32, #tpu.memory_space<vmem_shared>>
          tpu.wait_indirect_dma semaphore(%run_scoped3A_138 : memref<!tpu.dma_semaphore, #tpu.memory_space<semaphore_mem>>) src(%arg7 : memref<128x128xf32, #tpu.memory_space<vmem>>) dst(%dma_wait3A_148 : memref<10000x128xf32, #tpu.memory_space<vmem_shared>>)
          tpu.yield
        }) : () -> ()
      } else {
      }
      %add3A_117 = arith.constant 13 : i32
      %add3A_118 = arith.addi %multiple_of3A, %add3A_117 : i32
      %lt3A_119 = arith.constant 1250 : i32
      %lt3A_120 = arith.cmpi slt, %add3A_118, %lt3A_119 : i32
      %convert_element_type3A_121 = arith.extui %lt3A_120 : i1 to i32
      %cond3A_122 = arith.constant 0 : i32
      %cond3A_123 = arith.cmpi ne, %convert_element_type3A_121, %cond3A_122 : i32
      scf.if %cond3A_123 {
        %run_scoped3A = arith.constant 13 : i32
        "tpu.region"() ({
          %run_scoped3A_138 = tpu.sem_alloc : memref<!tpu.dma_semaphore, #tpu.memory_space<semaphore_mem>>
          %dma_start3A = arith.constant 0 : i32
          %dma_start3A_139 = tpu.memref_slice %arg6[%run_scoped3A, %dma_start3A] : memref<16x128xi32, #tpu.memory_space<vmem>> -> memref<1x128xi32, #tpu.memory_space<vmem>>
          %dma_start3A_140 = tpu.memref_squeeze %dma_start3A_139 : memref<1x128xi32, #tpu.memory_space<vmem>> -> memref<128xi32, #tpu.memory_space<vmem>>
          %dma_start3A_141 = arith.constant 0 : i32
          %dma_start3A_142 = arith.constant 0 : i32
          %dma_start3A_143 = tpu.memref_slice %arg8[%dma_start3A_141, %dma_start3A_142] : memref<10000x128xf32, #tpu.memory_space<vmem_shared>> -> memref<10000x128xf32, #tpu.memory_space<vmem_shared>>
          tpu.enqueue_indirect_dma source(%arg7 : memref<128x128xf32, #tpu.memory_space<vmem>>) target(%dma_start3A_143 : memref<10000x128xf32, #tpu.memory_space<vmem_shared>>) offsets(%dma_start3A_140 : memref<128xi32, #tpu.memory_space<vmem>>) semaphore(%run_scoped3A_138 : memref<!tpu.dma_semaphore, #tpu.memory_space<semaphore_mem>>) {add = true}
          %dma_wait3A = arith.constant 0 : i32
          %dma_wait3A_144 = tpu.memref_slice %arg6[%run_scoped3A, %dma_wait3A] : memref<16x128xi32, #tpu.memory_space<vmem>> -> memref<1x128xi32, #tpu.memory_space<vmem>>
          %dma_wait3A_145 = tpu.memref_squeeze %dma_wait3A_144 : memref<1x128xi32, #tpu.memory_space<vmem>> -> memref<128xi32, #tpu.memory_space<vmem>>
          %dma_wait3A_146 = arith.constant 0 : i32
          %dma_wait3A_147 = arith.constant 0 : i32
          %dma_wait3A_148 = tpu.memref_slice %arg8[%dma_wait3A_146, %dma_wait3A_147] : memref<10000x128xf32, #tpu.memory_space<vmem_shared>> -> memref<10000x128xf32, #tpu.memory_space<vmem_shared>>
          tpu.wait_indirect_dma semaphore(%run_scoped3A_138 : memref<!tpu.dma_semaphore, #tpu.memory_space<semaphore_mem>>) src(%arg7 : memref<128x128xf32, #tpu.memory_space<vmem>>) dst(%dma_wait3A_148 : memref<10000x128xf32, #tpu.memory_space<vmem_shared>>)
          tpu.yield
        }) : () -> ()
      } else {
      }
      %add3A_124 = arith.constant 14 : i32
      %add3A_125 = arith.addi %multiple_of3A, %add3A_124 : i32
      %lt3A_126 = arith.constant 1250 : i32
      %lt3A_127 = arith.cmpi slt, %add3A_125, %lt3A_126 : i32
      %convert_element_type3A_128 = arith.extui %lt3A_127 : i1 to i32
      %cond3A_129 = arith.constant 0 : i32
      %cond3A_130 = arith.cmpi ne, %convert_element_type3A_128, %cond3A_129 : i32
      scf.if %cond3A_130 {
        %run_scoped3A = arith.constant 14 : i32
        "tpu.region"() ({
          %run_scoped3A_138 = tpu.sem_alloc : memref<!tpu.dma_semaphore, #tpu.memory_space<semaphore_mem>>
          %dma_start3A = arith.constant 0 : i32
          %dma_start3A_139 = tpu.memref_slice %arg6[%run_scoped3A, %dma_start3A] : memref<16x128xi32, #tpu.memory_space<vmem>> -> memref<1x128xi32, #tpu.memory_space<vmem>>
          %dma_start3A_140 = tpu.memref_squeeze %dma_start3A_139 : memref<1x128xi32, #tpu.memory_space<vmem>> -> memref<128xi32, #tpu.memory_space<vmem>>
          %dma_start3A_141 = arith.constant 0 : i32
          %dma_start3A_142 = arith.constant 0 : i32
          %dma_start3A_143 = tpu.memref_slice %arg8[%dma_start3A_141, %dma_start3A_142] : memref<10000x128xf32, #tpu.memory_space<vmem_shared>> -> memref<10000x128xf32, #tpu.memory_space<vmem_shared>>
          tpu.enqueue_indirect_dma source(%arg7 : memref<128x128xf32, #tpu.memory_space<vmem>>) target(%dma_start3A_143 : memref<10000x128xf32, #tpu.memory_space<vmem_shared>>) offsets(%dma_start3A_140 : memref<128xi32, #tpu.memory_space<vmem>>) semaphore(%run_scoped3A_138 : memref<!tpu.dma_semaphore, #tpu.memory_space<semaphore_mem>>) {add = true}
          %dma_wait3A = arith.constant 0 : i32
          %dma_wait3A_144 = tpu.memref_slice %arg6[%run_scoped3A, %dma_wait3A] : memref<16x128xi32, #tpu.memory_space<vmem>> -> memref<1x128xi32, #tpu.memory_space<vmem>>
          %dma_wait3A_145 = tpu.memref_squeeze %dma_wait3A_144 : memref<1x128xi32, #tpu.memory_space<vmem>> -> memref<128xi32, #tpu.memory_space<vmem>>
          %dma_wait3A_146 = arith.constant 0 : i32
          %dma_wait3A_147 = arith.constant 0 : i32
          %dma_wait3A_148 = tpu.memref_slice %arg8[%dma_wait3A_146, %dma_wait3A_147] : memref<10000x128xf32, #tpu.memory_space<vmem_shared>> -> memref<10000x128xf32, #tpu.memory_space<vmem_shared>>
          tpu.wait_indirect_dma semaphore(%run_scoped3A_138 : memref<!tpu.dma_semaphore, #tpu.memory_space<semaphore_mem>>) src(%arg7 : memref<128x128xf32, #tpu.memory_space<vmem>>) dst(%dma_wait3A_148 : memref<10000x128xf32, #tpu.memory_space<vmem_shared>>)
          tpu.yield
        }) : () -> ()
      } else {
      }
      %add3A_131 = arith.constant 15 : i32
      %add3A_132 = arith.addi %multiple_of3A, %add3A_131 : i32
      %lt3A_133 = arith.constant 1250 : i32
      %lt3A_134 = arith.cmpi slt, %add3A_132, %lt3A_133 : i32
      %convert_element_type3A_135 = arith.extui %lt3A_134 : i1 to i32
      %cond3A_136 = arith.constant 0 : i32
      %cond3A_137 = arith.cmpi ne, %convert_element_type3A_135, %cond3A_136 : i32
      scf.if %cond3A_137 {
        %run_scoped3A = arith.constant 15 : i32
        "tpu.region"() ({
          %run_scoped3A_138 = tpu.sem_alloc : memref<!tpu.dma_semaphore, #tpu.memory_space<semaphore_mem>>
          %dma_start3A = arith.constant 0 : i32
          %dma_start3A_139 = tpu.memref_slice %arg6[%run_scoped3A, %dma_start3A] : memref<16x128xi32, #tpu.memory_space<vmem>> -> memref<1x128xi32, #tpu.memory_space<vmem>>
          %dma_start3A_140 = tpu.memref_squeeze %dma_start3A_139 : memref<1x128xi32, #tpu.memory_space<vmem>> -> memref<128xi32, #tpu.memory_space<vmem>>
          %dma_start3A_141 = arith.constant 0 : i32
          %dma_start3A_142 = arith.constant 0 : i32
          %dma_start3A_143 = tpu.memref_slice %arg8[%dma_start3A_141, %dma_start3A_142] : memref<10000x128xf32, #tpu.memory_space<vmem_shared>> -> memref<10000x128xf32, #tpu.memory_space<vmem_shared>>
          tpu.enqueue_indirect_dma source(%arg7 : memref<128x128xf32, #tpu.memory_space<vmem>>) target(%dma_start3A_143 : memref<10000x128xf32, #tpu.memory_space<vmem_shared>>) offsets(%dma_start3A_140 : memref<128xi32, #tpu.memory_space<vmem>>) semaphore(%run_scoped3A_138 : memref<!tpu.dma_semaphore, #tpu.memory_space<semaphore_mem>>) {add = true}
          %dma_wait3A = arith.constant 0 : i32
          %dma_wait3A_144 = tpu.memref_slice %arg6[%run_scoped3A, %dma_wait3A] : memref<16x128xi32, #tpu.memory_space<vmem>> -> memref<1x128xi32, #tpu.memory_space<vmem>>
          %dma_wait3A_145 = tpu.memref_squeeze %dma_wait3A_144 : memref<1x128xi32, #tpu.memory_space<vmem>> -> memref<128xi32, #tpu.memory_space<vmem>>
          %dma_wait3A_146 = arith.constant 0 : i32
          %dma_wait3A_147 = arith.constant 0 : i32
          %dma_wait3A_148 = tpu.memref_slice %arg8[%dma_wait3A_146, %dma_wait3A_147] : memref<10000x128xf32, #tpu.memory_space<vmem_shared>> -> memref<10000x128xf32, #tpu.memory_space<vmem_shared>>
          tpu.wait_indirect_dma semaphore(%run_scoped3A_138 : memref<!tpu.dma_semaphore, #tpu.memory_space<semaphore_mem>>) src(%arg7 : memref<128x128xf32, #tpu.memory_space<vmem>>) dst(%dma_wait3A_148 : memref<10000x128xf32, #tpu.memory_space<vmem_shared>>)
          tpu.yield
        }) : () -> ()
      } else {
      }
    }
    %scan3A_11 = arith.constant 5 : i32
    %barrier3A_12 = arith.constant 0 : index
    tpu.barrier barrier_id(%barrier3A_12)
    %lt3A_13 = arith.constant 15 : i32
    %lt3A_14 = arith.cmpi slt, %arg1, %lt3A_13 : i32
    %convert_element_type3A_15 = arith.extui %lt3A_14 : i1 to i32
    %cond3A_16 = arith.constant 0 : i32
    %cond3A_17 = arith.cmpi ne, %convert_element_type3A_15, %cond3A_16 : i32
    scf.if %cond3A_17 {
      %mul3A_23 = arith.constant 632 : i32
      %mul3A_24 = arith.muli %arg1, %mul3A_23 : i32
      %multiple_of3A = tpu.assume_multiple %mul3A_24, 8 : i32
      "tpu.region"() ({
        %run_scoped3A = tpu.sem_alloc : memref<!tpu.dma_semaphore, #tpu.memory_space<semaphore_mem>>
        %dma_start3A = arith.constant 0 : i32
        %dma_start3A_25 = tpu.memref_slice %arg5[%arg0, %multiple_of3A, %dma_start3A] : memref<2x10000x128xf32, #tpu.memory_space<hbm>> -> memref<1x632x128xf32, #tpu.memory_space<hbm>>
        %dma_start3A_26 = tpu.memref_squeeze %dma_start3A_25 : memref<1x632x128xf32, #tpu.memory_space<hbm>> -> memref<632x128xf32, #tpu.memory_space<hbm>>
        %dma_start3A_27 = arith.constant 0 : i32
        %dma_start3A_28 = tpu.memref_slice %arg8[%multiple_of3A, %dma_start3A_27] : memref<10000x128xf32, #tpu.memory_space<vmem_shared>> -> memref<632x128xf32, #tpu.memory_space<vmem_shared>>
        tpu.enqueue_dma source(%dma_start3A_28 : memref<632x128xf32, #tpu.memory_space<vmem_shared>>) target(%dma_start3A_26 : memref<632x128xf32, #tpu.memory_space<hbm>>) target_semaphore(%run_scoped3A : memref<!tpu.dma_semaphore, #tpu.memory_space<semaphore_mem>>)
        %dma_wait3A = arith.constant 0 : i32
        %dma_wait3A_29 = tpu.memref_slice %arg5[%arg0, %multiple_of3A, %dma_wait3A] : memref<2x10000x128xf32, #tpu.memory_space<hbm>> -> memref<1x632x128xf32, #tpu.memory_space<hbm>>
        %dma_wait3A_30 = tpu.memref_squeeze %dma_wait3A_29 : memref<1x632x128xf32, #tpu.memory_space<hbm>> -> memref<632x128xf32, #tpu.memory_space<hbm>>
        %dma_wait3A_31 = arith.constant 0 : i32
        %dma_wait3A_32 = tpu.memref_slice %arg8[%multiple_of3A, %dma_wait3A_31] : memref<10000x128xf32, #tpu.memory_space<vmem_shared>> -> memref<632x128xf32, #tpu.memory_space<vmem_shared>>
        tpu.wait_dma2 semaphore(%run_scoped3A : memref<!tpu.dma_semaphore, #tpu.memory_space<semaphore_mem>>) src(%dma_wait3A_32 : memref<632x128xf32, #tpu.memory_space<vmem_shared>>) dst(%dma_wait3A_30 : memref<632x128xf32, #tpu.memory_space<hbm>>)
        tpu.yield
      }) : () -> ()
    } else {
    }
    %eq3A_18 = arith.constant 15 : i32
    %eq3A_19 = arith.cmpi eq, %arg1, %eq3A_18 : i32
    %convert_element_type3A_20 = arith.extui %eq3A_19 : i1 to i32
    %cond3A_21 = arith.constant 0 : i32
    %cond3A_22 = arith.cmpi ne, %convert_element_type3A_20, %cond3A_21 : i32
    scf.if %cond3A_22 {
      "tpu.region"() ({
        %run_scoped3A = tpu.sem_alloc : memref<!tpu.dma_semaphore, #tpu.memory_space<semaphore_mem>>
        %dma_start3A = arith.constant 9480 : i32
        %dma_start3A_23 = arith.constant 0 : i32
        %dma_start3A_24 = tpu.memref_slice %arg5[%arg0, %dma_start3A, %dma_start3A_23] : memref<2x10000x128xf32, #tpu.memory_space<hbm>> -> memref<1x520x128xf32, #tpu.memory_space<hbm>>
        %dma_start3A_25 = tpu.memref_squeeze %dma_start3A_24 : memref<1x520x128xf32, #tpu.memory_space<hbm>> -> memref<520x128xf32, #tpu.memory_space<hbm>>
        %dma_start3A_26 = arith.constant 9480 : i32
        %dma_start3A_27 = arith.constant 0 : i32
        %dma_start3A_28 = tpu.memref_slice %arg8[%dma_start3A_26, %dma_start3A_27] : memref<10000x128xf32, #tpu.memory_space<vmem_shared>> -> memref<520x128xf32, #tpu.memory_space<vmem_shared>>
        tpu.enqueue_dma source(%dma_start3A_28 : memref<520x128xf32, #tpu.memory_space<vmem_shared>>) target(%dma_start3A_25 : memref<520x128xf32, #tpu.memory_space<hbm>>) target_semaphore(%run_scoped3A : memref<!tpu.dma_semaphore, #tpu.memory_space<semaphore_mem>>)
        %dma_wait3A = arith.constant 9480 : i32
        %dma_wait3A_29 = arith.constant 0 : i32
        %dma_wait3A_30 = tpu.memref_slice %arg5[%arg0, %dma_wait3A, %dma_wait3A_29] : memref<2x10000x128xf32, #tpu.memory_space<hbm>> -> memref<1x520x128xf32, #tpu.memory_space<hbm>>
        %dma_wait3A_31 = tpu.memref_squeeze %dma_wait3A_30 : memref<1x520x128xf32, #tpu.memory_space<hbm>> -> memref<520x128xf32, #tpu.memory_space<hbm>>
        %dma_wait3A_32 = arith.constant 9480 : i32
        %dma_wait3A_33 = arith.constant 0 : i32
        %dma_wait3A_34 = tpu.memref_slice %arg8[%dma_wait3A_32, %dma_wait3A_33] : memref<10000x128xf32, #tpu.memory_space<vmem_shared>> -> memref<520x128xf32, #tpu.memory_space<vmem_shared>>
        tpu.wait_dma2 semaphore(%run_scoped3A : memref<!tpu.dma_semaphore, #tpu.memory_space<semaphore_mem>>) src(%dma_wait3A_34 : memref<520x128xf32, #tpu.memory_space<vmem_shared>>) dst(%dma_wait3A_31 : memref<520x128xf32, #tpu.memory_space<hbm>>)
        tpu.yield
      }) : () -> ()
    } else {
    }
    return
  }
}

module attributes {stable_mosaic.version = 14 : i64} {
  func.func @body(%arg0: i32, %arg1: memref<2x1000x128xf32, #tpu.memory_space<vmem>>, %arg2: memref<2x1000x128xf32, #tpu.memory_space<vmem>>, %arg3: memref<1000x128xf32, #tpu.memory_space<vmem>>, %arg4: memref<128x256xf32, #tpu.memory_space<vmem>>, %arg5: memref<128x256xf32, #tpu.memory_space<vmem>>, %arg6: memref<1x256xf32, #tpu.memory_space<vmem>>, %arg7: memref<1000x256xf32, #tpu.memory_space<vmem>>, %arg8: memref<1x256xf32, #tpu.memory_space<vmem>>, %arg9: memref<1x256xf32, #tpu.memory_space<vmem>>) attributes {dimension_semantics = [#tpu.dimension_semantics<arbitrary>], iteration_bounds = array<i64: 10>, scalar_prefetch = 0 : i64, scratch_operands = 0 : i64, tpu.core_type = #tpu.core_type<tc>, window_params = [{transform_indices = @transform_0, window_bounds = array<i64: 2, 1000, 128>}, {transform_indices = @transform_1, window_bounds = array<i64: 2, 1000, 128>}, {transform_indices = @transform_2, window_bounds = array<i64: 1000, 128>}, {pipeline_mode = #tpu.pipeline_mode<synchronous>, transform_indices = @transform_3, window_bounds = array<i64: 128, 256>}, {pipeline_mode = #tpu.pipeline_mode<synchronous>, transform_indices = @transform_4, window_bounds = array<i64: 128, 256>}, {pipeline_mode = #tpu.pipeline_mode<synchronous>, transform_indices = @transform_5, window_bounds = array<i64: 1, 256>}, {transform_indices = @transform_6, window_bounds = array<i64: 1000, 256>}, {pipeline_mode = #tpu.pipeline_mode<synchronous>, transform_indices = @transform_7, window_bounds = array<i64: 1, 256>}, {pipeline_mode = #tpu.pipeline_mode<synchronous>, transform_indices = @transform_8, window_bounds = array<i64: 1, 256>}]} {
    %get3A = arith.constant 0 : index
    %get3A_0 = arith.constant 0 : index
    %get3A_1 = arith.constant 0 : index
    %get3A_2 = vector.load %arg2[%get3A, %get3A_0, %get3A_1] : memref<2x1000x128xf32, #tpu.memory_space<vmem>>, vector<1x1000x1xf32>
    %get3A_3 = vector.shape_cast %get3A_2 : vector<1x1000x1xf32> to vector<1000x1xf32>
    %get3A_4 = arith.constant 1 : index
    %get3A_5 = arith.constant 0 : index
    %get3A_6 = arith.constant 0 : index
    %get3A_7 = vector.load %arg2[%get3A_4, %get3A_5, %get3A_6] : memref<2x1000x128xf32, #tpu.memory_space<vmem>>, vector<1x1000x1xf32>
    %get3A_8 = vector.shape_cast %get3A_7 : vector<1x1000x1xf32> to vector<1000x1xf32>
    %add3A = arith.addf %get3A_3, %get3A_8 : vector<1000x1xf32>
    %max3A = arith.constant 1.000000e+00 : f32
    %max3A_9 = vector.broadcast %max3A : f32 to vector<1000x1xf32>
    %max3A_10 = arith.maximumf %add3A, %max3A_9 : vector<1000x1xf32>
    %div3A = arith.constant 1.000000e+00 : f32
    %div3A_11 = vector.broadcast %div3A : f32 to vector<1000x1xf32>
    %div3A_12 = arith.divf %div3A_11, %max3A_10 : vector<1000x1xf32>
    %get3A_13 = arith.constant 0 : index
    %get3A_14 = arith.constant 0 : index
    %get3A_15 = arith.constant 0 : index
    %get3A_16 = vector.load %arg1[%get3A_13, %get3A_14, %get3A_15] : memref<2x1000x128xf32, #tpu.memory_space<vmem>>, vector<1x1000x128xf32>
    %get3A_17 = vector.shape_cast %get3A_16 : vector<1x1000x128xf32> to vector<1000x128xf32>
    %get3A_18 = arith.constant 1 : index
    %get3A_19 = arith.constant 0 : index
    %get3A_20 = arith.constant 0 : index
    %get3A_21 = vector.load %arg1[%get3A_18, %get3A_19, %get3A_20] : memref<2x1000x128xf32, #tpu.memory_space<vmem>>, vector<1x1000x128xf32>
    %get3A_22 = vector.shape_cast %get3A_21 : vector<1x1000x128xf32> to vector<1000x128xf32>
    %add3A_23 = arith.addf %get3A_17, %get3A_22 : vector<1000x128xf32>
    %mul3A = vector.broadcast %div3A_12 : vector<1000x1xf32> to vector<1000x128xf32>
    %mul3A_24 = arith.mulf %add3A_23, %mul3A : vector<1000x128xf32>
    %get3A_25 = arith.constant 0 : index
    %get3A_26 = arith.constant 0 : index
    %get3A_27 = vector.load %arg4[%get3A_25, %get3A_26] : memref<128x256xf32, #tpu.memory_space<vmem>>, vector<128x256xf32>
    %dot_general3A = arith.constant dense<0.000000e+00> : vector<1000x256xf32>
    %dot_general3A_28 = tpu.matmul %mul3A_24, %get3A_27, %dot_general3A {dimension_numbers = #tpu.dot_dimension_numbers<[1], [0], [0], [1], [0, 0, 1, 1], [], []>, transpose_lhs_hint = false} : vector<1000x128xf32>, vector<128x256xf32>, vector<1000x256xf32> -> vector<1000x256xf32>
    %get3A_29 = arith.constant 0 : index
    %get3A_30 = arith.constant 0 : index
    %get3A_31 = vector.load %arg3[%get3A_29, %get3A_30] : memref<1000x128xf32, #tpu.memory_space<vmem>>, vector<1000x128xf32>
    %get3A_32 = arith.constant 0 : index
    %get3A_33 = arith.constant 0 : index
    %get3A_34 = vector.load %arg5[%get3A_32, %get3A_33] : memref<128x256xf32, #tpu.memory_space<vmem>>, vector<128x256xf32>
    %dot_general3A_35 = arith.constant dense<0.000000e+00> : vector<1000x256xf32>
    %dot_general3A_36 = tpu.matmul %get3A_31, %get3A_34, %dot_general3A_35 {dimension_numbers = #tpu.dot_dimension_numbers<[1], [0], [0], [1], [0, 0, 1, 1], [], []>, transpose_lhs_hint = false} : vector<1000x128xf32>, vector<128x256xf32>, vector<1000x256xf32> -> vector<1000x256xf32>
    %add3A_37 = arith.addf %dot_general3A_28, %dot_general3A_36 : vector<1000x256xf32>
    %get3A_38 = arith.constant 0 : index
    %get3A_39 = arith.constant 0 : index
    %get3A_40 = vector.load %arg6[%get3A_38, %get3A_39] : memref<1x256xf32, #tpu.memory_space<vmem>>, vector<1x256xf32>
    %add3A_41 = vector.broadcast %get3A_40 : vector<1x256xf32> to vector<1000x256xf32>
    %add3A_42 = arith.addf %add3A_37, %add3A_41 : vector<1000x256xf32>
    %swap3A = arith.constant 0 : index
    %swap3A_43 = arith.constant 0 : index
    %swap3A_44 = vector.load %arg7[%swap3A, %swap3A_43] : memref<1000x256xf32, #tpu.memory_space<vmem>>, vector<1000x256xf32>
    tpu.vector_store %arg7[%swap3A, %swap3A_43], %add3A_42 {strides = array<i32>} : memref<1000x256xf32, #tpu.memory_space<vmem>>, vector<1000x256xf32>,
    %eq3A = arith.constant 0 : i32
    %eq3A_45 = arith.cmpi eq, %arg0, %eq3A : i32
    %convert_element_type3A = arith.extui %eq3A_45 : i1 to i32
    %cond3A = arith.constant 0 : i32
    %cond3A_46 = arith.cmpi ne, %convert_element_type3A, %cond3A : i32
    scf.if %cond3A_46 {
      %broadcast_in_dim3A_66 = arith.constant 0.000000e+00 : f32
      %broadcast_in_dim3A_67 = vector.broadcast %broadcast_in_dim3A_66 : f32 to vector<1x256xf32>
      %swap3A_68 = arith.constant 0 : index
      %swap3A_69 = arith.constant 0 : index
      %swap3A_70 = vector.load %arg8[%swap3A_68, %swap3A_69] : memref<1x256xf32, #tpu.memory_space<vmem>>, vector<1x256xf32>
      tpu.vector_store %arg8[%swap3A_68, %swap3A_69], %broadcast_in_dim3A_67 {strides = array<i32>} : memref<1x256xf32, #tpu.memory_space<vmem>>, vector<1x256xf32>,
      %broadcast_in_dim3A_71 = arith.constant 0.000000e+00 : f32
      %broadcast_in_dim3A_72 = vector.broadcast %broadcast_in_dim3A_71 : f32 to vector<1x256xf32>
      %swap3A_73 = arith.constant 0 : index
      %swap3A_74 = arith.constant 0 : index
      %swap3A_75 = vector.load %arg9[%swap3A_73, %swap3A_74] : memref<1x256xf32, #tpu.memory_space<vmem>>, vector<1x256xf32>
      tpu.vector_store %arg9[%swap3A_73, %swap3A_74], %broadcast_in_dim3A_72 {strides = array<i32>} : memref<1x256xf32, #tpu.memory_space<vmem>>, vector<1x256xf32>,
    } else {
    }
    %get3A_47 = arith.constant 0 : index
    %get3A_48 = arith.constant 0 : index
    %get3A_49 = vector.load %arg8[%get3A_47, %get3A_48] : memref<1x256xf32, #tpu.memory_space<vmem>>, vector<1x256xf32>
    %reduce_sum3A = arith.constant dense<0.000000e+00> : vector<256xf32>
    %reduce_sum3A_50 = vector.multi_reduction <add>, %add3A_42, %reduce_sum3A [0] : vector<1000x256xf32> to vector<256xf32>
    %broadcast_in_dim3A = vector.shape_cast %reduce_sum3A_50 : vector<256xf32> to vector<1x256xf32>
    %add3A_51 = arith.addf %get3A_49, %broadcast_in_dim3A : vector<1x256xf32>
    %swap3A_52 = arith.constant 0 : index
    %swap3A_53 = arith.constant 0 : index
    %swap3A_54 = vector.load %arg8[%swap3A_52, %swap3A_53] : memref<1x256xf32, #tpu.memory_space<vmem>>, vector<1x256xf32>
    tpu.vector_store %arg8[%swap3A_52, %swap3A_53], %add3A_51 {strides = array<i32>} : memref<1x256xf32, #tpu.memory_space<vmem>>, vector<1x256xf32>,
    %get3A_55 = arith.constant 0 : index
    %get3A_56 = arith.constant 0 : index
    %get3A_57 = vector.load %arg9[%get3A_55, %get3A_56] : memref<1x256xf32, #tpu.memory_space<vmem>>, vector<1x256xf32>
    %mul3A_58 = arith.mulf %add3A_42, %add3A_42 : vector<1000x256xf32>
    %reduce_sum3A_59 = arith.constant dense<0.000000e+00> : vector<256xf32>
    %reduce_sum3A_60 = vector.multi_reduction <add>, %mul3A_58, %reduce_sum3A_59 [0] : vector<1000x256xf32> to vector<256xf32>
    %broadcast_in_dim3A_61 = vector.shape_cast %reduce_sum3A_60 : vector<256xf32> to vector<1x256xf32>
    %add3A_62 = arith.addf %get3A_57, %broadcast_in_dim3A_61 : vector<1x256xf32>
    %swap3A_63 = arith.constant 0 : index
    %swap3A_64 = arith.constant 0 : index
    %swap3A_65 = vector.load %arg9[%swap3A_63, %swap3A_64] : memref<1x256xf32, #tpu.memory_space<vmem>>, vector<1x256xf32>
    tpu.vector_store %arg9[%swap3A_63, %swap3A_64], %add3A_62 {strides = array<i32>} : memref<1x256xf32, #tpu.memory_space<vmem>>, vector<1x256xf32>,
    return
  }
  func.func @transform_0(%arg0: i32) -> (i32, i32, i32) {
    %c0_i32 = arith.constant 0 : i32
    %c0_i32_0 = arith.constant 0 : i32
    %c0_i32_1 = arith.constant 0 : i32
    return %c0_i32, %arg0, %c0_i32_0 : i32, i32, i32
  }
  func.func @transform_1(%arg0: i32) -> (i32, i32, i32) {
    %c0_i32 = arith.constant 0 : i32
    %c0_i32_0 = arith.constant 0 : i32
    %c0_i32_1 = arith.constant 0 : i32
    return %c0_i32, %arg0, %c0_i32_0 : i32, i32, i32
  }
  func.func @transform_2(%arg0: i32) -> (i32, i32) {
    %c0_i32 = arith.constant 0 : i32
    %c0_i32_0 = arith.constant 0 : i32
    return %arg0, %c0_i32 : i32, i32
  }
  func.func @transform_3(%arg0: i32) -> (i32, i32) {
    %c0_i32 = arith.constant 0 : i32
    %c0_i32_0 = arith.constant 0 : i32
    %c0_i32_1 = arith.constant 0 : i32
    return %c0_i32, %c0_i32_0 : i32, i32
  }
  func.func @transform_4(%arg0: i32) -> (i32, i32) {
    %c0_i32 = arith.constant 0 : i32
    %c0_i32_0 = arith.constant 0 : i32
    %c0_i32_1 = arith.constant 0 : i32
    return %c0_i32, %c0_i32_0 : i32, i32
  }
  func.func @transform_5(%arg0: i32) -> (i32, i32) {
    %c0_i32 = arith.constant 0 : i32
    %c0_i32_0 = arith.constant 0 : i32
    %c0_i32_1 = arith.constant 0 : i32
    return %c0_i32, %c0_i32_0 : i32, i32
  }
  func.func @transform_6(%arg0: i32) -> (i32, i32) {
    %c0_i32 = arith.constant 0 : i32
    %c0_i32_0 = arith.constant 0 : i32
    return %arg0, %c0_i32 : i32, i32
  }
  func.func @transform_7(%arg0: i32) -> (i32, i32) {
    %c0_i32 = arith.constant 0 : i32
    %c0_i32_0 = arith.constant 0 : i32
    %c0_i32_1 = arith.constant 0 : i32
    return %c0_i32, %c0_i32_0 : i32, i32
  }
  func.func @transform_8(%arg0: i32) -> (i32, i32) {
    %c0_i32 = arith.constant 0 : i32
    %c0_i32_0 = arith.constant 0 : i32
    %c0_i32_1 = arith.constant 0 : i32
    return %c0_i32, %c0_i32_0 : i32, i32
  }
}

module attributes {stable_mosaic.version = 14 : i64} {
  func.func @body(%arg0: i32, %arg1: memref<1000x256xf32, #tpu.memory_space<vmem>>, %arg2: memref<1x256xf32, #tpu.memory_space<vmem>>, %arg3: memref<1x256xf32, #tpu.memory_space<vmem>>, %arg4: memref<1x256xf32, #tpu.memory_space<vmem>>, %arg5: memref<1x256xf32, #tpu.memory_space<vmem>>, %arg6: memref<2x1000x128xf32, #tpu.memory_space<vmem>>) attributes {dimension_semantics = [#tpu.dimension_semantics<arbitrary>], iteration_bounds = array<i64: 10>, scalar_prefetch = 0 : i64, scratch_operands = 0 : i64, tpu.core_type = #tpu.core_type<tc>, window_params = [{transform_indices = @transform_0, window_bounds = array<i64: 1000, 256>}, {pipeline_mode = #tpu.pipeline_mode<synchronous>, transform_indices = @transform_1, window_bounds = array<i64: 1, 256>}, {pipeline_mode = #tpu.pipeline_mode<synchronous>, transform_indices = @transform_2, window_bounds = array<i64: 1, 256>}, {pipeline_mode = #tpu.pipeline_mode<synchronous>, transform_indices = @transform_3, window_bounds = array<i64: 1, 256>}, {pipeline_mode = #tpu.pipeline_mode<synchronous>, transform_indices = @transform_4, window_bounds = array<i64: 1, 256>}, {transform_indices = @transform_5, window_bounds = array<i64: 2, 1000, 128>}]} {
    %get3A = arith.constant 0 : index
    %get3A_0 = arith.constant 0 : index
    %get3A_1 = vector.load %arg2[%get3A, %get3A_0] : memref<1x256xf32, #tpu.memory_space<vmem>>, vector<1x256xf32>
    %mul3A = arith.constant 9.99999974E-5 : f32
    %mul3A_2 = vector.broadcast %mul3A : f32 to vector<1x256xf32>
    %mul3A_3 = arith.mulf %get3A_1, %mul3A_2 : vector<1x256xf32>
    %get3A_4 = arith.constant 0 : index
    %get3A_5 = arith.constant 0 : index
    %get3A_6 = vector.load %arg3[%get3A_4, %get3A_5] : memref<1x256xf32, #tpu.memory_space<vmem>>, vector<1x256xf32>
    %mul3A_7 = arith.constant 9.99999974E-5 : f32
    %mul3A_8 = vector.broadcast %mul3A_7 : f32 to vector<1x256xf32>
    %mul3A_9 = arith.mulf %get3A_6, %mul3A_8 : vector<1x256xf32>
    %mul3A_10 = arith.mulf %mul3A_3, %mul3A_3 : vector<1x256xf32>
    %sub3A = arith.subf %mul3A_9, %mul3A_10 : vector<1x256xf32>
    %add3A = arith.constant 9.99999974E-6 : f32
    %add3A_11 = vector.broadcast %add3A : f32 to vector<1x256xf32>
    %add3A_12 = arith.addf %sub3A, %add3A_11 : vector<1x256xf32>
    %rsqrt3A = math.rsqrt %add3A_12 : vector<1x256xf32>
    %get3A_13 = arith.constant 0 : index
    %get3A_14 = arith.constant 0 : index
    %get3A_15 = vector.load %arg1[%get3A_13, %get3A_14] : memref<1000x256xf32, #tpu.memory_space<vmem>>, vector<1000x256xf32>
    %sub3A_16 = vector.broadcast %mul3A_3 : vector<1x256xf32> to vector<1000x256xf32>
    %sub3A_17 = arith.subf %get3A_15, %sub3A_16 : vector<1000x256xf32>
    %mul3A_18 = vector.broadcast %rsqrt3A : vector<1x256xf32> to vector<1000x256xf32>
    %mul3A_19 = arith.mulf %sub3A_17, %mul3A_18 : vector<1000x256xf32>
    %get3A_20 = arith.constant 0 : index
    %get3A_21 = arith.constant 0 : index
    %get3A_22 = vector.load %arg4[%get3A_20, %get3A_21] : memref<1x256xf32, #tpu.memory_space<vmem>>, vector<1x256xf32>
    %mul3A_23 = vector.broadcast %get3A_22 : vector<1x256xf32> to vector<1000x256xf32>
    %mul3A_24 = arith.mulf %mul3A_19, %mul3A_23 : vector<1000x256xf32>
    %get3A_25 = arith.constant 0 : index
    %get3A_26 = arith.constant 0 : index
    %get3A_27 = vector.load %arg5[%get3A_25, %get3A_26] : memref<1x256xf32, #tpu.memory_space<vmem>>, vector<1x256xf32>
    %add3A_28 = vector.broadcast %get3A_27 : vector<1x256xf32> to vector<1000x256xf32>
    %add3A_29 = arith.addf %mul3A_24, %add3A_28 : vector<1000x256xf32>
    %max3A = arith.constant 0.000000e+00 : f32
    %max3A_30 = vector.broadcast %max3A : f32 to vector<1000x256xf32>
    %max3A_31 = arith.maximumf %add3A_29, %max3A_30 : vector<1000x256xf32>
    %slice3A = vector.extract_strided_slice %max3A_31 {offsets = [0, 0], sizes = [1000, 128], strides = [1, 1]} : vector<1000x256xf32> to vector<1000x128xf32>
    %slice3A_32 = vector.extract_strided_slice %max3A_31 {offsets = [0, 128], sizes = [1000, 128], strides = [1, 1]} : vector<1000x256xf32> to vector<1000x128xf32>
    %swap3A = arith.constant 0 : index
    %swap3A_33 = arith.constant 0 : index
    %swap3A_34 = arith.constant 0 : index
    %swap3A_35 = vector.load %arg6[%swap3A, %swap3A_33, %swap3A_34] : memref<2x1000x128xf32, #tpu.memory_space<vmem>>, vector<1x1000x128xf32>
    %swap3A_36 = vector.shape_cast %swap3A_35 : vector<1x1000x128xf32> to vector<1000x128xf32>
    %swap3A_37 = vector.shape_cast %slice3A : vector<1000x128xf32> to vector<1x1000x128xf32>
    tpu.vector_store %arg6[%swap3A, %swap3A_33, %swap3A_34], %swap3A_37 {strides = array<i32>} : memref<2x1000x128xf32, #tpu.memory_space<vmem>>, vector<1x1000x128xf32>,
    %swap3A_38 = arith.constant 1 : index
    %swap3A_39 = arith.constant 0 : index
    %swap3A_40 = arith.constant 0 : index
    %swap3A_41 = vector.load %arg6[%swap3A_38, %swap3A_39, %swap3A_40] : memref<2x1000x128xf32, #tpu.memory_space<vmem>>, vector<1x1000x128xf32>
    %swap3A_42 = vector.shape_cast %swap3A_41 : vector<1x1000x128xf32> to vector<1000x128xf32>
    %swap3A_43 = vector.shape_cast %slice3A_32 : vector<1000x128xf32> to vector<1x1000x128xf32>
    tpu.vector_store %arg6[%swap3A_38, %swap3A_39, %swap3A_40], %swap3A_43 {strides = array<i32>} : memref<2x1000x128xf32, #tpu.memory_space<vmem>>, vector<1x1000x128xf32>,
    return
  }
  func.func @transform_0(%arg0: i32) -> (i32, i32) {
    %c0_i32 = arith.constant 0 : i32
    %c0_i32_0 = arith.constant 0 : i32
    return %arg0, %c0_i32 : i32, i32
  }
  func.func @transform_1(%arg0: i32) -> (i32, i32) {
    %c0_i32 = arith.constant 0 : i32
    %c0_i32_0 = arith.constant 0 : i32
    %c0_i32_1 = arith.constant 0 : i32
    return %c0_i32, %c0_i32_0 : i32, i32
  }
  func.func @transform_2(%arg0: i32) -> (i32, i32) {
    %c0_i32 = arith.constant 0 : i32
    %c0_i32_0 = arith.constant 0 : i32
    %c0_i32_1 = arith.constant 0 : i32
    return %c0_i32, %c0_i32_0 : i32, i32
  }
  func.func @transform_3(%arg0: i32) -> (i32, i32) {
    %c0_i32 = arith.constant 0 : i32
    %c0_i32_0 = arith.constant 0 : i32
    %c0_i32_1 = arith.constant 0 : i32
    return %c0_i32, %c0_i32_0 : i32, i32
  }
  func.func @transform_4(%arg0: i32) -> (i32, i32) {
    %c0_i32 = arith.constant 0 : i32
    %c0_i32_0 = arith.constant 0 : i32
    %c0_i32_1 = arith.constant 0 : i32
    return %c0_i32, %c0_i32_0 : i32, i32
  }
  func.func @transform_5(%arg0: i32) -> (i32, i32, i32) {
    %c0_i32 = arith.constant 0 : i32
    %c0_i32_0 = arith.constant 0 : i32
    %c0_i32_1 = arith.constant 0 : i32
    return %c0_i32, %arg0, %c0_i32_0 : i32, i32, i32
  }
}

module attributes {stable_mosaic.version = 14 : i64} {
  func.func @body(%arg0: i32, %arg1: memref<2x1000x128xf32, #tpu.memory_space<vmem>>, %arg2: memref<2x1000x128xf32, #tpu.memory_space<vmem>>, %arg3: memref<2x1000x128xf32, #tpu.memory_space<vmem>>, %arg4: memref<256x256xf32, #tpu.memory_space<vmem>>, %arg5: memref<256x256xf32, #tpu.memory_space<vmem>>, %arg6: memref<1x256xf32, #tpu.memory_space<vmem>>, %arg7: memref<1000x256xf32, #tpu.memory_space<vmem>>, %arg8: memref<1x256xf32, #tpu.memory_space<vmem>>, %arg9: memref<1x256xf32, #tpu.memory_space<vmem>>) attributes {dimension_semantics = [#tpu.dimension_semantics<arbitrary>], iteration_bounds = array<i64: 10>, scalar_prefetch = 0 : i64, scratch_operands = 0 : i64, tpu.core_type = #tpu.core_type<tc>, window_params = [{transform_indices = @transform_0, window_bounds = array<i64: 2, 1000, 128>}, {transform_indices = @transform_1, window_bounds = array<i64: 2, 1000, 128>}, {transform_indices = @transform_2, window_bounds = array<i64: 2, 1000, 128>}, {pipeline_mode = #tpu.pipeline_mode<synchronous>, transform_indices = @transform_3, window_bounds = array<i64: 256, 256>}, {pipeline_mode = #tpu.pipeline_mode<synchronous>, transform_indices = @transform_4, window_bounds = array<i64: 256, 256>}, {pipeline_mode = #tpu.pipeline_mode<synchronous>, transform_indices = @transform_5, window_bounds = array<i64: 1, 256>}, {transform_indices = @transform_6, window_bounds = array<i64: 1000, 256>}, {pipeline_mode = #tpu.pipeline_mode<synchronous>, transform_indices = @transform_7, window_bounds = array<i64: 1, 256>}, {pipeline_mode = #tpu.pipeline_mode<synchronous>, transform_indices = @transform_8, window_bounds = array<i64: 1, 256>}]} {
    %get3A = arith.constant 0 : index
    %get3A_0 = arith.constant 0 : index
    %get3A_1 = arith.constant 0 : index
    %get3A_2 = vector.load %arg2[%get3A, %get3A_0, %get3A_1] : memref<2x1000x128xf32, #tpu.memory_space<vmem>>, vector<1x1000x1xf32>
    %get3A_3 = vector.shape_cast %get3A_2 : vector<1x1000x1xf32> to vector<1000x1xf32>
    %get3A_4 = arith.constant 1 : index
    %get3A_5 = arith.constant 0 : index
    %get3A_6 = arith.constant 0 : index
    %get3A_7 = vector.load %arg2[%get3A_4, %get3A_5, %get3A_6] : memref<2x1000x128xf32, #tpu.memory_space<vmem>>, vector<1x1000x1xf32>
    %get3A_8 = vector.shape_cast %get3A_7 : vector<1x1000x1xf32> to vector<1000x1xf32>
    %add3A = arith.addf %get3A_3, %get3A_8 : vector<1000x1xf32>
    %max3A = arith.constant 1.000000e+00 : f32
    %max3A_9 = vector.broadcast %max3A : f32 to vector<1000x1xf32>
    %max3A_10 = arith.maximumf %add3A, %max3A_9 : vector<1000x1xf32>
    %div3A = arith.constant 1.000000e+00 : f32
    %div3A_11 = vector.broadcast %div3A : f32 to vector<1000x1xf32>
    %div3A_12 = arith.divf %div3A_11, %max3A_10 : vector<1000x1xf32>
    %get3A_13 = arith.constant 0 : index
    %get3A_14 = arith.constant 0 : index
    %get3A_15 = arith.constant 0 : index
    %get3A_16 = vector.load %arg1[%get3A_13, %get3A_14, %get3A_15] : memref<2x1000x128xf32, #tpu.memory_space<vmem>>, vector<1x1000x128xf32>
    %get3A_17 = vector.shape_cast %get3A_16 : vector<1x1000x128xf32> to vector<1000x128xf32>
    %mul3A = vector.broadcast %div3A_12 : vector<1000x1xf32> to vector<1000x128xf32>
    %mul3A_18 = arith.mulf %get3A_17, %mul3A : vector<1000x128xf32>
    %get3A_19 = arith.constant 0 : index
    %get3A_20 = arith.constant 0 : index
    %get3A_21 = vector.load %arg4[%get3A_19, %get3A_20] : memref<256x256xf32, #tpu.memory_space<vmem>>, vector<128x256xf32>
    %dot_general3A = arith.constant dense<0.000000e+00> : vector<1000x256xf32>
    %dot_general3A_22 = tpu.matmul %mul3A_18, %get3A_21, %dot_general3A {dimension_numbers = #tpu.dot_dimension_numbers<[1], [0], [0], [1], [0, 0, 1, 1], [], []>, transpose_lhs_hint = false} : vector<1000x128xf32>, vector<128x256xf32>, vector<1000x256xf32> -> vector<1000x256xf32>
    %get3A_23 = arith.constant 1 : index
    %get3A_24 = arith.constant 0 : index
    %get3A_25 = arith.constant 0 : index
    %get3A_26 = vector.load %arg1[%get3A_23, %get3A_24, %get3A_25] : memref<2x1000x128xf32, #tpu.memory_space<vmem>>, vector<1x1000x128xf32>
    %get3A_27 = vector.shape_cast %get3A_26 : vector<1x1000x128xf32> to vector<1000x128xf32>
    %mul3A_28 = vector.broadcast %div3A_12 : vector<1000x1xf32> to vector<1000x128xf32>
    %mul3A_29 = arith.mulf %get3A_27, %mul3A_28 : vector<1000x128xf32>
    %get3A_30 = arith.constant 128 : index
    %get3A_31 = arith.constant 0 : index
    %get3A_32 = vector.load %arg4[%get3A_30, %get3A_31] : memref<256x256xf32, #tpu.memory_space<vmem>>, vector<128x256xf32>
    %dot_general3A_33 = arith.constant dense<0.000000e+00> : vector<1000x256xf32>
    %dot_general3A_34 = tpu.matmul %mul3A_29, %get3A_32, %dot_general3A_33 {dimension_numbers = #tpu.dot_dimension_numbers<[1], [0], [0], [1], [0, 0, 1, 1], [], []>, transpose_lhs_hint = false} : vector<1000x128xf32>, vector<128x256xf32>, vector<1000x256xf32> -> vector<1000x256xf32>
    %add3A_35 = arith.addf %dot_general3A_22, %dot_general3A_34 : vector<1000x256xf32>
    %get3A_36 = arith.constant 0 : index
    %get3A_37 = arith.constant 0 : index
    %get3A_38 = arith.constant 0 : index
    %get3A_39 = vector.load %arg3[%get3A_36, %get3A_37, %get3A_38] : memref<2x1000x128xf32, #tpu.memory_space<vmem>>, vector<1x1000x128xf32>
    %get3A_40 = vector.shape_cast %get3A_39 : vector<1x1000x128xf32> to vector<1000x128xf32>
    %get3A_41 = arith.constant 0 : index
    %get3A_42 = arith.constant 0 : index
    %get3A_43 = vector.load %arg5[%get3A_41, %get3A_42] : memref<256x256xf32, #tpu.memory_space<vmem>>, vector<128x256xf32>
    %dot_general3A_44 = arith.constant dense<0.000000e+00> : vector<1000x256xf32>
    %dot_general3A_45 = tpu.matmul %get3A_40, %get3A_43, %dot_general3A_44 {dimension_numbers = #tpu.dot_dimension_numbers<[1], [0], [0], [1], [0, 0, 1, 1], [], []>, transpose_lhs_hint = false} : vector<1000x128xf32>, vector<128x256xf32>, vector<1000x256xf32> -> vector<1000x256xf32>
    %add3A_46 = arith.addf %add3A_35, %dot_general3A_45 : vector<1000x256xf32>
    %get3A_47 = arith.constant 1 : index
    %get3A_48 = arith.constant 0 : index
    %get3A_49 = arith.constant 0 : index
    %get3A_50 = vector.load %arg3[%get3A_47, %get3A_48, %get3A_49] : memref<2x1000x128xf32, #tpu.memory_space<vmem>>, vector<1x1000x128xf32>
    %get3A_51 = vector.shape_cast %get3A_50 : vector<1x1000x128xf32> to vector<1000x128xf32>
    %get3A_52 = arith.constant 128 : index
    %get3A_53 = arith.constant 0 : index
    %get3A_54 = vector.load %arg5[%get3A_52, %get3A_53] : memref<256x256xf32, #tpu.memory_space<vmem>>, vector<128x256xf32>
    %dot_general3A_55 = arith.constant dense<0.000000e+00> : vector<1000x256xf32>
    %dot_general3A_56 = tpu.matmul %get3A_51, %get3A_54, %dot_general3A_55 {dimension_numbers = #tpu.dot_dimension_numbers<[1], [0], [0], [1], [0, 0, 1, 1], [], []>, transpose_lhs_hint = false} : vector<1000x128xf32>, vector<128x256xf32>, vector<1000x256xf32> -> vector<1000x256xf32>
    %add3A_57 = arith.addf %add3A_46, %dot_general3A_56 : vector<1000x256xf32>
    %get3A_58 = arith.constant 0 : index
    %get3A_59 = arith.constant 0 : index
    %get3A_60 = vector.load %arg6[%get3A_58, %get3A_59] : memref<1x256xf32, #tpu.memory_space<vmem>>, vector<1x256xf32>
    %add3A_61 = vector.broadcast %get3A_60 : vector<1x256xf32> to vector<1000x256xf32>
    %add3A_62 = arith.addf %add3A_57, %add3A_61 : vector<1000x256xf32>
    %swap3A = arith.constant 0 : index
    %swap3A_63 = arith.constant 0 : index
    %swap3A_64 = vector.load %arg7[%swap3A, %swap3A_63] : memref<1000x256xf32, #tpu.memory_space<vmem>>, vector<1000x256xf32>
    tpu.vector_store %arg7[%swap3A, %swap3A_63], %add3A_62 {strides = array<i32>} : memref<1000x256xf32, #tpu.memory_space<vmem>>, vector<1000x256xf32>,
    %eq3A = arith.constant 0 : i32
    %eq3A_65 = arith.cmpi eq, %arg0, %eq3A : i32
    %convert_element_type3A = arith.extui %eq3A_65 : i1 to i32
    %cond3A = arith.constant 0 : i32
    %cond3A_66 = arith.cmpi ne, %convert_element_type3A, %cond3A : i32
    scf.if %cond3A_66 {
      %broadcast_in_dim3A_86 = arith.constant 0.000000e+00 : f32
      %broadcast_in_dim3A_87 = vector.broadcast %broadcast_in_dim3A_86 : f32 to vector<1x256xf32>
      %swap3A_88 = arith.constant 0 : index
      %swap3A_89 = arith.constant 0 : index
      %swap3A_90 = vector.load %arg8[%swap3A_88, %swap3A_89] : memref<1x256xf32, #tpu.memory_space<vmem>>, vector<1x256xf32>
      tpu.vector_store %arg8[%swap3A_88, %swap3A_89], %broadcast_in_dim3A_87 {strides = array<i32>} : memref<1x256xf32, #tpu.memory_space<vmem>>, vector<1x256xf32>,
      %broadcast_in_dim3A_91 = arith.constant 0.000000e+00 : f32
      %broadcast_in_dim3A_92 = vector.broadcast %broadcast_in_dim3A_91 : f32 to vector<1x256xf32>
      %swap3A_93 = arith.constant 0 : index
      %swap3A_94 = arith.constant 0 : index
      %swap3A_95 = vector.load %arg9[%swap3A_93, %swap3A_94] : memref<1x256xf32, #tpu.memory_space<vmem>>, vector<1x256xf32>
      tpu.vector_store %arg9[%swap3A_93, %swap3A_94], %broadcast_in_dim3A_92 {strides = array<i32>} : memref<1x256xf32, #tpu.memory_space<vmem>>, vector<1x256xf32>,
    } else {
    }
    %get3A_67 = arith.constant 0 : index
    %get3A_68 = arith.constant 0 : index
    %get3A_69 = vector.load %arg8[%get3A_67, %get3A_68] : memref<1x256xf32, #tpu.memory_space<vmem>>, vector<1x256xf32>
    %reduce_sum3A = arith.constant dense<0.000000e+00> : vector<256xf32>
    %reduce_sum3A_70 = vector.multi_reduction <add>, %add3A_62, %reduce_sum3A [0] : vector<1000x256xf32> to vector<256xf32>
    %broadcast_in_dim3A = vector.shape_cast %reduce_sum3A_70 : vector<256xf32> to vector<1x256xf32>
    %add3A_71 = arith.addf %get3A_69, %broadcast_in_dim3A : vector<1x256xf32>
    %swap3A_72 = arith.constant 0 : index
    %swap3A_73 = arith.constant 0 : index
    %swap3A_74 = vector.load %arg8[%swap3A_72, %swap3A_73] : memref<1x256xf32, #tpu.memory_space<vmem>>, vector<1x256xf32>
    tpu.vector_store %arg8[%swap3A_72, %swap3A_73], %add3A_71 {strides = array<i32>} : memref<1x256xf32, #tpu.memory_space<vmem>>, vector<1x256xf32>,
    %get3A_75 = arith.constant 0 : index
    %get3A_76 = arith.constant 0 : index
    %get3A_77 = vector.load %arg9[%get3A_75, %get3A_76] : memref<1x256xf32, #tpu.memory_space<vmem>>, vector<1x256xf32>
    %mul3A_78 = arith.mulf %add3A_62, %add3A_62 : vector<1000x256xf32>
    %reduce_sum3A_79 = arith.constant dense<0.000000e+00> : vector<256xf32>
    %reduce_sum3A_80 = vector.multi_reduction <add>, %mul3A_78, %reduce_sum3A_79 [0] : vector<1000x256xf32> to vector<256xf32>
    %broadcast_in_dim3A_81 = vector.shape_cast %reduce_sum3A_80 : vector<256xf32> to vector<1x256xf32>
    %add3A_82 = arith.addf %get3A_77, %broadcast_in_dim3A_81 : vector<1x256xf32>
    %swap3A_83 = arith.constant 0 : index
    %swap3A_84 = arith.constant 0 : index
    %swap3A_85 = vector.load %arg9[%swap3A_83, %swap3A_84] : memref<1x256xf32, #tpu.memory_space<vmem>>, vector<1x256xf32>
    tpu.vector_store %arg9[%swap3A_83, %swap3A_84], %add3A_82 {strides = array<i32>} : memref<1x256xf32, #tpu.memory_space<vmem>>, vector<1x256xf32>,
    return
  }
  func.func @transform_0(%arg0: i32) -> (i32, i32, i32) {
    %c0_i32 = arith.constant 0 : i32
    %c0_i32_0 = arith.constant 0 : i32
    %c0_i32_1 = arith.constant 0 : i32
    return %c0_i32, %arg0, %c0_i32_0 : i32, i32, i32
  }
  func.func @transform_1(%arg0: i32) -> (i32, i32, i32) {
    %c0_i32 = arith.constant 0 : i32
    %c0_i32_0 = arith.constant 0 : i32
    %c0_i32_1 = arith.constant 0 : i32
    return %c0_i32, %arg0, %c0_i32_0 : i32, i32, i32
  }
  func.func @transform_2(%arg0: i32) -> (i32, i32, i32) {
    %c0_i32 = arith.constant 0 : i32
    %c0_i32_0 = arith.constant 0 : i32
    %c0_i32_1 = arith.constant 0 : i32
    return %c0_i32, %arg0, %c0_i32_0 : i32, i32, i32
  }
  func.func @transform_3(%arg0: i32) -> (i32, i32) {
    %c0_i32 = arith.constant 0 : i32
    %c0_i32_0 = arith.constant 0 : i32
    %c0_i32_1 = arith.constant 0 : i32
    return %c0_i32, %c0_i32_0 : i32, i32
  }
  func.func @transform_4(%arg0: i32) -> (i32, i32) {
    %c0_i32 = arith.constant 0 : i32
    %c0_i32_0 = arith.constant 0 : i32
    %c0_i32_1 = arith.constant 0 : i32
    return %c0_i32, %c0_i32_0 : i32, i32
  }
  func.func @transform_5(%arg0: i32) -> (i32, i32) {
    %c0_i32 = arith.constant 0 : i32
    %c0_i32_0 = arith.constant 0 : i32
    %c0_i32_1 = arith.constant 0 : i32
    return %c0_i32, %c0_i32_0 : i32, i32
  }
  func.func @transform_6(%arg0: i32) -> (i32, i32) {
    %c0_i32 = arith.constant 0 : i32
    %c0_i32_0 = arith.constant 0 : i32
    return %arg0, %c0_i32 : i32, i32
  }
  func.func @transform_7(%arg0: i32) -> (i32, i32) {
    %c0_i32 = arith.constant 0 : i32
    %c0_i32_0 = arith.constant 0 : i32
    %c0_i32_1 = arith.constant 0 : i32
    return %c0_i32, %c0_i32_0 : i32, i32
  }
  func.func @transform_8(%arg0: i32) -> (i32, i32) {
    %c0_i32 = arith.constant 0 : i32
    %c0_i32_0 = arith.constant 0 : i32
    %c0_i32_1 = arith.constant 0 : i32
    return %c0_i32, %c0_i32_0 : i32, i32
  }
}

module attributes {stable_mosaic.version = 14 : i64} {
  func.func @body(%arg0: i32, %arg1: memref<1000x256xf32, #tpu.memory_space<vmem>>, %arg2: memref<1x256xf32, #tpu.memory_space<vmem>>, %arg3: memref<1x256xf32, #tpu.memory_space<vmem>>, %arg4: memref<1x256xf32, #tpu.memory_space<vmem>>, %arg5: memref<1x256xf32, #tpu.memory_space<vmem>>, %arg6: memref<2x1000x128xf32, #tpu.memory_space<vmem>>, %arg7: memref<2x1000x128xf32, #tpu.memory_space<vmem>>) attributes {dimension_semantics = [#tpu.dimension_semantics<arbitrary>], iteration_bounds = array<i64: 10>, scalar_prefetch = 0 : i64, scratch_operands = 0 : i64, tpu.core_type = #tpu.core_type<tc>, window_params = [{transform_indices = @transform_0, window_bounds = array<i64: 1000, 256>}, {pipeline_mode = #tpu.pipeline_mode<synchronous>, transform_indices = @transform_1, window_bounds = array<i64: 1, 256>}, {pipeline_mode = #tpu.pipeline_mode<synchronous>, transform_indices = @transform_2, window_bounds = array<i64: 1, 256>}, {pipeline_mode = #tpu.pipeline_mode<synchronous>, transform_indices = @transform_3, window_bounds = array<i64: 1, 256>}, {pipeline_mode = #tpu.pipeline_mode<synchronous>, transform_indices = @transform_4, window_bounds = array<i64: 1, 256>}, {transform_indices = @transform_5, window_bounds = array<i64: 2, 1000, 128>}, {transform_indices = @transform_6, window_bounds = array<i64: 2, 1000, 128>}]} {
    %get3A = arith.constant 0 : index
    %get3A_0 = arith.constant 0 : index
    %get3A_1 = vector.load %arg2[%get3A, %get3A_0] : memref<1x256xf32, #tpu.memory_space<vmem>>, vector<1x256xf32>
    %mul3A = arith.constant 9.99999974E-5 : f32
    %mul3A_2 = vector.broadcast %mul3A : f32 to vector<1x256xf32>
    %mul3A_3 = arith.mulf %get3A_1, %mul3A_2 : vector<1x256xf32>
    %get3A_4 = arith.constant 0 : index
    %get3A_5 = arith.constant 0 : index
    %get3A_6 = vector.load %arg3[%get3A_4, %get3A_5] : memref<1x256xf32, #tpu.memory_space<vmem>>, vector<1x256xf32>
    %mul3A_7 = arith.constant 9.99999974E-5 : f32
    %mul3A_8 = vector.broadcast %mul3A_7 : f32 to vector<1x256xf32>
    %mul3A_9 = arith.mulf %get3A_6, %mul3A_8 : vector<1x256xf32>
    %mul3A_10 = arith.mulf %mul3A_3, %mul3A_3 : vector<1x256xf32>
    %sub3A = arith.subf %mul3A_9, %mul3A_10 : vector<1x256xf32>
    %add3A = arith.constant 9.99999974E-6 : f32
    %add3A_11 = vector.broadcast %add3A : f32 to vector<1x256xf32>
    %add3A_12 = arith.addf %sub3A, %add3A_11 : vector<1x256xf32>
    %rsqrt3A = math.rsqrt %add3A_12 : vector<1x256xf32>
    %get3A_13 = arith.constant 0 : index
    %get3A_14 = arith.constant 0 : index
    %get3A_15 = vector.load %arg1[%get3A_13, %get3A_14] : memref<1000x256xf32, #tpu.memory_space<vmem>>, vector<1000x256xf32>
    %sub3A_16 = vector.broadcast %mul3A_3 : vector<1x256xf32> to vector<1000x256xf32>
    %sub3A_17 = arith.subf %get3A_15, %sub3A_16 : vector<1000x256xf32>
    %mul3A_18 = vector.broadcast %rsqrt3A : vector<1x256xf32> to vector<1000x256xf32>
    %mul3A_19 = arith.mulf %sub3A_17, %mul3A_18 : vector<1000x256xf32>
    %get3A_20 = arith.constant 0 : index
    %get3A_21 = arith.constant 0 : index
    %get3A_22 = vector.load %arg4[%get3A_20, %get3A_21] : memref<1x256xf32, #tpu.memory_space<vmem>>, vector<1x256xf32>
    %mul3A_23 = vector.broadcast %get3A_22 : vector<1x256xf32> to vector<1000x256xf32>
    %mul3A_24 = arith.mulf %mul3A_19, %mul3A_23 : vector<1000x256xf32>
    %get3A_25 = arith.constant 0 : index
    %get3A_26 = arith.constant 0 : index
    %get3A_27 = vector.load %arg5[%get3A_25, %get3A_26] : memref<1x256xf32, #tpu.memory_space<vmem>>, vector<1x256xf32>
    %add3A_28 = vector.broadcast %get3A_27 : vector<1x256xf32> to vector<1000x256xf32>
    %add3A_29 = arith.addf %mul3A_24, %add3A_28 : vector<1000x256xf32>
    %max3A = arith.constant 0.000000e+00 : f32
    %max3A_30 = vector.broadcast %max3A : f32 to vector<1000x256xf32>
    %max3A_31 = arith.maximumf %add3A_29, %max3A_30 : vector<1000x256xf32>
    %slice3A = vector.extract_strided_slice %max3A_31 {offsets = [0, 0], sizes = [1000, 128], strides = [1, 1]} : vector<1000x256xf32> to vector<1000x128xf32>
    %slice3A_32 = vector.extract_strided_slice %max3A_31 {offsets = [0, 128], sizes = [1000, 128], strides = [1, 1]} : vector<1000x256xf32> to vector<1000x128xf32>
    %get3A_33 = arith.constant 0 : index
    %get3A_34 = arith.constant 0 : index
    %get3A_35 = arith.constant 0 : index
    %get3A_36 = vector.load %arg6[%get3A_33, %get3A_34, %get3A_35] : memref<2x1000x128xf32, #tpu.memory_space<vmem>>, vector<1x1000x128xf32>
    %get3A_37 = vector.shape_cast %get3A_36 : vector<1x1000x128xf32> to vector<1000x128xf32>
    %add3A_38 = arith.addf %slice3A, %get3A_37 : vector<1000x128xf32>
    %get3A_39 = arith.constant 1 : index
    %get3A_40 = arith.constant 0 : index
    %get3A_41 = arith.constant 0 : index
    %get3A_42 = vector.load %arg6[%get3A_39, %get3A_40, %get3A_41] : memref<2x1000x128xf32, #tpu.memory_space<vmem>>, vector<1x1000x128xf32>
    %get3A_43 = vector.shape_cast %get3A_42 : vector<1x1000x128xf32> to vector<1000x128xf32>
    %add3A_44 = arith.addf %slice3A_32, %get3A_43 : vector<1000x128xf32>
    %swap3A = arith.constant 0 : index
    %swap3A_45 = arith.constant 0 : index
    %swap3A_46 = arith.constant 0 : index
    %swap3A_47 = vector.load %arg7[%swap3A, %swap3A_45, %swap3A_46] : memref<2x1000x128xf32, #tpu.memory_space<vmem>>, vector<1x1000x128xf32>
    %swap3A_48 = vector.shape_cast %swap3A_47 : vector<1x1000x128xf32> to vector<1000x128xf32>
    %swap3A_49 = vector.shape_cast %add3A_38 : vector<1000x128xf32> to vector<1x1000x128xf32>
    tpu.vector_store %arg7[%swap3A, %swap3A_45, %swap3A_46], %swap3A_49 {strides = array<i32>} : memref<2x1000x128xf32, #tpu.memory_space<vmem>>, vector<1x1000x128xf32>,
    %swap3A_50 = arith.constant 1 : index
    %swap3A_51 = arith.constant 0 : index
    %swap3A_52 = arith.constant 0 : index
    %swap3A_53 = vector.load %arg7[%swap3A_50, %swap3A_51, %swap3A_52] : memref<2x1000x128xf32, #tpu.memory_space<vmem>>, vector<1x1000x128xf32>
    %swap3A_54 = vector.shape_cast %swap3A_53 : vector<1x1000x128xf32> to vector<1000x128xf32>
    %swap3A_55 = vector.shape_cast %add3A_44 : vector<1000x128xf32> to vector<1x1000x128xf32>
    tpu.vector_store %arg7[%swap3A_50, %swap3A_51, %swap3A_52], %swap3A_55 {strides = array<i32>} : memref<2x1000x128xf32, #tpu.memory_space<vmem>>, vector<1x1000x128xf32>,
    return
  }
  func.func @transform_0(%arg0: i32) -> (i32, i32) {
    %c0_i32 = arith.constant 0 : i32
    %c0_i32_0 = arith.constant 0 : i32
    return %arg0, %c0_i32 : i32, i32
  }
  func.func @transform_1(%arg0: i32) -> (i32, i32) {
    %c0_i32 = arith.constant 0 : i32
    %c0_i32_0 = arith.constant 0 : i32
    %c0_i32_1 = arith.constant 0 : i32
    return %c0_i32, %c0_i32_0 : i32, i32
  }
  func.func @transform_2(%arg0: i32) -> (i32, i32) {
    %c0_i32 = arith.constant 0 : i32
    %c0_i32_0 = arith.constant 0 : i32
    %c0_i32_1 = arith.constant 0 : i32
    return %c0_i32, %c0_i32_0 : i32, i32
  }
  func.func @transform_3(%arg0: i32) -> (i32, i32) {
    %c0_i32 = arith.constant 0 : i32
    %c0_i32_0 = arith.constant 0 : i32
    %c0_i32_1 = arith.constant 0 : i32
    return %c0_i32, %c0_i32_0 : i32, i32
  }
  func.func @transform_4(%arg0: i32) -> (i32, i32) {
    %c0_i32 = arith.constant 0 : i32
    %c0_i32_0 = arith.constant 0 : i32
    %c0_i32_1 = arith.constant 0 : i32
    return %c0_i32, %c0_i32_0 : i32, i32
  }
  func.func @transform_5(%arg0: i32) -> (i32, i32, i32) {
    %c0_i32 = arith.constant 0 : i32
    %c0_i32_0 = arith.constant 0 : i32
    %c0_i32_1 = arith.constant 0 : i32
    return %c0_i32, %arg0, %c0_i32_0 : i32, i32, i32
  }
  func.func @transform_6(%arg0: i32) -> (i32, i32, i32) {
    %c0_i32 = arith.constant 0 : i32
    %c0_i32_0 = arith.constant 0 : i32
    %c0_i32_1 = arith.constant 0 : i32
    return %c0_i32, %arg0, %c0_i32_0 : i32, i32, i32
  }
}

module attributes {stable_mosaic.version = 14 : i64} {
  func.func @body(%arg0: i32, %arg1: memref<1000x256xf32, #tpu.memory_space<vmem>>, %arg2: memref<1x256xf32, #tpu.memory_space<vmem>>, %arg3: memref<1x256xf32, #tpu.memory_space<vmem>>, %arg4: memref<1x256xf32, #tpu.memory_space<vmem>>, %arg5: memref<1x256xf32, #tpu.memory_space<vmem>>, %arg6: memref<256x128xf32, #tpu.memory_space<vmem>>, %arg7: memref<1x128xf32, #tpu.memory_space<vmem>>, %arg8: memref<1000x128xf32, #tpu.memory_space<vmem>>) attributes {dimension_semantics = [#tpu.dimension_semantics<arbitrary>], iteration_bounds = array<i64: 10>, scalar_prefetch = 0 : i64, scratch_operands = 0 : i64, tpu.core_type = #tpu.core_type<tc>, window_params = [{transform_indices = @transform_0, window_bounds = array<i64: 1000, 256>}, {pipeline_mode = #tpu.pipeline_mode<synchronous>, transform_indices = @transform_1, window_bounds = array<i64: 1, 256>}, {pipeline_mode = #tpu.pipeline_mode<synchronous>, transform_indices = @transform_2, window_bounds = array<i64: 1, 256>}, {pipeline_mode = #tpu.pipeline_mode<synchronous>, transform_indices = @transform_3, window_bounds = array<i64: 1, 256>}, {pipeline_mode = #tpu.pipeline_mode<synchronous>, transform_indices = @transform_4, window_bounds = array<i64: 1, 256>}, {pipeline_mode = #tpu.pipeline_mode<synchronous>, transform_indices = @transform_5, window_bounds = array<i64: 256, 128>}, {pipeline_mode = #tpu.pipeline_mode<synchronous>, transform_indices = @transform_6, window_bounds = array<i64: 1, 128>}, {transform_indices = @transform_7, window_bounds = array<i64: 1000, 128>}]} {
    %get3A = arith.constant 0 : index
    %get3A_0 = arith.constant 0 : index
    %get3A_1 = vector.load %arg2[%get3A, %get3A_0] : memref<1x256xf32, #tpu.memory_space<vmem>>, vector<1x256xf32>
    %mul3A = arith.constant 9.99999974E-5 : f32
    %mul3A_2 = vector.broadcast %mul3A : f32 to vector<1x256xf32>
    %mul3A_3 = arith.mulf %get3A_1, %mul3A_2 : vector<1x256xf32>
    %get3A_4 = arith.constant 0 : index
    %get3A_5 = arith.constant 0 : index
    %get3A_6 = vector.load %arg3[%get3A_4, %get3A_5] : memref<1x256xf32, #tpu.memory_space<vmem>>, vector<1x256xf32>
    %mul3A_7 = arith.constant 9.99999974E-5 : f32
    %mul3A_8 = vector.broadcast %mul3A_7 : f32 to vector<1x256xf32>
    %mul3A_9 = arith.mulf %get3A_6, %mul3A_8 : vector<1x256xf32>
    %mul3A_10 = arith.mulf %mul3A_3, %mul3A_3 : vector<1x256xf32>
    %sub3A = arith.subf %mul3A_9, %mul3A_10 : vector<1x256xf32>
    %add3A = arith.constant 9.99999974E-6 : f32
    %add3A_11 = vector.broadcast %add3A : f32 to vector<1x256xf32>
    %add3A_12 = arith.addf %sub3A, %add3A_11 : vector<1x256xf32>
    %rsqrt3A = math.rsqrt %add3A_12 : vector<1x256xf32>
    %get3A_13 = arith.constant 0 : index
    %get3A_14 = arith.constant 0 : index
    %get3A_15 = vector.load %arg1[%get3A_13, %get3A_14] : memref<1000x256xf32, #tpu.memory_space<vmem>>, vector<1000x256xf32>
    %sub3A_16 = vector.broadcast %mul3A_3 : vector<1x256xf32> to vector<1000x256xf32>
    %sub3A_17 = arith.subf %get3A_15, %sub3A_16 : vector<1000x256xf32>
    %mul3A_18 = vector.broadcast %rsqrt3A : vector<1x256xf32> to vector<1000x256xf32>
    %mul3A_19 = arith.mulf %sub3A_17, %mul3A_18 : vector<1000x256xf32>
    %get3A_20 = arith.constant 0 : index
    %get3A_21 = arith.constant 0 : index
    %get3A_22 = vector.load %arg4[%get3A_20, %get3A_21] : memref<1x256xf32, #tpu.memory_space<vmem>>, vector<1x256xf32>
    %mul3A_23 = vector.broadcast %get3A_22 : vector<1x256xf32> to vector<1000x256xf32>
    %mul3A_24 = arith.mulf %mul3A_19, %mul3A_23 : vector<1000x256xf32>
    %get3A_25 = arith.constant 0 : index
    %get3A_26 = arith.constant 0 : index
    %get3A_27 = vector.load %arg5[%get3A_25, %get3A_26] : memref<1x256xf32, #tpu.memory_space<vmem>>, vector<1x256xf32>
    %add3A_28 = vector.broadcast %get3A_27 : vector<1x256xf32> to vector<1000x256xf32>
    %add3A_29 = arith.addf %mul3A_24, %add3A_28 : vector<1000x256xf32>
    %max3A = arith.constant 0.000000e+00 : f32
    %max3A_30 = vector.broadcast %max3A : f32 to vector<1000x256xf32>
    %max3A_31 = arith.maximumf %add3A_29, %max3A_30 : vector<1000x256xf32>
    %get3A_32 = arith.constant 0 : index
    %get3A_33 = arith.constant 0 : index
    %get3A_34 = vector.load %arg6[%get3A_32, %get3A_33] : memref<256x128xf32, #tpu.memory_space<vmem>>, vector<256x128xf32>
    %dot_general3A = arith.constant dense<0.000000e+00> : vector<1000x128xf32>
    %dot_general3A_35 = tpu.matmul %max3A_31, %get3A_34, %dot_general3A {dimension_numbers = #tpu.dot_dimension_numbers<[1], [0], [0], [1], [0, 0, 1, 1], [], []>, transpose_lhs_hint = false} : vector<1000x256xf32>, vector<256x128xf32>, vector<1000x128xf32> -> vector<1000x128xf32>
    %get3A_36 = arith.constant 0 : index
    %get3A_37 = arith.constant 0 : index
    %get3A_38 = vector.load %arg7[%get3A_36, %get3A_37] : memref<1x128xf32, #tpu.memory_space<vmem>>, vector<1x128xf32>
    %add3A_39 = vector.broadcast %get3A_38 : vector<1x128xf32> to vector<1000x128xf32>
    %add3A_40 = arith.addf %dot_general3A_35, %add3A_39 : vector<1000x128xf32>
    %swap3A = arith.constant 0 : index
    %swap3A_41 = arith.constant 0 : index
    %swap3A_42 = vector.load %arg8[%swap3A, %swap3A_41] : memref<1000x128xf32, #tpu.memory_space<vmem>>, vector<1000x128xf32>
    tpu.vector_store %arg8[%swap3A, %swap3A_41], %add3A_40 {strides = array<i32>} : memref<1000x128xf32, #tpu.memory_space<vmem>>, vector<1000x128xf32>,
    return
  }
  func.func @transform_0(%arg0: i32) -> (i32, i32) {
    %c0_i32 = arith.constant 0 : i32
    %c0_i32_0 = arith.constant 0 : i32
    return %arg0, %c0_i32 : i32, i32
  }
  func.func @transform_1(%arg0: i32) -> (i32, i32) {
    %c0_i32 = arith.constant 0 : i32
    %c0_i32_0 = arith.constant 0 : i32
    %c0_i32_1 = arith.constant 0 : i32
    return %c0_i32, %c0_i32_0 : i32, i32
  }
  func.func @transform_2(%arg0: i32) -> (i32, i32) {
    %c0_i32 = arith.constant 0 : i32
    %c0_i32_0 = arith.constant 0 : i32
    %c0_i32_1 = arith.constant 0 : i32
    return %c0_i32, %c0_i32_0 : i32, i32
  }
  func.func @transform_3(%arg0: i32) -> (i32, i32) {
    %c0_i32 = arith.constant 0 : i32
    %c0_i32_0 = arith.constant 0 : i32
    %c0_i32_1 = arith.constant 0 : i32
    return %c0_i32, %c0_i32_0 : i32, i32
  }
  func.func @transform_4(%arg0: i32) -> (i32, i32) {
    %c0_i32 = arith.constant 0 : i32
    %c0_i32_0 = arith.constant 0 : i32
    %c0_i32_1 = arith.constant 0 : i32
    return %c0_i32, %c0_i32_0 : i32, i32
  }
  func.func @transform_5(%arg0: i32) -> (i32, i32) {
    %c0_i32 = arith.constant 0 : i32
    %c0_i32_0 = arith.constant 0 : i32
    %c0_i32_1 = arith.constant 0 : i32
    return %c0_i32, %c0_i32_0 : i32, i32
  }
  func.func @transform_6(%arg0: i32) -> (i32, i32) {
    %c0_i32 = arith.constant 0 : i32
    %c0_i32_0 = arith.constant 0 : i32
    %c0_i32_1 = arith.constant 0 : i32
    return %c0_i32, %c0_i32_0 : i32, i32
  }
  func.func @transform_7(%arg0: i32) -> (i32, i32) {
    %c0_i32 = arith.constant 0 : i32
    %c0_i32_0 = arith.constant 0 : i32
    return %arg0, %c0_i32 : i32, i32
  }
}

</mosaic_0001>

<sc_bundles>
// kernel: kernel.12.cloned.1.call-start
scs
__scs_entry_jumppad:
0x0: {  	(pc) =	sbr.rel $0x88, $3  }
0x1: {  	(tag) =	ssettag $0x0;
	lr =	simm.s32 $0x1  }
0x2: {  	[smem:$0x3F8E] =	sst lr;
	_ =	strace $0xD0000000  }
0x3: {  	_ = 	snop  }
0x4: {  	_ = 	snop  }
0x5: {  	_ = 	snop  }
0x6: {  	_ = 	snop  }
0x7: {  	_ = 	snop  }
__scs_overlays_trampoline_lowered:
0x8: {  	[smem:$0x3F9D] =	sst s0  }
0x9: {  	[smem:$0x3F9E] =	sst s1  }
0xa: {  	[smem:$0x3F9F] =	sst s2  }
0xb: {  	[smem:$0x3FA0] =	sst s3  }
0xc: {  	[smem:$0x3FA1] =	sst s4  }
0xd: {  	[smem:$0x3FA2] =	sst s5  }
0xe: {  	[smem:$0x3FA3] =	sst s6  }
0xf: {  	[smem:$0x3FA4] =	sst s7  }
0x10: {  	[smem:$0x3FA5] =	sst s8  }
0x11: {  	[smem:$0x3FA6] =	sst s9;
	s0 =	simm.s32 @!p0 $0x0  }
0x12: {  	s1 =	sld [smem:$0x3F8C];
	s0 =	simm.s32 @p0 $0x1  }
0x13: {  	[smem:$0x3FA7] =	sst s0;
	s0 =	simm.s32 @!p1 $0x0  }
0x14: {  	s2 =	sld [smem:$0x3F8B];
	s0 =	simm.s32 @p1 $0x1  }
0x15: {  	[smem:$0x3FA8] =	sst s0;
	s0 =	simm.s32 @!p2 $0x0  }
0x16: {  	s3 =	sld [smem:$0x3FDB];
	s0 =	simm.s32 @p2 $0x1  }
0x17: {  	s4 =	simm.s32 $0x1BF5;
	[smem:$0x3FAA] =	sst s0  }
0x18: {  	s0 =	sld [smem:$0x3F8D];
	_ =	swait.ge [sflag:s4], $0x0  }
0x19: {  	s7 =	sld [smem:$0x3F8E]  }
0x1a: {  	s8 =	sadd.s32 $0xFFFFE003, lr  }
0x1b: {  	s9 =	sadd.s32 $0xFFFFFEF7, lr;
	s5 =	simm.s32 $0xFFFFFFFF;
	p2 =	slt.u32 s8, $0xFFFFF086  }
0x1c: {  	p1 =	slt.u32 s9, $0xF7A;
	s5 =	simm.s32 @!p2 $0x0  }
0x1d: {  	s5 =	simm.s32 @p1 $0x1;
	p0 =	seq.s32 s7, s2  }
0x1e: {  	s7 =	smul.u32 @!p0 $0xF7A, s2;
	p2 =	seq.s32 @!p0 s5, $0x0  }
0x1f: {  	s9 =	smul.u32 $0xF7A, s1;
	s8 =	simm.s32 @!p0 $0x1BF5;
	p2 =	por !p2, p0  }
0x20: {  	[sflag:s8] =	ssyncset.s32 @!p0 $0xFFFFF086;
	s6 =	sadd.s32 @!p0 s3, s7;
	s7 =	simm.s32 @!p0 $0x108  }
0x21: {  	s3 =	sadd.s32 s3, s9;
	s6 =	sadd.s32 @!p0 $0x88, s6;
	s7 =	simm.s32 @p2 $0x1082  }
0x22: {  	[simem:s7], [sflag:s8] =	dma.local @!p0 [hbm:s6], $0xF7A  }
0x23: {  	s9 =	sor.u32 $0xD0000000, s2;
	s6 =	simm.s32 $0x108;
	_ =	swait.ge @!p0 [sflag:s8], $0x0  }
0x24: {  	s3 =	sadd.s32 $0x88, s3;
	s6 =	simm.s32 @!p1 $0x1082;
	[sflag:s4] =	ssyncset.s32 $0xFFFFF086  }
0x25: {  	[simem:s6], [sflag:s4] =	dma.local [hbm:s3], $0xF7A  }
0x26: {  	[smem:$0x3F8E] =	sst s1;
	(tag) =	ssettag s2;
	_ =	strace s9  }
0x27: {  	s1 =	sld [smem:$0x3F9E]  }
0x28: {  	s2 =	sld [smem:$0x3F9F]  }
0x29: {  	s4 =	sld [smem:$0x3FA1]  }
0x2a: {  	p0 =	seq.s32 s5, $0x0;
	s5 =	sld [smem:$0x3FA2]  }
0x2b: {  	s6 =	sld [smem:$0x3FA3]  }
0x2c: {  	s7 =	sld [smem:$0x3FA4]  }
0x2d: {  	s3 =	simm.s32 $0x108;
	s8 =	sld [smem:$0x3FA5]  }
0x2e: {  	s3 =	simm.s32 @!p0 $0x1082;
	s9 =	sld [smem:$0x3FA6]  }
0x2f: {  	lr =	sadd.s32 s0, s3;
	s0 =	sld [smem:$0x3F9D]  }
0x30: {  	s3 =	sld [smem:$0x3FA0]  }
0x31: {  	[smem:$0x3FA9] =	sst s10  }
0x32: {  	s10 =	sld [smem:$0x3FA7];
	_ =	sdelay $0x3  }
0x33: {  	p0 =	seq.s32 s10, $0x1;
	s10 =	sld [smem:$0x3FA9];
	_ =	sdelay $0x3  }
0x34: {  	[smem:$0x3FA9] =	sst s10  }
0x35: {  	s10 =	sld [smem:$0x3FA8];
	_ =	sdelay $0x3  }
0x36: {  	p1 =	seq.s32 s10, $0x1;
	s10 =	sld [smem:$0x3FA9];
	_ =	sdelay $0x3  }
0x37: {  	[smem:$0x3FA9] =	sst s10  }
0x38: {  	s10 =	sld [smem:$0x3FAA]  }
0x39: {  	_ = 	snop;
	(pc) =	sbr.ind lr, $3  }
0x3a: {  	_ = 	snop  }
0x3b: {  	_ = 	snop  }
0x3c: {  	p2 =	seq.s32 s10, $0x1;
	s10 =	sld [smem:$0x3FA9]  }
0x3d: {  	_ =	shalt  }
0x3e: {  	_ =	shalt  }
0x3f: {  	_ =	shalt  }
0x40: {  	_ =	shalt  }
0x41: {  	_ =	shalt  }
0x42: {  	_ =	shalt  }
0x43: {  	_ =	shalt  }
0x44: {  	_ =	shalt  }
0x45: {  	_ =	shalt  }
0x46: {  	_ =	shalt  }
0x47: {  	_ =	shalt  }
0x48: {  	_ =	shalt  }
0x49: {  	_ =	shalt  }
0x4a: {  	_ =	shalt  }
0x4b: {  	_ =	shalt  }
0x4c: {  	_ =	shalt  }
0x4d: {  	_ =	shalt  }
0x4e: {  	_ =	shalt  }
0x4f: {  	_ =	shalt  }
0x50: {  	_ =	shalt  }
0x51: {  	_ =	shalt  }
0x52: {  	_ =	shalt  }
0x53: {  	_ =	shalt  }
0x54: {  	_ =	shalt  }
0x55: {  	_ =	shalt  }
0x56: {  	_ =	shalt  }
0x57: {  	_ =	shalt  }
0x58: {  	_ =	shalt  }
0x59: {  	_ =	shalt  }
0x5a: {  	_ =	shalt  }
0x5b: {  	_ =	shalt  }
0x5c: {  	_ =	shalt  }
0x5d: {  	_ =	shalt  }
0x5e: {  	_ =	shalt  }
0x5f: {  	_ =	shalt  }
0x60: {  	_ =	shalt  }
0x61: {  	_ =	shalt  }
0x62: {  	_ =	shalt  }
0x63: {  	_ =	shalt  }
0x64: {  	_ =	shalt  }
0x65: {  	_ =	shalt  }
0x66: {  	_ =	shalt  }
0x67: {  	_ =	shalt  }
0x68: {  	_ =	shalt  }
0x69: {  	_ =	shalt  }
0x6a: {  	_ =	shalt  }
0x6b: {  	_ =	shalt  }
0x6c: {  	_ =	shalt  }
0x6d: {  	_ =	shalt  }
0x6e: {  	_ =	shalt  }
0x6f: {  	_ =	shalt  }
0x70: {  	_ =	shalt  }
0x71: {  	_ =	shalt  }
0x72: {  	_ =	shalt  }
0x73: {  	_ =	shalt  }
0x74: {  	_ =	shalt  }
0x75: {  	_ =	shalt  }
0x76: {  	_ =	shalt  }
0x77: {  	_ =	shalt  }
0x78: {  	_ =	shalt  }
0x79: {  	_ =	shalt  }
0x7a: {  	_ =	shalt  }
0x7b: {  	_ =	shalt  }
0x7c: {  	_ =	shalt  }
0x7d: {  	_ =	shalt  }
0x7e: {  	_ =	shalt  }
0x7f: {  	_ =	shalt  }
0x80: {  	_ =	shalt  }
0x81: {  	_ =	shalt  }
0x82: {  	_ =	shalt  }
0x83: {  	_ =	shalt  }
0x84: {  	_ =	shalt  }
0x85: {  	_ =	shalt  }
0x86: {  	_ =	shalt  }
0x87: {  	_ =	shalt  }
.Lfunc_end0:
.L_simem_size_0:
called_computation_lowered:
.L_overlay_start_0:
0x88: {  	s2 =	sld [smem:$0x3FD9]  }
0x89: {  	s3 =	sld [smem:$0x3FFE];
	_ =	sdelay $0x1  }
0x8a: {  	s1 =	srdreg.scid  }
0x8b: {  	s0 =	sand.u32 $0x1, s1  }
0x8c: {  	s17 =	sshll.u32 s0, $0xA;
	s2 =	sadd.s32 s3, s2  }
0x8d: {  	s2 =	sadd.s32 s2, s17  }
0x8e: {  	[smem:$0x3FB5] =	sst s2  }
0x8f: {  	_ = 	snop  }
0x90: {  	(tm) =	ssettm $0x1  }
0x91: {  	s18 =	sld [smem:$0x3FFB];
	_ =	sdelay $0x3  }
0x92: {  	_ =	strace s18  }
0x93: {  	s2 =	sld [smem:$0x3FFC];
	_ =	sdelay $0x3  }
0x94: {  	_ =	strace s2  }
0x95: {  	s2 =	sld [smem:$0x3FFD];
	_ =	sdelay $0x3  }
0x96: {  	_ =	strace s2  }
0x97: {  	_ =	strace $0x8FFFFFFF  }
0x98: {  	s19 =	sld [smem:$0x3FDB];
	_ =	sdelay $0x1  }
0x99: {  	s20 =	simm.s32 $_scs_section_size  }
0x9a: {  	s4 =	simm.s32 $_size__tile_overlayer_lowered;
	s5 =	simm.s32 $_tile_overlayer_lowered  }
0x9b: {  	s6 =	simm.s32 $0x1BFF;
	s21 =	sshll.u32 s5, $0x1;
	s3 =	sadd.s32 s20, s19  }
0x9c: {  	s22 =	simm.s32 $0x0;
	s4 =	sshll.u32 s4, $0x1;
	s5 =	sadd.s32 s21, s3  }
0x9d: {  	[timem:s22], [sflag:s6] =	dma.local [hbm:s5], s4  }
0x9e: {  	_ =	swait.ge [sflag:s6], s4  }
0x9f: {  	s4 =	ssub.s32 $0x0, s4;
	[sflag:s6] =	ssyncset.done $0x0  }
0xa0: {  	[sflag:s6] =	ssyncadd.s32 s4;
	_ =	sdelay $0x1  }
0xa1: {  	s23 =	simm.s32 $0x1B8B  }
0xa2: {  	_ =	swait.ge [sflag:s23], $0x1  }
0xa3: {  	[sflag:s23] =	ssyncset.done $0x0  }
0xa4: {  	[sflag:s23] =	ssyncadd.s32 $0xFFFFFFFF  }
0xa5: {  	s4 =	sld [smem:$0x0]  }
0xa6: {  	s5 =	sand.u32 $0xFFFFFFFE, s1  }
0xa7: {  	p0 =	sne.s32 s1, s5  }
0xa8: {  	s5 =	sshll.u32 @p0 s5, $0xE  }
0xa9: {  	s5 =	sadd.s32 @p0 $0x11B8D, s5;
	s6 =	sshll.u32 @p0 s4, $0x11  }
0xaa: {  	s5 =	sor.u32 @p0 s6, s5  }
0xab: {  	[sflag:s5] =	ssyncadd.remote.s32 @p0 $0x1;
	_ =	sdelay $0x1  }
0xac: {  	s5 =	simm.s32 @p0 $0x1B8D  }
0xad: {  	_ =	swait.eq @p0 [sflag:s5], $0x1  }
0xae: {  	[sflag:s5] =	ssyncadd.s32 @p0 $0xFFFFFFFF  }
0xaf: {  	s6 =	sshll.u32 @!p0 s1, $0xE  }
0xb0: {  	s6 =	sor.u32 @!p0 $0x4000, s6;
	s5 =	simm.s32 @!p0 $0x1B8D  }
0xb1: {  	s4 =	sshll.u32 @!p0 s4, $0x11;
	s6 =	sadd.s32 @!p0 $0x11B8D, s6;
	_ =	swait.eq @!p0 [sflag:s5], $0x1  }
0xb2: {  	s4 =	sor.u32 @!p0 s4, s6;
	[sflag:s5] =	ssyncadd.s32 @!p0 $0xFFFFFFFF  }
0xb3: {  	s25 =	simm.s32 $0x1B8E;
	s24 =	sld [smem:$0x3FFE];
	[sflag:s4] =	ssyncadd.remote.s32 @!p0 $0x1  }
0xb4: {  	s26 =	simm.s32 $execute0_lowered;
	[smem:$0x3FD2] =	sst s25  }
0xb5: {  	s5 =	sshll.u32 s26, $0x1;
	_ =	strace $0x80000049;
	[dreg:$0x1] =	wrdreg $0xFFFFFFFF  }
0xb6: {  	s28 =	simm.s32 $_size_execute0_lowered;
	s3 =	sadd.s32 s3, s5;
	[dreg:$0x0] =	wrdreg $0x0  }
0xb7: {  	s5 =	sshll.u32 s28, $0x1;
	[dreg:$0x2] =	wrdreg s3  }
0xb8: {  	[dreg:$0x3] =	wrdreg s5  }
0xb9: {  	[dreg:$0x4] =	wrdreg $0xC0  }
0xba: {  	_ =	task [dreg:s22], $0x5FFFF  }
0xbb: {  	[dreg:$0x1] =	wrdreg $0xFFFFFFFF  }
0xbc: {  	[dreg:$0x0] =	wrdreg $0x60  }
0xbd: {  	[dreg:$0x2] =	wrdreg s24  }
0xbe: {  	[dreg:$0x3] =	wrdreg $0x48000  }
0xbf: {  	[dreg:$0x4] =	wrdreg $0x9  }
0xc0: {  	_ =	task.clear_ibuf [dreg:s22], $0x5FFFF;
	_ =	strace $0x90000049  }
0xc1: {  	s29 =	simm.s32 $0x9;
	_ =	strace $0x8000004B  }
0xc2: {  	_ =	swait.ge [sflag:s29], $0x1  }
0xc3: {  	[sflag:s29] =	ssyncadd.s32 $0xFFFFFFFF  }
0xc4: {  	_ =	strace $0x9000004B  }
0xc5: {  	_ =	sfence  }
0xc6: {  	s30 =	sld [smem:$0x0];
	_ =	sdelay $0x2  }
0xc7: {  	s31 =	sshll.u32 s1, $0xD;
	s1 =	sshrl.u32 s1, $0x2  }
0xc8: {  	s4 =	sand.u32 $0x4000, s31;
	s1 =	sadd.s32 s1, s30  }
0xc9: {  	s0 =	sor.u32 s4, s0;
	s1 =	sshll.u32 s1, $0x11  }
0xca: {  	s0 =	sor.u32 s1, s0  }
0xcb: {  	s0 =	sadd.s32 $0x8F2B, s0  }
0xcc: {  	[sflag:s0] =	ssyncadd.remote.s32 $0x1  }
0xcd: {  	_ =	sfence.sel $0xFFFF  }
0xce: {  	[dreg:$0x0] =	wrdreg $0xFFFFFFFF;
	(pc) =	sbr.abs _section_cstart, $3  }
0xcf: {  	[dreg:$0x1] =	wrdreg $0xFFFFFFFF  }
0xd0: {  	_ =	task.clear_ibuf [dreg:s22], $0x2FFFF;
	_ =	strace $0x9FFFFFFF  }
0xd1: {  	(tm) =	ssettm $0x7FFFFFFF  }
tec
execute0_lowered:
.L_overlay_start_1:
0x0: {  	(tag) =	ssettag $0x1  }
0x1: {  	s6 =	rddreg [dreg:$0x0]  }
0x2: {  	s0 =	srdreg.scid;
	s2 =	rddreg [dreg:$0x1]  }
0x3: {  	s1 =	rddreg [dreg:$0x2];
	s3 =	simm.s32 $0x0;
	s5 =	sand.u32 $0x1, s0  }
0x4: {  	s17 =	simm.s32 $0x2;
	s0 =	stileid.u32;
	s4 =	smul.u32 $0x28000, s5  }
0x5: {  	s18 =	simm.s32 $0x80;
	s19 =	simm.s32 $0x400;
	s7 =	smul.u32 $0x2800, s0  }
0x6: {  	s20 =	simm.s32 $0x480;
	[smem:$0x7FF] =	sst s3;
	s26 =	smul.u32 $0x2780, s0  }
0x7: {  	s13 =	sadd.s32 $0x8CA00, s6;
	s16 =	sadd.s32 $0x128400, s2;
	s8 =	smul.u32 $0x4F000, s0  }
0x8: {  	s21 =	simm.s32 $0x0;
	_ =	strace $0x8000004A;
	s10 =	smul.u32 $0x138800, s5  }
0x9: {  	s9 =	ssub.s32 $0x2, s5;
	s12 =	smul.u32 $0x13C00, s0;
	p0 =	seq.s32 s0, $0xF  }
0xa: {  	s28 =	sshrl.u32 s9, $0x1;
	s4 =	sadd.s32 s7, s4;
	s7 =	sadd.s32 s26, s6  }
0xb: {  	s8 =	sshrl.u32 s8, $0x2;
	s14 =	ssub.s32 s9, s28;
	s29 =	sadd.s32 s12, s10  }
0xc: {  	s31 =	sshrl.u32 s10, $0x3;
	s12 =	sshrl.u32 @p0 s16, $0x3;
	s16 =	simm.s32 $0x1  }
0xd: {  	s4 =	sshrl.u32 s4, $0x3;
	s5 =	sadd.s32 $0x16E00, s7;
	s7 =	smul.u32 $0x50, s0  }
.Ltmp0:
0xe: {  	s15 =	sadd.s32 s8, s2;
	s30 =	sshrl.u32 s29, $0x3;
	(pc) =	sbr.rel .LBB2_1-.Ltmp0, $4  }
0xf: {  	s9 =	sadd.s32 s13, s31;
	s10 =	smax.u32 s14, $0x1;
	s11 =	sadd.s32 s4, s6  }
0x10: {  	s4 =	sadd.s32 $0x8C200, s6;
	s6 =	sadd.s32 $0x3BE80, s6;
	s8 =	sadd.s32 s13, s30  }
0x11: {  	s9 =	sadd.s32 $0x25080, s9;
	s13 =	sshll.u32 @!p0 s0, $0x6;
	s14 =	sshrl.u32 @!p0 s15, $0x3  }
0x12: {  	s15 =	simm.s32 $0x800;
	s11 =	sadd.s32 $0x2E00, s11;
	s13 =	sor.u32 @!p0 $0x1C01, s13  }
.LBB2_5:
0x13: {  	[bflag:$0x0] =	sbarrier.arrive $0xFFFF;
	s22 =	simm.s32 @p0 $0x1FC1  }
0x14: {  	[hbm:s9], [sflag:s22] =	dma.local @p0 [spmem:s12], $0x2080  }
0x15: {  	s22 =	simm.s32 @p0 $0x1  }
0x16: {  	s21 =	sadd.s32 $0x1, s21;
	_ =	swait.ge @p0 [sflag:s22], $0x2080  }
0x17: {  	p1 =	sne.s32 s21, s10;
	[sflag:s22] =	ssyncset.done @p0 $0x0  }
.Ltmp1:
0x18: {  	[sflag:s22] =	ssyncadd.s32 @p0 $0xFFFFDF80;
	s22 =	simm.s32 @!p0 $0x1;
	(pc) =	sbr.rel @!p1 .LBB2_6-.Ltmp1, $4  }
0x19: {  	[hbm:s8], [sflag:s13] =	dma.local @!p0 [spmem:s14], $0x2780  }
0x1a: {  	_ =	swait.ge @!p0 [sflag:s22], $0x2780  }
0x1b: {  	[sflag:s22] =	ssyncset.done @!p0 $0x0  }
0x1c: {  	[sflag:s22] =	ssyncadd.s32 @!p0 $0xFFFFD880  }
.LBB2_1:
0x1d: {  	s22 =	simm.s32 @p0 $0x1FC1  }
0x1e: {  	[spmem:s12], [sflag:s22] =	dma.local @p0 [hbm:s6], $0x2080  }
0x1f: {  	s22 =	simm.s32 @p0 $0x1  }
0x20: {  	_ =	swait.ge @p0 [sflag:s22], $0x2080  }
0x21: {  	[sflag:s22] =	ssyncset.done @p0 $0x0  }
0x22: {  	[sflag:s22] =	ssyncadd.s32 @p0 $0xFFFFDF80;
	s22 =	simm.s32 @!p0 $0x1  }
0x23: {  	[spmem:s14], [sflag:s13] =	dma.local @!p0 [hbm:s5], $0x2780  }
0x24: {  	_ =	swait.ge @!p0 [sflag:s22], $0x2780  }
0x25: {  	[sflag:s22] =	ssyncset.done @!p0 $0x0  }
0x26: {  	[sflag:s22] =	ssyncadd.s32 @!p0 $0xFFFFD880  }
0x27: {  	[tilespmem:s15], [sflag:$0x1] =	stream.linear.gather [hbm4b:s4+s3], $0x4000, $0x38;
	[tilespmem:$0x18080] =	vst v63  }
.Ltmp2:
0x28: {  	_ =	swait.ge [sflag:s16], $0x4000;
	(pc) =	sbr.rel .LBB2_2-.Ltmp2, $4  }
0x29: {  	[sflag:s16] =	ssyncset.done $0x0  }
0x2a: {  	[sflag:s16] =	ssyncadd.s32 $0xFFFFC000  }
0x2b: {  	[bflag:$0x0] =	sbarrier.arrive $0xFFFF  }
0x2c: {  	s23 =	simm.s32 $0x0;
	s22 =	smov.u32 s11  }
.LBB2_4:
0x2d: {  	s23 =	sadd.s32 $0x10, s23  }
0x2e: {  	p1 =	sne.s32 s23, $0x50  }
.Ltmp3:
0x2f: {  	_ = 	snop;
	(pc) =	sbr.rel @!p1 .LBB2_5-.Ltmp3, $2  }
0x30: {  	_ =	sdelay $0x2  }
0x31: {  	s22 =	sadd.s32 $0x100, s22  }
.LBB2_2:
0x32: {  	[tilespmem:s3], [sflag:$0x2] =	stream.linear.gather [hbm4b:s22+s3], $0x800, $0x38;
	[tilespmem:$0x18080] =	vst v63  }
0x33: {  	s24 =	sadd.s32 s23, s7  }
0x34: {  	_ =	swait.ge [sflag:s17], $0x800;
	p1 =	sgt.u32 s24, $0x4E1  }
0x35: {  	[sflag:s17] =	ssyncset.done $0x0;
	s25 =	simm.s32 @!p1 $0x80  }
0x36: {  	s26 =	simm.s32 @!p1 $0x0;
	s28 =	simm.s32 @!p1 $0x800;
	[sflag:s17] =	ssyncadd.s32 $0xFFFFF800  }
0x37: {  	[spmem:s2] =	stream.indirect.scatter.add.f32 @!p1 [tilespmem:s28], [sflag:$0x2], $0x80, s26, s25, $0xb8;
	[tilespmem:$0x18080] =	vst v63  }
0x38: {  	s26 =	simm.s32 @!p1 $0x2  }
0x39: {  	_ =	swait.ge @!p1 [sflag:s26], $0x4000  }
0x3a: {  	[sflag:s26] =	ssyncset.done @!p1 $0x0  }
0x3b: {  	[sflag:s26] =	ssyncadd.s32 @!p1 $0xFFFFC000  }
0x3c: {  	[spmem:s2] =	stream.indirect.scatter.add.f32 @!p1 [tilespmem:s28], [sflag:$0x2], $0x80, s25, s25, $0xb8;
	[tilespmem:$0x18080] =	vst v63  }
0x3d: {  	_ =	swait.ge @!p1 [sflag:s26], $0x4000  }
0x3e: {  	p2 =	sgt.u32 @!p1 s24, $0x4DF;
	[sflag:s26] =	ssyncset.done @!p1 $0x0  }
0x3f: {  	[sflag:s26] =	ssyncadd.s32 @!p1 $0xFFFFC000;
	p1 =	por p1, p2  }
0x40: {  	s25 =	simm.s32 @!p1 $0x80;
	s26 =	simm.s32 @!p1 $0x100;
	s28 =	simm.s32 @!p1 $0x800  }
0x41: {  	[spmem:s2] =	stream.indirect.scatter.add.f32 @!p1 [tilespmem:s28], [sflag:$0x2], $0x80, s26, s25, $0xb8;
	[tilespmem:$0x18080] =	vst v63  }
0x42: {  	s26 =	simm.s32 @!p1 $0x2  }
0x43: {  	_ =	swait.ge @!p1 [sflag:s26], $0x4000  }
0x44: {  	[sflag:s26] =	ssyncset.done @!p1 $0x0  }
0x45: {  	s29 =	simm.s32 @!p1 $0x180;
	[sflag:s26] =	ssyncadd.s32 @!p1 $0xFFFFC000  }
0x46: {  	[spmem:s2] =	stream.indirect.scatter.add.f32 @!p1 [tilespmem:s28], [sflag:$0x2], $0x80, s29, s25, $0xb8;
	[tilespmem:$0x18080] =	vst v63  }
0x47: {  	_ =	swait.ge @!p1 [sflag:s26], $0x4000  }
0x48: {  	p2 =	sgt.u32 @!p1 s24, $0x4DD;
	[sflag:s26] =	ssyncset.done @!p1 $0x0  }
0x49: {  	[sflag:s26] =	ssyncadd.s32 @!p1 $0xFFFFC000;
	p1 =	por p1, p2  }
0x4a: {  	s25 =	simm.s32 @!p1 $0x80;
	s26 =	simm.s32 @!p1 $0x200;
	s28 =	simm.s32 @!p1 $0x800  }
0x4b: {  	[spmem:s2] =	stream.indirect.scatter.add.f32 @!p1 [tilespmem:s28], [sflag:$0x2], $0x80, s26, s25, $0xb8;
	[tilespmem:$0x18080] =	vst v63  }
0x4c: {  	s26 =	simm.s32 @!p1 $0x2  }
0x4d: {  	_ =	swait.ge @!p1 [sflag:s26], $0x4000  }
0x4e: {  	[sflag:s26] =	ssyncset.done @!p1 $0x0  }
0x4f: {  	s29 =	simm.s32 @!p1 $0x280;
	[sflag:s26] =	ssyncadd.s32 @!p1 $0xFFFFC000  }
0x50: {  	[spmem:s2] =	stream.indirect.scatter.add.f32 @!p1 [tilespmem:s28], [sflag:$0x2], $0x80, s29, s25, $0xb8;
	[tilespmem:$0x18080] =	vst v63  }
0x51: {  	_ =	swait.ge @!p1 [sflag:s26], $0x4000  }
0x52: {  	p2 =	sgt.u32 @!p1 s24, $0x4DB;
	[sflag:s26] =	ssyncset.done @!p1 $0x0  }
0x53: {  	[sflag:s26] =	ssyncadd.s32 @!p1 $0xFFFFC000;
	p1 =	por p1, p2  }
0x54: {  	s25 =	simm.s32 @!p1 $0x80;
	s26 =	simm.s32 @!p1 $0x300;
	s28 =	simm.s32 @!p1 $0x800  }
0x55: {  	[spmem:s2] =	stream.indirect.scatter.add.f32 @!p1 [tilespmem:s28], [sflag:$0x2], $0x80, s26, s25, $0xb8;
	[tilespmem:$0x18080] =	vst v63  }
0x56: {  	s26 =	simm.s32 @!p1 $0x2  }
0x57: {  	p2 =	sgt.u32 @!p1 s24, $0x4D9;
	_ =	swait.ge @!p1 [sflag:s26], $0x4000  }
0x58: {  	p2 =	por p1, p2;
	[sflag:s26] =	ssyncset.done @!p1 $0x0  }
.Ltmp4:
0x59: {  	s29 =	simm.s32 @!p1 $0x380;
	[sflag:s26] =	ssyncadd.s32 @!p1 $0xFFFFC000;
	(pc) =	sbr.rel @p2 .LBB2_4-.Ltmp4, $4  }
0x5a: {  	[spmem:s2] =	stream.indirect.scatter.add.f32 @!p1 [tilespmem:s28], [sflag:$0x2], $0x80, s29, s25, $0xb8;
	[tilespmem:$0x18080] =	vst v63  }
0x5b: {  	_ =	swait.ge @!p1 [sflag:s26], $0x4000  }
0x5c: {  	[sflag:s26] =	ssyncset.done @!p1 $0x0  }
0x5d: {  	[sflag:s26] =	ssyncadd.s32 @!p1 $0xFFFFC000  }
0x5e: {  	[spmem:s2] =	stream.indirect.scatter.add.f32 [tilespmem:s15], [sflag:$0x2], $0x80, s19, s18, $0xb8;
	[tilespmem:$0x18080] =	vst v63  }
0x5f: {  	_ =	swait.ge [sflag:s17], $0x4000  }
0x60: {  	[sflag:s17] =	ssyncset.done $0x0  }
0x61: {  	[sflag:s17] =	ssyncadd.s32 $0xFFFFC000  }
0x62: {  	[spmem:s2] =	stream.indirect.scatter.add.f32 [tilespmem:s15], [sflag:$0x2], $0x80, s20, s18, $0xb8;
	[tilespmem:$0x18080] =	vst v63  }
0x63: {  	p1 =	sgt.u32 s24, $0x4D7;
	_ =	swait.ge [sflag:s17], $0x4000  }
0x64: {  	s25 =	simm.s32 @!p1 $0x80;
	[sflag:s17] =	ssyncset.done $0x0  }
0x65: {  	s26 =	simm.s32 @!p1 $0x500;
	s28 =	simm.s32 @!p1 $0x800;
	[sflag:s17] =	ssyncadd.s32 $0xFFFFC000  }
0x66: {  	[spmem:s2] =	stream.indirect.scatter.add.f32 @!p1 [tilespmem:s28], [sflag:$0x2], $0x80, s26, s25, $0xb8;
	[tilespmem:$0x18080] =	vst v63  }
0x67: {  	s26 =	simm.s32 @!p1 $0x2  }
0x68: {  	_ =	swait.ge @!p1 [sflag:s26], $0x4000  }
0x69: {  	[sflag:s26] =	ssyncset.done @!p1 $0x0  }
0x6a: {  	s29 =	simm.s32 @!p1 $0x580;
	p2 =	sgt.u32 @!p1 s24, $0x4D5;
	[sflag:s26] =	ssyncadd.s32 @!p1 $0xFFFFC000  }
0x6b: {  	[spmem:s2] =	stream.indirect.scatter.add.f32 @!p1 [tilespmem:s28], [sflag:$0x2], $0x80, s29, s25, $0xb8;
	[tilespmem:$0x18080] =	vst v63  }
0x6c: {  	p3 =	por p2, p1;
	_ =	swait.ge @!p1 [sflag:s26], $0x4000  }
0x6d: {  	s25 =	simm.s32 @!p3 $0x80;
	[sflag:s26] =	ssyncset.done @!p1 $0x0  }
0x6e: {  	s28 =	simm.s32 @!p3 $0x800;
	[sflag:s26] =	ssyncadd.s32 @!p1 $0xFFFFC000;
	s26 =	simm.s32 @!p3 $0x600  }
0x6f: {  	[spmem:s2] =	stream.indirect.scatter.add.f32 @!p3 [tilespmem:s28], [sflag:$0x2], $0x80, s26, s25, $0xb8;
	[tilespmem:$0x18080] =	vst v63  }
0x70: {  	s26 =	simm.s32 @!p3 $0x2  }
0x71: {  	_ =	swait.ge @!p3 [sflag:s26], $0x4000  }
0x72: {  	p4 =	sgt.u32 @!p3 s24, $0x4D3;
	[sflag:s26] =	ssyncset.done @!p3 $0x0  }
0x73: {  	p2 =	por @!p1 p4, p2;
	s29 =	simm.s32 @!p3 $0x680;
	[sflag:s26] =	ssyncadd.s32 @!p3 $0xFFFFC000  }
0x74: {  	[spmem:s2] =	stream.indirect.scatter.add.f32 @!p3 [tilespmem:s28], [sflag:$0x2], $0x80, s29, s25, $0xb8;
	[tilespmem:$0x18080] =	vst v63  }
0x75: {  	p1 =	por p2, p1;
	_ =	swait.ge @!p3 [sflag:s26], $0x4000  }
0x76: {  	s24 =	simm.s32 @!p1 $0x80;
	[sflag:s26] =	ssyncset.done @!p3 $0x0  }
0x77: {  	s25 =	simm.s32 @!p1 $0x700;
	[sflag:s26] =	ssyncadd.s32 @!p3 $0xFFFFC000;
	s26 =	simm.s32 @!p1 $0x800  }
0x78: {  	[spmem:s2] =	stream.indirect.scatter.add.f32 @!p1 [tilespmem:s26], [sflag:$0x2], $0x80, s25, s24, $0xb8;
	[tilespmem:$0x18080] =	vst v63  }
0x79: {  	s25 =	simm.s32 @!p1 $0x2  }
0x7a: {  	_ =	swait.ge @!p1 [sflag:s25], $0x4000  }
0x7b: {  	[sflag:s25] =	ssyncset.done @!p1 $0x0  }
0x7c: {  	[sflag:s25] =	ssyncadd.s32 @!p1 $0xFFFFC000;
	s25 =	simm.s32 @!p1 $0x780  }
0x7d: {  	[spmem:s2] =	stream.indirect.scatter.add.f32 @!p1 [tilespmem:s26], [sflag:$0x1], $0x80, s25, s24, $0xb8;
	[tilespmem:$0x18080] =	vst v63  }
.Ltmp5:
0x7e: {  	_ = 	snop;
	(pc) =	sbr.rel .LBB2_4-.Ltmp5, $4  }
0x7f: {  	s24 =	simm.s32 @!p1 $0x1  }
0x80: {  	_ =	swait.ge @!p1 [sflag:s24], $0x4000  }
0x81: {  	[sflag:s24] =	ssyncset.done @!p1 $0x0  }
0x82: {  	[sflag:s24] =	ssyncadd.s32 @!p1 $0xFFFFC000  }
.LBB2_6:
0x83: {  	_ =	sfence.sel $0x180000  }
0x84: {  	[bflag:$0x0] =	sbarrier.arrive $0xFFFF  }
0x85: {  	p0 =	sne.s32 s0, $0x0;
	_ =	strace $0x9000004A  }
0x86: {  	s0 =	sadd.s32 @!p0 $0x100000, s1;
	[bflag:$0x2] =	sbarrier.arrive $0xFFFF  }
0x87: {  	[sflag:s0] =	ssyncadd.tile.s32 @!p0 $0x1;
	_ =	shalt  }
.Lfunc_end2:
_tile_overlayer_lowered:
.L_overlay_start_2:
0x88: {  	(tag) =	ssettag $0x2  }
0x89: {  	s0 =	rddreg [dreg:$0x0];
	s2 =	stileid.u32  }
0x8a: {  	s1 =	rddreg [dreg:$0x1];
	p0 =	sne.s32 s2, $0x0  }
0x8b: {  	s3 =	rddreg [dreg:$0x2];
	[bflag:$0x3] =	sbarrier.arrive $0xFFFF;
	s2 =	simm.s32 @!p0 $0x1C01  }
0x8c: {  	[timem:s3], [sflag:s2] =	dma.local @!p0 [hbm:s0], s1  }
0x8d: {  	s0 =	simm.s32 @!p0 $0x1  }
0x8e: {  	_ =	swait.ge @!p0 [sflag:s0], s1  }
0x8f: {  	s1 =	ssub.s32 @!p0 $0x0, s1;
	[sflag:s0] =	ssyncset.done @!p0 $0x0  }
0x90: {  	[sflag:s0] =	ssyncadd.s32 @!p0 s1  }
0x91: {  	[bflag:$0x3] =	sbarrier.arrive $0xFFFF  }
0x92: {  	_ =	shalt  }

// kernel: kernel.15.cloned.1.call-start
scs
__scs_entry_jumppad:
0x0: {  	(pc) =	sbr.rel $0x88, $3  }
0x1: {  	(tag) =	ssettag $0x0;
	lr =	simm.s32 $0x1  }
0x2: {  	[smem:$0x3F8E] =	sst lr;
	_ =	strace $0xD0000000  }
0x3: {  	_ = 	snop  }
0x4: {  	_ = 	snop  }
0x5: {  	_ = 	snop  }
0x6: {  	_ = 	snop  }
0x7: {  	_ = 	snop  }
__scs_overlays_trampoline_lowered:
0x8: {  	[smem:$0x3F9D] =	sst s0  }
0x9: {  	[smem:$0x3F9E] =	sst s1  }
0xa: {  	[smem:$0x3F9F] =	sst s2  }
0xb: {  	[smem:$0x3FA0] =	sst s3  }
0xc: {  	[smem:$0x3FA1] =	sst s4  }
0xd: {  	[smem:$0x3FA2] =	sst s5  }
0xe: {  	[smem:$0x3FA3] =	sst s6  }
0xf: {  	[smem:$0x3FA4] =	sst s7  }
0x10: {  	[smem:$0x3FA5] =	sst s8  }
0x11: {  	[smem:$0x3FA6] =	sst s9;
	s0 =	simm.s32 @!p0 $0x0  }
0x12: {  	s1 =	sld [smem:$0x3F8C];
	s0 =	simm.s32 @p0 $0x1  }
0x13: {  	[smem:$0x3FA7] =	sst s0;
	s0 =	simm.s32 @!p1 $0x0  }
0x14: {  	s2 =	sld [smem:$0x3F8B];
	s0 =	simm.s32 @p1 $0x1  }
0x15: {  	[smem:$0x3FA8] =	sst s0;
	s0 =	simm.s32 @!p2 $0x0  }
0x16: {  	s3 =	sld [smem:$0x3FDB];
	s0 =	simm.s32 @p2 $0x1  }
0x17: {  	s4 =	simm.s32 $0x1BF5;
	[smem:$0x3FAA] =	sst s0  }
0x18: {  	s0 =	sld [smem:$0x3F8D];
	_ =	swait.ge [sflag:s4], $0x0  }
0x19: {  	s7 =	sld [smem:$0x3F8E]  }
0x1a: {  	s8 =	sadd.s32 $0xFFFFE003, lr  }
0x1b: {  	s9 =	sadd.s32 $0xFFFFFEF7, lr;
	s5 =	simm.s32 $0xFFFFFFFF;
	p2 =	slt.u32 s8, $0xFFFFF086  }
0x1c: {  	p1 =	slt.u32 s9, $0xF7A;
	s5 =	simm.s32 @!p2 $0x0  }
0x1d: {  	s5 =	simm.s32 @p1 $0x1;
	p0 =	seq.s32 s7, s2  }
0x1e: {  	s7 =	smul.u32 @!p0 $0xF7A, s2;
	p2 =	seq.s32 @!p0 s5, $0x0  }
0x1f: {  	s9 =	smul.u32 $0xF7A, s1;
	s8 =	simm.s32 @!p0 $0x1BF5;
	p2 =	por !p2, p0  }
0x20: {  	[sflag:s8] =	ssyncset.s32 @!p0 $0xFFFFF086;
	s6 =	sadd.s32 @!p0 s3, s7;
	s7 =	simm.s32 @!p0 $0x108  }
0x21: {  	s3 =	sadd.s32 s3, s9;
	s6 =	sadd.s32 @!p0 $0x88, s6;
	s7 =	simm.s32 @p2 $0x1082  }
0x22: {  	[simem:s7], [sflag:s8] =	dma.local @!p0 [hbm:s6], $0xF7A  }
0x23: {  	s9 =	sor.u32 $0xD0000000, s2;
	s6 =	simm.s32 $0x108;
	_ =	swait.ge @!p0 [sflag:s8], $0x0  }
0x24: {  	s3 =	sadd.s32 $0x88, s3;
	s6 =	simm.s32 @!p1 $0x1082;
	[sflag:s4] =	ssyncset.s32 $0xFFFFF086  }
0x25: {  	[simem:s6], [sflag:s4] =	dma.local [hbm:s3], $0xF7A  }
0x26: {  	[smem:$0x3F8E] =	sst s1;
	(tag) =	ssettag s2;
	_ =	strace s9  }
0x27: {  	s1 =	sld [smem:$0x3F9E]  }
0x28: {  	s2 =	sld [smem:$0x3F9F]  }
0x29: {  	s4 =	sld [smem:$0x3FA1]  }
0x2a: {  	p0 =	seq.s32 s5, $0x0;
	s5 =	sld [smem:$0x3FA2]  }
0x2b: {  	s6 =	sld [smem:$0x3FA3]  }
0x2c: {  	s7 =	sld [smem:$0x3FA4]  }
0x2d: {  	s3 =	simm.s32 $0x108;
	s8 =	sld [smem:$0x3FA5]  }
0x2e: {  	s3 =	simm.s32 @!p0 $0x1082;
	s9 =	sld [smem:$0x3FA6]  }
0x2f: {  	lr =	sadd.s32 s0, s3;
	s0 =	sld [smem:$0x3F9D]  }
0x30: {  	s3 =	sld [smem:$0x3FA0]  }
0x31: {  	[smem:$0x3FA9] =	sst s10  }
0x32: {  	s10 =	sld [smem:$0x3FA7];
	_ =	sdelay $0x3  }
0x33: {  	p0 =	seq.s32 s10, $0x1;
	s10 =	sld [smem:$0x3FA9];
	_ =	sdelay $0x3  }
0x34: {  	[smem:$0x3FA9] =	sst s10  }
0x35: {  	s10 =	sld [smem:$0x3FA8];
	_ =	sdelay $0x3  }
0x36: {  	p1 =	seq.s32 s10, $0x1;
	s10 =	sld [smem:$0x3FA9];
	_ =	sdelay $0x3  }
0x37: {  	[smem:$0x3FA9] =	sst s10  }
0x38: {  	s10 =	sld [smem:$0x3FAA]  }
0x39: {  	_ = 	snop;
	(pc) =	sbr.ind lr, $3  }
0x3a: {  	_ = 	snop  }
0x3b: {  	_ = 	snop  }
0x3c: {  	p2 =	seq.s32 s10, $0x1;
	s10 =	sld [smem:$0x3FA9]  }
0x3d: {  	_ =	shalt  }
0x3e: {  	_ =	shalt  }
0x3f: {  	_ =	shalt  }
0x40: {  	_ =	shalt  }
0x41: {  	_ =	shalt  }
0x42: {  	_ =	shalt  }
0x43: {  	_ =	shalt  }
0x44: {  	_ =	shalt  }
0x45: {  	_ =	shalt  }
0x46: {  	_ =	shalt  }
0x47: {  	_ =	shalt  }
0x48: {  	_ =	shalt  }
0x49: {  	_ =	shalt  }
0x4a: {  	_ =	shalt  }
0x4b: {  	_ =	shalt  }
0x4c: {  	_ =	shalt  }
0x4d: {  	_ =	shalt  }
0x4e: {  	_ =	shalt  }
0x4f: {  	_ =	shalt  }
0x50: {  	_ =	shalt  }
0x51: {  	_ =	shalt  }
0x52: {  	_ =	shalt  }
0x53: {  	_ =	shalt  }
0x54: {  	_ =	shalt  }
0x55: {  	_ =	shalt  }
0x56: {  	_ =	shalt  }
0x57: {  	_ =	shalt  }
0x58: {  	_ =	shalt  }
0x59: {  	_ =	shalt  }
0x5a: {  	_ =	shalt  }
0x5b: {  	_ =	shalt  }
0x5c: {  	_ =	shalt  }
0x5d: {  	_ =	shalt  }
0x5e: {  	_ =	shalt  }
0x5f: {  	_ =	shalt  }
0x60: {  	_ =	shalt  }
0x61: {  	_ =	shalt  }
0x62: {  	_ =	shalt  }
0x63: {  	_ =	shalt  }
0x64: {  	_ =	shalt  }
0x65: {  	_ =	shalt  }
0x66: {  	_ =	shalt  }
0x67: {  	_ =	shalt  }
0x68: {  	_ =	shalt  }
0x69: {  	_ =	shalt  }
0x6a: {  	_ =	shalt  }
0x6b: {  	_ =	shalt  }
0x6c: {  	_ =	shalt  }
0x6d: {  	_ =	shalt  }
0x6e: {  	_ =	shalt  }
0x6f: {  	_ =	shalt  }
0x70: {  	_ =	shalt  }
0x71: {  	_ =	shalt  }
0x72: {  	_ =	shalt  }
0x73: {  	_ =	shalt  }
0x74: {  	_ =	shalt  }
0x75: {  	_ =	shalt  }
0x76: {  	_ =	shalt  }
0x77: {  	_ =	shalt  }
0x78: {  	_ =	shalt  }
0x79: {  	_ =	shalt  }
0x7a: {  	_ =	shalt  }
0x7b: {  	_ =	shalt  }
0x7c: {  	_ =	shalt  }
0x7d: {  	_ =	shalt  }
0x7e: {  	_ =	shalt  }
0x7f: {  	_ =	shalt  }
0x80: {  	_ =	shalt  }
0x81: {  	_ =	shalt  }
0x82: {  	_ =	shalt  }
0x83: {  	_ =	shalt  }
0x84: {  	_ =	shalt  }
0x85: {  	_ =	shalt  }
0x86: {  	_ =	shalt  }
0x87: {  	_ =	shalt  }
.Lfunc_end0:
.L_simem_size_0:
called_computation.1_lowered:
.L_overlay_start_0:
0x88: {  	s2 =	sld [smem:$0x3FD9]  }
0x89: {  	s3 =	sld [smem:$0x3FFE];
	_ =	sdelay $0x1  }
0x8a: {  	s1 =	srdreg.scid  }
0x8b: {  	s0 =	sand.u32 $0x1, s1  }
0x8c: {  	s17 =	sshll.u32 s0, $0xA;
	s2 =	sadd.s32 s3, s2  }
0x8d: {  	s2 =	sadd.s32 s2, s17  }
0x8e: {  	[smem:$0x3FB5] =	sst s2  }
0x8f: {  	_ = 	snop  }
0x90: {  	s2 =	sld [smem:$0x3FC9];
	(tm) =	ssettm $0x1  }
0x91: {  	s18 =	sld [smem:$0x3FFB];
	_ =	sdelay $0x3  }
0x92: {  	_ =	strace s18  }
0x93: {  	s3 =	sld [smem:$0x3FFC];
	_ =	sdelay $0x3  }
0x94: {  	_ =	strace s3  }
0x95: {  	s3 =	sld [smem:$0x3FFD];
	_ =	sdelay $0x3  }
0x96: {  	_ =	strace s3  }
0x97: {  	_ =	strace $0x8FFFFFFF  }
0x98: {  	s19 =	sld [smem:$0x3FDB];
	_ =	sdelay $0x1  }
0x99: {  	s4 =	simm.s32 $_scs_section_size  }
0x9a: {  	s5 =	simm.s32 $_size__tile_overlayer_lowered;
	s6 =	simm.s32 $_tile_overlayer_lowered  }
0x9b: {  	s22 =	simm.s32 $0x1BFF;
	s21 =	sshll.u32 s6, $0x1;
	s3 =	sadd.s32 s4, s19  }
0x9c: {  	s7 =	simm.s32 $0x0;
	s20 =	sshll.u32 s5, $0x1;
	s5 =	sadd.s32 s21, s3  }
0x9d: {  	[timem:s7], [sflag:s22] =	dma.local [hbm:s5], s20  }
0x9e: {  	_ =	swait.ge [sflag:s22], s20  }
0x9f: {  	s4 =	ssub.s32 $0x0, s20;
	[sflag:s22] =	ssyncset.done $0x0  }
0xa0: {  	[sflag:s22] =	ssyncadd.s32 s4;
	_ =	sdelay $0x1  }
0xa1: {  	s23 =	simm.s32 $0x1B8B  }
0xa2: {  	_ =	swait.ge [sflag:s23], $0x1  }
0xa3: {  	[sflag:s23] =	ssyncset.done $0x0  }
0xa4: {  	s25 =	simm.s32 $0x1B8E;
	s24 =	sld [smem:$0x3FFE];
	[sflag:s23] =	ssyncadd.s32 $0xFFFFFFFF  }
0xa5: {  	s26 =	simm.s32 $execute0_lowered;
	[smem:$0x3FD2] =	sst s25  }
0xa6: {  	s5 =	sshll.u32 s26, $0x1;
	_ =	strace $0x80000046;
	[dreg:$0x1] =	wrdreg $0xFFFFFFFF  }
0xa7: {  	s28 =	simm.s32 $_size_execute0_lowered;
	s3 =	sadd.s32 s3, s5;
	[dreg:$0x0] =	wrdreg $0x0  }
0xa8: {  	s5 =	sshll.u32 s28, $0x1;
	[dreg:$0x2] =	wrdreg s3  }
0xa9: {  	[dreg:$0x3] =	wrdreg s5  }
0xaa: {  	[dreg:$0x4] =	wrdreg $0xC0  }
0xab: {  	_ =	task [dreg:s7], $0x5FFFF  }
0xac: {  	[dreg:$0x1] =	wrdreg $0xFFFFFFFF  }
0xad: {  	[dreg:$0x0] =	wrdreg $0x60  }
0xae: {  	[dreg:$0x2] =	wrdreg s2  }
0xaf: {  	[dreg:$0x3] =	wrdreg s24  }
0xb0: {  	[dreg:$0x4] =	wrdreg $0x50000  }
0xb1: {  	[dreg:$0x5] =	wrdreg $0xA  }
0xb2: {  	_ =	task.clear_ibuf [dreg:s7], $0x6FFFF;
	_ =	strace $0x90000046  }
0xb3: {  	s29 =	simm.s32 $0xA;
	_ =	strace $0x80000048  }
0xb4: {  	_ =	swait.ge [sflag:s29], $0x1  }
0xb5: {  	[sflag:s29] =	ssyncadd.s32 $0xFFFFFFFF  }
0xb6: {  	_ =	strace $0x90000048  }
0xb7: {  	_ =	sfence  }
0xb8: {  	s30 =	sld [smem:$0x0];
	_ =	sdelay $0x2  }
0xb9: {  	s31 =	sshll.u32 s1, $0xD;
	s1 =	sshrl.u32 s1, $0x2  }
0xba: {  	s3 =	sand.u32 $0x4000, s31;
	s1 =	sadd.s32 s1, s30  }
0xbb: {  	s0 =	sor.u32 s3, s0;
	s1 =	sshll.u32 s1, $0x11  }
0xbc: {  	s0 =	sor.u32 s1, s0  }
0xbd: {  	s0 =	sadd.s32 $0x8F2B, s0  }
0xbe: {  	[sflag:s0] =	ssyncadd.remote.s32 $0x1  }
0xbf: {  	_ =	sfence.sel $0xFFFF  }
0xc0: {  	[dreg:$0x0] =	wrdreg $0xFFFFFFFF;
	(pc) =	sbr.abs _section_cstart, $3  }
0xc1: {  	[dreg:$0x1] =	wrdreg $0xFFFFFFFF  }
0xc2: {  	_ =	task.clear_ibuf [dreg:s7], $0x2FFFF;
	_ =	strace $0x9FFFFFFF  }
0xc3: {  	(tm) =	ssettm $0x7FFFFFFF  }
tec
execute0_lowered:
.L_overlay_start_1:
0x0: {  	(tag) =	ssettag $0x1  }
0x1: {  	s1 =	rddreg [dreg:$0x0]  }
0x2: {  	s0 =	srdreg.scid;
	s6 =	rddreg [dreg:$0x1]  }
0x3: {  	s3 =	rddreg [dreg:$0x2];
	s4 =	simm.s32 $0x0;
	s16 =	simm.s32 $0x3  }
0x4: {  	s17 =	simm.s32 $0x800;
	s18 =	simm.s32 $0x80;
	s5 =	sand.u32 $0x1, s0  }
0x5: {  	s19 =	simm.s32 $0x500;
	s0 =	stileid.u32;
	s7 =	smul.u32 $0x28000, s5  }
0x6: {  	s20 =	simm.s32 $0x1000;
	s21 =	simm.s32 $0x1;
	s8 =	smul.u32 $0x2800, s0  }
0x7: {  	s22 =	simm.s32 $0xD00;
	[smem:$0x7FF] =	sst s4;
	s23 =	smul.u32 $0x2780, s0  }
0x8: {  	s9 =	sadd.s32 $0x3E000, s6;
	s14 =	sadd.s32 $0x128400, s3;
	s25 =	smul.u32 $0x4F000, s0  }
0x9: {  	_ =	strace $0x80000047;
	s10 =	ssub.s32 $0x2, s5;
	s11 =	smul.u32 $0x138800, s5  }
0xa: {  	s13 =	smul.u32 $0x13C00, s0;
	p0 =	seq.s32 s0, $0xF;
	s26 =	sshrl.u32 s10, $0x1  }
0xb: {  	s7 =	sadd.s32 s8, s7;
	s24 =	sadd.s32 s23, s6;
	s8 =	sshrl.u32 s25, $0x2  }
0xc: {  	s10 =	ssub.s32 s10, s26;
	s28 =	sadd.s32 s13, s11;
	s29 =	sshrl.u32 s11, $0x3  }
0xd: {  	s13 =	sshrl.u32 @p0 s14, $0x3;
	s14 =	sshll.u32 @!p0 s0, $0x6;
	s23 =	simm.s32 $0x580  }
0xe: {  	s25 =	simm.s32 $0x0;
	s7 =	sshrl.u32 s7, $0x3;
	s15 =	sadd.s32 s8, s3  }
.Ltmp0:
0xf: {  	s5 =	sadd.s32 $0x16E00, s24;
	s30 =	sshrl.u32 s28, $0x3;
	(pc) =	sbr.rel .LBB2_1-.Ltmp0, $4  }
0x10: {  	s31 =	sadd.s32 s9, s29;
	s10 =	smax.u32 s10, $0x1;
	s14 =	sor.u32 @!p0 $0x1C02, s14  }
0x11: {  	s24 =	simm.s32 $0xD80;
	s12 =	sadd.s32 s7, s6;
	s6 =	sadd.s32 $0x3BE80, s6  }
0x12: {  	s7 =	smul.u32 $0x50, s0;
	s8 =	sadd.s32 s9, s30;
	s9 =	sadd.s32 $0x25080, s31  }
0x13: {  	s15 =	sshrl.u32 @!p0 s15, $0x3;
	s11 =	sadd.s32 $0x2E00, s12;
	s12 =	sadd.s32 $0xCE00, s12  }
.LBB2_5:
0x14: {  	[bflag:$0x0] =	sbarrier.arrive $0xFFFF;
	s0 =	simm.s32 @p0 $0x1FC2  }
0x15: {  	[hbm:s9], [sflag:s0] =	dma.local @p0 [spmem:s13], $0x2080  }
0x16: {  	s0 =	simm.s32 @p0 $0x2  }
0x17: {  	s25 =	sadd.s32 $0x1, s25;
	_ =	swait.ge @p0 [sflag:s0], $0x2080  }
0x18: {  	p1 =	sne.s32 s25, s10;
	[sflag:s0] =	ssyncset.done @p0 $0x0  }
.Ltmp1:
0x19: {  	[sflag:s0] =	ssyncadd.s32 @p0 $0xFFFFDF80;
	s0 =	simm.s32 @!p0 $0x2;
	(pc) =	sbr.rel @!p1 .LBB2_6-.Ltmp1, $4  }
0x1a: {  	[hbm:s8], [sflag:s14] =	dma.local @!p0 [spmem:s15], $0x2780  }
0x1b: {  	_ =	swait.ge @!p0 [sflag:s0], $0x2780  }
0x1c: {  	[sflag:s0] =	ssyncset.done @!p0 $0x0  }
0x1d: {  	[sflag:s0] =	ssyncadd.s32 @!p0 $0xFFFFD880  }
.LBB2_1:
0x1e: {  	s26 =	simm.s32 @p0 $0x1FC2  }
0x1f: {  	[spmem:s13], [sflag:s26] =	dma.local @p0 [hbm:s6], $0x2080  }
0x20: {  	s26 =	simm.s32 @p0 $0x2  }
0x21: {  	_ =	swait.ge @p0 [sflag:s26], $0x2080  }
0x22: {  	[sflag:s26] =	ssyncset.done @p0 $0x0  }
0x23: {  	[sflag:s26] =	ssyncadd.s32 @p0 $0xFFFFDF80;
	s26 =	simm.s32 @!p0 $0x2  }
0x24: {  	[spmem:s15], [sflag:s14] =	dma.local @!p0 [hbm:s5], $0x2780  }
.Ltmp2:
0x25: {  	_ =	swait.ge @!p0 [sflag:s26], $0x2780;
	(pc) =	sbr.rel .LBB2_2-.Ltmp2, $4  }
0x26: {  	[sflag:s26] =	ssyncset.done @!p0 $0x0  }
0x27: {  	[sflag:s26] =	ssyncadd.s32 @!p0 $0xFFFFD880  }
0x28: {  	[bflag:$0x0] =	sbarrier.arrive $0xFFFF  }
0x29: {  	s28 =	simm.s32 $0x0;
	s26 =	smov.u32 s7  }
.LBB2_4:
0x2a: {  	s28 =	sadd.s32 $0x100, s28  }
0x2b: {  	p1 =	sne.s32 s28, $0x500  }
.Ltmp3:
0x2c: {  	_ = 	snop;
	(pc) =	sbr.rel @!p1 .LBB2_5-.Ltmp3, $2  }
0x2d: {  	_ =	sdelay $0x2  }
0x2e: {  	s26 =	sadd.s32 $0x10, s26  }
.LBB2_2:
0x2f: {  	s29 =	sadd.s32 s28, s12  }
0x30: {  	[tilespmem:s4], [sflag:$0x3] =	stream.linear.gather [hbm4b:s29+s4], $0x800, $0x38;
	[tilespmem:$0x18880] =	vst v63  }
0x31: {  	_ =	swait.ge [sflag:s16], $0x800  }
0x32: {  	[sflag:s16] =	ssyncset.done $0x0  }
0x33: {  	s31 =	sadd.s32 s28, s11;
	[sflag:s16] =	ssyncadd.s32 $0xFFFFF800  }
0x34: {  	[tilespmem:s17], [sflag:$0x3] =	stream.linear.gather [hbm4b:s31+s4], $0x800, $0x38;
	[tilespmem:$0x18880] =	vst v63  }
0x35: {  	p1 =	sgt.u32 s26, $0x4E1;
	_ =	swait.ge [sflag:s16], $0x800  }
0x36: {  	s29 =	simm.s32 @!p1 $0x80;
	[sflag:s16] =	ssyncset.done $0x0  }
0x37: {  	s30 =	simm.s32 @!p1 $0x0;
	s31 =	simm.s32 @!p1 $0x1000;
	[sflag:s16] =	ssyncadd.s32 $0xFFFFF800  }
0x38: {  	[tilespmem:s31], [sflag:$0x1] =	stream.indirect.gather @!p1 [hbm4b:s1+s29], $0x80, s30, s29, $0xb8;
	[tilespmem:$0x18880] =	vst v63  }
0x39: {  	s30 =	simm.s32 @!p1 $0x1  }
0x3a: {  	_ =	swait.ge @!p1 [sflag:s30], $0x4000  }
0x3b: {  	[sflag:s30] =	ssyncset.done @!p1 $0x0  }
0x3c: {  	s2 =	simm.s32 @!p1 $0x800;
	[sflag:s30] =	ssyncadd.s32 @!p1 $0xFFFFC000  }
0x3d: {  	[spmem:s3] =	stream.indirect.scatter.add.f32 @!p1 [tilespmem:s31], [sflag:$0x3], $0x80, s2, s29, $0xb8;
	[tilespmem:$0x18880] =	vst v63  }
0x3e: {  	s2 =	simm.s32 @!p1 $0x3  }
0x3f: {  	_ =	swait.ge @!p1 [sflag:s2], $0x4000  }
0x40: {  	[sflag:s2] =	ssyncset.done @!p1 $0x0  }
0x41: {  	[sflag:s2] =	ssyncadd.s32 @!p1 $0xFFFFC000  }
0x42: {  	[tilespmem:s31], [sflag:$0x1] =	stream.indirect.gather @!p1 [hbm4b:s1+s29], $0x80, s29, s29, $0xb8;
	[tilespmem:$0x18880] =	vst v63  }
0x43: {  	_ =	swait.ge @!p1 [sflag:s30], $0x4000  }
0x44: {  	[sflag:s30] =	ssyncset.done @!p1 $0x0  }
0x45: {  	[sflag:s30] =	ssyncadd.s32 @!p1 $0xFFFFC000;
	s30 =	simm.s32 @!p1 $0x880  }
0x46: {  	[spmem:s3] =	stream.indirect.scatter.add.f32 @!p1 [tilespmem:s31], [sflag:$0x3], $0x80, s30, s29, $0xb8;
	[tilespmem:$0x18880] =	vst v63  }
0x47: {  	_ =	swait.ge @!p1 [sflag:s2], $0x4000  }
0x48: {  	p2 =	sgt.u32 @!p1 s26, $0x4DF;
	[sflag:s2] =	ssyncset.done @!p1 $0x0  }
0x49: {  	[sflag:s2] =	ssyncadd.s32 @!p1 $0xFFFFC000;
	p1 =	por p1, p2  }
0x4a: {  	s2 =	simm.s32 @!p1 $0x80;
	s29 =	simm.s32 @!p1 $0x100;
	s30 =	simm.s32 @!p1 $0x1000  }
0x4b: {  	[tilespmem:s30], [sflag:$0x1] =	stream.indirect.gather @!p1 [hbm4b:s1+s2], $0x80, s29, s2, $0xb8;
	[tilespmem:$0x18880] =	vst v63  }
0x4c: {  	s29 =	simm.s32 @!p1 $0x1  }
0x4d: {  	_ =	swait.ge @!p1 [sflag:s29], $0x4000  }
0x4e: {  	[sflag:s29] =	ssyncset.done @!p1 $0x0  }
0x4f: {  	s31 =	simm.s32 @!p1 $0x900;
	[sflag:s29] =	ssyncadd.s32 @!p1 $0xFFFFC000  }
0x50: {  	[spmem:s3] =	stream.indirect.scatter.add.f32 @!p1 [tilespmem:s30], [sflag:$0x3], $0x80, s31, s2, $0xb8;
	[tilespmem:$0x18880] =	vst v63  }
0x51: {  	s31 =	simm.s32 @!p1 $0x3  }
0x52: {  	_ =	swait.ge @!p1 [sflag:s31], $0x4000  }
0x53: {  	[sflag:s31] =	ssyncset.done @!p1 $0x0  }
0x54: {  	s0 =	simm.s32 @!p1 $0x180;
	[sflag:s31] =	ssyncadd.s32 @!p1 $0xFFFFC000  }
0x55: {  	[tilespmem:s30], [sflag:$0x1] =	stream.indirect.gather @!p1 [hbm4b:s1+s2], $0x80, s0, s2, $0xb8;
	[tilespmem:$0x18880] =	vst v63  }
0x56: {  	_ =	swait.ge @!p1 [sflag:s29], $0x4000  }
0x57: {  	[sflag:s29] =	ssyncset.done @!p1 $0x0  }
0x58: {  	s0 =	simm.s32 @!p1 $0x980;
	[sflag:s29] =	ssyncadd.s32 @!p1 $0xFFFFC000  }
0x59: {  	[spmem:s3] =	stream.indirect.scatter.add.f32 @!p1 [tilespmem:s30], [sflag:$0x3], $0x80, s0, s2, $0xb8;
	[tilespmem:$0x18880] =	vst v63  }
0x5a: {  	_ =	swait.ge @!p1 [sflag:s31], $0x4000  }
0x5b: {  	p2 =	sgt.u32 @!p1 s26, $0x4DD;
	[sflag:s31] =	ssyncset.done @!p1 $0x0  }
0x5c: {  	[sflag:s31] =	ssyncadd.s32 @!p1 $0xFFFFC000;
	p1 =	por p1, p2  }
0x5d: {  	s0 =	simm.s32 @!p1 $0x80;
	s2 =	simm.s32 @!p1 $0x200;
	s29 =	simm.s32 @!p1 $0x1000  }
0x5e: {  	[tilespmem:s29], [sflag:$0x1] =	stream.indirect.gather @!p1 [hbm4b:s1+s0], $0x80, s2, s0, $0xb8;
	[tilespmem:$0x18880] =	vst v63  }
0x5f: {  	s2 =	simm.s32 @!p1 $0x1  }
0x60: {  	_ =	swait.ge @!p1 [sflag:s2], $0x4000  }
0x61: {  	[sflag:s2] =	ssyncset.done @!p1 $0x0  }
0x62: {  	s30 =	simm.s32 @!p1 $0xA00;
	[sflag:s2] =	ssyncadd.s32 @!p1 $0xFFFFC000  }
0x63: {  	[spmem:s3] =	stream.indirect.scatter.add.f32 @!p1 [tilespmem:s29], [sflag:$0x3], $0x80, s30, s0, $0xb8;
	[tilespmem:$0x18880] =	vst v63  }
0x64: {  	s30 =	simm.s32 @!p1 $0x3  }
0x65: {  	_ =	swait.ge @!p1 [sflag:s30], $0x4000  }
0x66: {  	[sflag:s30] =	ssyncset.done @!p1 $0x0  }
0x67: {  	s31 =	simm.s32 @!p1 $0x280;
	[sflag:s30] =	ssyncadd.s32 @!p1 $0xFFFFC000  }
0x68: {  	[tilespmem:s29], [sflag:$0x1] =	stream.indirect.gather @!p1 [hbm4b:s1+s0], $0x80, s31, s0, $0xb8;
	[tilespmem:$0x18880] =	vst v63  }
0x69: {  	_ =	swait.ge @!p1 [sflag:s2], $0x4000  }
0x6a: {  	[sflag:s2] =	ssyncset.done @!p1 $0x0  }
0x6b: {  	[sflag:s2] =	ssyncadd.s32 @!p1 $0xFFFFC000;
	s2 =	simm.s32 @!p1 $0xA80  }
0x6c: {  	[spmem:s3] =	stream.indirect.scatter.add.f32 @!p1 [tilespmem:s29], [sflag:$0x3], $0x80, s2, s0, $0xb8;
	[tilespmem:$0x18880] =	vst v63  }
0x6d: {  	_ =	swait.ge @!p1 [sflag:s30], $0x4000  }
0x6e: {  	p2 =	sgt.u32 @!p1 s26, $0x4DB;
	[sflag:s30] =	ssyncset.done @!p1 $0x0  }
0x6f: {  	[sflag:s30] =	ssyncadd.s32 @!p1 $0xFFFFC000;
	p1 =	por p1, p2  }
0x70: {  	s0 =	simm.s32 @!p1 $0x80;
	s2 =	simm.s32 @!p1 $0x300;
	s29 =	simm.s32 @!p1 $0x1000  }
0x71: {  	[tilespmem:s29], [sflag:$0x1] =	stream.indirect.gather @!p1 [hbm4b:s1+s0], $0x80, s2, s0, $0xb8;
	[tilespmem:$0x18880] =	vst v63  }
0x72: {  	s2 =	simm.s32 @!p1 $0x1  }
0x73: {  	_ =	swait.ge @!p1 [sflag:s2], $0x4000  }
0x74: {  	[sflag:s2] =	ssyncset.done @!p1 $0x0  }
0x75: {  	s30 =	simm.s32 @!p1 $0xB00;
	[sflag:s2] =	ssyncadd.s32 @!p1 $0xFFFFC000  }
0x76: {  	[spmem:s3] =	stream.indirect.scatter.add.f32 @!p1 [tilespmem:s29], [sflag:$0x3], $0x80, s30, s0, $0xb8;
	[tilespmem:$0x18880] =	vst v63  }
0x77: {  	s30 =	simm.s32 @!p1 $0x3  }
0x78: {  	_ =	swait.ge @!p1 [sflag:s30], $0x4000  }
0x79: {  	[sflag:s30] =	ssyncset.done @!p1 $0x0  }
0x7a: {  	s31 =	simm.s32 @!p1 $0x380;
	[sflag:s30] =	ssyncadd.s32 @!p1 $0xFFFFC000  }
0x7b: {  	[tilespmem:s29], [sflag:$0x1] =	stream.indirect.gather @!p1 [hbm4b:s1+s0], $0x80, s31, s0, $0xb8;
	[tilespmem:$0x18880] =	vst v63  }
0x7c: {  	_ =	swait.ge @!p1 [sflag:s2], $0x4000  }
0x7d: {  	[sflag:s2] =	ssyncset.done @!p1 $0x0  }
0x7e: {  	[sflag:s2] =	ssyncadd.s32 @!p1 $0xFFFFC000;
	s2 =	simm.s32 @!p1 $0xB80  }
0x7f: {  	[spmem:s3] =	stream.indirect.scatter.add.f32 @!p1 [tilespmem:s29], [sflag:$0x3], $0x80, s2, s0, $0xb8;
	[tilespmem:$0x18880] =	vst v63  }
0x80: {  	_ =	swait.ge @!p1 [sflag:s30], $0x4000  }
0x81: {  	p2 =	sgt.u32 @!p1 s26, $0x4D9;
	[sflag:s30] =	ssyncset.done @!p1 $0x0  }
0x82: {  	[sflag:s30] =	ssyncadd.s32 @!p1 $0xFFFFC000;
	p1 =	por p1, p2  }
0x83: {  	s0 =	simm.s32 @!p1 $0x80;
	s2 =	simm.s32 @!p1 $0x400;
	s29 =	simm.s32 @!p1 $0x1000  }
0x84: {  	[tilespmem:s29], [sflag:$0x1] =	stream.indirect.gather @!p1 [hbm4b:s1+s0], $0x80, s2, s0, $0xb8;
	[tilespmem:$0x18880] =	vst v63  }
0x85: {  	s2 =	simm.s32 @!p1 $0x1  }
0x86: {  	_ =	swait.ge @!p1 [sflag:s2], $0x4000  }
0x87: {  	[sflag:s2] =	ssyncset.done @!p1 $0x0  }
0x88: {  	s30 =	simm.s32 @!p1 $0xC00;
	[sflag:s2] =	ssyncadd.s32 @!p1 $0xFFFFC000  }
0x89: {  	[spmem:s3] =	stream.indirect.scatter.add.f32 @!p1 [tilespmem:s29], [sflag:$0x3], $0x80, s30, s0, $0xb8;
	[tilespmem:$0x18880] =	vst v63  }
0x8a: {  	s30 =	simm.s32 @!p1 $0x3  }
0x8b: {  	_ =	swait.ge @!p1 [sflag:s30], $0x4000  }
0x8c: {  	[sflag:s30] =	ssyncset.done @!p1 $0x0  }
0x8d: {  	s31 =	simm.s32 @!p1 $0x480;
	[sflag:s30] =	ssyncadd.s32 @!p1 $0xFFFFC000  }
0x8e: {  	[tilespmem:s29], [sflag:$0x1] =	stream.indirect.gather @!p1 [hbm4b:s1+s0], $0x80, s31, s0, $0xb8;
	[tilespmem:$0x18880] =	vst v63  }
0x8f: {  	p2 =	sgt.u32 @!p1 s26, $0x4D7;
	_ =	swait.ge @!p1 [sflag:s2], $0x4000  }
0x90: {  	p2 =	por p1, p2;
	[sflag:s2] =	ssyncset.done @!p1 $0x0  }
.Ltmp4:
0x91: {  	[sflag:s2] =	ssyncadd.s32 @!p1 $0xFFFFC000;
	s2 =	simm.s32 @!p1 $0xC80;
	(pc) =	sbr.rel @p2 .LBB2_4-.Ltmp4, $4  }
0x92: {  	[spmem:s3] =	stream.indirect.scatter.add.f32 @!p1 [tilespmem:s29], [sflag:$0x3], $0x80, s2, s0, $0xb8;
	[tilespmem:$0x18880] =	vst v63  }
0x93: {  	_ =	swait.ge @!p1 [sflag:s30], $0x4000  }
0x94: {  	[sflag:s30] =	ssyncset.done @!p1 $0x0  }
0x95: {  	[sflag:s30] =	ssyncadd.s32 @!p1 $0xFFFFC000  }
0x96: {  	[tilespmem:s20], [sflag:$0x1] =	stream.indirect.gather [hbm4b:s1+s18], $0x80, s19, s18, $0xb8;
	[tilespmem:$0x18880] =	vst v63  }
0x97: {  	_ =	swait.ge [sflag:s21], $0x4000  }
0x98: {  	[sflag:s21] =	ssyncset.done $0x0  }
0x99: {  	[sflag:s21] =	ssyncadd.s32 $0xFFFFC000  }
0x9a: {  	[spmem:s3] =	stream.indirect.scatter.add.f32 [tilespmem:s20], [sflag:$0x3], $0x80, s22, s18, $0xb8;
	[tilespmem:$0x18880] =	vst v63  }
0x9b: {  	_ =	swait.ge [sflag:s16], $0x4000  }
0x9c: {  	[sflag:s16] =	ssyncset.done $0x0  }
0x9d: {  	[sflag:s16] =	ssyncadd.s32 $0xFFFFC000  }
0x9e: {  	[tilespmem:s20], [sflag:$0x1] =	stream.indirect.gather [hbm4b:s1+s18], $0x80, s23, s18, $0xb8;
	[tilespmem:$0x18880] =	vst v63  }
0x9f: {  	_ =	swait.ge [sflag:s21], $0x4000  }
0xa0: {  	[sflag:s21] =	ssyncset.done $0x0  }
0xa1: {  	[sflag:s21] =	ssyncadd.s32 $0xFFFFC000  }
0xa2: {  	[spmem:s3] =	stream.indirect.scatter.add.f32 [tilespmem:s20], [sflag:$0x3], $0x80, s24, s18, $0xb8;
	[tilespmem:$0x18880] =	vst v63  }
0xa3: {  	p1 =	sgt.u32 s26, $0x4D5;
	_ =	swait.ge [sflag:s16], $0x4000  }
0xa4: {  	s0 =	simm.s32 @!p1 $0x80;
	[sflag:s16] =	ssyncset.done $0x0  }
0xa5: {  	s2 =	simm.s32 @!p1 $0x600;
	s29 =	simm.s32 @!p1 $0x1000;
	[sflag:s16] =	ssyncadd.s32 $0xFFFFC000  }
0xa6: {  	[tilespmem:s29], [sflag:$0x1] =	stream.indirect.gather @!p1 [hbm4b:s1+s0], $0x80, s2, s0, $0xb8;
	[tilespmem:$0x18880] =	vst v63  }
0xa7: {  	s2 =	simm.s32 @!p1 $0x1  }
0xa8: {  	_ =	swait.ge @!p1 [sflag:s2], $0x4000  }
0xa9: {  	[sflag:s2] =	ssyncset.done @!p1 $0x0  }
0xaa: {  	s30 =	simm.s32 @!p1 $0xE00;
	[sflag:s2] =	ssyncadd.s32 @!p1 $0xFFFFC000  }
0xab: {  	[spmem:s3] =	stream.indirect.scatter.add.f32 @!p1 [tilespmem:s29], [sflag:$0x3], $0x80, s30, s0, $0xb8;
	[tilespmem:$0x18880] =	vst v63  }
0xac: {  	s30 =	simm.s32 @!p1 $0x3  }
0xad: {  	_ =	swait.ge @!p1 [sflag:s30], $0x4000  }
0xae: {  	[sflag:s30] =	ssyncset.done @!p1 $0x0  }
0xaf: {  	s31 =	simm.s32 @!p1 $0x680;
	[sflag:s30] =	ssyncadd.s32 @!p1 $0xFFFFC000  }
0xb0: {  	[tilespmem:s29], [sflag:$0x1] =	stream.indirect.gather @!p1 [hbm4b:s1+s0], $0x80, s31, s0, $0xb8;
	[tilespmem:$0x18880] =	vst v63  }
0xb1: {  	_ =	swait.ge @!p1 [sflag:s2], $0x4000  }
0xb2: {  	[sflag:s2] =	ssyncset.done @!p1 $0x0  }
0xb3: {  	[sflag:s2] =	ssyncadd.s32 @!p1 $0xFFFFC000;
	s2 =	simm.s32 @!p1 $0xE80  }
0xb4: {  	[spmem:s3] =	stream.indirect.scatter.add.f32 @!p1 [tilespmem:s29], [sflag:$0x3], $0x80, s2, s0, $0xb8;
	[tilespmem:$0x18880] =	vst v63  }
0xb5: {  	_ =	swait.ge @!p1 [sflag:s30], $0x4000  }
0xb6: {  	p2 =	sgt.u32 @!p1 s26, $0x4D3;
	[sflag:s30] =	ssyncset.done @!p1 $0x0  }
0xb7: {  	[sflag:s30] =	ssyncadd.s32 @!p1 $0xFFFFC000;
	p1 =	por p2, p1  }
0xb8: {  	s0 =	simm.s32 @!p1 $0x80;
	s2 =	simm.s32 @!p1 $0x700;
	s29 =	simm.s32 @!p1 $0x1000  }
0xb9: {  	[tilespmem:s29], [sflag:$0x1] =	stream.indirect.gather @!p1 [hbm4b:s1+s0], $0x80, s2, s0, $0xb8;
	[tilespmem:$0x18880] =	vst v63  }
0xba: {  	s2 =	simm.s32 @!p1 $0x1  }
0xbb: {  	_ =	swait.ge @!p1 [sflag:s2], $0x4000  }
0xbc: {  	[sflag:s2] =	ssyncset.done @!p1 $0x0  }
0xbd: {  	s30 =	simm.s32 @!p1 $0xF00;
	[sflag:s2] =	ssyncadd.s32 @!p1 $0xFFFFC000  }
0xbe: {  	[spmem:s3] =	stream.indirect.scatter.add.f32 @!p1 [tilespmem:s29], [sflag:$0x3], $0x80, s30, s0, $0xb8;
	[tilespmem:$0x18880] =	vst v63  }
0xbf: {  	s30 =	simm.s32 @!p1 $0x3  }
0xc0: {  	_ =	swait.ge @!p1 [sflag:s30], $0x4000  }
0xc1: {  	[sflag:s30] =	ssyncset.done @!p1 $0x0  }
0xc2: {  	[sflag:s30] =	ssyncadd.s32 @!p1 $0xFFFFC000;
	s30 =	simm.s32 @!p1 $0x780  }
0xc3: {  	[tilespmem:s29], [sflag:$0x1] =	stream.indirect.gather @!p1 [hbm4b:s1+s0], $0x80, s30, s0, $0xb8;
	[tilespmem:$0x18880] =	vst v63  }
0xc4: {  	_ =	swait.ge @!p1 [sflag:s2], $0x4000  }
0xc5: {  	[sflag:s2] =	ssyncset.done @!p1 $0x0  }
0xc6: {  	[sflag:s2] =	ssyncadd.s32 @!p1 $0xFFFFC000;
	s2 =	simm.s32 @!p1 $0xF80  }
0xc7: {  	[spmem:s3] =	stream.indirect.scatter.add.f32 @!p1 [tilespmem:s29], [sflag:$0x2], $0x80, s2, s0, $0xb8;
	[tilespmem:$0x18880] =	vst v63  }
.Ltmp5:
0xc8: {  	_ = 	snop;
	(pc) =	sbr.rel .LBB2_4-.Ltmp5, $4  }
0xc9: {  	s0 =	simm.s32 @!p1 $0x2  }
0xca: {  	_ =	swait.ge @!p1 [sflag:s0], $0x4000  }
0xcb: {  	[sflag:s0] =	ssyncset.done @!p1 $0x0  }
0xcc: {  	[sflag:s0] =	ssyncadd.s32 @!p1 $0xFFFFC000  }
.LBB2_6:
0xcd: {  	_ =	sfence.sel $0x180000  }
0xce: {  	[bflag:$0x0] =	sbarrier.arrive $0xFFFF  }
0xcf: {  	_ =	strace $0x90000047  }
0xd0: {  	s0 =	stileid.u32;
	[bflag:$0x2] =	sbarrier.arrive $0xFFFF  }
0xd1: {  	p0 =	sne.s32 s0, $0x0;
	s0 =	rddreg [dreg:$0x3]  }
0xd2: {  	s0 =	sadd.s32 @!p0 $0x100000, s0  }
0xd3: {  	[sflag:s0] =	ssyncadd.tile.s32 @!p0 $0x1;
	_ =	shalt  }
.Lfunc_end2:
_tile_overlayer_lowered:
.L_overlay_start_2:
0xd4: {  	(tag) =	ssettag $0x2  }
0xd5: {  	s0 =	rddreg [dreg:$0x0];
	s2 =	stileid.u32  }
0xd6: {  	s1 =	rddreg [dreg:$0x1];
	p0 =	sne.s32 s2, $0x0  }
0xd7: {  	s3 =	rddreg [dreg:$0x2];
	[bflag:$0x3] =	sbarrier.arrive $0xFFFF;
	s2 =	simm.s32 @!p0 $0x1C02  }
0xd8: {  	[timem:s3], [sflag:s2] =	dma.local @!p0 [hbm:s0], s1  }
0xd9: {  	s0 =	simm.s32 @!p0 $0x2  }
0xda: {  	_ =	swait.ge @!p0 [sflag:s0], s1  }
0xdb: {  	s1 =	ssub.s32 @!p0 $0x0, s1;
	[sflag:s0] =	ssyncset.done @!p0 $0x0  }
0xdc: {  	[sflag:s0] =	ssyncadd.s32 @!p0 s1  }
0xdd: {  	[bflag:$0x3] =	sbarrier.arrive $0xFFFF  }
0xde: {  	_ =	shalt  }

// kernel: kernel.18.cloned.1.call-start
scs
__scs_entry_jumppad:
0x0: {  	(pc) =	sbr.rel $0x88, $3  }
0x1: {  	(tag) =	ssettag $0x0;
	lr =	simm.s32 $0x1  }
0x2: {  	[smem:$0x3F8E] =	sst lr;
	_ =	strace $0xD0000000  }
0x3: {  	_ = 	snop  }
0x4: {  	_ = 	snop  }
0x5: {  	_ = 	snop  }
0x6: {  	_ = 	snop  }
0x7: {  	_ = 	snop  }
__scs_overlays_trampoline_lowered:
0x8: {  	[smem:$0x3F9D] =	sst s0  }
0x9: {  	[smem:$0x3F9E] =	sst s1  }
0xa: {  	[smem:$0x3F9F] =	sst s2  }
0xb: {  	[smem:$0x3FA0] =	sst s3  }
0xc: {  	[smem:$0x3FA1] =	sst s4  }
0xd: {  	[smem:$0x3FA2] =	sst s5  }
0xe: {  	[smem:$0x3FA3] =	sst s6  }
0xf: {  	[smem:$0x3FA4] =	sst s7  }
0x10: {  	[smem:$0x3FA5] =	sst s8  }
0x11: {  	[smem:$0x3FA6] =	sst s9;
	s0 =	simm.s32 @!p0 $0x0  }
0x12: {  	s1 =	sld [smem:$0x3F8C];
	s0 =	simm.s32 @p0 $0x1  }
0x13: {  	[smem:$0x3FA7] =	sst s0;
	s0 =	simm.s32 @!p1 $0x0  }
0x14: {  	s2 =	sld [smem:$0x3F8B];
	s0 =	simm.s32 @p1 $0x1  }
0x15: {  	[smem:$0x3FA8] =	sst s0;
	s0 =	simm.s32 @!p2 $0x0  }
0x16: {  	s3 =	sld [smem:$0x3FDB];
	s0 =	simm.s32 @p2 $0x1  }
0x17: {  	s4 =	simm.s32 $0x1BF5;
	[smem:$0x3FAA] =	sst s0  }
0x18: {  	s0 =	sld [smem:$0x3F8D];
	_ =	swait.ge [sflag:s4], $0x0  }
0x19: {  	s7 =	sld [smem:$0x3F8E]  }
0x1a: {  	s8 =	sadd.s32 $0xFFFFE003, lr  }
0x1b: {  	s9 =	sadd.s32 $0xFFFFFEF7, lr;
	s5 =	simm.s32 $0xFFFFFFFF;
	p2 =	slt.u32 s8, $0xFFFFF086  }
0x1c: {  	p1 =	slt.u32 s9, $0xF7A;
	s5 =	simm.s32 @!p2 $0x0  }
0x1d: {  	s5 =	simm.s32 @p1 $0x1;
	p0 =	seq.s32 s7, s2  }
0x1e: {  	s7 =	smul.u32 @!p0 $0xF7A, s2;
	p2 =	seq.s32 @!p0 s5, $0x0  }
0x1f: {  	s9 =	smul.u32 $0xF7A, s1;
	s8 =	simm.s32 @!p0 $0x1BF5;
	p2 =	por !p2, p0  }
0x20: {  	[sflag:s8] =	ssyncset.s32 @!p0 $0xFFFFF086;
	s6 =	sadd.s32 @!p0 s3, s7;
	s7 =	simm.s32 @!p0 $0x108  }
0x21: {  	s3 =	sadd.s32 s3, s9;
	s6 =	sadd.s32 @!p0 $0x88, s6;
	s7 =	simm.s32 @p2 $0x1082  }
0x22: {  	[simem:s7], [sflag:s8] =	dma.local @!p0 [hbm:s6], $0xF7A  }
0x23: {  	s9 =	sor.u32 $0xD0000000, s2;
	s6 =	simm.s32 $0x108;
	_ =	swait.ge @!p0 [sflag:s8], $0x0  }
0x24: {  	s3 =	sadd.s32 $0x88, s3;
	s6 =	simm.s32 @!p1 $0x1082;
	[sflag:s4] =	ssyncset.s32 $0xFFFFF086  }
0x25: {  	[simem:s6], [sflag:s4] =	dma.local [hbm:s3], $0xF7A  }
0x26: {  	[smem:$0x3F8E] =	sst s1;
	(tag) =	ssettag s2;
	_ =	strace s9  }
0x27: {  	s1 =	sld [smem:$0x3F9E]  }
0x28: {  	s2 =	sld [smem:$0x3F9F]  }
0x29: {  	s4 =	sld [smem:$0x3FA1]  }
0x2a: {  	p0 =	seq.s32 s5, $0x0;
	s5 =	sld [smem:$0x3FA2]  }
0x2b: {  	s6 =	sld [smem:$0x3FA3]  }
0x2c: {  	s7 =	sld [smem:$0x3FA4]  }
0x2d: {  	s3 =	simm.s32 $0x108;
	s8 =	sld [smem:$0x3FA5]  }
0x2e: {  	s3 =	simm.s32 @!p0 $0x1082;
	s9 =	sld [smem:$0x3FA6]  }
0x2f: {  	lr =	sadd.s32 s0, s3;
	s0 =	sld [smem:$0x3F9D]  }
0x30: {  	s3 =	sld [smem:$0x3FA0]  }
0x31: {  	[smem:$0x3FA9] =	sst s10  }
0x32: {  	s10 =	sld [smem:$0x3FA7];
	_ =	sdelay $0x3  }
0x33: {  	p0 =	seq.s32 s10, $0x1;
	s10 =	sld [smem:$0x3FA9];
	_ =	sdelay $0x3  }
0x34: {  	[smem:$0x3FA9] =	sst s10  }
0x35: {  	s10 =	sld [smem:$0x3FA8];
	_ =	sdelay $0x3  }
0x36: {  	p1 =	seq.s32 s10, $0x1;
	s10 =	sld [smem:$0x3FA9];
	_ =	sdelay $0x3  }
0x37: {  	[smem:$0x3FA9] =	sst s10  }
0x38: {  	s10 =	sld [smem:$0x3FAA]  }
0x39: {  	_ = 	snop;
	(pc) =	sbr.ind lr, $3  }
0x3a: {  	_ = 	snop  }
0x3b: {  	_ = 	snop  }
0x3c: {  	p2 =	seq.s32 s10, $0x1;
	s10 =	sld [smem:$0x3FA9]  }
0x3d: {  	_ =	shalt  }
0x3e: {  	_ =	shalt  }
0x3f: {  	_ =	shalt  }
0x40: {  	_ =	shalt  }
0x41: {  	_ =	shalt  }
0x42: {  	_ =	shalt  }
0x43: {  	_ =	shalt  }
0x44: {  	_ =	shalt  }
0x45: {  	_ =	shalt  }
0x46: {  	_ =	shalt  }
0x47: {  	_ =	shalt  }
0x48: {  	_ =	shalt  }
0x49: {  	_ =	shalt  }
0x4a: {  	_ =	shalt  }
0x4b: {  	_ =	shalt  }
0x4c: {  	_ =	shalt  }
0x4d: {  	_ =	shalt  }
0x4e: {  	_ =	shalt  }
0x4f: {  	_ =	shalt  }
0x50: {  	_ =	shalt  }
0x51: {  	_ =	shalt  }
0x52: {  	_ =	shalt  }
0x53: {  	_ =	shalt  }
0x54: {  	_ =	shalt  }
0x55: {  	_ =	shalt  }
0x56: {  	_ =	shalt  }
0x57: {  	_ =	shalt  }
0x58: {  	_ =	shalt  }
0x59: {  	_ =	shalt  }
0x5a: {  	_ =	shalt  }
0x5b: {  	_ =	shalt  }
0x5c: {  	_ =	shalt  }
0x5d: {  	_ =	shalt  }
0x5e: {  	_ =	shalt  }
0x5f: {  	_ =	shalt  }
0x60: {  	_ =	shalt  }
0x61: {  	_ =	shalt  }
0x62: {  	_ =	shalt  }
0x63: {  	_ =	shalt  }
0x64: {  	_ =	shalt  }
0x65: {  	_ =	shalt  }
0x66: {  	_ =	shalt  }
0x67: {  	_ =	shalt  }
0x68: {  	_ =	shalt  }
0x69: {  	_ =	shalt  }
0x6a: {  	_ =	shalt  }
0x6b: {  	_ =	shalt  }
0x6c: {  	_ =	shalt  }
0x6d: {  	_ =	shalt  }
0x6e: {  	_ =	shalt  }
0x6f: {  	_ =	shalt  }
0x70: {  	_ =	shalt  }
0x71: {  	_ =	shalt  }
0x72: {  	_ =	shalt  }
0x73: {  	_ =	shalt  }
0x74: {  	_ =	shalt  }
0x75: {  	_ =	shalt  }
0x76: {  	_ =	shalt  }
0x77: {  	_ =	shalt  }
0x78: {  	_ =	shalt  }
0x79: {  	_ =	shalt  }
0x7a: {  	_ =	shalt  }
0x7b: {  	_ =	shalt  }
0x7c: {  	_ =	shalt  }
0x7d: {  	_ =	shalt  }
0x7e: {  	_ =	shalt  }
0x7f: {  	_ =	shalt  }
0x80: {  	_ =	shalt  }
0x81: {  	_ =	shalt  }
0x82: {  	_ =	shalt  }
0x83: {  	_ =	shalt  }
0x84: {  	_ =	shalt  }
0x85: {  	_ =	shalt  }
0x86: {  	_ =	shalt  }
0x87: {  	_ =	shalt  }
.Lfunc_end0:
.L_simem_size_0:
called_computation.2_lowered:
.L_overlay_start_0:
0x88: {  	s2 =	sld [smem:$0x3FD9]  }
0x89: {  	s3 =	sld [smem:$0x3FFE];
	_ =	sdelay $0x1  }
0x8a: {  	s1 =	srdreg.scid  }
0x8b: {  	s0 =	sand.u32 $0x1, s1  }
0x8c: {  	s16 =	sshll.u32 s0, $0xA;
	s2 =	sadd.s32 s3, s2  }
0x8d: {  	s2 =	sadd.s32 s2, s16  }
0x8e: {  	[smem:$0x3FB5] =	sst s2  }
0x8f: {  	_ = 	snop  }
0x90: {  	(tm) =	ssettm $0x1  }
0x91: {  	s17 =	sld [smem:$0x3FFB];
	_ =	sdelay $0x3  }
0x92: {  	_ =	strace s17  }
0x93: {  	s2 =	sld [smem:$0x3FFC];
	_ =	sdelay $0x3  }
0x94: {  	_ =	strace s2  }
0x95: {  	s2 =	sld [smem:$0x3FFD];
	_ =	sdelay $0x3  }
0x96: {  	_ =	strace s2  }
0x97: {  	_ =	strace $0x8FFFFFFF  }
0x98: {  	s18 =	sld [smem:$0x3FDB];
	_ =	sdelay $0x1  }
0x99: {  	s19 =	simm.s32 $_scs_section_size  }
0x9a: {  	s4 =	simm.s32 $_size__tile_overlayer_lowered;
	s5 =	simm.s32 $_tile_overlayer_lowered  }
0x9b: {  	s22 =	simm.s32 $0x1BFF;
	s21 =	sshll.u32 s5, $0x1;
	s2 =	sadd.s32 s19, s18  }
0x9c: {  	s6 =	simm.s32 $0x0;
	s20 =	sshll.u32 s4, $0x1;
	s4 =	sadd.s32 s21, s2  }
0x9d: {  	[timem:s6], [sflag:s22] =	dma.local [hbm:s4], s20  }
0x9e: {  	_ =	swait.ge [sflag:s22], s20  }
0x9f: {  	s3 =	ssub.s32 $0x0, s20;
	[sflag:s22] =	ssyncset.done $0x0  }
0xa0: {  	[sflag:s22] =	ssyncadd.s32 s3;
	_ =	sdelay $0x1  }
0xa1: {  	s23 =	simm.s32 $0x1B8B  }
0xa2: {  	_ =	swait.ge [sflag:s23], $0x1  }
0xa3: {  	[sflag:s23] =	ssyncset.done $0x0  }
0xa4: {  	s25 =	simm.s32 $0x1B8E;
	s24 =	sld [smem:$0x3FFE];
	[sflag:s23] =	ssyncadd.s32 $0xFFFFFFFF  }
0xa5: {  	s26 =	simm.s32 $execute0_lowered;
	[smem:$0x3FD2] =	sst s25  }
0xa6: {  	s4 =	sshll.u32 s26, $0x1;
	_ =	strace $0x8000004C;
	[dreg:$0x1] =	wrdreg $0xFFFFFFFF  }
0xa7: {  	s28 =	simm.s32 $_size_execute0_lowered;
	s2 =	sadd.s32 s2, s4;
	[dreg:$0x0] =	wrdreg $0x0  }
0xa8: {  	s4 =	sshll.u32 s28, $0x1;
	[dreg:$0x2] =	wrdreg s2  }
0xa9: {  	[dreg:$0x3] =	wrdreg s4  }
0xaa: {  	[dreg:$0x4] =	wrdreg $0xC0  }
0xab: {  	_ =	task [dreg:s6], $0x5FFFF  }
0xac: {  	[dreg:$0x1] =	wrdreg $0xFFFFFFFF  }
0xad: {  	[dreg:$0x0] =	wrdreg $0x60  }
0xae: {  	[dreg:$0x2] =	wrdreg s24  }
0xaf: {  	[dreg:$0x3] =	wrdreg $0x50000  }
0xb0: {  	[dreg:$0x4] =	wrdreg $0x9  }
0xb1: {  	_ =	task.clear_ibuf [dreg:s6], $0x5FFFF;
	_ =	strace $0x9000004C  }
0xb2: {  	s29 =	simm.s32 $0x9;
	_ =	strace $0x8000004E  }
0xb3: {  	_ =	swait.ge [sflag:s29], $0x1  }
0xb4: {  	[sflag:s29] =	ssyncadd.s32 $0xFFFFFFFF  }
0xb5: {  	_ =	strace $0x9000004E  }
0xb6: {  	_ =	sfence  }
0xb7: {  	s30 =	sld [smem:$0x0];
	_ =	sdelay $0x2  }
0xb8: {  	s31 =	sshll.u32 s1, $0xD;
	s1 =	sshrl.u32 s1, $0x2  }
0xb9: {  	s3 =	sand.u32 $0x4000, s31;
	s1 =	sadd.s32 s1, s30  }
0xba: {  	s0 =	sor.u32 s3, s0;
	s1 =	sshll.u32 s1, $0x11  }
0xbb: {  	s0 =	sor.u32 s1, s0  }
0xbc: {  	s0 =	sadd.s32 $0x8F2B, s0  }
0xbd: {  	[sflag:s0] =	ssyncadd.remote.s32 $0x1  }
0xbe: {  	_ =	sfence.sel $0xFFFF  }
0xbf: {  	[dreg:$0x0] =	wrdreg $0xFFFFFFFF;
	(pc) =	sbr.abs _section_cstart, $3  }
0xc0: {  	[dreg:$0x1] =	wrdreg $0xFFFFFFFF  }
0xc1: {  	_ =	task.clear_ibuf [dreg:s6], $0x2FFFF;
	_ =	strace $0x9FFFFFFF  }
0xc2: {  	(tm) =	ssettm $0x7FFFFFFF  }
0xc3: {  	_ =	shalt  }
tec
execute0_lowered:
.L_overlay_start_1:
0x0: {  	(tag) =	ssettag $0x1  }
0x1: {  	s0 =	srdreg.scid;
	s6 =	rddreg [dreg:$0x0]  }
0x2: {  	s2 =	rddreg [dreg:$0x1];
	s3 =	simm.s32 $0x0;
	s16 =	simm.s32 $0x3  }
0x3: {  	s17 =	simm.s32 $0x800;
	s18 =	simm.s32 $0x80;
	s1 =	sand.u32 $0x1, s0  }
0x4: {  	s19 =	simm.s32 $0x400;
	s0 =	stileid.u32;
	s4 =	smul.u32 $0x50000, s1  }
0x5: {  	s20 =	simm.s32 $0x1000;
	s28 =	simm.s32 $0x580;
	s5 =	smul.u32 $0x5000, s0  }
0x6: {  	s29 =	simm.s32 $0xD80;
	s30 =	simm.s32 $0x0;
	s7 =	smul.u32 $0x2780, s0  }
0x7: {  	[smem:$0x7FF] =	sst s3;
	s9 =	sadd.s32 $0x102C00, s6;
	s8 =	smul.u32 $0x4F000, s0  }
0x8: {  	s13 =	sadd.s32 $0x128400, s2;
	s22 =	ssub.s32 $0x2, s1;
	s1 =	smul.u32 $0x138800, s1  }
0x9: {  	s25 =	sadd.s32 $0x3BE80, s6;
	_ =	strace $0x8000004D;
	s24 =	smul.u32 $0x13C00, s0  }
0xa: {  	[dreg:$0x4] =	wrdreg s25;
	s26 =	smul.u32 $0xA0, s0;
	p0 =	seq.s32 s0, $0xF  }
0xb: {  	s25 =	simm.s32 $0x500;
	s10 =	sshrl.u32 s22, $0x1;
	s13 =	sshrl.u32 @p0 s13, $0x3  }
0xc: {  	s4 =	sadd.s32 s5, s4;
	s21 =	sadd.s32 s7, s6;
	s10 =	ssub.s32 s22, s10  }
0xd: {  	s23 =	sshrl.u32 s8, $0x2;
	s8 =	sadd.s32 s24, s1;
	s1 =	sshrl.u32 s1, $0x3  }
0xe: {  	[dreg:$0x5] =	wrdreg s26;
	s22 =	simm.s32 $0xC00;
	s24 =	simm.s32 $0xC80  }
0xf: {  	s26 =	simm.s32 $0xD00;
	s5 =	sshrl.u32 s4, $0x3;
	s4 =	sadd.s32 $0x3E000, s6  }
0x10: {  	s15 =	sadd.s32 s23, s2;
	s8 =	sshrl.u32 s8, $0x3;
	s1 =	sadd.s32 s9, s1  }
.Ltmp0:
0x11: {  	s10 =	smax.u32 s10, $0x1;
	s23 =	simm.s32 $0x480;
	(pc) =	sbr.rel .LBB2_1-.Ltmp0, $4  }
0x12: {  	s12 =	sadd.s32 s5, s6;
	s5 =	sadd.s32 $0x16E00, s21;
	s31 =	sadd.s32 s9, s8  }
0x13: {  	s9 =	sadd.s32 $0x25080, s1;
	s1 =	sshll.u32 @!p0 s0, $0x6;
	[dreg:$0x3] =	wrdreg s5  }
0x14: {  	s15 =	sshrl.u32 @!p0 s15, $0x3;
	s21 =	simm.s32 $0x1;
	[dreg:$0x6] =	wrdreg s31  }
0x15: {  	s11 =	sadd.s32 $0xDAC00, s12;
	s12 =	sadd.s32 $0xEEC00, s12;
	s14 =	sor.u32 @!p0 $0x1C02, s1  }
.LBB2_5:
0x16: {  	[bflag:$0x0] =	sbarrier.arrive $0xFFFF;
	s0 =	simm.s32 @p0 $0x1FC2  }
0x17: {  	[hbm:s9], [sflag:s0] =	dma.local @p0 [spmem:s13], $0x2080  }
0x18: {  	s0 =	simm.s32 @p0 $0x2  }
0x19: {  	_ =	swait.ge @p0 [sflag:s0], $0x2080  }
0x1a: {  	s30 =	sadd.s32 $0x1, s30;
	[sflag:s0] =	ssyncset.done @p0 $0x0  }
0x1b: {  	p1 =	sne.s32 s30, s10;
	[sflag:s0] =	ssyncadd.s32 @p0 $0xFFFFDF80;
	s0 =	rddreg [dreg:$0x6]  }
0x1c: {  	[hbm:s0], [sflag:s14] =	dma.local @!p0 [spmem:s15], $0x2780  }
.Ltmp1:
0x1d: {  	_ = 	snop;
	(pc) =	sbr.rel @!p1 .LBB2_6-.Ltmp1, $4  }
0x1e: {  	s0 =	simm.s32 @!p0 $0x2  }
0x1f: {  	_ =	swait.ge @!p0 [sflag:s0], $0x2780  }
0x20: {  	[sflag:s0] =	ssyncset.done @!p0 $0x0  }
0x21: {  	[sflag:s0] =	ssyncadd.s32 @!p0 $0xFFFFD880  }
.LBB2_1:
0x22: {  	s1 =	simm.s32 @p0 $0x1FC2;
	s0 =	rddreg [dreg:$0x4]  }
0x23: {  	[spmem:s13], [sflag:s1] =	dma.local @p0 [hbm:s0], $0x2080  }
0x24: {  	s1 =	simm.s32 @p0 $0x2  }
0x25: {  	_ =	swait.ge @p0 [sflag:s1], $0x2080  }
0x26: {  	[sflag:s1] =	ssyncset.done @p0 $0x0  }
0x27: {  	s0 =	rddreg [dreg:$0x3];
	[sflag:s1] =	ssyncadd.s32 @p0 $0xFFFFDF80;
	s1 =	simm.s32 @!p0 $0x2  }
0x28: {  	[spmem:s15], [sflag:s14] =	dma.local @!p0 [hbm:s0], $0x2780  }
.Ltmp2:
0x29: {  	_ =	swait.ge @!p0 [sflag:s1], $0x2780;
	(pc) =	sbr.rel .LBB2_2-.Ltmp2, $4  }
0x2a: {  	[sflag:s1] =	ssyncset.done @!p0 $0x0  }
0x2b: {  	[sflag:s1] =	ssyncadd.s32 @!p0 $0xFFFFD880  }
0x2c: {  	[bflag:$0x0] =	sbarrier.arrive $0xFFFF  }
0x2d: {  	s1 =	simm.s32 $0x0;
	s31 =	rddreg [dreg:$0x5]  }
.LBB2_4:
0x2e: {  	s1 =	sadd.s32 $0x100, s1  }
0x2f: {  	p1 =	sne.s32 s1, $0xA00  }
.Ltmp3:
0x30: {  	_ = 	snop;
	(pc) =	sbr.rel @!p1 .LBB2_5-.Ltmp3, $2  }
0x31: {  	_ =	sdelay $0x2  }
0x32: {  	s31 =	sadd.s32 $0x10, s31  }
.LBB2_2:
0x33: {  	s0 =	sadd.s32 s1, s12  }
0x34: {  	[tilespmem:s3], [sflag:$0x3] =	stream.linear.gather [hbm4b:s0+s3], $0x800, $0x38;
	[tilespmem:$0x18880] =	vst v63  }
0x35: {  	_ =	swait.ge [sflag:s16], $0x800  }
0x36: {  	[sflag:s16] =	ssyncset.done $0x0  }
0x37: {  	s8 =	sadd.s32 s1, s11;
	[sflag:s16] =	ssyncadd.s32 $0xFFFFF800  }
0x38: {  	[tilespmem:s17], [sflag:$0x3] =	stream.linear.gather [hbm4b:s8+s3], $0x800, $0x38;
	[tilespmem:$0x18880] =	vst v63  }
0x39: {  	p1 =	sgt.u32 s31, $0x9C3;
	_ =	swait.ge [sflag:s16], $0x800  }
0x3a: {  	s0 =	simm.s32 @!p1 $0x80;
	[sflag:s16] =	ssyncset.done $0x0  }
0x3b: {  	s5 =	simm.s32 @!p1 $0x0;
	s6 =	simm.s32 @!p1 $0x1000;
	[sflag:s16] =	ssyncadd.s32 $0xFFFFF800  }
0x3c: {  	[tilespmem:s6], [sflag:$0x1] =	stream.indirect.gather @!p1 [hbm4b:s4+s0], $0x80, s5, s0, $0xb8;
	[tilespmem:$0x18880] =	vst v63  }
0x3d: {  	s5 =	simm.s32 @!p1 $0x1  }
0x3e: {  	_ =	swait.ge @!p1 [sflag:s5], $0x4000  }
0x3f: {  	[sflag:s5] =	ssyncset.done @!p1 $0x0  }
0x40: {  	s7 =	simm.s32 @!p1 $0x800;
	[sflag:s5] =	ssyncadd.s32 @!p1 $0xFFFFC000  }
0x41: {  	[spmem:s2] =	stream.indirect.scatter.add.f32 @!p1 [tilespmem:s6], [sflag:$0x3], $0x80, s7, s0, $0xb8;
	[tilespmem:$0x18880] =	vst v63  }
0x42: {  	s7 =	simm.s32 @!p1 $0x3  }
0x43: {  	_ =	swait.ge @!p1 [sflag:s7], $0x4000  }
0x44: {  	[sflag:s7] =	ssyncset.done @!p1 $0x0  }
0x45: {  	[sflag:s7] =	ssyncadd.s32 @!p1 $0xFFFFC000  }
0x46: {  	[tilespmem:s6], [sflag:$0x1] =	stream.indirect.gather @!p1 [hbm4b:s4+s0], $0x80, s0, s0, $0xb8;
	[tilespmem:$0x18880] =	vst v63  }
0x47: {  	_ =	swait.ge @!p1 [sflag:s5], $0x4000  }
0x48: {  	[sflag:s5] =	ssyncset.done @!p1 $0x0  }
0x49: {  	s8 =	simm.s32 @!p1 $0x880;
	[sflag:s5] =	ssyncadd.s32 @!p1 $0xFFFFC000  }
0x4a: {  	[spmem:s2] =	stream.indirect.scatter.add.f32 @!p1 [tilespmem:s6], [sflag:$0x3], $0x80, s8, s0, $0xb8;
	[tilespmem:$0x18880] =	vst v63  }
0x4b: {  	_ =	swait.ge @!p1 [sflag:s7], $0x4000  }
0x4c: {  	[sflag:s7] =	ssyncset.done @!p1 $0x0  }
0x4d: {  	s8 =	simm.s32 @!p1 $0x100;
	[sflag:s7] =	ssyncadd.s32 @!p1 $0xFFFFC000  }
0x4e: {  	[tilespmem:s6], [sflag:$0x1] =	stream.indirect.gather @!p1 [hbm4b:s4+s0], $0x80, s8, s0, $0xb8;
	[tilespmem:$0x18880] =	vst v63  }
0x4f: {  	_ =	swait.ge @!p1 [sflag:s5], $0x4000  }
0x50: {  	[sflag:s5] =	ssyncset.done @!p1 $0x0  }
0x51: {  	s8 =	simm.s32 @!p1 $0x900;
	[sflag:s5] =	ssyncadd.s32 @!p1 $0xFFFFC000  }
0x52: {  	[spmem:s2] =	stream.indirect.scatter.add.f32 @!p1 [tilespmem:s6], [sflag:$0x3], $0x80, s8, s0, $0xb8;
	[tilespmem:$0x18880] =	vst v63  }
0x53: {  	_ =	swait.ge @!p1 [sflag:s7], $0x4000  }
0x54: {  	[sflag:s7] =	ssyncset.done @!p1 $0x0  }
0x55: {  	s8 =	simm.s32 @!p1 $0x180;
	[sflag:s7] =	ssyncadd.s32 @!p1 $0xFFFFC000  }
0x56: {  	[tilespmem:s6], [sflag:$0x1] =	stream.indirect.gather @!p1 [hbm4b:s4+s0], $0x80, s8, s0, $0xb8;
	[tilespmem:$0x18880] =	vst v63  }
0x57: {  	_ =	swait.ge @!p1 [sflag:s5], $0x4000  }
0x58: {  	[sflag:s5] =	ssyncset.done @!p1 $0x0  }
0x59: {  	[sflag:s5] =	ssyncadd.s32 @!p1 $0xFFFFC000;
	s5 =	simm.s32 @!p1 $0x980  }
0x5a: {  	[spmem:s2] =	stream.indirect.scatter.add.f32 @!p1 [tilespmem:s6], [sflag:$0x3], $0x80, s5, s0, $0xb8;
	[tilespmem:$0x18880] =	vst v63  }
0x5b: {  	_ =	swait.ge @!p1 [sflag:s7], $0x4000  }
0x5c: {  	p2 =	sgt.u32 @!p1 s31, $0x9BF;
	[sflag:s7] =	ssyncset.done @!p1 $0x0  }
0x5d: {  	[sflag:s7] =	ssyncadd.s32 @!p1 $0xFFFFC000;
	p1 =	por p1, p2  }
0x5e: {  	s0 =	simm.s32 @!p1 $0x80;
	s5 =	simm.s32 @!p1 $0x200;
	s6 =	simm.s32 @!p1 $0x1000  }
0x5f: {  	[tilespmem:s6], [sflag:$0x1] =	stream.indirect.gather @!p1 [hbm4b:s4+s0], $0x80, s5, s0, $0xb8;
	[tilespmem:$0x18880] =	vst v63  }
0x60: {  	s5 =	simm.s32 @!p1 $0x1  }
0x61: {  	_ =	swait.ge @!p1 [sflag:s5], $0x4000  }
0x62: {  	[sflag:s5] =	ssyncset.done @!p1 $0x0  }
0x63: {  	s7 =	simm.s32 @!p1 $0xA00;
	[sflag:s5] =	ssyncadd.s32 @!p1 $0xFFFFC000  }
0x64: {  	[spmem:s2] =	stream.indirect.scatter.add.f32 @!p1 [tilespmem:s6], [sflag:$0x3], $0x80, s7, s0, $0xb8;
	[tilespmem:$0x18880] =	vst v63  }
0x65: {  	s7 =	simm.s32 @!p1 $0x3  }
0x66: {  	_ =	swait.ge @!p1 [sflag:s7], $0x4000  }
0x67: {  	[sflag:s7] =	ssyncset.done @!p1 $0x0  }
0x68: {  	s8 =	simm.s32 @!p1 $0x280;
	[sflag:s7] =	ssyncadd.s32 @!p1 $0xFFFFC000  }
0x69: {  	[tilespmem:s6], [sflag:$0x1] =	stream.indirect.gather @!p1 [hbm4b:s4+s0], $0x80, s8, s0, $0xb8;
	[tilespmem:$0x18880] =	vst v63  }
0x6a: {  	_ =	swait.ge @!p1 [sflag:s5], $0x4000  }
0x6b: {  	[sflag:s5] =	ssyncset.done @!p1 $0x0  }
0x6c: {  	s8 =	simm.s32 @!p1 $0xA80;
	[sflag:s5] =	ssyncadd.s32 @!p1 $0xFFFFC000  }
0x6d: {  	[spmem:s2] =	stream.indirect.scatter.add.f32 @!p1 [tilespmem:s6], [sflag:$0x3], $0x80, s8, s0, $0xb8;
	[tilespmem:$0x18880] =	vst v63  }
0x6e: {  	_ =	swait.ge @!p1 [sflag:s7], $0x4000  }
0x6f: {  	[sflag:s7] =	ssyncset.done @!p1 $0x0  }
0x70: {  	s8 =	simm.s32 @!p1 $0x300;
	[sflag:s7] =	ssyncadd.s32 @!p1 $0xFFFFC000  }
0x71: {  	[tilespmem:s6], [sflag:$0x1] =	stream.indirect.gather @!p1 [hbm4b:s4+s0], $0x80, s8, s0, $0xb8;
	[tilespmem:$0x18880] =	vst v63  }
0x72: {  	_ =	swait.ge @!p1 [sflag:s5], $0x4000  }
0x73: {  	[sflag:s5] =	ssyncset.done @!p1 $0x0  }
0x74: {  	s8 =	simm.s32 @!p1 $0xB00;
	[sflag:s5] =	ssyncadd.s32 @!p1 $0xFFFFC000  }
0x75: {  	[spmem:s2] =	stream.indirect.scatter.add.f32 @!p1 [tilespmem:s6], [sflag:$0x3], $0x80, s8, s0, $0xb8;
	[tilespmem:$0x18880] =	vst v63  }
0x76: {  	_ =	swait.ge @!p1 [sflag:s7], $0x4000  }
0x77: {  	[sflag:s7] =	ssyncset.done @!p1 $0x0  }
0x78: {  	s8 =	simm.s32 @!p1 $0x380;
	[sflag:s7] =	ssyncadd.s32 @!p1 $0xFFFFC000  }
0x79: {  	[tilespmem:s6], [sflag:$0x1] =	stream.indirect.gather @!p1 [hbm4b:s4+s0], $0x80, s8, s0, $0xb8;
	[tilespmem:$0x18880] =	vst v63  }
0x7a: {  	p2 =	sgt.u32 @!p1 s31, $0x9BB;
	_ =	swait.ge @!p1 [sflag:s5], $0x4000  }
0x7b: {  	p2 =	por p1, p2;
	[sflag:s5] =	ssyncset.done @!p1 $0x0  }
.Ltmp4:
0x7c: {  	[sflag:s5] =	ssyncadd.s32 @!p1 $0xFFFFC000;
	s5 =	simm.s32 @!p1 $0xB80;
	(pc) =	sbr.rel @p2 .LBB2_4-.Ltmp4, $4  }
0x7d: {  	[spmem:s2] =	stream.indirect.scatter.add.f32 @!p1 [tilespmem:s6], [sflag:$0x3], $0x80, s5, s0, $0xb8;
	[tilespmem:$0x18880] =	vst v63  }
0x7e: {  	_ =	swait.ge @!p1 [sflag:s7], $0x4000  }
0x7f: {  	[sflag:s7] =	ssyncset.done @!p1 $0x0  }
0x80: {  	[sflag:s7] =	ssyncadd.s32 @!p1 $0xFFFFC000  }
0x81: {  	[tilespmem:s20], [sflag:$0x1] =	stream.indirect.gather [hbm4b:s4+s18], $0x80, s19, s18, $0xb8;
	[tilespmem:$0x18880] =	vst v63  }
0x82: {  	_ =	swait.ge [sflag:s21], $0x4000  }
0x83: {  	[sflag:s21] =	ssyncset.done $0x0  }
0x84: {  	[sflag:s21] =	ssyncadd.s32 $0xFFFFC000  }
0x85: {  	[spmem:s2] =	stream.indirect.scatter.add.f32 [tilespmem:s20], [sflag:$0x3], $0x80, s22, s18, $0xb8;
	[tilespmem:$0x18880] =	vst v63  }
0x86: {  	_ =	swait.ge [sflag:s16], $0x4000  }
0x87: {  	[sflag:s16] =	ssyncset.done $0x0  }
0x88: {  	[sflag:s16] =	ssyncadd.s32 $0xFFFFC000  }
0x89: {  	[tilespmem:s20], [sflag:$0x1] =	stream.indirect.gather [hbm4b:s4+s18], $0x80, s23, s18, $0xb8;
	[tilespmem:$0x18880] =	vst v63  }
0x8a: {  	_ =	swait.ge [sflag:s21], $0x4000  }
0x8b: {  	[sflag:s21] =	ssyncset.done $0x0  }
0x8c: {  	[sflag:s21] =	ssyncadd.s32 $0xFFFFC000  }
0x8d: {  	[spmem:s2] =	stream.indirect.scatter.add.f32 [tilespmem:s20], [sflag:$0x3], $0x80, s24, s18, $0xb8;
	[tilespmem:$0x18880] =	vst v63  }
0x8e: {  	_ =	swait.ge [sflag:s16], $0x4000  }
0x8f: {  	[sflag:s16] =	ssyncset.done $0x0  }
0x90: {  	[sflag:s16] =	ssyncadd.s32 $0xFFFFC000  }
0x91: {  	[tilespmem:s20], [sflag:$0x1] =	stream.indirect.gather [hbm4b:s4+s18], $0x80, s25, s18, $0xb8;
	[tilespmem:$0x18880] =	vst v63  }
0x92: {  	_ =	swait.ge [sflag:s21], $0x4000  }
0x93: {  	[sflag:s21] =	ssyncset.done $0x0  }
0x94: {  	[sflag:s21] =	ssyncadd.s32 $0xFFFFC000  }
0x95: {  	[spmem:s2] =	stream.indirect.scatter.add.f32 [tilespmem:s20], [sflag:$0x3], $0x80, s26, s18, $0xb8;
	[tilespmem:$0x18880] =	vst v63  }
0x96: {  	_ =	swait.ge [sflag:s16], $0x4000  }
0x97: {  	[sflag:s16] =	ssyncset.done $0x0  }
0x98: {  	[sflag:s16] =	ssyncadd.s32 $0xFFFFC000  }
0x99: {  	[tilespmem:s20], [sflag:$0x1] =	stream.indirect.gather [hbm4b:s4+s18], $0x80, s28, s18, $0xb8;
	[tilespmem:$0x18880] =	vst v63  }
0x9a: {  	_ =	swait.ge [sflag:s21], $0x4000  }
0x9b: {  	[sflag:s21] =	ssyncset.done $0x0  }
0x9c: {  	[sflag:s21] =	ssyncadd.s32 $0xFFFFC000  }
0x9d: {  	[spmem:s2] =	stream.indirect.scatter.add.f32 [tilespmem:s20], [sflag:$0x3], $0x80, s29, s18, $0xb8;
	[tilespmem:$0x18880] =	vst v63  }
0x9e: {  	p1 =	sgt.u32 s31, $0x9B7;
	_ =	swait.ge [sflag:s16], $0x4000  }
0x9f: {  	s0 =	simm.s32 @!p1 $0x80;
	[sflag:s16] =	ssyncset.done $0x0  }
0xa0: {  	s5 =	simm.s32 @!p1 $0x600;
	s6 =	simm.s32 @!p1 $0x1000;
	[sflag:s16] =	ssyncadd.s32 $0xFFFFC000  }
0xa1: {  	[tilespmem:s6], [sflag:$0x1] =	stream.indirect.gather @!p1 [hbm4b:s4+s0], $0x80, s5, s0, $0xb8;
	[tilespmem:$0x18880] =	vst v63  }
0xa2: {  	s5 =	simm.s32 @!p1 $0x1  }
0xa3: {  	_ =	swait.ge @!p1 [sflag:s5], $0x4000  }
0xa4: {  	[sflag:s5] =	ssyncset.done @!p1 $0x0  }
0xa5: {  	s7 =	simm.s32 @!p1 $0xE00;
	[sflag:s5] =	ssyncadd.s32 @!p1 $0xFFFFC000  }
0xa6: {  	[spmem:s2] =	stream.indirect.scatter.add.f32 @!p1 [tilespmem:s6], [sflag:$0x3], $0x80, s7, s0, $0xb8;
	[tilespmem:$0x18880] =	vst v63  }
0xa7: {  	s7 =	simm.s32 @!p1 $0x3  }
0xa8: {  	_ =	swait.ge @!p1 [sflag:s7], $0x4000  }
0xa9: {  	[sflag:s7] =	ssyncset.done @!p1 $0x0  }
0xaa: {  	s8 =	simm.s32 @!p1 $0x680;
	[sflag:s7] =	ssyncadd.s32 @!p1 $0xFFFFC000  }
0xab: {  	[tilespmem:s6], [sflag:$0x1] =	stream.indirect.gather @!p1 [hbm4b:s4+s0], $0x80, s8, s0, $0xb8;
	[tilespmem:$0x18880] =	vst v63  }
0xac: {  	_ =	swait.ge @!p1 [sflag:s5], $0x4000  }
0xad: {  	[sflag:s5] =	ssyncset.done @!p1 $0x0  }
0xae: {  	s8 =	simm.s32 @!p1 $0xE80;
	[sflag:s5] =	ssyncadd.s32 @!p1 $0xFFFFC000  }
0xaf: {  	[spmem:s2] =	stream.indirect.scatter.add.f32 @!p1 [tilespmem:s6], [sflag:$0x3], $0x80, s8, s0, $0xb8;
	[tilespmem:$0x18880] =	vst v63  }
0xb0: {  	_ =	swait.ge @!p1 [sflag:s7], $0x4000  }
0xb1: {  	[sflag:s7] =	ssyncset.done @!p1 $0x0  }
0xb2: {  	s8 =	simm.s32 @!p1 $0x700;
	[sflag:s7] =	ssyncadd.s32 @!p1 $0xFFFFC000  }
0xb3: {  	[tilespmem:s6], [sflag:$0x1] =	stream.indirect.gather @!p1 [hbm4b:s4+s0], $0x80, s8, s0, $0xb8;
	[tilespmem:$0x18880] =	vst v63  }
0xb4: {  	_ =	swait.ge @!p1 [sflag:s5], $0x4000  }
0xb5: {  	[sflag:s5] =	ssyncset.done @!p1 $0x0  }
0xb6: {  	s8 =	simm.s32 @!p1 $0xF00;
	[sflag:s5] =	ssyncadd.s32 @!p1 $0xFFFFC000  }
0xb7: {  	[spmem:s2] =	stream.indirect.scatter.add.f32 @!p1 [tilespmem:s6], [sflag:$0x3], $0x80, s8, s0, $0xb8;
	[tilespmem:$0x18880] =	vst v63  }
0xb8: {  	_ =	swait.ge @!p1 [sflag:s7], $0x4000  }
0xb9: {  	[sflag:s7] =	ssyncset.done @!p1 $0x0  }
0xba: {  	[sflag:s7] =	ssyncadd.s32 @!p1 $0xFFFFC000;
	s7 =	simm.s32 @!p1 $0x780  }
0xbb: {  	[tilespmem:s6], [sflag:$0x1] =	stream.indirect.gather @!p1 [hbm4b:s4+s0], $0x80, s7, s0, $0xb8;
	[tilespmem:$0x18880] =	vst v63  }
0xbc: {  	_ =	swait.ge @!p1 [sflag:s5], $0x4000  }
0xbd: {  	[sflag:s5] =	ssyncset.done @!p1 $0x0  }
0xbe: {  	[sflag:s5] =	ssyncadd.s32 @!p1 $0xFFFFC000;
	s5 =	simm.s32 @!p1 $0xF80  }
0xbf: {  	[spmem:s2] =	stream.indirect.scatter.add.f32 @!p1 [tilespmem:s6], [sflag:$0x2], $0x80, s5, s0, $0xb8;
	[tilespmem:$0x18880] =	vst v63  }
.Ltmp5:
0xc0: {  	_ = 	snop;
	(pc) =	sbr.rel .LBB2_4-.Ltmp5, $4  }
0xc1: {  	s0 =	simm.s32 @!p1 $0x2  }
0xc2: {  	_ =	swait.ge @!p1 [sflag:s0], $0x4000  }
0xc3: {  	[sflag:s0] =	ssyncset.done @!p1 $0x0  }
0xc4: {  	[sflag:s0] =	ssyncadd.s32 @!p1 $0xFFFFC000  }
.LBB2_6:
0xc5: {  	_ =	sfence.sel $0x180000  }
0xc6: {  	[bflag:$0x0] =	sbarrier.arrive $0xFFFF  }
0xc7: {  	_ =	strace $0x9000004D  }
0xc8: {  	s0 =	stileid.u32;
	[bflag:$0x2] =	sbarrier.arrive $0xFFFF  }
0xc9: {  	p0 =	sne.s32 s0, $0x0;
	s0 =	rddreg [dreg:$0x2]  }
0xca: {  	s0 =	sadd.s32 @!p0 $0x100000, s0  }
0xcb: {  	[sflag:s0] =	ssyncadd.tile.s32 @!p0 $0x1;
	_ =	shalt  }
.Lfunc_end2:
_tile_overlayer_lowered:
.L_overlay_start_2:
0xcc: {  	(tag) =	ssettag $0x2  }
0xcd: {  	s0 =	rddreg [dreg:$0x0];
	s2 =	stileid.u32  }
0xce: {  	s1 =	rddreg [dreg:$0x1];
	p0 =	sne.s32 s2, $0x0  }
0xcf: {  	s3 =	rddreg [dreg:$0x2];
	[bflag:$0x3] =	sbarrier.arrive $0xFFFF;
	s2 =	simm.s32 @!p0 $0x1C02  }
0xd0: {  	[timem:s3], [sflag:s2] =	dma.local @!p0 [hbm:s0], s1  }
0xd1: {  	s0 =	simm.s32 @!p0 $0x2  }
0xd2: {  	_ =	swait.ge @!p0 [sflag:s0], s1  }
0xd3: {  	s1 =	ssub.s32 @!p0 $0x0, s1;
	[sflag:s0] =	ssyncset.done @!p0 $0x0  }
0xd4: {  	[sflag:s0] =	ssyncadd.s32 @!p0 s1  }
0xd5: {  	[bflag:$0x3] =	sbarrier.arrive $0xFFFF  }
0xd6: {  	_ =	shalt  }

// kernel: kernel.21.cloned.1.call-start
scs
__scs_entry_jumppad:
0x0: {  	(pc) =	sbr.rel $0x88, $3  }
0x1: {  	(tag) =	ssettag $0x0;
	lr =	simm.s32 $0x1  }
0x2: {  	[smem:$0x3F8E] =	sst lr;
	_ =	strace $0xD0000000  }
0x3: {  	_ = 	snop  }
0x4: {  	_ = 	snop  }
0x5: {  	_ = 	snop  }
0x6: {  	_ = 	snop  }
0x7: {  	_ = 	snop  }
__scs_overlays_trampoline_lowered:
0x8: {  	[smem:$0x3F9D] =	sst s0  }
0x9: {  	[smem:$0x3F9E] =	sst s1  }
0xa: {  	[smem:$0x3F9F] =	sst s2  }
0xb: {  	[smem:$0x3FA0] =	sst s3  }
0xc: {  	[smem:$0x3FA1] =	sst s4  }
0xd: {  	[smem:$0x3FA2] =	sst s5  }
0xe: {  	[smem:$0x3FA3] =	sst s6  }
0xf: {  	[smem:$0x3FA4] =	sst s7  }
0x10: {  	[smem:$0x3FA5] =	sst s8  }
0x11: {  	[smem:$0x3FA6] =	sst s9;
	s0 =	simm.s32 @!p0 $0x0  }
0x12: {  	s1 =	sld [smem:$0x3F8C];
	s0 =	simm.s32 @p0 $0x1  }
0x13: {  	[smem:$0x3FA7] =	sst s0;
	s0 =	simm.s32 @!p1 $0x0  }
0x14: {  	s2 =	sld [smem:$0x3F8B];
	s0 =	simm.s32 @p1 $0x1  }
0x15: {  	[smem:$0x3FA8] =	sst s0;
	s0 =	simm.s32 @!p2 $0x0  }
0x16: {  	s3 =	sld [smem:$0x3FDB];
	s0 =	simm.s32 @p2 $0x1  }
0x17: {  	s4 =	simm.s32 $0x1BF5;
	[smem:$0x3FAA] =	sst s0  }
0x18: {  	s0 =	sld [smem:$0x3F8D];
	_ =	swait.ge [sflag:s4], $0x0  }
0x19: {  	s7 =	sld [smem:$0x3F8E]  }
0x1a: {  	s8 =	sadd.s32 $0xFFFFE003, lr  }
0x1b: {  	s9 =	sadd.s32 $0xFFFFFEF7, lr;
	s5 =	simm.s32 $0xFFFFFFFF;
	p2 =	slt.u32 s8, $0xFFFFF086  }
0x1c: {  	p1 =	slt.u32 s9, $0xF7A;
	s5 =	simm.s32 @!p2 $0x0  }
0x1d: {  	s5 =	simm.s32 @p1 $0x1;
	p0 =	seq.s32 s7, s2  }
0x1e: {  	s7 =	smul.u32 @!p0 $0xF7A, s2;
	p2 =	seq.s32 @!p0 s5, $0x0  }
0x1f: {  	s9 =	smul.u32 $0xF7A, s1;
	s8 =	simm.s32 @!p0 $0x1BF5;
	p2 =	por !p2, p0  }
0x20: {  	[sflag:s8] =	ssyncset.s32 @!p0 $0xFFFFF086;
	s6 =	sadd.s32 @!p0 s3, s7;
	s7 =	simm.s32 @!p0 $0x108  }
0x21: {  	s3 =	sadd.s32 s3, s9;
	s6 =	sadd.s32 @!p0 $0x88, s6;
	s7 =	simm.s32 @p2 $0x1082  }
0x22: {  	[simem:s7], [sflag:s8] =	dma.local @!p0 [hbm:s6], $0xF7A  }
0x23: {  	s9 =	sor.u32 $0xD0000000, s2;
	s6 =	simm.s32 $0x108;
	_ =	swait.ge @!p0 [sflag:s8], $0x0  }
0x24: {  	s3 =	sadd.s32 $0x88, s3;
	s6 =	simm.s32 @!p1 $0x1082;
	[sflag:s4] =	ssyncset.s32 $0xFFFFF086  }
0x25: {  	[simem:s6], [sflag:s4] =	dma.local [hbm:s3], $0xF7A  }
0x26: {  	[smem:$0x3F8E] =	sst s1;
	(tag) =	ssettag s2;
	_ =	strace s9  }
0x27: {  	s1 =	sld [smem:$0x3F9E]  }
0x28: {  	s2 =	sld [smem:$0x3F9F]  }
0x29: {  	s4 =	sld [smem:$0x3FA1]  }
0x2a: {  	p0 =	seq.s32 s5, $0x0;
	s5 =	sld [smem:$0x3FA2]  }
0x2b: {  	s6 =	sld [smem:$0x3FA3]  }
0x2c: {  	s7 =	sld [smem:$0x3FA4]  }
0x2d: {  	s3 =	simm.s32 $0x108;
	s8 =	sld [smem:$0x3FA5]  }
0x2e: {  	s3 =	simm.s32 @!p0 $0x1082;
	s9 =	sld [smem:$0x3FA6]  }
0x2f: {  	lr =	sadd.s32 s0, s3;
	s0 =	sld [smem:$0x3F9D]  }
0x30: {  	s3 =	sld [smem:$0x3FA0]  }
0x31: {  	[smem:$0x3FA9] =	sst s10  }
0x32: {  	s10 =	sld [smem:$0x3FA7];
	_ =	sdelay $0x3  }
0x33: {  	p0 =	seq.s32 s10, $0x1;
	s10 =	sld [smem:$0x3FA9];
	_ =	sdelay $0x3  }
0x34: {  	[smem:$0x3FA9] =	sst s10  }
0x35: {  	s10 =	sld [smem:$0x3FA8];
	_ =	sdelay $0x3  }
0x36: {  	p1 =	seq.s32 s10, $0x1;
	s10 =	sld [smem:$0x3FA9];
	_ =	sdelay $0x3  }
0x37: {  	[smem:$0x3FA9] =	sst s10  }
0x38: {  	s10 =	sld [smem:$0x3FAA]  }
0x39: {  	_ = 	snop;
	(pc) =	sbr.ind lr, $3  }
0x3a: {  	_ = 	snop  }
0x3b: {  	_ = 	snop  }
0x3c: {  	p2 =	seq.s32 s10, $0x1;
	s10 =	sld [smem:$0x3FA9]  }
0x3d: {  	_ =	shalt  }
0x3e: {  	_ =	shalt  }
0x3f: {  	_ =	shalt  }
0x40: {  	_ =	shalt  }
0x41: {  	_ =	shalt  }
0x42: {  	_ =	shalt  }
0x43: {  	_ =	shalt  }
0x44: {  	_ =	shalt  }
0x45: {  	_ =	shalt  }
0x46: {  	_ =	shalt  }
0x47: {  	_ =	shalt  }
0x48: {  	_ =	shalt  }
0x49: {  	_ =	shalt  }
0x4a: {  	_ =	shalt  }
0x4b: {  	_ =	shalt  }
0x4c: {  	_ =	shalt  }
0x4d: {  	_ =	shalt  }
0x4e: {  	_ =	shalt  }
0x4f: {  	_ =	shalt  }
0x50: {  	_ =	shalt  }
0x51: {  	_ =	shalt  }
0x52: {  	_ =	shalt  }
0x53: {  	_ =	shalt  }
0x54: {  	_ =	shalt  }
0x55: {  	_ =	shalt  }
0x56: {  	_ =	shalt  }
0x57: {  	_ =	shalt  }
0x58: {  	_ =	shalt  }
0x59: {  	_ =	shalt  }
0x5a: {  	_ =	shalt  }
0x5b: {  	_ =	shalt  }
0x5c: {  	_ =	shalt  }
0x5d: {  	_ =	shalt  }
0x5e: {  	_ =	shalt  }
0x5f: {  	_ =	shalt  }
0x60: {  	_ =	shalt  }
0x61: {  	_ =	shalt  }
0x62: {  	_ =	shalt  }
0x63: {  	_ =	shalt  }
0x64: {  	_ =	shalt  }
0x65: {  	_ =	shalt  }
0x66: {  	_ =	shalt  }
0x67: {  	_ =	shalt  }
0x68: {  	_ =	shalt  }
0x69: {  	_ =	shalt  }
0x6a: {  	_ =	shalt  }
0x6b: {  	_ =	shalt  }
0x6c: {  	_ =	shalt  }
0x6d: {  	_ =	shalt  }
0x6e: {  	_ =	shalt  }
0x6f: {  	_ =	shalt  }
0x70: {  	_ =	shalt  }
0x71: {  	_ =	shalt  }
0x72: {  	_ =	shalt  }
0x73: {  	_ =	shalt  }
0x74: {  	_ =	shalt  }
0x75: {  	_ =	shalt  }
0x76: {  	_ =	shalt  }
0x77: {  	_ =	shalt  }
0x78: {  	_ =	shalt  }
0x79: {  	_ =	shalt  }
0x7a: {  	_ =	shalt  }
0x7b: {  	_ =	shalt  }
0x7c: {  	_ =	shalt  }
0x7d: {  	_ =	shalt  }
0x7e: {  	_ =	shalt  }
0x7f: {  	_ =	shalt  }
0x80: {  	_ =	shalt  }
0x81: {  	_ =	shalt  }
0x82: {  	_ =	shalt  }
0x83: {  	_ =	shalt  }
0x84: {  	_ =	shalt  }
0x85: {  	_ =	shalt  }
0x86: {  	_ =	shalt  }
0x87: {  	_ =	shalt  }
.Lfunc_end0:
.L_simem_size_0:
called_computation.3_lowered:
.L_overlay_start_0:
0x88: {  	s2 =	sld [smem:$0x3FD9]  }
0x89: {  	s3 =	sld [smem:$0x3FFE];
	_ =	sdelay $0x1  }
0x8a: {  	s1 =	srdreg.scid  }
0x8b: {  	s0 =	sand.u32 $0x1, s1  }
0x8c: {  	s16 =	sshll.u32 s0, $0xA;
	s2 =	sadd.s32 s3, s2  }
0x8d: {  	s2 =	sadd.s32 s2, s16  }
0x8e: {  	[smem:$0x3FB5] =	sst s2  }
0x8f: {  	_ = 	snop  }
0x90: {  	(tm) =	ssettm $0x1  }
0x91: {  	s17 =	sld [smem:$0x3FFB];
	_ =	sdelay $0x3  }
0x92: {  	_ =	strace s17  }
0x93: {  	s2 =	sld [smem:$0x3FFC];
	_ =	sdelay $0x3  }
0x94: {  	_ =	strace s2  }
0x95: {  	s2 =	sld [smem:$0x3FFD];
	_ =	sdelay $0x3  }
0x96: {  	_ =	strace s2  }
0x97: {  	_ =	strace $0x8FFFFFFF  }
0x98: {  	s18 =	sld [smem:$0x3FDB];
	_ =	sdelay $0x1  }
0x99: {  	s19 =	simm.s32 $_scs_section_size  }
0x9a: {  	s4 =	simm.s32 $_size__tile_overlayer_lowered;
	s5 =	simm.s32 $_tile_overlayer_lowered  }
0x9b: {  	s22 =	simm.s32 $0x1BFF;
	s21 =	sshll.u32 s5, $0x1;
	s2 =	sadd.s32 s19, s18  }
0x9c: {  	s6 =	simm.s32 $0x0;
	s20 =	sshll.u32 s4, $0x1;
	s4 =	sadd.s32 s21, s2  }
0x9d: {  	[timem:s6], [sflag:s22] =	dma.local [hbm:s4], s20  }
0x9e: {  	_ =	swait.ge [sflag:s22], s20  }
0x9f: {  	s3 =	ssub.s32 $0x0, s20;
	[sflag:s22] =	ssyncset.done $0x0  }
0xa0: {  	[sflag:s22] =	ssyncadd.s32 s3;
	_ =	sdelay $0x1  }
0xa1: {  	s23 =	simm.s32 $0x1B8B  }
0xa2: {  	_ =	swait.ge [sflag:s23], $0x1  }
0xa3: {  	[sflag:s23] =	ssyncset.done $0x0  }
0xa4: {  	s25 =	simm.s32 $0x1B8E;
	s24 =	sld [smem:$0x3FFE];
	[sflag:s23] =	ssyncadd.s32 $0xFFFFFFFF  }
0xa5: {  	s26 =	simm.s32 $execute0_lowered;
	[smem:$0x3FD2] =	sst s25  }
0xa6: {  	s4 =	sshll.u32 s26, $0x1;
	_ =	strace $0x8000004F;
	[dreg:$0x1] =	wrdreg $0xFFFFFFFF  }
0xa7: {  	s28 =	simm.s32 $_size_execute0_lowered;
	s2 =	sadd.s32 s2, s4;
	[dreg:$0x0] =	wrdreg $0x0  }
0xa8: {  	s4 =	sshll.u32 s28, $0x1;
	[dreg:$0x2] =	wrdreg s2  }
0xa9: {  	[dreg:$0x3] =	wrdreg s4  }
0xaa: {  	[dreg:$0x4] =	wrdreg $0xC0  }
0xab: {  	_ =	task [dreg:s6], $0x5FFFF  }
0xac: {  	[dreg:$0x1] =	wrdreg $0xFFFFFFFF  }
0xad: {  	[dreg:$0x0] =	wrdreg $0x60  }
0xae: {  	[dreg:$0x2] =	wrdreg s24  }
0xaf: {  	[dreg:$0x3] =	wrdreg $0x50000  }
0xb0: {  	[dreg:$0x4] =	wrdreg $0x9  }
0xb1: {  	_ =	task.clear_ibuf [dreg:s6], $0x5FFFF;
	_ =	strace $0x9000004F  }
0xb2: {  	s29 =	simm.s32 $0x9;
	_ =	strace $0x80000051  }
0xb3: {  	_ =	swait.ge [sflag:s29], $0x1  }
0xb4: {  	[sflag:s29] =	ssyncadd.s32 $0xFFFFFFFF  }
0xb5: {  	_ =	strace $0x90000051  }
0xb6: {  	_ =	sfence  }
0xb7: {  	s30 =	sld [smem:$0x0];
	_ =	sdelay $0x2  }
0xb8: {  	s31 =	sshll.u32 s1, $0xD;
	s1 =	sshrl.u32 s1, $0x2  }
0xb9: {  	s3 =	sand.u32 $0x4000, s31;
	s1 =	sadd.s32 s1, s30  }
0xba: {  	s0 =	sor.u32 s3, s0;
	s1 =	sshll.u32 s1, $0x11  }
0xbb: {  	s0 =	sor.u32 s1, s0  }
0xbc: {  	s0 =	sadd.s32 $0x8F2B, s0  }
0xbd: {  	[sflag:s0] =	ssyncadd.remote.s32 $0x1  }
0xbe: {  	_ =	sfence.sel $0xFFFF  }
0xbf: {  	[dreg:$0x0] =	wrdreg $0xFFFFFFFF;
	(pc) =	sbr.abs _section_cstart, $3  }
0xc0: {  	[dreg:$0x1] =	wrdreg $0xFFFFFFFF  }
0xc1: {  	_ =	task.clear_ibuf [dreg:s6], $0x2FFFF;
	_ =	strace $0x9FFFFFFF  }
0xc2: {  	(tm) =	ssettm $0x7FFFFFFF  }
0xc3: {  	_ =	shalt  }
tec
execute0_lowered:
.L_overlay_start_1:
0x0: {  	(tag) =	ssettag $0x1  }
0x1: {  	s0 =	srdreg.scid;
	s6 =	rddreg [dreg:$0x0]  }
0x2: {  	s2 =	rddreg [dreg:$0x1];
	s3 =	simm.s32 $0x0;
	s16 =	simm.s32 $0x3  }
0x3: {  	s17 =	simm.s32 $0x800;
	s18 =	simm.s32 $0x80;
	s1 =	sand.u32 $0x1, s0  }
0x4: {  	s19 =	simm.s32 $0x400;
	s0 =	stileid.u32;
	s4 =	smul.u32 $0x50000, s1  }
0x5: {  	s20 =	simm.s32 $0x1000;
	s28 =	simm.s32 $0x580;
	s5 =	smul.u32 $0x5000, s0  }
0x6: {  	s29 =	simm.s32 $0xD80;
	s30 =	simm.s32 $0x0;
	s7 =	smul.u32 $0x2780, s0  }
0x7: {  	[smem:$0x7FF] =	sst s3;
	s9 =	sadd.s32 $0x102C00, s6;
	s8 =	smul.u32 $0x4F000, s0  }
0x8: {  	s13 =	sadd.s32 $0x128400, s2;
	s22 =	ssub.s32 $0x2, s1;
	s1 =	smul.u32 $0x138800, s1  }
0x9: {  	s25 =	sadd.s32 $0x3BE80, s6;
	_ =	strace $0x80000050;
	s24 =	smul.u32 $0x13C00, s0  }
0xa: {  	[dreg:$0x4] =	wrdreg s25;
	s26 =	smul.u32 $0xA0, s0;
	p0 =	seq.s32 s0, $0xF  }
0xb: {  	s25 =	simm.s32 $0x500;
	s10 =	sshrl.u32 s22, $0x1;
	s13 =	sshrl.u32 @p0 s13, $0x3  }
0xc: {  	s4 =	sadd.s32 s5, s4;
	s21 =	sadd.s32 s7, s6;
	s10 =	ssub.s32 s22, s10  }
0xd: {  	s23 =	sshrl.u32 s8, $0x2;
	s8 =	sadd.s32 s24, s1;
	s1 =	sshrl.u32 s1, $0x3  }
0xe: {  	[dreg:$0x5] =	wrdreg s26;
	s22 =	simm.s32 $0xC00;
	s24 =	simm.s32 $0xC80  }
0xf: {  	s26 =	simm.s32 $0xD00;
	s5 =	sshrl.u32 s4, $0x3;
	s4 =	sadd.s32 $0x3E000, s6  }
0x10: {  	s15 =	sadd.s32 s23, s2;
	s8 =	sshrl.u32 s8, $0x3;
	s1 =	sadd.s32 s9, s1  }
.Ltmp0:
0x11: {  	s10 =	smax.u32 s10, $0x1;
	s23 =	simm.s32 $0x480;
	(pc) =	sbr.rel .LBB2_1-.Ltmp0, $4  }
0x12: {  	s12 =	sadd.s32 s5, s6;
	s5 =	sadd.s32 $0x16E00, s21;
	s31 =	sadd.s32 s9, s8  }
0x13: {  	s9 =	sadd.s32 $0x25080, s1;
	s1 =	sshll.u32 @!p0 s0, $0x6;
	[dreg:$0x3] =	wrdreg s5  }
0x14: {  	s15 =	sshrl.u32 @!p0 s15, $0x3;
	s21 =	simm.s32 $0x1;
	[dreg:$0x6] =	wrdreg s31  }
0x15: {  	s11 =	sadd.s32 $0xDAC00, s12;
	s12 =	sadd.s32 $0xEEC00, s12;
	s14 =	sor.u32 @!p0 $0x1C02, s1  }
.LBB2_5:
0x16: {  	[bflag:$0x0] =	sbarrier.arrive $0xFFFF;
	s0 =	simm.s32 @p0 $0x1FC2  }
0x17: {  	[hbm:s9], [sflag:s0] =	dma.local @p0 [spmem:s13], $0x2080  }
0x18: {  	s0 =	simm.s32 @p0 $0x2  }
0x19: {  	_ =	swait.ge @p0 [sflag:s0], $0x2080  }
0x1a: {  	s30 =	sadd.s32 $0x1, s30;
	[sflag:s0] =	ssyncset.done @p0 $0x0  }
0x1b: {  	p1 =	sne.s32 s30, s10;
	[sflag:s0] =	ssyncadd.s32 @p0 $0xFFFFDF80;
	s0 =	rddreg [dreg:$0x6]  }
0x1c: {  	[hbm:s0], [sflag:s14] =	dma.local @!p0 [spmem:s15], $0x2780  }
.Ltmp1:
0x1d: {  	_ = 	snop;
	(pc) =	sbr.rel @!p1 .LBB2_6-.Ltmp1, $4  }
0x1e: {  	s0 =	simm.s32 @!p0 $0x2  }
0x1f: {  	_ =	swait.ge @!p0 [sflag:s0], $0x2780  }
0x20: {  	[sflag:s0] =	ssyncset.done @!p0 $0x0  }
0x21: {  	[sflag:s0] =	ssyncadd.s32 @!p0 $0xFFFFD880  }
.LBB2_1:
0x22: {  	s1 =	simm.s32 @p0 $0x1FC2;
	s0 =	rddreg [dreg:$0x4]  }
0x23: {  	[spmem:s13], [sflag:s1] =	dma.local @p0 [hbm:s0], $0x2080  }
0x24: {  	s1 =	simm.s32 @p0 $0x2  }
0x25: {  	_ =	swait.ge @p0 [sflag:s1], $0x2080  }
0x26: {  	[sflag:s1] =	ssyncset.done @p0 $0x0  }
0x27: {  	s0 =	rddreg [dreg:$0x3];
	[sflag:s1] =	ssyncadd.s32 @p0 $0xFFFFDF80;
	s1 =	simm.s32 @!p0 $0x2  }
0x28: {  	[spmem:s15], [sflag:s14] =	dma.local @!p0 [hbm:s0], $0x2780  }
.Ltmp2:
0x29: {  	_ =	swait.ge @!p0 [sflag:s1], $0x2780;
	(pc) =	sbr.rel .LBB2_2-.Ltmp2, $4  }
0x2a: {  	[sflag:s1] =	ssyncset.done @!p0 $0x0  }
0x2b: {  	[sflag:s1] =	ssyncadd.s32 @!p0 $0xFFFFD880  }
0x2c: {  	[bflag:$0x0] =	sbarrier.arrive $0xFFFF  }
0x2d: {  	s1 =	simm.s32 $0x0;
	s31 =	rddreg [dreg:$0x5]  }
.LBB2_4:
0x2e: {  	s1 =	sadd.s32 $0x100, s1  }
0x2f: {  	p1 =	sne.s32 s1, $0xA00  }
.Ltmp3:
0x30: {  	_ = 	snop;
	(pc) =	sbr.rel @!p1 .LBB2_5-.Ltmp3, $2  }
0x31: {  	_ =	sdelay $0x2  }
0x32: {  	s31 =	sadd.s32 $0x10, s31  }
.LBB2_2:
0x33: {  	s0 =	sadd.s32 s1, s12  }
0x34: {  	[tilespmem:s3], [sflag:$0x3] =	stream.linear.gather [hbm4b:s0+s3], $0x800, $0x38;
	[tilespmem:$0x18880] =	vst v63  }
0x35: {  	_ =	swait.ge [sflag:s16], $0x800  }
0x36: {  	[sflag:s16] =	ssyncset.done $0x0  }
0x37: {  	s8 =	sadd.s32 s1, s11;
	[sflag:s16] =	ssyncadd.s32 $0xFFFFF800  }
0x38: {  	[tilespmem:s17], [sflag:$0x3] =	stream.linear.gather [hbm4b:s8+s3], $0x800, $0x38;
	[tilespmem:$0x18880] =	vst v63  }
0x39: {  	p1 =	sgt.u32 s31, $0x9C3;
	_ =	swait.ge [sflag:s16], $0x800  }
0x3a: {  	s0 =	simm.s32 @!p1 $0x80;
	[sflag:s16] =	ssyncset.done $0x0  }
0x3b: {  	s5 =	simm.s32 @!p1 $0x0;
	s6 =	simm.s32 @!p1 $0x1000;
	[sflag:s16] =	ssyncadd.s32 $0xFFFFF800  }
0x3c: {  	[tilespmem:s6], [sflag:$0x1] =	stream.indirect.gather @!p1 [hbm4b:s4+s0], $0x80, s5, s0, $0xb8;
	[tilespmem:$0x18880] =	vst v63  }
0x3d: {  	s5 =	simm.s32 @!p1 $0x1  }
0x3e: {  	_ =	swait.ge @!p1 [sflag:s5], $0x4000  }
0x3f: {  	[sflag:s5] =	ssyncset.done @!p1 $0x0  }
0x40: {  	s7 =	simm.s32 @!p1 $0x800;
	[sflag:s5] =	ssyncadd.s32 @!p1 $0xFFFFC000  }
0x41: {  	[spmem:s2] =	stream.indirect.scatter.add.f32 @!p1 [tilespmem:s6], [sflag:$0x3], $0x80, s7, s0, $0xb8;
	[tilespmem:$0x18880] =	vst v63  }
0x42: {  	s7 =	simm.s32 @!p1 $0x3  }
0x43: {  	_ =	swait.ge @!p1 [sflag:s7], $0x4000  }
0x44: {  	[sflag:s7] =	ssyncset.done @!p1 $0x0  }
0x45: {  	[sflag:s7] =	ssyncadd.s32 @!p1 $0xFFFFC000  }
0x46: {  	[tilespmem:s6], [sflag:$0x1] =	stream.indirect.gather @!p1 [hbm4b:s4+s0], $0x80, s0, s0, $0xb8;
	[tilespmem:$0x18880] =	vst v63  }
0x47: {  	_ =	swait.ge @!p1 [sflag:s5], $0x4000  }
0x48: {  	[sflag:s5] =	ssyncset.done @!p1 $0x0  }
0x49: {  	s8 =	simm.s32 @!p1 $0x880;
	[sflag:s5] =	ssyncadd.s32 @!p1 $0xFFFFC000  }
0x4a: {  	[spmem:s2] =	stream.indirect.scatter.add.f32 @!p1 [tilespmem:s6], [sflag:$0x3], $0x80, s8, s0, $0xb8;
	[tilespmem:$0x18880] =	vst v63  }
0x4b: {  	_ =	swait.ge @!p1 [sflag:s7], $0x4000  }
0x4c: {  	[sflag:s7] =	ssyncset.done @!p1 $0x0  }
0x4d: {  	s8 =	simm.s32 @!p1 $0x100;
	[sflag:s7] =	ssyncadd.s32 @!p1 $0xFFFFC000  }
0x4e: {  	[tilespmem:s6], [sflag:$0x1] =	stream.indirect.gather @!p1 [hbm4b:s4+s0], $0x80, s8, s0, $0xb8;
	[tilespmem:$0x18880] =	vst v63  }
0x4f: {  	_ =	swait.ge @!p1 [sflag:s5], $0x4000  }
0x50: {  	[sflag:s5] =	ssyncset.done @!p1 $0x0  }
0x51: {  	s8 =	simm.s32 @!p1 $0x900;
	[sflag:s5] =	ssyncadd.s32 @!p1 $0xFFFFC000  }
0x52: {  	[spmem:s2] =	stream.indirect.scatter.add.f32 @!p1 [tilespmem:s6], [sflag:$0x3], $0x80, s8, s0, $0xb8;
	[tilespmem:$0x18880] =	vst v63  }
0x53: {  	_ =	swait.ge @!p1 [sflag:s7], $0x4000  }
0x54: {  	[sflag:s7] =	ssyncset.done @!p1 $0x0  }
0x55: {  	s8 =	simm.s32 @!p1 $0x180;
	[sflag:s7] =	ssyncadd.s32 @!p1 $0xFFFFC000  }
0x56: {  	[tilespmem:s6], [sflag:$0x1] =	stream.indirect.gather @!p1 [hbm4b:s4+s0], $0x80, s8, s0, $0xb8;
	[tilespmem:$0x18880] =	vst v63  }
0x57: {  	_ =	swait.ge @!p1 [sflag:s5], $0x4000  }
0x58: {  	[sflag:s5] =	ssyncset.done @!p1 $0x0  }
0x59: {  	[sflag:s5] =	ssyncadd.s32 @!p1 $0xFFFFC000;
	s5 =	simm.s32 @!p1 $0x980  }
0x5a: {  	[spmem:s2] =	stream.indirect.scatter.add.f32 @!p1 [tilespmem:s6], [sflag:$0x3], $0x80, s5, s0, $0xb8;
	[tilespmem:$0x18880] =	vst v63  }
0x5b: {  	_ =	swait.ge @!p1 [sflag:s7], $0x4000  }
0x5c: {  	p2 =	sgt.u32 @!p1 s31, $0x9BF;
	[sflag:s7] =	ssyncset.done @!p1 $0x0  }
0x5d: {  	[sflag:s7] =	ssyncadd.s32 @!p1 $0xFFFFC000;
	p1 =	por p1, p2  }
0x5e: {  	s0 =	simm.s32 @!p1 $0x80;
	s5 =	simm.s32 @!p1 $0x200;
	s6 =	simm.s32 @!p1 $0x1000  }
0x5f: {  	[tilespmem:s6], [sflag:$0x1] =	stream.indirect.gather @!p1 [hbm4b:s4+s0], $0x80, s5, s0, $0xb8;
	[tilespmem:$0x18880] =	vst v63  }
0x60: {  	s5 =	simm.s32 @!p1 $0x1  }
0x61: {  	_ =	swait.ge @!p1 [sflag:s5], $0x4000  }
0x62: {  	[sflag:s5] =	ssyncset.done @!p1 $0x0  }
0x63: {  	s7 =	simm.s32 @!p1 $0xA00;
	[sflag:s5] =	ssyncadd.s32 @!p1 $0xFFFFC000  }
0x64: {  	[spmem:s2] =	stream.indirect.scatter.add.f32 @!p1 [tilespmem:s6], [sflag:$0x3], $0x80, s7, s0, $0xb8;
	[tilespmem:$0x18880] =	vst v63  }
0x65: {  	s7 =	simm.s32 @!p1 $0x3  }
0x66: {  	_ =	swait.ge @!p1 [sflag:s7], $0x4000  }
0x67: {  	[sflag:s7] =	ssyncset.done @!p1 $0x0  }
0x68: {  	s8 =	simm.s32 @!p1 $0x280;
	[sflag:s7] =	ssyncadd.s32 @!p1 $0xFFFFC000  }
0x69: {  	[tilespmem:s6], [sflag:$0x1] =	stream.indirect.gather @!p1 [hbm4b:s4+s0], $0x80, s8, s0, $0xb8;
	[tilespmem:$0x18880] =	vst v63  }
0x6a: {  	_ =	swait.ge @!p1 [sflag:s5], $0x4000  }
0x6b: {  	[sflag:s5] =	ssyncset.done @!p1 $0x0  }
0x6c: {  	s8 =	simm.s32 @!p1 $0xA80;
	[sflag:s5] =	ssyncadd.s32 @!p1 $0xFFFFC000  }
0x6d: {  	[spmem:s2] =	stream.indirect.scatter.add.f32 @!p1 [tilespmem:s6], [sflag:$0x3], $0x80, s8, s0, $0xb8;
	[tilespmem:$0x18880] =	vst v63  }
0x6e: {  	_ =	swait.ge @!p1 [sflag:s7], $0x4000  }
0x6f: {  	[sflag:s7] =	ssyncset.done @!p1 $0x0  }
0x70: {  	s8 =	simm.s32 @!p1 $0x300;
	[sflag:s7] =	ssyncadd.s32 @!p1 $0xFFFFC000  }
0x71: {  	[tilespmem:s6], [sflag:$0x1] =	stream.indirect.gather @!p1 [hbm4b:s4+s0], $0x80, s8, s0, $0xb8;
	[tilespmem:$0x18880] =	vst v63  }
0x72: {  	_ =	swait.ge @!p1 [sflag:s5], $0x4000  }
0x73: {  	[sflag:s5] =	ssyncset.done @!p1 $0x0  }
0x74: {  	s8 =	simm.s32 @!p1 $0xB00;
	[sflag:s5] =	ssyncadd.s32 @!p1 $0xFFFFC000  }
0x75: {  	[spmem:s2] =	stream.indirect.scatter.add.f32 @!p1 [tilespmem:s6], [sflag:$0x3], $0x80, s8, s0, $0xb8;
	[tilespmem:$0x18880] =	vst v63  }
0x76: {  	_ =	swait.ge @!p1 [sflag:s7], $0x4000  }
0x77: {  	[sflag:s7] =	ssyncset.done @!p1 $0x0  }
0x78: {  	s8 =	simm.s32 @!p1 $0x380;
	[sflag:s7] =	ssyncadd.s32 @!p1 $0xFFFFC000  }
0x79: {  	[tilespmem:s6], [sflag:$0x1] =	stream.indirect.gather @!p1 [hbm4b:s4+s0], $0x80, s8, s0, $0xb8;
	[tilespmem:$0x18880] =	vst v63  }
0x7a: {  	p2 =	sgt.u32 @!p1 s31, $0x9BB;
	_ =	swait.ge @!p1 [sflag:s5], $0x4000  }
0x7b: {  	p2 =	por p1, p2;
	[sflag:s5] =	ssyncset.done @!p1 $0x0  }
.Ltmp4:
0x7c: {  	[sflag:s5] =	ssyncadd.s32 @!p1 $0xFFFFC000;
	s5 =	simm.s32 @!p1 $0xB80;
	(pc) =	sbr.rel @p2 .LBB2_4-.Ltmp4, $4  }
0x7d: {  	[spmem:s2] =	stream.indirect.scatter.add.f32 @!p1 [tilespmem:s6], [sflag:$0x3], $0x80, s5, s0, $0xb8;
	[tilespmem:$0x18880] =	vst v63  }
0x7e: {  	_ =	swait.ge @!p1 [sflag:s7], $0x4000  }
0x7f: {  	[sflag:s7] =	ssyncset.done @!p1 $0x0  }
0x80: {  	[sflag:s7] =	ssyncadd.s32 @!p1 $0xFFFFC000  }
0x81: {  	[tilespmem:s20], [sflag:$0x1] =	stream.indirect.gather [hbm4b:s4+s18], $0x80, s19, s18, $0xb8;
	[tilespmem:$0x18880] =	vst v63  }
0x82: {  	_ =	swait.ge [sflag:s21], $0x4000  }
0x83: {  	[sflag:s21] =	ssyncset.done $0x0  }
0x84: {  	[sflag:s21] =	ssyncadd.s32 $0xFFFFC000  }
0x85: {  	[spmem:s2] =	stream.indirect.scatter.add.f32 [tilespmem:s20], [sflag:$0x3], $0x80, s22, s18, $0xb8;
	[tilespmem:$0x18880] =	vst v63  }
0x86: {  	_ =	swait.ge [sflag:s16], $0x4000  }
0x87: {  	[sflag:s16] =	ssyncset.done $0x0  }
0x88: {  	[sflag:s16] =	ssyncadd.s32 $0xFFFFC000  }
0x89: {  	[tilespmem:s20], [sflag:$0x1] =	stream.indirect.gather [hbm4b:s4+s18], $0x80, s23, s18, $0xb8;
	[tilespmem:$0x18880] =	vst v63  }
0x8a: {  	_ =	swait.ge [sflag:s21], $0x4000  }
0x8b: {  	[sflag:s21] =	ssyncset.done $0x0  }
0x8c: {  	[sflag:s21] =	ssyncadd.s32 $0xFFFFC000  }
0x8d: {  	[spmem:s2] =	stream.indirect.scatter.add.f32 [tilespmem:s20], [sflag:$0x3], $0x80, s24, s18, $0xb8;
	[tilespmem:$0x18880] =	vst v63  }
0x8e: {  	_ =	swait.ge [sflag:s16], $0x4000  }
0x8f: {  	[sflag:s16] =	ssyncset.done $0x0  }
0x90: {  	[sflag:s16] =	ssyncadd.s32 $0xFFFFC000  }
0x91: {  	[tilespmem:s20], [sflag:$0x1] =	stream.indirect.gather [hbm4b:s4+s18], $0x80, s25, s18, $0xb8;
	[tilespmem:$0x18880] =	vst v63  }
0x92: {  	_ =	swait.ge [sflag:s21], $0x4000  }
0x93: {  	[sflag:s21] =	ssyncset.done $0x0  }
0x94: {  	[sflag:s21] =	ssyncadd.s32 $0xFFFFC000  }
0x95: {  	[spmem:s2] =	stream.indirect.scatter.add.f32 [tilespmem:s20], [sflag:$0x3], $0x80, s26, s18, $0xb8;
	[tilespmem:$0x18880] =	vst v63  }
0x96: {  	_ =	swait.ge [sflag:s16], $0x4000  }
0x97: {  	[sflag:s16] =	ssyncset.done $0x0  }
0x98: {  	[sflag:s16] =	ssyncadd.s32 $0xFFFFC000  }
0x99: {  	[tilespmem:s20], [sflag:$0x1] =	stream.indirect.gather [hbm4b:s4+s18], $0x80, s28, s18, $0xb8;
	[tilespmem:$0x18880] =	vst v63  }
0x9a: {  	_ =	swait.ge [sflag:s21], $0x4000  }
0x9b: {  	[sflag:s21] =	ssyncset.done $0x0  }
0x9c: {  	[sflag:s21] =	ssyncadd.s32 $0xFFFFC000  }
0x9d: {  	[spmem:s2] =	stream.indirect.scatter.add.f32 [tilespmem:s20], [sflag:$0x3], $0x80, s29, s18, $0xb8;
	[tilespmem:$0x18880] =	vst v63  }
0x9e: {  	p1 =	sgt.u32 s31, $0x9B7;
	_ =	swait.ge [sflag:s16], $0x4000  }
0x9f: {  	s0 =	simm.s32 @!p1 $0x80;
	[sflag:s16] =	ssyncset.done $0x0  }
0xa0: {  	s5 =	simm.s32 @!p1 $0x600;
	s6 =	simm.s32 @!p1 $0x1000;
	[sflag:s16] =	ssyncadd.s32 $0xFFFFC000  }
0xa1: {  	[tilespmem:s6], [sflag:$0x1] =	stream.indirect.gather @!p1 [hbm4b:s4+s0], $0x80, s5, s0, $0xb8;
	[tilespmem:$0x18880] =	vst v63  }
0xa2: {  	s5 =	simm.s32 @!p1 $0x1  }
0xa3: {  	_ =	swait.ge @!p1 [sflag:s5], $0x4000  }
0xa4: {  	[sflag:s5] =	ssyncset.done @!p1 $0x0  }
0xa5: {  	s7 =	simm.s32 @!p1 $0xE00;
	[sflag:s5] =	ssyncadd.s32 @!p1 $0xFFFFC000  }
0xa6: {  	[spmem:s2] =	stream.indirect.scatter.add.f32 @!p1 [tilespmem:s6], [sflag:$0x3], $0x80, s7, s0, $0xb8;
	[tilespmem:$0x18880] =	vst v63  }
0xa7: {  	s7 =	simm.s32 @!p1 $0x3  }
0xa8: {  	_ =	swait.ge @!p1 [sflag:s7], $0x4000  }
0xa9: {  	[sflag:s7] =	ssyncset.done @!p1 $0x0  }
0xaa: {  	s8 =	simm.s32 @!p1 $0x680;
	[sflag:s7] =	ssyncadd.s32 @!p1 $0xFFFFC000  }
0xab: {  	[tilespmem:s6], [sflag:$0x1] =	stream.indirect.gather @!p1 [hbm4b:s4+s0], $0x80, s8, s0, $0xb8;
	[tilespmem:$0x18880] =	vst v63  }
0xac: {  	_ =	swait.ge @!p1 [sflag:s5], $0x4000  }
0xad: {  	[sflag:s5] =	ssyncset.done @!p1 $0x0  }
0xae: {  	s8 =	simm.s32 @!p1 $0xE80;
	[sflag:s5] =	ssyncadd.s32 @!p1 $0xFFFFC000  }
0xaf: {  	[spmem:s2] =	stream.indirect.scatter.add.f32 @!p1 [tilespmem:s6], [sflag:$0x3], $0x80, s8, s0, $0xb8;
	[tilespmem:$0x18880] =	vst v63  }
0xb0: {  	_ =	swait.ge @!p1 [sflag:s7], $0x4000  }
0xb1: {  	[sflag:s7] =	ssyncset.done @!p1 $0x0  }
0xb2: {  	s8 =	simm.s32 @!p1 $0x700;
	[sflag:s7] =	ssyncadd.s32 @!p1 $0xFFFFC000  }
0xb3: {  	[tilespmem:s6], [sflag:$0x1] =	stream.indirect.gather @!p1 [hbm4b:s4+s0], $0x80, s8, s0, $0xb8;
	[tilespmem:$0x18880] =	vst v63  }
0xb4: {  	_ =	swait.ge @!p1 [sflag:s5], $0x4000  }
0xb5: {  	[sflag:s5] =	ssyncset.done @!p1 $0x0  }
0xb6: {  	s8 =	simm.s32 @!p1 $0xF00;
	[sflag:s5] =	ssyncadd.s32 @!p1 $0xFFFFC000  }
0xb7: {  	[spmem:s2] =	stream.indirect.scatter.add.f32 @!p1 [tilespmem:s6], [sflag:$0x3], $0x80, s8, s0, $0xb8;
	[tilespmem:$0x18880] =	vst v63  }
0xb8: {  	_ =	swait.ge @!p1 [sflag:s7], $0x4000  }
0xb9: {  	[sflag:s7] =	ssyncset.done @!p1 $0x0  }
0xba: {  	[sflag:s7] =	ssyncadd.s32 @!p1 $0xFFFFC000;
	s7 =	simm.s32 @!p1 $0x780  }
0xbb: {  	[tilespmem:s6], [sflag:$0x1] =	stream.indirect.gather @!p1 [hbm4b:s4+s0], $0x80, s7, s0, $0xb8;
	[tilespmem:$0x18880] =	vst v63  }
0xbc: {  	_ =	swait.ge @!p1 [sflag:s5], $0x4000  }
0xbd: {  	[sflag:s5] =	ssyncset.done @!p1 $0x0  }
0xbe: {  	[sflag:s5] =	ssyncadd.s32 @!p1 $0xFFFFC000;
	s5 =	simm.s32 @!p1 $0xF80  }
0xbf: {  	[spmem:s2] =	stream.indirect.scatter.add.f32 @!p1 [tilespmem:s6], [sflag:$0x2], $0x80, s5, s0, $0xb8;
	[tilespmem:$0x18880] =	vst v63  }
.Ltmp5:
0xc0: {  	_ = 	snop;
	(pc) =	sbr.rel .LBB2_4-.Ltmp5, $4  }
0xc1: {  	s0 =	simm.s32 @!p1 $0x2  }
0xc2: {  	_ =	swait.ge @!p1 [sflag:s0], $0x4000  }
0xc3: {  	[sflag:s0] =	ssyncset.done @!p1 $0x0  }
0xc4: {  	[sflag:s0] =	ssyncadd.s32 @!p1 $0xFFFFC000  }
.LBB2_6:
0xc5: {  	_ =	sfence.sel $0x180000  }
0xc6: {  	[bflag:$0x0] =	sbarrier.arrive $0xFFFF  }
0xc7: {  	_ =	strace $0x90000050  }
0xc8: {  	s0 =	stileid.u32;
	[bflag:$0x2] =	sbarrier.arrive $0xFFFF  }
0xc9: {  	p0 =	sne.s32 s0, $0x0;
	s0 =	rddreg [dreg:$0x2]  }
0xca: {  	s0 =	sadd.s32 @!p0 $0x100000, s0  }
0xcb: {  	[sflag:s0] =	ssyncadd.tile.s32 @!p0 $0x1;
	_ =	shalt  }
.Lfunc_end2:
_tile_overlayer_lowered:
.L_overlay_start_2:
0xcc: {  	(tag) =	ssettag $0x2  }
0xcd: {  	s0 =	rddreg [dreg:$0x0];
	s2 =	stileid.u32  }
0xce: {  	s1 =	rddreg [dreg:$0x1];
	p0 =	sne.s32 s2, $0x0  }
0xcf: {  	s3 =	rddreg [dreg:$0x2];
	[bflag:$0x3] =	sbarrier.arrive $0xFFFF;
	s2 =	simm.s32 @!p0 $0x1C02  }
0xd0: {  	[timem:s3], [sflag:s2] =	dma.local @!p0 [hbm:s0], s1  }
0xd1: {  	s0 =	simm.s32 @!p0 $0x2  }
0xd2: {  	_ =	swait.ge @!p0 [sflag:s0], s1  }
0xd3: {  	s1 =	ssub.s32 @!p0 $0x0, s1;
	[sflag:s0] =	ssyncset.done @!p0 $0x0  }
0xd4: {  	[sflag:s0] =	ssyncadd.s32 @!p0 s1  }
0xd5: {  	[bflag:$0x3] =	sbarrier.arrive $0xFFFF  }
0xd6: {  	_ =	shalt  }

</sc_bundles>
